<compile_context>
chip_gen: v7x
topology: tpu7x:2x2x1
jax: 0.10.2.dev20260603
libtpu: 0.0.44.dev20260713+nightly
codegen_flags: <defaults>
</compile_context>

<pallas_src>
import functools

import jax
import jax.numpy as jnp
from jax import lax
from jax.experimental import pallas as pl
from jax.experimental.pallas import tpu as pltpu
from jax.experimental.pallas import tpu_sc as plsc

_NC = 2
_NS = 16
_NW = _NC * _NS
_CHUNK = 128

_F = 4
_SD = 64
_ED = 32


def _sc_gather_body(text_w, obj_w, tidx, oidx, comb,
                    tidx_v, oidx_v, rows_v, obj_v, acc_v,
                    gsem0, gsem1, ssem0, ssem1):
    cpw = oidx.shape[1]
    c = lax.axis_index("c")
    s = lax.axis_index("s")
    w = s * _NC + c
    base0 = w * (cpw * _CHUNK)
    pltpu.sync_copy(tidx.at[w], tidx_v)
    pltpu.sync_copy(oidx.at[w], oidx_v)
    gsems = (gsem0, gsem1)
    ssems = (ssem0, ssem1)

    def start(ci, b):
        for f in range(_F):
            pltpu.async_copy(text_w.at[tidx_v.at[_F * ci + f]],
                             rows_v.at[b, f], gsems[b])
        pltpu.async_copy(obj_w.at[oidx_v.at[ci]], obj_v.at[b], gsems[b])

    def drain_gather(b):
        for f in range(_F):
            pltpu.make_async_copy(text_w.at[tidx_v.at[0]],
                                  rows_v.at[b, f], gsems[b]).wait()
        pltpu.make_async_copy(obj_w.at[oidx_v.at[0]],
                              obj_v.at[b], gsems[b]).wait()

    def dst_text(base):
        return comb.at[pl.ds(base, _CHUNK), pl.ds(0, _SD)]

    def dst_obj(base):
        return comb.at[pl.ds(base, _CHUNK), pl.ds(_SD, _ED)]

    def drain_store(b):
        pltpu.make_async_copy(acc_v.at[b], dst_text(0), ssems[b]).wait()
        pltpu.make_async_copy(obj_v.at[b], dst_obj(0), ssems[b]).wait()

    def do_sum(b):
        def tok_body(t, _):
            for q in range(_SD // 16):
                sl = pl.ds(q * 16, 16)
                acc_v[b, t, sl] = (
                    rows_v[b, 0, t, sl] + rows_v[b, 1, t, sl]
                    + rows_v[b, 2, t, sl] + rows_v[b, 3, t, sl])
            return 0

        lax.fori_loop(0, _CHUNK, tok_body, 0)

    def fire_stores(ci, b):
        base = base0 + ci * _CHUNK
        pltpu.async_copy(acc_v.at[b], dst_text(base), ssems[b])
        pltpu.async_copy(obj_v.at[b], dst_obj(base), ssems[b])

    start(0, 0)

    def outer(ci2, _):
        for b in range(2):
            ci = ci2 * 2 + b
            nb = 1 - b

            @pl.when(ci >= 1)
            def _():
                drain_store(nb)

            @pl.when(ci + 1 < cpw)
            def _():
                start(ci + 1, nb)

            drain_gather(b)
            do_sum(b)
            fire_stores(ci, b)
        return 0

    lax.fori_loop(0, cpw // 2, outer, 0)
    if cpw % 2 == 1:
        drain_store(1)
        drain_gather(0)
        do_sum(0)
        fire_stores(cpw - 1, 0)
        drain_store(0)
    else:
        drain_store(1)


def _sc_gather(text_w, obj_w, tidx, oidx, n_tokens):
    mesh = plsc.VectorSubcoreMesh(core_axis_name="c", subcore_axis_name="s",
                                  num_cores=_NC, num_subcores=_NS)
    f = pl.kernel(
        _sc_gather_body,
        out_type=jax.ShapeDtypeStruct((n_tokens, 2 * _SD), jnp.float32),
        mesh=mesh,
        scratch_types=[
            pltpu.VMEM(tidx.shape[1:], jnp.int32),
            pltpu.VMEM(oidx.shape[1:], jnp.int32),
            pltpu.VMEM((2, _F, _CHUNK, _SD), jnp.float32),
            pltpu.VMEM((2, _CHUNK, _ED), jnp.float32),
            pltpu.VMEM((2, _CHUNK, _SD), jnp.float32),
            pltpu.SemaphoreType.DMA,
            pltpu.SemaphoreType.DMA,
            pltpu.SemaphoreType.DMA,
            pltpu.SemaphoreType.DMA,
        ],
        compiler_params=pltpu.CompilerParams(use_tc_tiling_on_sc=False),
    )
    return f(text_w, obj_w, tidx, oidx)


def _ln2(x, g, b):
    m = jnp.mean(x, axis=-1, keepdims=True)
    m2 = jnp.mean(x * x, axis=-1, keepdims=True)
    v = m2 - m * m
    return (x - m) * lax.rsqrt(v + 1e-5) * g + b


def _tc_body(tids, oids, fids, masks, tfeat, comb,
             gref, b1r, g1, bl1, w2, b2, g2, bl2, out):
    blk = out.shape[0]
    bf16 = jnp.bfloat16
    f32 = jnp.float32
    tid = tids[0, 0, :]
    oid = oids[0, 0, :]
    fid = fids[0, 0, :]
    it = lax.broadcasted_iota(jnp.int32, (blk, 120), 1)
    ohb = ((it == tid[:, None]) | (it == oid[:, None] + 20)
           | (it == fid[:, None] + 70))
    oh = ohb.astype(bf16)
    cb = comb[...]
    feats = jnp.concatenate(
        [oh, cb[:, :96].astype(bf16), masks[...].astype(bf16),
         tfeat[...].astype(bf16)], axis=1)
    h = jnp.dot(feats, gref[...], preferred_element_type=f32) + b1r[...]
    h = _ln2(h, g1[...], bl1[...])
    h = jnp.maximum(h, 0.0)
    h = jnp.dot(h.astype(bf16), w2[...], preferred_element_type=f32) + b2[...]
    out[...] = _ln2(h, g2[...], bl2[...])


def _tc_body_alias(tids, oids, fids, masks, tfeat, comb,
                   gref, b1r, g1, bl1, w2, b2, g2, bl2, prev, out):
    del prev
    _tc_body(tids, oids, fids, masks, tfeat, comb,
             gref, b1r, g1, bl1, w2, b2, g2, bl2, out)


def _tc_mlp_slice(tids3, oids3, fids3, masks, tfeat, comb_s, weights, tblk,
                  n_total, s, prev):
    ns = comb_s.shape[0]
    gs = ns // tblk
    off = s * gs
    od = weights[-4].shape[1]

    def ids_spec():
        return pl.BlockSpec((1, 1, tblk), lambda i: (i + off, 0, 0))

    def row_spec(d):
        return pl.BlockSpec((tblk, d), lambda i: (i + off, 0))

    def full_spec(shape):
        nd = len(shape)
        return pl.BlockSpec(shape, lambda i: (0,) * nd)

    in_specs = [
        ids_spec(), ids_spec(), ids_spec(),
        row_spec(masks.shape[1]), row_spec(tfeat.shape[1]),
        pl.BlockSpec((tblk, comb_s.shape[1]), lambda i: (i, 0)),
    ] + [full_spec(w.shape) for w in weights]
    ins = [tids3, oids3, fids3, masks, tfeat, comb_s, *weights]
    body = _tc_body
    kwargs = {}
    if prev is not None:
        ins.append(prev)
        in_specs.append(pl.BlockSpec(memory_space=pl.ANY))
        kwargs["input_output_aliases"] = {len(ins) - 1: 0}
        body = _tc_body_alias

    return pl.pallas_call(
        body,
        grid=(gs,),
        in_specs=in_specs,
        out_specs=pl.BlockSpec((tblk, od), lambda i: (i + off, 0)),
        out_shape=jax.ShapeDtypeStruct((n_total, od), jnp.float32),
        **kwargs,
    )(*ins)


def kernel(type_ids, op_ids, fine_ids, obj_hashes, text_hashes, field_masks,
           time_feats, type_W, op_W, fine_W, obj_W, text_W, mask_W, mask_b,
           time_W, time_b, W1, b1, g1, bln1, W2, b2, g2, bln2):
    B, L = type_ids.shape
    N = B * L
    tpw = N // _NW
    cpw = tpw // _CHUNK

    bt = B // _CHUNK
    ns = 2
    tidx = (text_hashes.astype(jnp.int32)
            .reshape(bt, _CHUNK, L, _F)
            .transpose(2, 0, 3, 1)
            .reshape(ns, _NW, _F * cpw // ns, _CHUNK))
    oidx = obj_hashes.astype(jnp.int32).T.reshape(ns, _NW, cpw // ns, _CHUNK)

    combs = [_sc_gather(text_W, obj_W, tidx[si], oidx[si], N // ns)
             for si in range(ns)]

    tblk = 2048
    g = N // tblk
    tids3 = type_ids.astype(jnp.int32).T.reshape(g, 1, tblk)
    oids3 = op_ids.astype(jnp.int32).T.reshape(g, 1, tblk)
    fids3 = fine_ids.astype(jnp.int32).T.reshape(g, 1, tblk)
    masks = (field_masks.astype(jnp.float32).transpose(1, 0, 2)
             .reshape(N, field_masks.shape[-1]))
    tfeat = time_feats.transpose(1, 0, 2).reshape(N, time_feats.shape[-1])
    g_full = jnp.concatenate([
        type_W @ W1[0:32], op_W @ W1[32:64], fine_W @ W1[64:96],
        W1[128:192], W1[96:128],
        mask_W @ W1[192:224], time_W @ W1[224:256]], axis=0)
    b1_eff = (b1 + mask_b @ W1[192:224] + time_b @ W1[224:256]).reshape(1, -1)
    weights = (g_full.astype(jnp.bfloat16), b1_eff,
               g1.reshape(1, -1), bln1.reshape(1, -1),
               W2.astype(jnp.bfloat16), b2.reshape(1, -1),
               g2.reshape(1, -1), bln2.reshape(1, -1))

    out = None
    for si in range(ns):
        out = _tc_mlp_slice(tids3, oids3, fids3, masks, tfeat, combs[si],
                            weights, tblk, N, si, out)
    return out.reshape(L, B, -1).transpose(1, 0, 2)

# --- scband reference (transcript-rebuilt; emitter-appended) ---
"""Pipeline reference for scband-learnable-event-encoder-48034914239004 (READ-ONLY COPY).

The authoritative reference and input builder live on the scoring server;
editing this copy changes nothing except your own understanding.
"""

import jax, jax.numpy as jnp
import numpy as np

OBJ_BUCKETS = 100000
TEXT_BUCKETS = 1000000


def _ln(x, g, b, eps=1e-5):
    m = jnp.mean(x, axis=-1, keepdims=True)
    v = jnp.var(x, axis=-1, keepdims=True)
    return (x - m) / jnp.sqrt(v + eps) * g + b


def setup_inputs(seed: int = 0) -> dict:
    key = jax.random.key(seed)
    ks = jax.random.split(key, 20)
    B, L, F = 4096, 50, 4
    ed, sd, od = 32, 64, 128
    in_dim = 6 * ed + sd  # 256
    hid = od * 2          # 256
    inp = {}
    inp["type_ids"] = jax.random.randint(ks[0], (B, L), 0, 20)
    inp["op_ids"] = jax.random.randint(ks[1], (B, L), 0, 50)
    inp["fine_ids"] = jax.random.randint(ks[2], (B, L), 0, 50)
    inp["obj_hashes"] = jax.random.randint(ks[3], (B, L), 0, OBJ_BUCKETS)
    inp["text_hashes"] = jax.random.randint(ks[4], (B, L, F), 0, TEXT_BUCKETS)
    inp["field_masks"] = jax.random.uniform(ks[5], (B, L, 10), dtype=jnp.float32)
    inp["time_feats"] = jax.random.normal(ks[6], (B, L, 2), dtype=jnp.float32)
    s = 0.02
    inp["type_W"] = jax.random.normal(ks[7], (20, ed), dtype=jnp.float32) * s
    inp["op_W"] = jax.random.normal(ks[8], (50, ed), dtype=jnp.float32) * s
    inp["fine_W"] = jax.random.normal(ks[9], (50, ed), dtype=jnp.float32) * s
    inp["obj_W"] = jax.random.normal(ks[10], (OBJ_BUCKETS, ed), dtype=jnp.float32) * s
    inp["text_W"] = jax.random.normal(ks[11], (TEXT_BUCKETS, sd), dtype=jnp.float32) * s
    inp["mask_W"] = jax.random.normal(ks[12], (10, ed), dtype=jnp.float32) * s
    inp["mask_b"] = jnp.zeros((ed,), dtype=jnp.float32)
    inp["time_W"] = jax.random.normal(ks[13], (2, ed), dtype=jnp.float32) * s
    inp["time_b"] = jnp.zeros((ed,), dtype=jnp.float32)
    inp["W1"] = jax.random.normal(ks[14], (in_dim, hid), dtype=jnp.float32) * s
    inp["b1"] = jnp.zeros((hid,), dtype=jnp.float32)
    inp["g1"] = jnp.ones((hid,), dtype=jnp.float32)
    inp["bln1"] = jnp.zeros((hid,), dtype=jnp.float32)
    inp["W2"] = jax.random.normal(ks[15], (hid, od), dtype=jnp.float32) * s
    inp["b2"] = jnp.zeros((od,), dtype=jnp.float32)
    inp["g2"] = jnp.ones((od,), dtype=jnp.float32)
    inp["bln2"] = jnp.zeros((od,), dtype=jnp.float32)
    return inp


def reference(type_ids, op_ids, fine_ids, obj_hashes, text_hashes, field_masks, time_feats,
              type_W, op_W, fine_W, obj_W, text_W, mask_W, mask_b, time_W, time_b,
              W1, b1, g1, bln1, W2, b2, g2, bln2):
    e_type = jnp.take(type_W, type_ids, axis=0)
    e_op = jnp.take(op_W, op_ids, axis=0)
    e_fine = jnp.take(fine_W, fine_ids, axis=0)
    e_obj = jnp.take(obj_W, obj_hashes % OBJ_BUCKETS, axis=0)
    if text_hashes.ndim == 2:
        e_text = jnp.take(text_W, text_hashes % TEXT_BUCKETS, axis=0)
    else:
        e_text = jnp.take(text_W, text_hashes % TEXT_BUCKETS, axis=0).sum(axis=2)
    e_mask = field_masks.astype(jnp.float32) @ mask_W + mask_b
    e_time = time_feats @ time_W + time_b
    concat = jnp.concatenate([e_type, e_op, e_fine, e_obj, e_text, e_mask, e_time], axis=-1)
    h = concat @ W1 + b1
    h = _ln(h, g1, bln1)
    h = jax.nn.relu(h)
    h = h @ W2 + b2
    h = _ln(h, g2, bln2)
    return h

if __name__ == "__main__":
    import jax
    _d = setup_inputs()
    print(jax.jit(kernel)(*tuple(_d.values())))

</pallas_src>

<mosaic_0001>
#map = affine_map<(d0, d1) -> (0, 0)>
#map1 = affine_map<(d0, d1) -> (0, 0, 0)>
module attributes {stable_mosaic.version = 14 : i64} {
  func.func @_sc_gather_body(%arg0: i32, %arg1: i32, %arg2: memref<1000000x64xf32, #tpu.memory_space<hbm>>, %arg3: memref<100000x32xf32, #tpu.memory_space<hbm>>, %arg4: memref<32x100x128xi32, #tpu.memory_space<hbm>>, %arg5: memref<32x25x128xi32, #tpu.memory_space<hbm>>, %arg6: memref<102400x128xf32, #tpu.memory_space<hbm>>, %arg7: memref<100x128xi32, #tpu.memory_space<vmem>>, %arg8: memref<25x128xi32, #tpu.memory_space<vmem>>, %arg9: memref<2x4x128x64xf32, #tpu.memory_space<vmem>>, %arg10: memref<2x128x32xf32, #tpu.memory_space<vmem>>, %arg11: memref<2x128x64xf32, #tpu.memory_space<vmem>>, %arg12: memref<!tpu.dma_semaphore, #tpu.memory_space<semaphore_mem>>, %arg13: memref<!tpu.dma_semaphore, #tpu.memory_space<semaphore_mem>>, %arg14: memref<!tpu.dma_semaphore, #tpu.memory_space<semaphore_mem>>, %arg15: memref<!tpu.dma_semaphore, #tpu.memory_space<semaphore_mem>>) attributes {dimension_semantics = [#tpu.dimension_semantics<core_parallel>, #tpu.dimension_semantics<subcore_parallel>], iteration_bounds = array<i64: 2, 16>, scalar_prefetch = 0 : i64, scratch_operands = 9 : i64, tpu.core_type = #tpu.core_type<sc_vector_subcore>, window_params = [{transform_indices = #map}, {transform_indices = #map}, {transform_indices = #map1}, {transform_indices = #map1}, {transform_indices = #map}]} {
    %mul3A = arith.constant 2 : i32
    %mul3A_0 = arith.muli %arg1, %mul3A : i32
    %add3A = arith.addi %mul3A_0, %arg0 : i32
    %mul3A_1 = arith.constant 3200 : i32
    %mul3A_2 = arith.muli %add3A, %mul3A_1 : i32
    "tpu.region"() ({
      %run_scoped3A = tpu.sem_alloc : memref<!tpu.dma_semaphore, #tpu.memory_space<semaphore_mem>>
      %dma_start3A_230 = arith.constant 0 : i32
      %dma_start3A_231 = arith.constant 0 : i32
      %dma_start3A_232 = tpu.memref_slice %arg4[%add3A, %dma_start3A_230, %dma_start3A_231] : memref<32x100x128xi32, #tpu.memory_space<hbm>> -> memref<1x100x128xi32, #tpu.memory_space<hbm>>
      %dma_start3A_233 = tpu.memref_squeeze %dma_start3A_232 : memref<1x100x128xi32, #tpu.memory_space<hbm>> -> memref<100x128xi32, #tpu.memory_space<hbm>>
      %dma_start3A_234 = arith.constant 0 : i32
      %dma_start3A_235 = arith.constant 0 : i32
      %dma_start3A_236 = tpu.memref_slice %arg4[%add3A, %dma_start3A_234, %dma_start3A_235] : memref<32x100x128xi32, #tpu.memory_space<hbm>> -> memref<1x100x128xi32, #tpu.memory_space<hbm>>
      %dma_start3A_237 = tpu.memref_squeeze %dma_start3A_236 : memref<1x100x128xi32, #tpu.memory_space<hbm>> -> memref<100x128xi32, #tpu.memory_space<hbm>>
      tpu.enqueue_dma source(%dma_start3A_237 : memref<100x128xi32, #tpu.memory_space<hbm>>) target(%arg7 : memref<100x128xi32, #tpu.memory_space<vmem>>) target_semaphore(%run_scoped3A : memref<!tpu.dma_semaphore, #tpu.memory_space<semaphore_mem>>)
      %dma_wait3A_238 = arith.constant 0 : i32
      %dma_wait3A_239 = arith.constant 0 : i32
      %dma_wait3A_240 = tpu.memref_slice %arg4[%add3A, %dma_wait3A_238, %dma_wait3A_239] : memref<32x100x128xi32, #tpu.memory_space<hbm>> -> memref<1x100x128xi32, #tpu.memory_space<hbm>>
      %dma_wait3A_241 = tpu.memref_squeeze %dma_wait3A_240 : memref<1x100x128xi32, #tpu.memory_space<hbm>> -> memref<100x128xi32, #tpu.memory_space<hbm>>
      %dma_wait3A_242 = arith.constant 0 : i32
      %dma_wait3A_243 = arith.constant 0 : i32
      %dma_wait3A_244 = tpu.memref_slice %arg4[%add3A, %dma_wait3A_242, %dma_wait3A_243] : memref<32x100x128xi32, #tpu.memory_space<hbm>> -> memref<1x100x128xi32, #tpu.memory_space<hbm>>
      %dma_wait3A_245 = tpu.memref_squeeze %dma_wait3A_244 : memref<1x100x128xi32, #tpu.memory_space<hbm>> -> memref<100x128xi32, #tpu.memory_space<hbm>>
      tpu.wait_dma2 semaphore(%run_scoped3A : memref<!tpu.dma_semaphore, #tpu.memory_space<semaphore_mem>>) src(%dma_wait3A_245 : memref<100x128xi32, #tpu.memory_space<hbm>>) dst(%arg7 : memref<100x128xi32, #tpu.memory_space<vmem>>)
      tpu.yield
    }) : () -> ()
    "tpu.region"() ({
      %run_scoped3A = tpu.sem_alloc : memref<!tpu.dma_semaphore, #tpu.memory_space<semaphore_mem>>
      %dma_start3A_230 = arith.constant 0 : i32
      %dma_start3A_231 = arith.constant 0 : i32
      %dma_start3A_232 = tpu.memref_slice %arg5[%add3A, %dma_start3A_230, %dma_start3A_231] : memref<32x25x128xi32, #tpu.memory_space<hbm>> -> memref<1x25x128xi32, #tpu.memory_space<hbm>>
      %dma_start3A_233 = tpu.memref_squeeze %dma_start3A_232 : memref<1x25x128xi32, #tpu.memory_space<hbm>> -> memref<25x128xi32, #tpu.memory_space<hbm>>
      %dma_start3A_234 = arith.constant 0 : i32
      %dma_start3A_235 = arith.constant 0 : i32
      %dma_start3A_236 = tpu.memref_slice %arg5[%add3A, %dma_start3A_234, %dma_start3A_235] : memref<32x25x128xi32, #tpu.memory_space<hbm>> -> memref<1x25x128xi32, #tpu.memory_space<hbm>>
      %dma_start3A_237 = tpu.memref_squeeze %dma_start3A_236 : memref<1x25x128xi32, #tpu.memory_space<hbm>> -> memref<25x128xi32, #tpu.memory_space<hbm>>
      tpu.enqueue_dma source(%dma_start3A_237 : memref<25x128xi32, #tpu.memory_space<hbm>>) target(%arg8 : memref<25x128xi32, #tpu.memory_space<vmem>>) target_semaphore(%run_scoped3A : memref<!tpu.dma_semaphore, #tpu.memory_space<semaphore_mem>>)
      %dma_wait3A_238 = arith.constant 0 : i32
      %dma_wait3A_239 = arith.constant 0 : i32
      %dma_wait3A_240 = tpu.memref_slice %arg5[%add3A, %dma_wait3A_238, %dma_wait3A_239] : memref<32x25x128xi32, #tpu.memory_space<hbm>> -> memref<1x25x128xi32, #tpu.memory_space<hbm>>
      %dma_wait3A_241 = tpu.memref_squeeze %dma_wait3A_240 : memref<1x25x128xi32, #tpu.memory_space<hbm>> -> memref<25x128xi32, #tpu.memory_space<hbm>>
      %dma_wait3A_242 = arith.constant 0 : i32
      %dma_wait3A_243 = arith.constant 0 : i32
      %dma_wait3A_244 = tpu.memref_slice %arg5[%add3A, %dma_wait3A_242, %dma_wait3A_243] : memref<32x25x128xi32, #tpu.memory_space<hbm>> -> memref<1x25x128xi32, #tpu.memory_space<hbm>>
      %dma_wait3A_245 = tpu.memref_squeeze %dma_wait3A_244 : memref<1x25x128xi32, #tpu.memory_space<hbm>> -> memref<25x128xi32, #tpu.memory_space<hbm>>
      tpu.wait_dma2 semaphore(%run_scoped3A : memref<!tpu.dma_semaphore, #tpu.memory_space<semaphore_mem>>) src(%dma_wait3A_245 : memref<25x128xi32, #tpu.memory_space<hbm>>) dst(%arg8 : memref<25x128xi32, #tpu.memory_space<vmem>>)
      tpu.yield
    }) : () -> ()
    %dma_start3A = arith.constant 0 : i32
    %dma_start3A_3 = arith.constant 0 : i32
    %dma_start3A_4 = arith.constant 0 : i32
    %dma_start3A_5 = arith.constant 0 : i32
    %dma_start3A_6 = arith.constant 0 : i32
    %dma_start3A_7 = tpu.memref_slice %arg9[%dma_start3A_3, %dma_start3A_4, %dma_start3A_5, %dma_start3A_6] : memref<2x4x128x64xf32, #tpu.memory_space<vmem>> -> memref<1x1x128x64xf32, #tpu.memory_space<vmem>>
    %dma_start3A_8 = tpu.memref_squeeze %dma_start3A_7 : memref<1x1x128x64xf32, #tpu.memory_space<vmem>> -> memref<128x64xf32, #tpu.memory_space<vmem>>
    %dma_start3A_9 = arith.constant 0 : i32
    %dma_start3A_10 = tpu.memref_slice %arg7[%dma_start3A, %dma_start3A_9] : memref<100x128xi32, #tpu.memory_space<vmem>> -> memref<1x128xi32, #tpu.memory_space<vmem>>
    %dma_start3A_11 = tpu.memref_squeeze %dma_start3A_10 : memref<1x128xi32, #tpu.memory_space<vmem>> -> memref<128xi32, #tpu.memory_space<vmem>>
    %dma_start3A_12 = arith.constant 0 : i32
    %dma_start3A_13 = arith.constant 0 : i32
    %dma_start3A_14 = tpu.memref_slice %arg2[%dma_start3A_12, %dma_start3A_13] : memref<1000000x64xf32, #tpu.memory_space<hbm>> -> memref<1000000x64xf32, #tpu.memory_space<hbm>>
    tpu.enqueue_indirect_dma source(%dma_start3A_14 : memref<1000000x64xf32, #tpu.memory_space<hbm>>) target(%dma_start3A_8 : memref<128x64xf32, #tpu.memory_space<vmem>>) offsets(%dma_start3A_11 : memref<128xi32, #tpu.memory_space<vmem>>) semaphore(%arg12 : memref<!tpu.dma_semaphore, #tpu.memory_space<semaphore_mem>>)
    %dma_start3A_15 = arith.constant 1 : i32
    %dma_start3A_16 = arith.constant 0 : i32
    %dma_start3A_17 = arith.constant 1 : i32
    %dma_start3A_18 = arith.constant 0 : i32
    %dma_start3A_19 = arith.constant 0 : i32
    %dma_start3A_20 = tpu.memref_slice %arg9[%dma_start3A_16, %dma_start3A_17, %dma_start3A_18, %dma_start3A_19] : memref<2x4x128x64xf32, #tpu.memory_space<vmem>> -> memref<1x1x128x64xf32, #tpu.memory_space<vmem>>
    %dma_start3A_21 = tpu.memref_squeeze %dma_start3A_20 : memref<1x1x128x64xf32, #tpu.memory_space<vmem>> -> memref<128x64xf32, #tpu.memory_space<vmem>>
    %dma_start3A_22 = arith.constant 0 : i32
    %dma_start3A_23 = tpu.memref_slice %arg7[%dma_start3A_15, %dma_start3A_22] : memref<100x128xi32, #tpu.memory_space<vmem>> -> memref<1x128xi32, #tpu.memory_space<vmem>>
    %dma_start3A_24 = tpu.memref_squeeze %dma_start3A_23 : memref<1x128xi32, #tpu.memory_space<vmem>> -> memref<128xi32, #tpu.memory_space<vmem>>
    %dma_start3A_25 = arith.constant 0 : i32
    %dma_start3A_26 = arith.constant 0 : i32
    %dma_start3A_27 = tpu.memref_slice %arg2[%dma_start3A_25, %dma_start3A_26] : memref<1000000x64xf32, #tpu.memory_space<hbm>> -> memref<1000000x64xf32, #tpu.memory_space<hbm>>
    tpu.enqueue_indirect_dma source(%dma_start3A_27 : memref<1000000x64xf32, #tpu.memory_space<hbm>>) target(%dma_start3A_21 : memref<128x64xf32, #tpu.memory_space<vmem>>) offsets(%dma_start3A_24 : memref<128xi32, #tpu.memory_space<vmem>>) semaphore(%arg12 : memref<!tpu.dma_semaphore, #tpu.memory_space<semaphore_mem>>)
    %dma_start3A_28 = arith.constant 2 : i32
    %dma_start3A_29 = arith.constant 0 : i32
    %dma_start3A_30 = arith.constant 2 : i32
    %dma_start3A_31 = arith.constant 0 : i32
    %dma_start3A_32 = arith.constant 0 : i32
    %dma_start3A_33 = tpu.memref_slice %arg9[%dma_start3A_29, %dma_start3A_30, %dma_start3A_31, %dma_start3A_32] : memref<2x4x128x64xf32, #tpu.memory_space<vmem>> -> memref<1x1x128x64xf32, #tpu.memory_space<vmem>>
    %dma_start3A_34 = tpu.memref_squeeze %dma_start3A_33 : memref<1x1x128x64xf32, #tpu.memory_space<vmem>> -> memref<128x64xf32, #tpu.memory_space<vmem>>
    %dma_start3A_35 = arith.constant 0 : i32
    %dma_start3A_36 = tpu.memref_slice %arg7[%dma_start3A_28, %dma_start3A_35] : memref<100x128xi32, #tpu.memory_space<vmem>> -> memref<1x128xi32, #tpu.memory_space<vmem>>
    %dma_start3A_37 = tpu.memref_squeeze %dma_start3A_36 : memref<1x128xi32, #tpu.memory_space<vmem>> -> memref<128xi32, #tpu.memory_space<vmem>>
    %dma_start3A_38 = arith.constant 0 : i32
    %dma_start3A_39 = arith.constant 0 : i32
    %dma_start3A_40 = tpu.memref_slice %arg2[%dma_start3A_38, %dma_start3A_39] : memref<1000000x64xf32, #tpu.memory_space<hbm>> -> memref<1000000x64xf32, #tpu.memory_space<hbm>>
    tpu.enqueue_indirect_dma source(%dma_start3A_40 : memref<1000000x64xf32, #tpu.memory_space<hbm>>) target(%dma_start3A_34 : memref<128x64xf32, #tpu.memory_space<vmem>>) offsets(%dma_start3A_37 : memref<128xi32, #tpu.memory_space<vmem>>) semaphore(%arg12 : memref<!tpu.dma_semaphore, #tpu.memory_space<semaphore_mem>>)
    %dma_start3A_41 = arith.constant 3 : i32
    %dma_start3A_42 = arith.constant 0 : i32
    %dma_start3A_43 = arith.constant 3 : i32
    %dma_start3A_44 = arith.constant 0 : i32
    %dma_start3A_45 = arith.constant 0 : i32
    %dma_start3A_46 = tpu.memref_slice %arg9[%dma_start3A_42, %dma_start3A_43, %dma_start3A_44, %dma_start3A_45] : memref<2x4x128x64xf32, #tpu.memory_space<vmem>> -> memref<1x1x128x64xf32, #tpu.memory_space<vmem>>
    %dma_start3A_47 = tpu.memref_squeeze %dma_start3A_46 : memref<1x1x128x64xf32, #tpu.memory_space<vmem>> -> memref<128x64xf32, #tpu.memory_space<vmem>>
    %dma_start3A_48 = arith.constant 0 : i32
    %dma_start3A_49 = tpu.memref_slice %arg7[%dma_start3A_41, %dma_start3A_48] : memref<100x128xi32, #tpu.memory_space<vmem>> -> memref<1x128xi32, #tpu.memory_space<vmem>>
    %dma_start3A_50 = tpu.memref_squeeze %dma_start3A_49 : memref<1x128xi32, #tpu.memory_space<vmem>> -> memref<128xi32, #tpu.memory_space<vmem>>
    %dma_start3A_51 = arith.constant 0 : i32
    %dma_start3A_52 = arith.constant 0 : i32
    %dma_start3A_53 = tpu.memref_slice %arg2[%dma_start3A_51, %dma_start3A_52] : memref<1000000x64xf32, #tpu.memory_space<hbm>> -> memref<1000000x64xf32, #tpu.memory_space<hbm>>
    tpu.enqueue_indirect_dma source(%dma_start3A_53 : memref<1000000x64xf32, #tpu.memory_space<hbm>>) target(%dma_start3A_47 : memref<128x64xf32, #tpu.memory_space<vmem>>) offsets(%dma_start3A_50 : memref<128xi32, #tpu.memory_space<vmem>>) semaphore(%arg12 : memref<!tpu.dma_semaphore, #tpu.memory_space<semaphore_mem>>)
    %dma_start3A_54 = arith.constant 0 : i32
    %dma_start3A_55 = arith.constant 0 : i32
    %dma_start3A_56 = arith.constant 0 : i32
    %dma_start3A_57 = arith.constant 0 : i32
    %dma_start3A_58 = tpu.memref_slice %arg10[%dma_start3A_55, %dma_start3A_56, %dma_start3A_57] : memref<2x128x32xf32, #tpu.memory_space<vmem>> -> memref<1x128x32xf32, #tpu.memory_space<vmem>>
    %dma_start3A_59 = tpu.memref_squeeze %dma_start3A_58 : memref<1x128x32xf32, #tpu.memory_space<vmem>> -> memref<128x32xf32, #tpu.memory_space<vmem>>
    %dma_start3A_60 = arith.constant 0 : i32
    %dma_start3A_61 = tpu.memref_slice %arg8[%dma_start3A_54, %dma_start3A_60] : memref<25x128xi32, #tpu.memory_space<vmem>> -> memref<1x128xi32, #tpu.memory_space<vmem>>
    %dma_start3A_62 = tpu.memref_squeeze %dma_start3A_61 : memref<1x128xi32, #tpu.memory_space<vmem>> -> memref<128xi32, #tpu.memory_space<vmem>>
    %dma_start3A_63 = arith.constant 0 : i32
    %dma_start3A_64 = arith.constant 0 : i32
    %dma_start3A_65 = tpu.memref_slice %arg3[%dma_start3A_63, %dma_start3A_64] : memref<100000x32xf32, #tpu.memory_space<hbm>> -> memref<100000x32xf32, #tpu.memory_space<hbm>>
    tpu.enqueue_indirect_dma source(%dma_start3A_65 : memref<100000x32xf32, #tpu.memory_space<hbm>>) target(%dma_start3A_59 : memref<128x32xf32, #tpu.memory_space<vmem>>) offsets(%dma_start3A_62 : memref<128xi32, #tpu.memory_space<vmem>>) semaphore(%arg12 : memref<!tpu.dma_semaphore, #tpu.memory_space<semaphore_mem>>)
    %scan3A = arith.constant 0 : i32
    %scan3A_66 = arith.constant 0 : i32
    %scan3A_67 = arith.constant 12 : i32
    %scan3A_68 = arith.addi %scan3A_66, %scan3A_67 : i32
    %scan3A_69 = arith.constant 1 : i32
    %scan3A_70 = scf.for %scan3A_230 = %scan3A_66 to %scan3A_68 step %scan3A_69 iter_args(%scan3A_231 = %scan3A) -> (i32)  : i32 {
      %mul3A_232 = arith.constant 2 : i32
      %mul3A_233 = arith.muli %scan3A_230, %mul3A_232 : i32
      %add3A_234 = arith.constant 0 : i32
      %add3A_235 = arith.addi %mul3A_233, %add3A_234 : i32
      %ge3A = arith.constant 1 : i32
      %ge3A_236 = arith.cmpi sge, %add3A_235, %ge3A : i32
      %convert_element_type3A = arith.extui %ge3A_236 : i1 to i32
      %cond3A = arith.constant 0 : i32
      %cond3A_237 = arith.cmpi ne, %convert_element_type3A, %cond3A : i32
      scf.if %cond3A_237 {
        %dma_wait3A_461 = arith.constant 1 : i32
        %dma_wait3A_462 = arith.constant 0 : i32
        %dma_wait3A_463 = arith.constant 0 : i32
        %dma_wait3A_464 = tpu.memref_slice %arg11[%dma_wait3A_461, %dma_wait3A_462, %dma_wait3A_463] : memref<2x128x64xf32, #tpu.memory_space<vmem>> -> memref<1x128x64xf32, #tpu.memory_space<vmem>>
        %dma_wait3A_465 = tpu.memref_squeeze %dma_wait3A_464 : memref<1x128x64xf32, #tpu.memory_space<vmem>> -> memref<128x64xf32, #tpu.memory_space<vmem>>
        %dma_wait3A_466 = arith.constant 0 : i32
        %dma_wait3A_467 = arith.constant 0 : i32
        %dma_wait3A_468 = tpu.memref_slice %arg6[%dma_wait3A_466, %dma_wait3A_467] : memref<102400x128xf32, #tpu.memory_space<hbm>> -> memref<128x64xf32, #tpu.memory_space<hbm>>
        %dma_wait3A_469 = arith.constant 0 : i32
        %dma_wait3A_470 = arith.constant 0 : i32
        %dma_wait3A_471 = tpu.memref_slice %arg6[%dma_wait3A_469, %dma_wait3A_470] : memref<102400x128xf32, #tpu.memory_space<hbm>> -> memref<128x64xf32, #tpu.memory_space<hbm>>
        %dma_wait3A_472 = arith.constant 0 : i32
        %dma_wait3A_473 = arith.constant 0 : i32
        %dma_wait3A_474 = tpu.memref_slice %arg11[%dma_wait3A_461, %dma_wait3A_472, %dma_wait3A_473] : memref<2x128x64xf32, #tpu.memory_space<vmem>> -> memref<1x128x64xf32, #tpu.memory_space<vmem>>
        %dma_wait3A_475 = tpu.memref_squeeze %dma_wait3A_474 : memref<1x128x64xf32, #tpu.memory_space<vmem>> -> memref<128x64xf32, #tpu.memory_space<vmem>>
        tpu.wait_dma2 semaphore(%arg15 : memref<!tpu.dma_semaphore, #tpu.memory_space<semaphore_mem>>) src(%dma_wait3A_475 : memref<128x64xf32, #tpu.memory_space<vmem>>) dst(%dma_wait3A_471 : memref<128x64xf32, #tpu.memory_space<hbm>>)
        %dma_wait3A_476 = arith.constant 1 : i32
        %dma_wait3A_477 = arith.constant 0 : i32
        %dma_wait3A_478 = arith.constant 0 : i32
        %dma_wait3A_479 = tpu.memref_slice %arg10[%dma_wait3A_476, %dma_wait3A_477, %dma_wait3A_478] : memref<2x128x32xf32, #tpu.memory_space<vmem>> -> memref<1x128x32xf32, #tpu.memory_space<vmem>>
        %dma_wait3A_480 = tpu.memref_squeeze %dma_wait3A_479 : memref<1x128x32xf32, #tpu.memory_space<vmem>> -> memref<128x32xf32, #tpu.memory_space<vmem>>
        %dma_wait3A_481 = arith.constant 0 : i32
        %dma_wait3A_482 = arith.constant 64 : i32
        %dma_wait3A_483 = tpu.memref_slice %arg6[%dma_wait3A_481, %dma_wait3A_482] : memref<102400x128xf32, #tpu.memory_space<hbm>> -> memref<128x32xf32, #tpu.memory_space<hbm>>
        %dma_wait3A_484 = arith.constant 0 : i32
        %dma_wait3A_485 = arith.constant 64 : i32
        %dma_wait3A_486 = tpu.memref_slice %arg6[%dma_wait3A_484, %dma_wait3A_485] : memref<102400x128xf32, #tpu.memory_space<hbm>> -> memref<128x32xf32, #tpu.memory_space<hbm>>
        %dma_wait3A_487 = arith.constant 0 : i32
        %dma_wait3A_488 = arith.constant 0 : i32
        %dma_wait3A_489 = tpu.memref_slice %arg10[%dma_wait3A_476, %dma_wait3A_487, %dma_wait3A_488] : memref<2x128x32xf32, #tpu.memory_space<vmem>> -> memref<1x128x32xf32, #tpu.memory_space<vmem>>
        %dma_wait3A_490 = tpu.memref_squeeze %dma_wait3A_489 : memref<1x128x32xf32, #tpu.memory_space<vmem>> -> memref<128x32xf32, #tpu.memory_space<vmem>>
        tpu.wait_dma2 semaphore(%arg15 : memref<!tpu.dma_semaphore, #tpu.memory_space<semaphore_mem>>) src(%dma_wait3A_490 : memref<128x32xf32, #tpu.memory_space<vmem>>) dst(%dma_wait3A_486 : memref<128x32xf32, #tpu.memory_space<hbm>>)
      } else {
      }
      %add3A_238 = arith.constant 1 : i32
      %add3A_239 = arith.addi %add3A_235, %add3A_238 : i32
      %lt3A = arith.constant 25 : i32
      %lt3A_240 = arith.cmpi slt, %add3A_239, %lt3A : i32
      %convert_element_type3A_241 = arith.extui %lt3A_240 : i1 to i32
      %cond3A_242 = arith.constant 0 : i32
      %cond3A_243 = arith.cmpi ne, %convert_element_type3A_241, %cond3A_242 : i32
      scf.if %cond3A_243 {
        %add3A_461 = arith.constant 1 : i32
        %add3A_462 = arith.addi %add3A_235, %add3A_461 : i32
        %mul3A_463 = arith.constant 4 : i32
        %mul3A_464 = arith.muli %mul3A_463, %add3A_462 : i32
        %add3A_465 = arith.constant 0 : i32
        %add3A_466 = arith.addi %mul3A_464, %add3A_465 : i32
        %dma_start3A_467 = arith.constant 1 : i32
        %dma_start3A_468 = arith.constant 0 : i32
        %dma_start3A_469 = arith.constant 0 : i32
        %dma_start3A_470 = arith.constant 0 : i32
        %dma_start3A_471 = tpu.memref_slice %arg9[%dma_start3A_467, %dma_start3A_468, %dma_start3A_469, %dma_start3A_470] : memref<2x4x128x64xf32, #tpu.memory_space<vmem>> -> memref<1x1x128x64xf32, #tpu.memory_space<vmem>>
        %dma_start3A_472 = tpu.memref_squeeze %dma_start3A_471 : memref<1x1x128x64xf32, #tpu.memory_space<vmem>> -> memref<128x64xf32, #tpu.memory_space<vmem>>
        %dma_start3A_473 = arith.constant 0 : i32
        %dma_start3A_474 = tpu.memref_slice %arg7[%add3A_466, %dma_start3A_473] : memref<100x128xi32, #tpu.memory_space<vmem>> -> memref<1x128xi32, #tpu.memory_space<vmem>>
        %dma_start3A_475 = tpu.memref_squeeze %dma_start3A_474 : memref<1x128xi32, #tpu.memory_space<vmem>> -> memref<128xi32, #tpu.memory_space<vmem>>
        %dma_start3A_476 = arith.constant 0 : i32
        %dma_start3A_477 = arith.constant 0 : i32
        %dma_start3A_478 = tpu.memref_slice %arg2[%dma_start3A_476, %dma_start3A_477] : memref<1000000x64xf32, #tpu.memory_space<hbm>> -> memref<1000000x64xf32, #tpu.memory_space<hbm>>
        tpu.enqueue_indirect_dma source(%dma_start3A_478 : memref<1000000x64xf32, #tpu.memory_space<hbm>>) target(%dma_start3A_472 : memref<128x64xf32, #tpu.memory_space<vmem>>) offsets(%dma_start3A_475 : memref<128xi32, #tpu.memory_space<vmem>>) semaphore(%arg13 : memref<!tpu.dma_semaphore, #tpu.memory_space<semaphore_mem>>)
        %mul3A_479 = arith.constant 4 : i32
        %mul3A_480 = arith.muli %mul3A_479, %add3A_462 : i32
        %add3A_481 = arith.constant 1 : i32
        %add3A_482 = arith.addi %mul3A_480, %add3A_481 : i32
        %dma_start3A_483 = arith.constant 1 : i32
        %dma_start3A_484 = arith.constant 1 : i32
        %dma_start3A_485 = arith.constant 0 : i32
        %dma_start3A_486 = arith.constant 0 : i32
        %dma_start3A_487 = tpu.memref_slice %arg9[%dma_start3A_483, %dma_start3A_484, %dma_start3A_485, %dma_start3A_486] : memref<2x4x128x64xf32, #tpu.memory_space<vmem>> -> memref<1x1x128x64xf32, #tpu.memory_space<vmem>>
        %dma_start3A_488 = tpu.memref_squeeze %dma_start3A_487 : memref<1x1x128x64xf32, #tpu.memory_space<vmem>> -> memref<128x64xf32, #tpu.memory_space<vmem>>
        %dma_start3A_489 = arith.constant 0 : i32
        %dma_start3A_490 = tpu.memref_slice %arg7[%add3A_482, %dma_start3A_489] : memref<100x128xi32, #tpu.memory_space<vmem>> -> memref<1x128xi32, #tpu.memory_space<vmem>>
        %dma_start3A_491 = tpu.memref_squeeze %dma_start3A_490 : memref<1x128xi32, #tpu.memory_space<vmem>> -> memref<128xi32, #tpu.memory_space<vmem>>
        %dma_start3A_492 = arith.constant 0 : i32
        %dma_start3A_493 = arith.constant 0 : i32
        %dma_start3A_494 = tpu.memref_slice %arg2[%dma_start3A_492, %dma_start3A_493] : memref<1000000x64xf32, #tpu.memory_space<hbm>> -> memref<1000000x64xf32, #tpu.memory_space<hbm>>
        tpu.enqueue_indirect_dma source(%dma_start3A_494 : memref<1000000x64xf32, #tpu.memory_space<hbm>>) target(%dma_start3A_488 : memref<128x64xf32, #tpu.memory_space<vmem>>) offsets(%dma_start3A_491 : memref<128xi32, #tpu.memory_space<vmem>>) semaphore(%arg13 : memref<!tpu.dma_semaphore, #tpu.memory_space<semaphore_mem>>)
        %mul3A_495 = arith.constant 4 : i32
        %mul3A_496 = arith.muli %mul3A_495, %add3A_462 : i32
        %add3A_497 = arith.constant 2 : i32
        %add3A_498 = arith.addi %mul3A_496, %add3A_497 : i32
        %dma_start3A_499 = arith.constant 1 : i32
        %dma_start3A_500 = arith.constant 2 : i32
        %dma_start3A_501 = arith.constant 0 : i32
        %dma_start3A_502 = arith.constant 0 : i32
        %dma_start3A_503 = tpu.memref_slice %arg9[%dma_start3A_499, %dma_start3A_500, %dma_start3A_501, %dma_start3A_502] : memref<2x4x128x64xf32, #tpu.memory_space<vmem>> -> memref<1x1x128x64xf32, #tpu.memory_space<vmem>>
        %dma_start3A_504 = tpu.memref_squeeze %dma_start3A_503 : memref<1x1x128x64xf32, #tpu.memory_space<vmem>> -> memref<128x64xf32, #tpu.memory_space<vmem>>
        %dma_start3A_505 = arith.constant 0 : i32
        %dma_start3A_506 = tpu.memref_slice %arg7[%add3A_498, %dma_start3A_505] : memref<100x128xi32, #tpu.memory_space<vmem>> -> memref<1x128xi32, #tpu.memory_space<vmem>>
        %dma_start3A_507 = tpu.memref_squeeze %dma_start3A_506 : memref<1x128xi32, #tpu.memory_space<vmem>> -> memref<128xi32, #tpu.memory_space<vmem>>
        %dma_start3A_508 = arith.constant 0 : i32
        %dma_start3A_509 = arith.constant 0 : i32
        %dma_start3A_510 = tpu.memref_slice %arg2[%dma_start3A_508, %dma_start3A_509] : memref<1000000x64xf32, #tpu.memory_space<hbm>> -> memref<1000000x64xf32, #tpu.memory_space<hbm>>
        tpu.enqueue_indirect_dma source(%dma_start3A_510 : memref<1000000x64xf32, #tpu.memory_space<hbm>>) target(%dma_start3A_504 : memref<128x64xf32, #tpu.memory_space<vmem>>) offsets(%dma_start3A_507 : memref<128xi32, #tpu.memory_space<vmem>>) semaphore(%arg13 : memref<!tpu.dma_semaphore, #tpu.memory_space<semaphore_mem>>)
        %mul3A_511 = arith.constant 4 : i32
        %mul3A_512 = arith.muli %mul3A_511, %add3A_462 : i32
        %add3A_513 = arith.constant 3 : i32
        %add3A_514 = arith.addi %mul3A_512, %add3A_513 : i32
        %dma_start3A_515 = arith.constant 1 : i32
        %dma_start3A_516 = arith.constant 3 : i32
        %dma_start3A_517 = arith.constant 0 : i32
        %dma_start3A_518 = arith.constant 0 : i32
        %dma_start3A_519 = tpu.memref_slice %arg9[%dma_start3A_515, %dma_start3A_516, %dma_start3A_517, %dma_start3A_518] : memref<2x4x128x64xf32, #tpu.memory_space<vmem>> -> memref<1x1x128x64xf32, #tpu.memory_space<vmem>>
        %dma_start3A_520 = tpu.memref_squeeze %dma_start3A_519 : memref<1x1x128x64xf32, #tpu.memory_space<vmem>> -> memref<128x64xf32, #tpu.memory_space<vmem>>
        %dma_start3A_521 = arith.constant 0 : i32
        %dma_start3A_522 = tpu.memref_slice %arg7[%add3A_514, %dma_start3A_521] : memref<100x128xi32, #tpu.memory_space<vmem>> -> memref<1x128xi32, #tpu.memory_space<vmem>>
        %dma_start3A_523 = tpu.memref_squeeze %dma_start3A_522 : memref<1x128xi32, #tpu.memory_space<vmem>> -> memref<128xi32, #tpu.memory_space<vmem>>
        %dma_start3A_524 = arith.constant 0 : i32
        %dma_start3A_525 = arith.constant 0 : i32
        %dma_start3A_526 = tpu.memref_slice %arg2[%dma_start3A_524, %dma_start3A_525] : memref<1000000x64xf32, #tpu.memory_space<hbm>> -> memref<1000000x64xf32, #tpu.memory_space<hbm>>
        tpu.enqueue_indirect_dma source(%dma_start3A_526 : memref<1000000x64xf32, #tpu.memory_space<hbm>>) target(%dma_start3A_520 : memref<128x64xf32, #tpu.memory_space<vmem>>) offsets(%dma_start3A_523 : memref<128xi32, #tpu.memory_space<vmem>>) semaphore(%arg13 : memref<!tpu.dma_semaphore, #tpu.memory_space<semaphore_mem>>)
        %dma_start3A_527 = arith.constant 1 : i32
        %dma_start3A_528 = arith.constant 0 : i32
        %dma_start3A_529 = arith.constant 0 : i32
        %dma_start3A_530 = tpu.memref_slice %arg10[%dma_start3A_527, %dma_start3A_528, %dma_start3A_529] : memref<2x128x32xf32, #tpu.memory_space<vmem>> -> memref<1x128x32xf32, #tpu.memory_space<vmem>>
        %dma_start3A_531 = tpu.memref_squeeze %dma_start3A_530 : memref<1x128x32xf32, #tpu.memory_space<vmem>> -> memref<128x32xf32, #tpu.memory_space<vmem>>
        %dma_start3A_532 = arith.constant 0 : i32
        %dma_start3A_533 = tpu.memref_slice %arg8[%add3A_462, %dma_start3A_532] : memref<25x128xi32, #tpu.memory_space<vmem>> -> memref<1x128xi32, #tpu.memory_space<vmem>>
        %dma_start3A_534 = tpu.memref_squeeze %dma_start3A_533 : memref<1x128xi32, #tpu.memory_space<vmem>> -> memref<128xi32, #tpu.memory_space<vmem>>
        %dma_start3A_535 = arith.constant 0 : i32
        %dma_start3A_536 = arith.constant 0 : i32
        %dma_start3A_537 = tpu.memref_slice %arg3[%dma_start3A_535, %dma_start3A_536] : memref<100000x32xf32, #tpu.memory_space<hbm>> -> memref<100000x32xf32, #tpu.memory_space<hbm>>
        tpu.enqueue_indirect_dma source(%dma_start3A_537 : memref<100000x32xf32, #tpu.memory_space<hbm>>) target(%dma_start3A_531 : memref<128x32xf32, #tpu.memory_space<vmem>>) offsets(%dma_start3A_534 : memref<128xi32, #tpu.memory_space<vmem>>) semaphore(%arg13 : memref<!tpu.dma_semaphore, #tpu.memory_space<semaphore_mem>>)
      } else {
      }
      %dma_wait3A_244 = arith.constant 0 : i32
      %dma_wait3A_245 = arith.constant 0 : i32
      %dma_wait3A_246 = arith.constant 0 : i32
      %dma_wait3A_247 = arith.constant 0 : i32
      %dma_wait3A_248 = arith.constant 0 : i32
      %dma_wait3A_249 = tpu.memref_slice %arg9[%dma_wait3A_245, %dma_wait3A_246, %dma_wait3A_247, %dma_wait3A_248] : memref<2x4x128x64xf32, #tpu.memory_space<vmem>> -> memref<1x1x128x64xf32, #tpu.memory_space<vmem>>
      %dma_wait3A_250 = tpu.memref_squeeze %dma_wait3A_249 : memref<1x1x128x64xf32, #tpu.memory_space<vmem>> -> memref<128x64xf32, #tpu.memory_space<vmem>>
      %dma_wait3A_251 = arith.constant 0 : i32
      %dma_wait3A_252 = tpu.memref_slice %arg7[%dma_wait3A_244, %dma_wait3A_251] : memref<100x128xi32, #tpu.memory_space<vmem>> -> memref<1x128xi32, #tpu.memory_space<vmem>>
      %dma_wait3A_253 = tpu.memref_squeeze %dma_wait3A_252 : memref<1x128xi32, #tpu.memory_space<vmem>> -> memref<128xi32, #tpu.memory_space<vmem>>
      %dma_wait3A_254 = arith.constant 0 : i32
      %dma_wait3A_255 = arith.constant 0 : i32
      %dma_wait3A_256 = tpu.memref_slice %arg2[%dma_wait3A_254, %dma_wait3A_255] : memref<1000000x64xf32, #tpu.memory_space<hbm>> -> memref<1000000x64xf32, #tpu.memory_space<hbm>>
      tpu.wait_indirect_dma semaphore(%arg12 : memref<!tpu.dma_semaphore, #tpu.memory_space<semaphore_mem>>) src(%dma_wait3A_256 : memref<1000000x64xf32, #tpu.memory_space<hbm>>) dst(%dma_wait3A_250 : memref<128x64xf32, #tpu.memory_space<vmem>>)
      %dma_wait3A_257 = arith.constant 0 : i32
      %dma_wait3A_258 = arith.constant 0 : i32
      %dma_wait3A_259 = arith.constant 1 : i32
      %dma_wait3A_260 = arith.constant 0 : i32
      %dma_wait3A_261 = arith.constant 0 : i32
      %dma_wait3A_262 = tpu.memref_slice %arg9[%dma_wait3A_258, %dma_wait3A_259, %dma_wait3A_260, %dma_wait3A_261] : memref<2x4x128x64xf32, #tpu.memory_space<vmem>> -> memref<1x1x128x64xf32, #tpu.memory_space<vmem>>
      %dma_wait3A_263 = tpu.memref_squeeze %dma_wait3A_262 : memref<1x1x128x64xf32, #tpu.memory_space<vmem>> -> memref<128x64xf32, #tpu.memory_space<vmem>>
      %dma_wait3A_264 = arith.constant 0 : i32
      %dma_wait3A_265 = tpu.memref_slice %arg7[%dma_wait3A_257, %dma_wait3A_264] : memref<100x128xi32, #tpu.memory_space<vmem>> -> memref<1x128xi32, #tpu.memory_space<vmem>>
      %dma_wait3A_266 = tpu.memref_squeeze %dma_wait3A_265 : memref<1x128xi32, #tpu.memory_space<vmem>> -> memref<128xi32, #tpu.memory_space<vmem>>
      %dma_wait3A_267 = arith.constant 0 : i32
      %dma_wait3A_268 = arith.constant 0 : i32
      %dma_wait3A_269 = tpu.memref_slice %arg2[%dma_wait3A_267, %dma_wait3A_268] : memref<1000000x64xf32, #tpu.memory_space<hbm>> -> memref<1000000x64xf32, #tpu.memory_space<hbm>>
      tpu.wait_indirect_dma semaphore(%arg12 : memref<!tpu.dma_semaphore, #tpu.memory_space<semaphore_mem>>) src(%dma_wait3A_269 : memref<1000000x64xf32, #tpu.memory_space<hbm>>) dst(%dma_wait3A_263 : memref<128x64xf32, #tpu.memory_space<vmem>>)
      %dma_wait3A_270 = arith.constant 0 : i32
      %dma_wait3A_271 = arith.constant 0 : i32
      %dma_wait3A_272 = arith.constant 2 : i32
      %dma_wait3A_273 = arith.constant 0 : i32
      %dma_wait3A_274 = arith.constant 0 : i32
      %dma_wait3A_275 = tpu.memref_slice %arg9[%dma_wait3A_271, %dma_wait3A_272, %dma_wait3A_273, %dma_wait3A_274] : memref<2x4x128x64xf32, #tpu.memory_space<vmem>> -> memref<1x1x128x64xf32, #tpu.memory_space<vmem>>
      %dma_wait3A_276 = tpu.memref_squeeze %dma_wait3A_275 : memref<1x1x128x64xf32, #tpu.memory_space<vmem>> -> memref<128x64xf32, #tpu.memory_space<vmem>>
      %dma_wait3A_277 = arith.constant 0 : i32
      %dma_wait3A_278 = tpu.memref_slice %arg7[%dma_wait3A_270, %dma_wait3A_277] : memref<100x128xi32, #tpu.memory_space<vmem>> -> memref<1x128xi32, #tpu.memory_space<vmem>>
      %dma_wait3A_279 = tpu.memref_squeeze %dma_wait3A_278 : memref<1x128xi32, #tpu.memory_space<vmem>> -> memref<128xi32, #tpu.memory_space<vmem>>
      %dma_wait3A_280 = arith.constant 0 : i32
      %dma_wait3A_281 = arith.constant 0 : i32
      %dma_wait3A_282 = tpu.memref_slice %arg2[%dma_wait3A_280, %dma_wait3A_281] : memref<1000000x64xf32, #tpu.memory_space<hbm>> -> memref<1000000x64xf32, #tpu.memory_space<hbm>>
      tpu.wait_indirect_dma semaphore(%arg12 : memref<!tpu.dma_semaphore, #tpu.memory_space<semaphore_mem>>) src(%dma_wait3A_282 : memref<1000000x64xf32, #tpu.memory_space<hbm>>) dst(%dma_wait3A_276 : memref<128x64xf32, #tpu.memory_space<vmem>>)
      %dma_wait3A_283 = arith.constant 0 : i32
      %dma_wait3A_284 = arith.constant 0 : i32
      %dma_wait3A_285 = arith.constant 3 : i32
      %dma_wait3A_286 = arith.constant 0 : i32
      %dma_wait3A_287 = arith.constant 0 : i32
      %dma_wait3A_288 = tpu.memref_slice %arg9[%dma_wait3A_284, %dma_wait3A_285, %dma_wait3A_286, %dma_wait3A_287] : memref<2x4x128x64xf32, #tpu.memory_space<vmem>> -> memref<1x1x128x64xf32, #tpu.memory_space<vmem>>
      %dma_wait3A_289 = tpu.memref_squeeze %dma_wait3A_288 : memref<1x1x128x64xf32, #tpu.memory_space<vmem>> -> memref<128x64xf32, #tpu.memory_space<vmem>>
      %dma_wait3A_290 = arith.constant 0 : i32
      %dma_wait3A_291 = tpu.memref_slice %arg7[%dma_wait3A_283, %dma_wait3A_290] : memref<100x128xi32, #tpu.memory_space<vmem>> -> memref<1x128xi32, #tpu.memory_space<vmem>>
      %dma_wait3A_292 = tpu.memref_squeeze %dma_wait3A_291 : memref<1x128xi32, #tpu.memory_space<vmem>> -> memref<128xi32, #tpu.memory_space<vmem>>
      %dma_wait3A_293 = arith.constant 0 : i32
      %dma_wait3A_294 = arith.constant 0 : i32
      %dma_wait3A_295 = tpu.memref_slice %arg2[%dma_wait3A_293, %dma_wait3A_294] : memref<1000000x64xf32, #tpu.memory_space<hbm>> -> memref<1000000x64xf32, #tpu.memory_space<hbm>>
      tpu.wait_indirect_dma semaphore(%arg12 : memref<!tpu.dma_semaphore, #tpu.memory_space<semaphore_mem>>) src(%dma_wait3A_295 : memref<1000000x64xf32, #tpu.memory_space<hbm>>) dst(%dma_wait3A_289 : memref<128x64xf32, #tpu.memory_space<vmem>>)
      %dma_wait3A_296 = arith.constant 0 : i32
      %dma_wait3A_297 = arith.constant 0 : i32
      %dma_wait3A_298 = arith.constant 0 : i32
      %dma_wait3A_299 = arith.constant 0 : i32
      %dma_wait3A_300 = tpu.memref_slice %arg10[%dma_wait3A_297, %dma_wait3A_298, %dma_wait3A_299] : memref<2x128x32xf32, #tpu.memory_space<vmem>> -> memref<1x128x32xf32, #tpu.memory_space<vmem>>
      %dma_wait3A_301 = tpu.memref_squeeze %dma_wait3A_300 : memref<1x128x32xf32, #tpu.memory_space<vmem>> -> memref<128x32xf32, #tpu.memory_space<vmem>>
      %dma_wait3A_302 = arith.constant 0 : i32
      %dma_wait3A_303 = tpu.memref_slice %arg8[%dma_wait3A_296, %dma_wait3A_302] : memref<25x128xi32, #tpu.memory_space<vmem>> -> memref<1x128xi32, #tpu.memory_space<vmem>>
      %dma_wait3A_304 = tpu.memref_squeeze %dma_wait3A_303 : memref<1x128xi32, #tpu.memory_space<vmem>> -> memref<128xi32, #tpu.memory_space<vmem>>
      %dma_wait3A_305 = arith.constant 0 : i32
      %dma_wait3A_306 = arith.constant 0 : i32
      %dma_wait3A_307 = tpu.memref_slice %arg3[%dma_wait3A_305, %dma_wait3A_306] : memref<100000x32xf32, #tpu.memory_space<hbm>> -> memref<100000x32xf32, #tpu.memory_space<hbm>>
      tpu.wait_indirect_dma semaphore(%arg12 : memref<!tpu.dma_semaphore, #tpu.memory_space<semaphore_mem>>) src(%dma_wait3A_307 : memref<100000x32xf32, #tpu.memory_space<hbm>>) dst(%dma_wait3A_301 : memref<128x32xf32, #tpu.memory_space<vmem>>)
      %scan3A_308 = arith.constant 0 : i32
      %scan3A_309 = arith.constant 0 : i32
      %scan3A_310 = arith.constant 128 : i32
      %scan3A_311 = arith.addi %scan3A_309, %scan3A_310 : i32
      %scan3A_312 = arith.constant 1 : i32
      %scan3A_313 = scf.for %scan3A_461 = %scan3A_309 to %scan3A_311 step %scan3A_312 iter_args(%scan3A_462 = %scan3A_308) -> (i32)  : i32 {
        %get3A = arith.constant 0 : i32
        %get3A_463 = arith.constant 0 : i32
        %get3A_464 = arith.index_cast %get3A : i32 to index
        %get3A_465 = arith.index_cast %get3A_463 : i32 to index
        %get3A_466 = arith.index_cast %scan3A_461 : i32 to index
        %get3A_467 = arith.constant 0 : index
        %get3A_468 = tpu.vector_load %arg9[%get3A_464, %get3A_465, %get3A_466, %get3A_467] {strides = array<i32>} : memref<2x4x128x64xf32, #tpu.memory_space<vmem>>, vector<1x1x1x16xf32>,
        %get3A_469 = vector.shape_cast %get3A_468 : vector<1x1x1x16xf32> to vector<16xf32>
        %get3A_470 = arith.constant 0 : i32
        %get3A_471 = arith.constant 1 : i32
        %get3A_472 = arith.index_cast %get3A_470 : i32 to index
        %get3A_473 = arith.index_cast %get3A_471 : i32 to index
        %get3A_474 = arith.index_cast %scan3A_461 : i32 to index
        %get3A_475 = arith.constant 0 : index
        %get3A_476 = tpu.vector_load %arg9[%get3A_472, %get3A_473, %get3A_474, %get3A_475] {strides = array<i32>} : memref<2x4x128x64xf32, #tpu.memory_space<vmem>>, vector<1x1x1x16xf32>,
        %get3A_477 = vector.shape_cast %get3A_476 : vector<1x1x1x16xf32> to vector<16xf32>
        %add3A_478 = arith.addf %get3A_469, %get3A_477 : vector<16xf32>
        %get3A_479 = arith.constant 0 : i32
        %get3A_480 = arith.constant 2 : i32
        %get3A_481 = arith.index_cast %get3A_479 : i32 to index
        %get3A_482 = arith.index_cast %get3A_480 : i32 to index
        %get3A_483 = arith.index_cast %scan3A_461 : i32 to index
        %get3A_484 = arith.constant 0 : index
        %get3A_485 = tpu.vector_load %arg9[%get3A_481, %get3A_482, %get3A_483, %get3A_484] {strides = array<i32>} : memref<2x4x128x64xf32, #tpu.memory_space<vmem>>, vector<1x1x1x16xf32>,
        %get3A_486 = vector.shape_cast %get3A_485 : vector<1x1x1x16xf32> to vector<16xf32>
        %add3A_487 = arith.addf %add3A_478, %get3A_486 : vector<16xf32>
        %get3A_488 = arith.constant 0 : i32
        %get3A_489 = arith.constant 3 : i32
        %get3A_490 = arith.index_cast %get3A_488 : i32 to index
        %get3A_491 = arith.index_cast %get3A_489 : i32 to index
        %get3A_492 = arith.index_cast %scan3A_461 : i32 to index
        %get3A_493 = arith.constant 0 : index
        %get3A_494 = tpu.vector_load %arg9[%get3A_490, %get3A_491, %get3A_492, %get3A_493] {strides = array<i32>} : memref<2x4x128x64xf32, #tpu.memory_space<vmem>>, vector<1x1x1x16xf32>,
        %get3A_495 = vector.shape_cast %get3A_494 : vector<1x1x1x16xf32> to vector<16xf32>
        %add3A_496 = arith.addf %add3A_487, %get3A_495 : vector<16xf32>
        %swap3A = arith.constant 0 : i32
        %swap3A_497 = arith.index_cast %swap3A : i32 to index
        %swap3A_498 = arith.index_cast %scan3A_461 : i32 to index
        %swap3A_499 = arith.constant 0 : index
        %swap3A_500 = tpu.vector_load %arg11[%swap3A_497, %swap3A_498, %swap3A_499] {strides = array<i32>} : memref<2x128x64xf32, #tpu.memory_space<vmem>>, vector<1x1x16xf32>,
        %swap3A_501 = vector.shape_cast %swap3A_500 : vector<1x1x16xf32> to vector<16xf32>
        %swap3A_502 = vector.shape_cast %add3A_496 : vector<16xf32> to vector<1x1x16xf32>
        tpu.vector_store %arg11[%swap3A_497, %swap3A_498, %swap3A_499], %swap3A_502 {strides = array<i32>} : memref<2x128x64xf32, #tpu.memory_space<vmem>>, vector<1x1x16xf32>,
        %get3A_503 = arith.constant 0 : i32
        %get3A_504 = arith.constant 0 : i32
        %get3A_505 = arith.index_cast %get3A_503 : i32 to index
        %get3A_506 = arith.index_cast %get3A_504 : i32 to index
        %get3A_507 = arith.index_cast %scan3A_461 : i32 to index
        %get3A_508 = arith.constant 16 : index
        %get3A_509 = tpu.vector_load %arg9[%get3A_505, %get3A_506, %get3A_507, %get3A_508] {strides = array<i32>} : memref<2x4x128x64xf32, #tpu.memory_space<vmem>>, vector<1x1x1x16xf32>,
        %get3A_510 = vector.shape_cast %get3A_509 : vector<1x1x1x16xf32> to vector<16xf32>
        %get3A_511 = arith.constant 0 : i32
        %get3A_512 = arith.constant 1 : i32
        %get3A_513 = arith.index_cast %get3A_511 : i32 to index
        %get3A_514 = arith.index_cast %get3A_512 : i32 to index
        %get3A_515 = arith.index_cast %scan3A_461 : i32 to index
        %get3A_516 = arith.constant 16 : index
        %get3A_517 = tpu.vector_load %arg9[%get3A_513, %get3A_514, %get3A_515, %get3A_516] {strides = array<i32>} : memref<2x4x128x64xf32, #tpu.memory_space<vmem>>, vector<1x1x1x16xf32>,
        %get3A_518 = vector.shape_cast %get3A_517 : vector<1x1x1x16xf32> to vector<16xf32>
        %add3A_519 = arith.addf %get3A_510, %get3A_518 : vector<16xf32>
        %get3A_520 = arith.constant 0 : i32
        %get3A_521 = arith.constant 2 : i32
        %get3A_522 = arith.index_cast %get3A_520 : i32 to index
        %get3A_523 = arith.index_cast %get3A_521 : i32 to index
        %get3A_524 = arith.index_cast %scan3A_461 : i32 to index
        %get3A_525 = arith.constant 16 : index
        %get3A_526 = tpu.vector_load %arg9[%get3A_522, %get3A_523, %get3A_524, %get3A_525] {strides = array<i32>} : memref<2x4x128x64xf32, #tpu.memory_space<vmem>>, vector<1x1x1x16xf32>,
        %get3A_527 = vector.shape_cast %get3A_526 : vector<1x1x1x16xf32> to vector<16xf32>
        %add3A_528 = arith.addf %add3A_519, %get3A_527 : vector<16xf32>
        %get3A_529 = arith.constant 0 : i32
        %get3A_530 = arith.constant 3 : i32
        %get3A_531 = arith.index_cast %get3A_529 : i32 to index
        %get3A_532 = arith.index_cast %get3A_530 : i32 to index
        %get3A_533 = arith.index_cast %scan3A_461 : i32 to index
        %get3A_534 = arith.constant 16 : index
        %get3A_535 = tpu.vector_load %arg9[%get3A_531, %get3A_532, %get3A_533, %get3A_534] {strides = array<i32>} : memref<2x4x128x64xf32, #tpu.memory_space<vmem>>, vector<1x1x1x16xf32>,
        %get3A_536 = vector.shape_cast %get3A_535 : vector<1x1x1x16xf32> to vector<16xf32>
        %add3A_537 = arith.addf %add3A_528, %get3A_536 : vector<16xf32>
        %swap3A_538 = arith.constant 0 : i32
        %swap3A_539 = arith.index_cast %swap3A_538 : i32 to index
        %swap3A_540 = arith.index_cast %scan3A_461 : i32 to index
        %swap3A_541 = arith.constant 16 : index
        %swap3A_542 = tpu.vector_load %arg11[%swap3A_539, %swap3A_540, %swap3A_541] {strides = array<i32>} : memref<2x128x64xf32, #tpu.memory_space<vmem>>, vector<1x1x16xf32>,
        %swap3A_543 = vector.shape_cast %swap3A_542 : vector<1x1x16xf32> to vector<16xf32>
        %swap3A_544 = vector.shape_cast %add3A_537 : vector<16xf32> to vector<1x1x16xf32>
        tpu.vector_store %arg11[%swap3A_539, %swap3A_540, %swap3A_541], %swap3A_544 {strides = array<i32>} : memref<2x128x64xf32, #tpu.memory_space<vmem>>, vector<1x1x16xf32>,
        %get3A_545 = arith.constant 0 : i32
        %get3A_546 = arith.constant 0 : i32
        %get3A_547 = arith.index_cast %get3A_545 : i32 to index
        %get3A_548 = arith.index_cast %get3A_546 : i32 to index
        %get3A_549 = arith.index_cast %scan3A_461 : i32 to index
        %get3A_550 = arith.constant 32 : index
        %get3A_551 = tpu.vector_load %arg9[%get3A_547, %get3A_548, %get3A_549, %get3A_550] {strides = array<i32>} : memref<2x4x128x64xf32, #tpu.memory_space<vmem>>, vector<1x1x1x16xf32>,
        %get3A_552 = vector.shape_cast %get3A_551 : vector<1x1x1x16xf32> to vector<16xf32>
        %get3A_553 = arith.constant 0 : i32
        %get3A_554 = arith.constant 1 : i32
        %get3A_555 = arith.index_cast %get3A_553 : i32 to index
        %get3A_556 = arith.index_cast %get3A_554 : i32 to index
        %get3A_557 = arith.index_cast %scan3A_461 : i32 to index
        %get3A_558 = arith.constant 32 : index
        %get3A_559 = tpu.vector_load %arg9[%get3A_555, %get3A_556, %get3A_557, %get3A_558] {strides = array<i32>} : memref<2x4x128x64xf32, #tpu.memory_space<vmem>>, vector<1x1x1x16xf32>,
        %get3A_560 = vector.shape_cast %get3A_559 : vector<1x1x1x16xf32> to vector<16xf32>
        %add3A_561 = arith.addf %get3A_552, %get3A_560 : vector<16xf32>
        %get3A_562 = arith.constant 0 : i32
        %get3A_563 = arith.constant 2 : i32
        %get3A_564 = arith.index_cast %get3A_562 : i32 to index
        %get3A_565 = arith.index_cast %get3A_563 : i32 to index
        %get3A_566 = arith.index_cast %scan3A_461 : i32 to index
        %get3A_567 = arith.constant 32 : index
        %get3A_568 = tpu.vector_load %arg9[%get3A_564, %get3A_565, %get3A_566, %get3A_567] {strides = array<i32>} : memref<2x4x128x64xf32, #tpu.memory_space<vmem>>, vector<1x1x1x16xf32>,
        %get3A_569 = vector.shape_cast %get3A_568 : vector<1x1x1x16xf32> to vector<16xf32>
        %add3A_570 = arith.addf %add3A_561, %get3A_569 : vector<16xf32>
        %get3A_571 = arith.constant 0 : i32
        %get3A_572 = arith.constant 3 : i32
        %get3A_573 = arith.index_cast %get3A_571 : i32 to index
        %get3A_574 = arith.index_cast %get3A_572 : i32 to index
        %get3A_575 = arith.index_cast %scan3A_461 : i32 to index
        %get3A_576 = arith.constant 32 : index
        %get3A_577 = tpu.vector_load %arg9[%get3A_573, %get3A_574, %get3A_575, %get3A_576] {strides = array<i32>} : memref<2x4x128x64xf32, #tpu.memory_space<vmem>>, vector<1x1x1x16xf32>,
        %get3A_578 = vector.shape_cast %get3A_577 : vector<1x1x1x16xf32> to vector<16xf32>
        %add3A_579 = arith.addf %add3A_570, %get3A_578 : vector<16xf32>
        %swap3A_580 = arith.constant 0 : i32
        %swap3A_581 = arith.index_cast %swap3A_580 : i32 to index
        %swap3A_582 = arith.index_cast %scan3A_461 : i32 to index
        %swap3A_583 = arith.constant 32 : index
        %swap3A_584 = tpu.vector_load %arg11[%swap3A_581, %swap3A_582, %swap3A_583] {strides = array<i32>} : memref<2x128x64xf32, #tpu.memory_space<vmem>>, vector<1x1x16xf32>,
        %swap3A_585 = vector.shape_cast %swap3A_584 : vector<1x1x16xf32> to vector<16xf32>
        %swap3A_586 = vector.shape_cast %add3A_579 : vector<16xf32> to vector<1x1x16xf32>
        tpu.vector_store %arg11[%swap3A_581, %swap3A_582, %swap3A_583], %swap3A_586 {strides = array<i32>} : memref<2x128x64xf32, #tpu.memory_space<vmem>>, vector<1x1x16xf32>,
        %get3A_587 = arith.constant 0 : i32
        %get3A_588 = arith.constant 0 : i32
        %get3A_589 = arith.index_cast %get3A_587 : i32 to index
        %get3A_590 = arith.index_cast %get3A_588 : i32 to index
        %get3A_591 = arith.index_cast %scan3A_461 : i32 to index
        %get3A_592 = arith.constant 48 : index
        %get3A_593 = tpu.vector_load %arg9[%get3A_589, %get3A_590, %get3A_591, %get3A_592] {strides = array<i32>} : memref<2x4x128x64xf32, #tpu.memory_space<vmem>>, vector<1x1x1x16xf32>,
        %get3A_594 = vector.shape_cast %get3A_593 : vector<1x1x1x16xf32> to vector<16xf32>
        %get3A_595 = arith.constant 0 : i32
        %get3A_596 = arith.constant 1 : i32
        %get3A_597 = arith.index_cast %get3A_595 : i32 to index
        %get3A_598 = arith.index_cast %get3A_596 : i32 to index
        %get3A_599 = arith.index_cast %scan3A_461 : i32 to index
        %get3A_600 = arith.constant 48 : index
        %get3A_601 = tpu.vector_load %arg9[%get3A_597, %get3A_598, %get3A_599, %get3A_600] {strides = array<i32>} : memref<2x4x128x64xf32, #tpu.memory_space<vmem>>, vector<1x1x1x16xf32>,
        %get3A_602 = vector.shape_cast %get3A_601 : vector<1x1x1x16xf32> to vector<16xf32>
        %add3A_603 = arith.addf %get3A_594, %get3A_602 : vector<16xf32>
        %get3A_604 = arith.constant 0 : i32
        %get3A_605 = arith.constant 2 : i32
        %get3A_606 = arith.index_cast %get3A_604 : i32 to index
        %get3A_607 = arith.index_cast %get3A_605 : i32 to index
        %get3A_608 = arith.index_cast %scan3A_461 : i32 to index
        %get3A_609 = arith.constant 48 : index
        %get3A_610 = tpu.vector_load %arg9[%get3A_606, %get3A_607, %get3A_608, %get3A_609] {strides = array<i32>} : memref<2x4x128x64xf32, #tpu.memory_space<vmem>>, vector<1x1x1x16xf32>,
        %get3A_611 = vector.shape_cast %get3A_610 : vector<1x1x1x16xf32> to vector<16xf32>
        %add3A_612 = arith.addf %add3A_603, %get3A_611 : vector<16xf32>
        %get3A_613 = arith.constant 0 : i32
        %get3A_614 = arith.constant 3 : i32
        %get3A_615 = arith.index_cast %get3A_613 : i32 to index
        %get3A_616 = arith.index_cast %get3A_614 : i32 to index
        %get3A_617 = arith.index_cast %scan3A_461 : i32 to index
        %get3A_618 = arith.constant 48 : index
        %get3A_619 = tpu.vector_load %arg9[%get3A_615, %get3A_616, %get3A_617, %get3A_618] {strides = array<i32>} : memref<2x4x128x64xf32, #tpu.memory_space<vmem>>, vector<1x1x1x16xf32>,
        %get3A_620 = vector.shape_cast %get3A_619 : vector<1x1x1x16xf32> to vector<16xf32>
        %add3A_621 = arith.addf %add3A_612, %get3A_620 : vector<16xf32>
        %swap3A_622 = arith.constant 0 : i32
        %swap3A_623 = arith.index_cast %swap3A_622 : i32 to index
        %swap3A_624 = arith.index_cast %scan3A_461 : i32 to index
        %swap3A_625 = arith.constant 48 : index
        %swap3A_626 = tpu.vector_load %arg11[%swap3A_623, %swap3A_624, %swap3A_625] {strides = array<i32>} : memref<2x128x64xf32, #tpu.memory_space<vmem>>, vector<1x1x16xf32>,
        %swap3A_627 = vector.shape_cast %swap3A_626 : vector<1x1x16xf32> to vector<16xf32>
        %swap3A_628 = vector.shape_cast %add3A_621 : vector<16xf32> to vector<1x1x16xf32>
        tpu.vector_store %arg11[%swap3A_623, %swap3A_624, %swap3A_625], %swap3A_628 {strides = array<i32>} : memref<2x128x64xf32, #tpu.memory_space<vmem>>, vector<1x1x16xf32>,
        %scan3A_629 = arith.constant 0 : i32
        scf.yield %scan3A_629 : i32
      }
      %scan3A_314 = arith.constant 128 : i32
      %mul3A_315 = arith.constant 128 : i32
      %mul3A_316 = arith.muli %add3A_235, %mul3A_315 : i32
      %add3A_317 = arith.addi %mul3A_2, %mul3A_316 : i32
      %dma_start3A_318 = arith.constant 0 : i32
      %dma_start3A_319 = arith.constant 0 : i32
      %dma_start3A_320 = arith.constant 0 : i32
      %dma_start3A_321 = tpu.memref_slice %arg11[%dma_start3A_318, %dma_start3A_319, %dma_start3A_320] : memref<2x128x64xf32, #tpu.memory_space<vmem>> -> memref<1x128x64xf32, #tpu.memory_space<vmem>>
      %dma_start3A_322 = tpu.memref_squeeze %dma_start3A_321 : memref<1x128x64xf32, #tpu.memory_space<vmem>> -> memref<128x64xf32, #tpu.memory_space<vmem>>
      %dma_start3A_323 = arith.constant 0 : i32
      %dma_start3A_324 = tpu.memref_slice %arg6[%add3A_317, %dma_start3A_323] : memref<102400x128xf32, #tpu.memory_space<hbm>> -> memref<128x64xf32, #tpu.memory_space<hbm>>
      %dma_start3A_325 = arith.constant 0 : i32
      %dma_start3A_326 = tpu.memref_slice %arg6[%add3A_317, %dma_start3A_325] : memref<102400x128xf32, #tpu.memory_space<hbm>> -> memref<128x64xf32, #tpu.memory_space<hbm>>
      %dma_start3A_327 = arith.constant 0 : i32
      %dma_start3A_328 = arith.constant 0 : i32
      %dma_start3A_329 = tpu.memref_slice %arg11[%dma_start3A_318, %dma_start3A_327, %dma_start3A_328] : memref<2x128x64xf32, #tpu.memory_space<vmem>> -> memref<1x128x64xf32, #tpu.memory_space<vmem>>
      %dma_start3A_330 = tpu.memref_squeeze %dma_start3A_329 : memref<1x128x64xf32, #tpu.memory_space<vmem>> -> memref<128x64xf32, #tpu.memory_space<vmem>>
      tpu.enqueue_dma source(%dma_start3A_330 : memref<128x64xf32, #tpu.memory_space<vmem>>) target(%dma_start3A_326 : memref<128x64xf32, #tpu.memory_space<hbm>>) target_semaphore(%arg14 : memref<!tpu.dma_semaphore, #tpu.memory_space<semaphore_mem>>)
      %dma_start3A_331 = arith.constant 0 : i32
      %dma_start3A_332 = arith.constant 0 : i32
      %dma_start3A_333 = arith.constant 0 : i32
      %dma_start3A_334 = tpu.memref_slice %arg10[%dma_start3A_331, %dma_start3A_332, %dma_start3A_333] : memref<2x128x32xf32, #tpu.memory_space<vmem>> -> memref<1x128x32xf32, #tpu.memory_space<vmem>>
      %dma_start3A_335 = tpu.memref_squeeze %dma_start3A_334 : memref<1x128x32xf32, #tpu.memory_space<vmem>> -> memref<128x32xf32, #tpu.memory_space<vmem>>
      %dma_start3A_336 = arith.constant 64 : i32
      %dma_start3A_337 = tpu.memref_slice %arg6[%add3A_317, %dma_start3A_336] : memref<102400x128xf32, #tpu.memory_space<hbm>> -> memref<128x32xf32, #tpu.memory_space<hbm>>
      %dma_start3A_338 = arith.constant 64 : i32
      %dma_start3A_339 = tpu.memref_slice %arg6[%add3A_317, %dma_start3A_338] : memref<102400x128xf32, #tpu.memory_space<hbm>> -> memref<128x32xf32, #tpu.memory_space<hbm>>
      %dma_start3A_340 = arith.constant 0 : i32
      %dma_start3A_341 = arith.constant 0 : i32
      %dma_start3A_342 = tpu.memref_slice %arg10[%dma_start3A_331, %dma_start3A_340, %dma_start3A_341] : memref<2x128x32xf32, #tpu.memory_space<vmem>> -> memref<1x128x32xf32, #tpu.memory_space<vmem>>
      %dma_start3A_343 = tpu.memref_squeeze %dma_start3A_342 : memref<1x128x32xf32, #tpu.memory_space<vmem>> -> memref<128x32xf32, #tpu.memory_space<vmem>>
      tpu.enqueue_dma source(%dma_start3A_343 : memref<128x32xf32, #tpu.memory_space<vmem>>) target(%dma_start3A_339 : memref<128x32xf32, #tpu.memory_space<hbm>>) target_semaphore(%arg14 : memref<!tpu.dma_semaphore, #tpu.memory_space<semaphore_mem>>)
      %mul3A_344 = arith.constant 2 : i32
      %mul3A_345 = arith.muli %scan3A_230, %mul3A_344 : i32
      %add3A_346 = arith.constant 1 : i32
      %add3A_347 = arith.addi %mul3A_345, %add3A_346 : i32
      %ge3A_348 = arith.constant 1 : i32
      %ge3A_349 = arith.cmpi sge, %add3A_347, %ge3A_348 : i32
      %convert_element_type3A_350 = arith.extui %ge3A_349 : i1 to i32
      %cond3A_351 = arith.constant 0 : i32
      %cond3A_352 = arith.cmpi ne, %convert_element_type3A_350, %cond3A_351 : i32
      scf.if %cond3A_352 {
        %dma_wait3A_461 = arith.constant 0 : i32
        %dma_wait3A_462 = arith.constant 0 : i32
        %dma_wait3A_463 = arith.constant 0 : i32
        %dma_wait3A_464 = tpu.memref_slice %arg11[%dma_wait3A_461, %dma_wait3A_462, %dma_wait3A_463] : memref<2x128x64xf32, #tpu.memory_space<vmem>> -> memref<1x128x64xf32, #tpu.memory_space<vmem>>
        %dma_wait3A_465 = tpu.memref_squeeze %dma_wait3A_464 : memref<1x128x64xf32, #tpu.memory_space<vmem>> -> memref<128x64xf32, #tpu.memory_space<vmem>>
        %dma_wait3A_466 = arith.constant 0 : i32
        %dma_wait3A_467 = arith.constant 0 : i32
        %dma_wait3A_468 = tpu.memref_slice %arg6[%dma_wait3A_466, %dma_wait3A_467] : memref<102400x128xf32, #tpu.memory_space<hbm>> -> memref<128x64xf32, #tpu.memory_space<hbm>>
        %dma_wait3A_469 = arith.constant 0 : i32
        %dma_wait3A_470 = arith.constant 0 : i32
        %dma_wait3A_471 = tpu.memref_slice %arg6[%dma_wait3A_469, %dma_wait3A_470] : memref<102400x128xf32, #tpu.memory_space<hbm>> -> memref<128x64xf32, #tpu.memory_space<hbm>>
        %dma_wait3A_472 = arith.constant 0 : i32
        %dma_wait3A_473 = arith.constant 0 : i32
        %dma_wait3A_474 = tpu.memref_slice %arg11[%dma_wait3A_461, %dma_wait3A_472, %dma_wait3A_473] : memref<2x128x64xf32, #tpu.memory_space<vmem>> -> memref<1x128x64xf32, #tpu.memory_space<vmem>>
        %dma_wait3A_475 = tpu.memref_squeeze %dma_wait3A_474 : memref<1x128x64xf32, #tpu.memory_space<vmem>> -> memref<128x64xf32, #tpu.memory_space<vmem>>
        tpu.wait_dma2 semaphore(%arg14 : memref<!tpu.dma_semaphore, #tpu.memory_space<semaphore_mem>>) src(%dma_wait3A_475 : memref<128x64xf32, #tpu.memory_space<vmem>>) dst(%dma_wait3A_471 : memref<128x64xf32, #tpu.memory_space<hbm>>)
        %dma_wait3A_476 = arith.constant 0 : i32
        %dma_wait3A_477 = arith.constant 0 : i32
        %dma_wait3A_478 = arith.constant 0 : i32
        %dma_wait3A_479 = tpu.memref_slice %arg10[%dma_wait3A_476, %dma_wait3A_477, %dma_wait3A_478] : memref<2x128x32xf32, #tpu.memory_space<vmem>> -> memref<1x128x32xf32, #tpu.memory_space<vmem>>
        %dma_wait3A_480 = tpu.memref_squeeze %dma_wait3A_479 : memref<1x128x32xf32, #tpu.memory_space<vmem>> -> memref<128x32xf32, #tpu.memory_space<vmem>>
        %dma_wait3A_481 = arith.constant 0 : i32
        %dma_wait3A_482 = arith.constant 64 : i32
        %dma_wait3A_483 = tpu.memref_slice %arg6[%dma_wait3A_481, %dma_wait3A_482] : memref<102400x128xf32, #tpu.memory_space<hbm>> -> memref<128x32xf32, #tpu.memory_space<hbm>>
        %dma_wait3A_484 = arith.constant 0 : i32
        %dma_wait3A_485 = arith.constant 64 : i32
        %dma_wait3A_486 = tpu.memref_slice %arg6[%dma_wait3A_484, %dma_wait3A_485] : memref<102400x128xf32, #tpu.memory_space<hbm>> -> memref<128x32xf32, #tpu.memory_space<hbm>>
        %dma_wait3A_487 = arith.constant 0 : i32
        %dma_wait3A_488 = arith.constant 0 : i32
        %dma_wait3A_489 = tpu.memref_slice %arg10[%dma_wait3A_476, %dma_wait3A_487, %dma_wait3A_488] : memref<2x128x32xf32, #tpu.memory_space<vmem>> -> memref<1x128x32xf32, #tpu.memory_space<vmem>>
        %dma_wait3A_490 = tpu.memref_squeeze %dma_wait3A_489 : memref<1x128x32xf32, #tpu.memory_space<vmem>> -> memref<128x32xf32, #tpu.memory_space<vmem>>
        tpu.wait_dma2 semaphore(%arg14 : memref<!tpu.dma_semaphore, #tpu.memory_space<semaphore_mem>>) src(%dma_wait3A_490 : memref<128x32xf32, #tpu.memory_space<vmem>>) dst(%dma_wait3A_486 : memref<128x32xf32, #tpu.memory_space<hbm>>)
      } else {
      }
      %add3A_353 = arith.constant 1 : i32
      %add3A_354 = arith.addi %add3A_347, %add3A_353 : i32
      %lt3A_355 = arith.constant 25 : i32
      %lt3A_356 = arith.cmpi slt, %add3A_354, %lt3A_355 : i32
      %convert_element_type3A_357 = arith.extui %lt3A_356 : i1 to i32
      %cond3A_358 = arith.constant 0 : i32
      %cond3A_359 = arith.cmpi ne, %convert_element_type3A_357, %cond3A_358 : i32
      scf.if %cond3A_359 {
        %add3A_461 = arith.constant 1 : i32
        %add3A_462 = arith.addi %add3A_347, %add3A_461 : i32
        %mul3A_463 = arith.constant 4 : i32
        %mul3A_464 = arith.muli %mul3A_463, %add3A_462 : i32
        %add3A_465 = arith.constant 0 : i32
        %add3A_466 = arith.addi %mul3A_464, %add3A_465 : i32
        %dma_start3A_467 = arith.constant 0 : i32
        %dma_start3A_468 = arith.constant 0 : i32
        %dma_start3A_469 = arith.constant 0 : i32
        %dma_start3A_470 = arith.constant 0 : i32
        %dma_start3A_471 = tpu.memref_slice %arg9[%dma_start3A_467, %dma_start3A_468, %dma_start3A_469, %dma_start3A_470] : memref<2x4x128x64xf32, #tpu.memory_space<vmem>> -> memref<1x1x128x64xf32, #tpu.memory_space<vmem>>
        %dma_start3A_472 = tpu.memref_squeeze %dma_start3A_471 : memref<1x1x128x64xf32, #tpu.memory_space<vmem>> -> memref<128x64xf32, #tpu.memory_space<vmem>>
        %dma_start3A_473 = arith.constant 0 : i32
        %dma_start3A_474 = tpu.memref_slice %arg7[%add3A_466, %dma_start3A_473] : memref<100x128xi32, #tpu.memory_space<vmem>> -> memref<1x128xi32, #tpu.memory_space<vmem>>
        %dma_start3A_475 = tpu.memref_squeeze %dma_start3A_474 : memref<1x128xi32, #tpu.memory_space<vmem>> -> memref<128xi32, #tpu.memory_space<vmem>>
        %dma_start3A_476 = arith.constant 0 : i32
        %dma_start3A_477 = arith.constant 0 : i32
        %dma_start3A_478 = tpu.memref_slice %arg2[%dma_start3A_476, %dma_start3A_477] : memref<1000000x64xf32, #tpu.memory_space<hbm>> -> memref<1000000x64xf32, #tpu.memory_space<hbm>>
        tpu.enqueue_indirect_dma source(%dma_start3A_478 : memref<1000000x64xf32, #tpu.memory_space<hbm>>) target(%dma_start3A_472 : memref<128x64xf32, #tpu.memory_space<vmem>>) offsets(%dma_start3A_475 : memref<128xi32, #tpu.memory_space<vmem>>) semaphore(%arg12 : memref<!tpu.dma_semaphore, #tpu.memory_space<semaphore_mem>>)
        %mul3A_479 = arith.constant 4 : i32
        %mul3A_480 = arith.muli %mul3A_479, %add3A_462 : i32
        %add3A_481 = arith.constant 1 : i32
        %add3A_482 = arith.addi %mul3A_480, %add3A_481 : i32
        %dma_start3A_483 = arith.constant 0 : i32
        %dma_start3A_484 = arith.constant 1 : i32
        %dma_start3A_485 = arith.constant 0 : i32
        %dma_start3A_486 = arith.constant 0 : i32
        %dma_start3A_487 = tpu.memref_slice %arg9[%dma_start3A_483, %dma_start3A_484, %dma_start3A_485, %dma_start3A_486] : memref<2x4x128x64xf32, #tpu.memory_space<vmem>> -> memref<1x1x128x64xf32, #tpu.memory_space<vmem>>
        %dma_start3A_488 = tpu.memref_squeeze %dma_start3A_487 : memref<1x1x128x64xf32, #tpu.memory_space<vmem>> -> memref<128x64xf32, #tpu.memory_space<vmem>>
        %dma_start3A_489 = arith.constant 0 : i32
        %dma_start3A_490 = tpu.memref_slice %arg7[%add3A_482, %dma_start3A_489] : memref<100x128xi32, #tpu.memory_space<vmem>> -> memref<1x128xi32, #tpu.memory_space<vmem>>
        %dma_start3A_491 = tpu.memref_squeeze %dma_start3A_490 : memref<1x128xi32, #tpu.memory_space<vmem>> -> memref<128xi32, #tpu.memory_space<vmem>>
        %dma_start3A_492 = arith.constant 0 : i32
        %dma_start3A_493 = arith.constant 0 : i32
        %dma_start3A_494 = tpu.memref_slice %arg2[%dma_start3A_492, %dma_start3A_493] : memref<1000000x64xf32, #tpu.memory_space<hbm>> -> memref<1000000x64xf32, #tpu.memory_space<hbm>>
        tpu.enqueue_indirect_dma source(%dma_start3A_494 : memref<1000000x64xf32, #tpu.memory_space<hbm>>) target(%dma_start3A_488 : memref<128x64xf32, #tpu.memory_space<vmem>>) offsets(%dma_start3A_491 : memref<128xi32, #tpu.memory_space<vmem>>) semaphore(%arg12 : memref<!tpu.dma_semaphore, #tpu.memory_space<semaphore_mem>>)
        %mul3A_495 = arith.constant 4 : i32
        %mul3A_496 = arith.muli %mul3A_495, %add3A_462 : i32
        %add3A_497 = arith.constant 2 : i32
        %add3A_498 = arith.addi %mul3A_496, %add3A_497 : i32
        %dma_start3A_499 = arith.constant 0 : i32
        %dma_start3A_500 = arith.constant 2 : i32
        %dma_start3A_501 = arith.constant 0 : i32
        %dma_start3A_502 = arith.constant 0 : i32
        %dma_start3A_503 = tpu.memref_slice %arg9[%dma_start3A_499, %dma_start3A_500, %dma_start3A_501, %dma_start3A_502] : memref<2x4x128x64xf32, #tpu.memory_space<vmem>> -> memref<1x1x128x64xf32, #tpu.memory_space<vmem>>
        %dma_start3A_504 = tpu.memref_squeeze %dma_start3A_503 : memref<1x1x128x64xf32, #tpu.memory_space<vmem>> -> memref<128x64xf32, #tpu.memory_space<vmem>>
        %dma_start3A_505 = arith.constant 0 : i32
        %dma_start3A_506 = tpu.memref_slice %arg7[%add3A_498, %dma_start3A_505] : memref<100x128xi32, #tpu.memory_space<vmem>> -> memref<1x128xi32, #tpu.memory_space<vmem>>
        %dma_start3A_507 = tpu.memref_squeeze %dma_start3A_506 : memref<1x128xi32, #tpu.memory_space<vmem>> -> memref<128xi32, #tpu.memory_space<vmem>>
        %dma_start3A_508 = arith.constant 0 : i32
        %dma_start3A_509 = arith.constant 0 : i32
        %dma_start3A_510 = tpu.memref_slice %arg2[%dma_start3A_508, %dma_start3A_509] : memref<1000000x64xf32, #tpu.memory_space<hbm>> -> memref<1000000x64xf32, #tpu.memory_space<hbm>>
        tpu.enqueue_indirect_dma source(%dma_start3A_510 : memref<1000000x64xf32, #tpu.memory_space<hbm>>) target(%dma_start3A_504 : memref<128x64xf32, #tpu.memory_space<vmem>>) offsets(%dma_start3A_507 : memref<128xi32, #tpu.memory_space<vmem>>) semaphore(%arg12 : memref<!tpu.dma_semaphore, #tpu.memory_space<semaphore_mem>>)
        %mul3A_511 = arith.constant 4 : i32
        %mul3A_512 = arith.muli %mul3A_511, %add3A_462 : i32
        %add3A_513 = arith.constant 3 : i32
        %add3A_514 = arith.addi %mul3A_512, %add3A_513 : i32
        %dma_start3A_515 = arith.constant 0 : i32
        %dma_start3A_516 = arith.constant 3 : i32
        %dma_start3A_517 = arith.constant 0 : i32
        %dma_start3A_518 = arith.constant 0 : i32
        %dma_start3A_519 = tpu.memref_slice %arg9[%dma_start3A_515, %dma_start3A_516, %dma_start3A_517, %dma_start3A_518] : memref<2x4x128x64xf32, #tpu.memory_space<vmem>> -> memref<1x1x128x64xf32, #tpu.memory_space<vmem>>
        %dma_start3A_520 = tpu.memref_squeeze %dma_start3A_519 : memref<1x1x128x64xf32, #tpu.memory_space<vmem>> -> memref<128x64xf32, #tpu.memory_space<vmem>>
        %dma_start3A_521 = arith.constant 0 : i32
        %dma_start3A_522 = tpu.memref_slice %arg7[%add3A_514, %dma_start3A_521] : memref<100x128xi32, #tpu.memory_space<vmem>> -> memref<1x128xi32, #tpu.memory_space<vmem>>
        %dma_start3A_523 = tpu.memref_squeeze %dma_start3A_522 : memref<1x128xi32, #tpu.memory_space<vmem>> -> memref<128xi32, #tpu.memory_space<vmem>>
        %dma_start3A_524 = arith.constant 0 : i32
        %dma_start3A_525 = arith.constant 0 : i32
        %dma_start3A_526 = tpu.memref_slice %arg2[%dma_start3A_524, %dma_start3A_525] : memref<1000000x64xf32, #tpu.memory_space<hbm>> -> memref<1000000x64xf32, #tpu.memory_space<hbm>>
        tpu.enqueue_indirect_dma source(%dma_start3A_526 : memref<1000000x64xf32, #tpu.memory_space<hbm>>) target(%dma_start3A_520 : memref<128x64xf32, #tpu.memory_space<vmem>>) offsets(%dma_start3A_523 : memref<128xi32, #tpu.memory_space<vmem>>) semaphore(%arg12 : memref<!tpu.dma_semaphore, #tpu.memory_space<semaphore_mem>>)
        %dma_start3A_527 = arith.constant 0 : i32
        %dma_start3A_528 = arith.constant 0 : i32
        %dma_start3A_529 = arith.constant 0 : i32
        %dma_start3A_530 = tpu.memref_slice %arg10[%dma_start3A_527, %dma_start3A_528, %dma_start3A_529] : memref<2x128x32xf32, #tpu.memory_space<vmem>> -> memref<1x128x32xf32, #tpu.memory_space<vmem>>
        %dma_start3A_531 = tpu.memref_squeeze %dma_start3A_530 : memref<1x128x32xf32, #tpu.memory_space<vmem>> -> memref<128x32xf32, #tpu.memory_space<vmem>>
        %dma_start3A_532 = arith.constant 0 : i32
        %dma_start3A_533 = tpu.memref_slice %arg8[%add3A_462, %dma_start3A_532] : memref<25x128xi32, #tpu.memory_space<vmem>> -> memref<1x128xi32, #tpu.memory_space<vmem>>
        %dma_start3A_534 = tpu.memref_squeeze %dma_start3A_533 : memref<1x128xi32, #tpu.memory_space<vmem>> -> memref<128xi32, #tpu.memory_space<vmem>>
        %dma_start3A_535 = arith.constant 0 : i32
        %dma_start3A_536 = arith.constant 0 : i32
        %dma_start3A_537 = tpu.memref_slice %arg3[%dma_start3A_535, %dma_start3A_536] : memref<100000x32xf32, #tpu.memory_space<hbm>> -> memref<100000x32xf32, #tpu.memory_space<hbm>>
        tpu.enqueue_indirect_dma source(%dma_start3A_537 : memref<100000x32xf32, #tpu.memory_space<hbm>>) target(%dma_start3A_531 : memref<128x32xf32, #tpu.memory_space<vmem>>) offsets(%dma_start3A_534 : memref<128xi32, #tpu.memory_space<vmem>>) semaphore(%arg12 : memref<!tpu.dma_semaphore, #tpu.memory_space<semaphore_mem>>)
      } else {
      }
      %dma_wait3A_360 = arith.constant 0 : i32
      %dma_wait3A_361 = arith.constant 1 : i32
      %dma_wait3A_362 = arith.constant 0 : i32
      %dma_wait3A_363 = arith.constant 0 : i32
      %dma_wait3A_364 = arith.constant 0 : i32
      %dma_wait3A_365 = tpu.memref_slice %arg9[%dma_wait3A_361, %dma_wait3A_362, %dma_wait3A_363, %dma_wait3A_364] : memref<2x4x128x64xf32, #tpu.memory_space<vmem>> -> memref<1x1x128x64xf32, #tpu.memory_space<vmem>>
      %dma_wait3A_366 = tpu.memref_squeeze %dma_wait3A_365 : memref<1x1x128x64xf32, #tpu.memory_space<vmem>> -> memref<128x64xf32, #tpu.memory_space<vmem>>
      %dma_wait3A_367 = arith.constant 0 : i32
      %dma_wait3A_368 = tpu.memref_slice %arg7[%dma_wait3A_360, %dma_wait3A_367] : memref<100x128xi32, #tpu.memory_space<vmem>> -> memref<1x128xi32, #tpu.memory_space<vmem>>
      %dma_wait3A_369 = tpu.memref_squeeze %dma_wait3A_368 : memref<1x128xi32, #tpu.memory_space<vmem>> -> memref<128xi32, #tpu.memory_space<vmem>>
      %dma_wait3A_370 = arith.constant 0 : i32
      %dma_wait3A_371 = arith.constant 0 : i32
      %dma_wait3A_372 = tpu.memref_slice %arg2[%dma_wait3A_370, %dma_wait3A_371] : memref<1000000x64xf32, #tpu.memory_space<hbm>> -> memref<1000000x64xf32, #tpu.memory_space<hbm>>
      tpu.wait_indirect_dma semaphore(%arg13 : memref<!tpu.dma_semaphore, #tpu.memory_space<semaphore_mem>>) src(%dma_wait3A_372 : memref<1000000x64xf32, #tpu.memory_space<hbm>>) dst(%dma_wait3A_366 : memref<128x64xf32, #tpu.memory_space<vmem>>)
      %dma_wait3A_373 = arith.constant 0 : i32
      %dma_wait3A_374 = arith.constant 1 : i32
      %dma_wait3A_375 = arith.constant 1 : i32
      %dma_wait3A_376 = arith.constant 0 : i32
      %dma_wait3A_377 = arith.constant 0 : i32
      %dma_wait3A_378 = tpu.memref_slice %arg9[%dma_wait3A_374, %dma_wait3A_375, %dma_wait3A_376, %dma_wait3A_377] : memref<2x4x128x64xf32, #tpu.memory_space<vmem>> -> memref<1x1x128x64xf32, #tpu.memory_space<vmem>>
      %dma_wait3A_379 = tpu.memref_squeeze %dma_wait3A_378 : memref<1x1x128x64xf32, #tpu.memory_space<vmem>> -> memref<128x64xf32, #tpu.memory_space<vmem>>
      %dma_wait3A_380 = arith.constant 0 : i32
      %dma_wait3A_381 = tpu.memref_slice %arg7[%dma_wait3A_373, %dma_wait3A_380] : memref<100x128xi32, #tpu.memory_space<vmem>> -> memref<1x128xi32, #tpu.memory_space<vmem>>
      %dma_wait3A_382 = tpu.memref_squeeze %dma_wait3A_381 : memref<1x128xi32, #tpu.memory_space<vmem>> -> memref<128xi32, #tpu.memory_space<vmem>>
      %dma_wait3A_383 = arith.constant 0 : i32
      %dma_wait3A_384 = arith.constant 0 : i32
      %dma_wait3A_385 = tpu.memref_slice %arg2[%dma_wait3A_383, %dma_wait3A_384] : memref<1000000x64xf32, #tpu.memory_space<hbm>> -> memref<1000000x64xf32, #tpu.memory_space<hbm>>
      tpu.wait_indirect_dma semaphore(%arg13 : memref<!tpu.dma_semaphore, #tpu.memory_space<semaphore_mem>>) src(%dma_wait3A_385 : memref<1000000x64xf32, #tpu.memory_space<hbm>>) dst(%dma_wait3A_379 : memref<128x64xf32, #tpu.memory_space<vmem>>)
      %dma_wait3A_386 = arith.constant 0 : i32
      %dma_wait3A_387 = arith.constant 1 : i32
      %dma_wait3A_388 = arith.constant 2 : i32
      %dma_wait3A_389 = arith.constant 0 : i32
      %dma_wait3A_390 = arith.constant 0 : i32
      %dma_wait3A_391 = tpu.memref_slice %arg9[%dma_wait3A_387, %dma_wait3A_388, %dma_wait3A_389, %dma_wait3A_390] : memref<2x4x128x64xf32, #tpu.memory_space<vmem>> -> memref<1x1x128x64xf32, #tpu.memory_space<vmem>>
      %dma_wait3A_392 = tpu.memref_squeeze %dma_wait3A_391 : memref<1x1x128x64xf32, #tpu.memory_space<vmem>> -> memref<128x64xf32, #tpu.memory_space<vmem>>
      %dma_wait3A_393 = arith.constant 0 : i32
      %dma_wait3A_394 = tpu.memref_slice %arg7[%dma_wait3A_386, %dma_wait3A_393] : memref<100x128xi32, #tpu.memory_space<vmem>> -> memref<1x128xi32, #tpu.memory_space<vmem>>
      %dma_wait3A_395 = tpu.memref_squeeze %dma_wait3A_394 : memref<1x128xi32, #tpu.memory_space<vmem>> -> memref<128xi32, #tpu.memory_space<vmem>>
      %dma_wait3A_396 = arith.constant 0 : i32
      %dma_wait3A_397 = arith.constant 0 : i32
      %dma_wait3A_398 = tpu.memref_slice %arg2[%dma_wait3A_396, %dma_wait3A_397] : memref<1000000x64xf32, #tpu.memory_space<hbm>> -> memref<1000000x64xf32, #tpu.memory_space<hbm>>
      tpu.wait_indirect_dma semaphore(%arg13 : memref<!tpu.dma_semaphore, #tpu.memory_space<semaphore_mem>>) src(%dma_wait3A_398 : memref<1000000x64xf32, #tpu.memory_space<hbm>>) dst(%dma_wait3A_392 : memref<128x64xf32, #tpu.memory_space<vmem>>)
      %dma_wait3A_399 = arith.constant 0 : i32
      %dma_wait3A_400 = arith.constant 1 : i32
      %dma_wait3A_401 = arith.constant 3 : i32
      %dma_wait3A_402 = arith.constant 0 : i32
      %dma_wait3A_403 = arith.constant 0 : i32
      %dma_wait3A_404 = tpu.memref_slice %arg9[%dma_wait3A_400, %dma_wait3A_401, %dma_wait3A_402, %dma_wait3A_403] : memref<2x4x128x64xf32, #tpu.memory_space<vmem>> -> memref<1x1x128x64xf32, #tpu.memory_space<vmem>>
      %dma_wait3A_405 = tpu.memref_squeeze %dma_wait3A_404 : memref<1x1x128x64xf32, #tpu.memory_space<vmem>> -> memref<128x64xf32, #tpu.memory_space<vmem>>
      %dma_wait3A_406 = arith.constant 0 : i32
      %dma_wait3A_407 = tpu.memref_slice %arg7[%dma_wait3A_399, %dma_wait3A_406] : memref<100x128xi32, #tpu.memory_space<vmem>> -> memref<1x128xi32, #tpu.memory_space<vmem>>
      %dma_wait3A_408 = tpu.memref_squeeze %dma_wait3A_407 : memref<1x128xi32, #tpu.memory_space<vmem>> -> memref<128xi32, #tpu.memory_space<vmem>>
      %dma_wait3A_409 = arith.constant 0 : i32
      %dma_wait3A_410 = arith.constant 0 : i32
      %dma_wait3A_411 = tpu.memref_slice %arg2[%dma_wait3A_409, %dma_wait3A_410] : memref<1000000x64xf32, #tpu.memory_space<hbm>> -> memref<1000000x64xf32, #tpu.memory_space<hbm>>
      tpu.wait_indirect_dma semaphore(%arg13 : memref<!tpu.dma_semaphore, #tpu.memory_space<semaphore_mem>>) src(%dma_wait3A_411 : memref<1000000x64xf32, #tpu.memory_space<hbm>>) dst(%dma_wait3A_405 : memref<128x64xf32, #tpu.memory_space<vmem>>)
      %dma_wait3A_412 = arith.constant 0 : i32
      %dma_wait3A_413 = arith.constant 1 : i32
      %dma_wait3A_414 = arith.constant 0 : i32
      %dma_wait3A_415 = arith.constant 0 : i32
      %dma_wait3A_416 = tpu.memref_slice %arg10[%dma_wait3A_413, %dma_wait3A_414, %dma_wait3A_415] : memref<2x128x32xf32, #tpu.memory_space<vmem>> -> memref<1x128x32xf32, #tpu.memory_space<vmem>>
      %dma_wait3A_417 = tpu.memref_squeeze %dma_wait3A_416 : memref<1x128x32xf32, #tpu.memory_space<vmem>> -> memref<128x32xf32, #tpu.memory_space<vmem>>
      %dma_wait3A_418 = arith.constant 0 : i32
      %dma_wait3A_419 = tpu.memref_slice %arg8[%dma_wait3A_412, %dma_wait3A_418] : memref<25x128xi32, #tpu.memory_space<vmem>> -> memref<1x128xi32, #tpu.memory_space<vmem>>
      %dma_wait3A_420 = tpu.memref_squeeze %dma_wait3A_419 : memref<1x128xi32, #tpu.memory_space<vmem>> -> memref<128xi32, #tpu.memory_space<vmem>>
      %dma_wait3A_421 = arith.constant 0 : i32
      %dma_wait3A_422 = arith.constant 0 : i32
      %dma_wait3A_423 = tpu.memref_slice %arg3[%dma_wait3A_421, %dma_wait3A_422] : memref<100000x32xf32, #tpu.memory_space<hbm>> -> memref<100000x32xf32, #tpu.memory_space<hbm>>
      tpu.wait_indirect_dma semaphore(%arg13 : memref<!tpu.dma_semaphore, #tpu.memory_space<semaphore_mem>>) src(%dma_wait3A_423 : memref<100000x32xf32, #tpu.memory_space<hbm>>) dst(%dma_wait3A_417 : memref<128x32xf32, #tpu.memory_space<vmem>>)
      %scan3A_424 = arith.constant 0 : i32
      %scan3A_425 = arith.constant 0 : i32
      %scan3A_426 = arith.constant 128 : i32
      %scan3A_427 = arith.addi %scan3A_425, %scan3A_426 : i32
      %scan3A_428 = arith.constant 1 : i32
      %scan3A_429 = scf.for %scan3A_461 = %scan3A_425 to %scan3A_427 step %scan3A_428 iter_args(%scan3A_462 = %scan3A_424) -> (i32)  : i32 {
        %get3A = arith.constant 1 : i32
        %get3A_463 = arith.constant 0 : i32
        %get3A_464 = arith.index_cast %get3A : i32 to index
        %get3A_465 = arith.index_cast %get3A_463 : i32 to index
        %get3A_466 = arith.index_cast %scan3A_461 : i32 to index
        %get3A_467 = arith.constant 0 : index
        %get3A_468 = tpu.vector_load %arg9[%get3A_464, %get3A_465, %get3A_466, %get3A_467] {strides = array<i32>} : memref<2x4x128x64xf32, #tpu.memory_space<vmem>>, vector<1x1x1x16xf32>,
        %get3A_469 = vector.shape_cast %get3A_468 : vector<1x1x1x16xf32> to vector<16xf32>
        %get3A_470 = arith.constant 1 : i32
        %get3A_471 = arith.constant 1 : i32
        %get3A_472 = arith.index_cast %get3A_470 : i32 to index
        %get3A_473 = arith.index_cast %get3A_471 : i32 to index
        %get3A_474 = arith.index_cast %scan3A_461 : i32 to index
        %get3A_475 = arith.constant 0 : index
        %get3A_476 = tpu.vector_load %arg9[%get3A_472, %get3A_473, %get3A_474, %get3A_475] {strides = array<i32>} : memref<2x4x128x64xf32, #tpu.memory_space<vmem>>, vector<1x1x1x16xf32>,
        %get3A_477 = vector.shape_cast %get3A_476 : vector<1x1x1x16xf32> to vector<16xf32>
        %add3A_478 = arith.addf %get3A_469, %get3A_477 : vector<16xf32>
        %get3A_479 = arith.constant 1 : i32
        %get3A_480 = arith.constant 2 : i32
        %get3A_481 = arith.index_cast %get3A_479 : i32 to index
        %get3A_482 = arith.index_cast %get3A_480 : i32 to index
        %get3A_483 = arith.index_cast %scan3A_461 : i32 to index
        %get3A_484 = arith.constant 0 : index
        %get3A_485 = tpu.vector_load %arg9[%get3A_481, %get3A_482, %get3A_483, %get3A_484] {strides = array<i32>} : memref<2x4x128x64xf32, #tpu.memory_space<vmem>>, vector<1x1x1x16xf32>,
        %get3A_486 = vector.shape_cast %get3A_485 : vector<1x1x1x16xf32> to vector<16xf32>
        %add3A_487 = arith.addf %add3A_478, %get3A_486 : vector<16xf32>
        %get3A_488 = arith.constant 1 : i32
        %get3A_489 = arith.constant 3 : i32
        %get3A_490 = arith.index_cast %get3A_488 : i32 to index
        %get3A_491 = arith.index_cast %get3A_489 : i32 to index
        %get3A_492 = arith.index_cast %scan3A_461 : i32 to index
        %get3A_493 = arith.constant 0 : index
        %get3A_494 = tpu.vector_load %arg9[%get3A_490, %get3A_491, %get3A_492, %get3A_493] {strides = array<i32>} : memref<2x4x128x64xf32, #tpu.memory_space<vmem>>, vector<1x1x1x16xf32>,
        %get3A_495 = vector.shape_cast %get3A_494 : vector<1x1x1x16xf32> to vector<16xf32>
        %add3A_496 = arith.addf %add3A_487, %get3A_495 : vector<16xf32>
        %swap3A = arith.constant 1 : i32
        %swap3A_497 = arith.index_cast %swap3A : i32 to index
        %swap3A_498 = arith.index_cast %scan3A_461 : i32 to index
        %swap3A_499 = arith.constant 0 : index
        %swap3A_500 = tpu.vector_load %arg11[%swap3A_497, %swap3A_498, %swap3A_499] {strides = array<i32>} : memref<2x128x64xf32, #tpu.memory_space<vmem>>, vector<1x1x16xf32>,
        %swap3A_501 = vector.shape_cast %swap3A_500 : vector<1x1x16xf32> to vector<16xf32>
        %swap3A_502 = vector.shape_cast %add3A_496 : vector<16xf32> to vector<1x1x16xf32>
        tpu.vector_store %arg11[%swap3A_497, %swap3A_498, %swap3A_499], %swap3A_502 {strides = array<i32>} : memref<2x128x64xf32, #tpu.memory_space<vmem>>, vector<1x1x16xf32>,
        %get3A_503 = arith.constant 1 : i32
        %get3A_504 = arith.constant 0 : i32
        %get3A_505 = arith.index_cast %get3A_503 : i32 to index
        %get3A_506 = arith.index_cast %get3A_504 : i32 to index
        %get3A_507 = arith.index_cast %scan3A_461 : i32 to index
        %get3A_508 = arith.constant 16 : index
        %get3A_509 = tpu.vector_load %arg9[%get3A_505, %get3A_506, %get3A_507, %get3A_508] {strides = array<i32>} : memref<2x4x128x64xf32, #tpu.memory_space<vmem>>, vector<1x1x1x16xf32>,
        %get3A_510 = vector.shape_cast %get3A_509 : vector<1x1x1x16xf32> to vector<16xf32>
        %get3A_511 = arith.constant 1 : i32
        %get3A_512 = arith.constant 1 : i32
        %get3A_513 = arith.index_cast %get3A_511 : i32 to index
        %get3A_514 = arith.index_cast %get3A_512 : i32 to index
        %get3A_515 = arith.index_cast %scan3A_461 : i32 to index
        %get3A_516 = arith.constant 16 : index
        %get3A_517 = tpu.vector_load %arg9[%get3A_513, %get3A_514, %get3A_515, %get3A_516] {strides = array<i32>} : memref<2x4x128x64xf32, #tpu.memory_space<vmem>>, vector<1x1x1x16xf32>,
        %get3A_518 = vector.shape_cast %get3A_517 : vector<1x1x1x16xf32> to vector<16xf32>
        %add3A_519 = arith.addf %get3A_510, %get3A_518 : vector<16xf32>
        %get3A_520 = arith.constant 1 : i32
        %get3A_521 = arith.constant 2 : i32
        %get3A_522 = arith.index_cast %get3A_520 : i32 to index
        %get3A_523 = arith.index_cast %get3A_521 : i32 to index
        %get3A_524 = arith.index_cast %scan3A_461 : i32 to index
        %get3A_525 = arith.constant 16 : index
        %get3A_526 = tpu.vector_load %arg9[%get3A_522, %get3A_523, %get3A_524, %get3A_525] {strides = array<i32>} : memref<2x4x128x64xf32, #tpu.memory_space<vmem>>, vector<1x1x1x16xf32>,
        %get3A_527 = vector.shape_cast %get3A_526 : vector<1x1x1x16xf32> to vector<16xf32>
        %add3A_528 = arith.addf %add3A_519, %get3A_527 : vector<16xf32>
        %get3A_529 = arith.constant 1 : i32
        %get3A_530 = arith.constant 3 : i32
        %get3A_531 = arith.index_cast %get3A_529 : i32 to index
        %get3A_532 = arith.index_cast %get3A_530 : i32 to index
        %get3A_533 = arith.index_cast %scan3A_461 : i32 to index
        %get3A_534 = arith.constant 16 : index
        %get3A_535 = tpu.vector_load %arg9[%get3A_531, %get3A_532, %get3A_533, %get3A_534] {strides = array<i32>} : memref<2x4x128x64xf32, #tpu.memory_space<vmem>>, vector<1x1x1x16xf32>,
        %get3A_536 = vector.shape_cast %get3A_535 : vector<1x1x1x16xf32> to vector<16xf32>
        %add3A_537 = arith.addf %add3A_528, %get3A_536 : vector<16xf32>
        %swap3A_538 = arith.constant 1 : i32
        %swap3A_539 = arith.index_cast %swap3A_538 : i32 to index
        %swap3A_540 = arith.index_cast %scan3A_461 : i32 to index
        %swap3A_541 = arith.constant 16 : index
        %swap3A_542 = tpu.vector_load %arg11[%swap3A_539, %swap3A_540, %swap3A_541] {strides = array<i32>} : memref<2x128x64xf32, #tpu.memory_space<vmem>>, vector<1x1x16xf32>,
        %swap3A_543 = vector.shape_cast %swap3A_542 : vector<1x1x16xf32> to vector<16xf32>
        %swap3A_544 = vector.shape_cast %add3A_537 : vector<16xf32> to vector<1x1x16xf32>
        tpu.vector_store %arg11[%swap3A_539, %swap3A_540, %swap3A_541], %swap3A_544 {strides = array<i32>} : memref<2x128x64xf32, #tpu.memory_space<vmem>>, vector<1x1x16xf32>,
        %get3A_545 = arith.constant 1 : i32
        %get3A_546 = arith.constant 0 : i32
        %get3A_547 = arith.index_cast %get3A_545 : i32 to index
        %get3A_548 = arith.index_cast %get3A_546 : i32 to index
        %get3A_549 = arith.index_cast %scan3A_461 : i32 to index
        %get3A_550 = arith.constant 32 : index
        %get3A_551 = tpu.vector_load %arg9[%get3A_547, %get3A_548, %get3A_549, %get3A_550] {strides = array<i32>} : memref<2x4x128x64xf32, #tpu.memory_space<vmem>>, vector<1x1x1x16xf32>,
        %get3A_552 = vector.shape_cast %get3A_551 : vector<1x1x1x16xf32> to vector<16xf32>
        %get3A_553 = arith.constant 1 : i32
        %get3A_554 = arith.constant 1 : i32
        %get3A_555 = arith.index_cast %get3A_553 : i32 to index
        %get3A_556 = arith.index_cast %get3A_554 : i32 to index
        %get3A_557 = arith.index_cast %scan3A_461 : i32 to index
        %get3A_558 = arith.constant 32 : index
        %get3A_559 = tpu.vector_load %arg9[%get3A_555, %get3A_556, %get3A_557, %get3A_558] {strides = array<i32>} : memref<2x4x128x64xf32, #tpu.memory_space<vmem>>, vector<1x1x1x16xf32>,
        %get3A_560 = vector.shape_cast %get3A_559 : vector<1x1x1x16xf32> to vector<16xf32>
        %add3A_561 = arith.addf %get3A_552, %get3A_560 : vector<16xf32>
        %get3A_562 = arith.constant 1 : i32
        %get3A_563 = arith.constant 2 : i32
        %get3A_564 = arith.index_cast %get3A_562 : i32 to index
        %get3A_565 = arith.index_cast %get3A_563 : i32 to index
        %get3A_566 = arith.index_cast %scan3A_461 : i32 to index
        %get3A_567 = arith.constant 32 : index
        %get3A_568 = tpu.vector_load %arg9[%get3A_564, %get3A_565, %get3A_566, %get3A_567] {strides = array<i32>} : memref<2x4x128x64xf32, #tpu.memory_space<vmem>>, vector<1x1x1x16xf32>,
        %get3A_569 = vector.shape_cast %get3A_568 : vector<1x1x1x16xf32> to vector<16xf32>
        %add3A_570 = arith.addf %add3A_561, %get3A_569 : vector<16xf32>
        %get3A_571 = arith.constant 1 : i32
        %get3A_572 = arith.constant 3 : i32
        %get3A_573 = arith.index_cast %get3A_571 : i32 to index
        %get3A_574 = arith.index_cast %get3A_572 : i32 to index
        %get3A_575 = arith.index_cast %scan3A_461 : i32 to index
        %get3A_576 = arith.constant 32 : index
        %get3A_577 = tpu.vector_load %arg9[%get3A_573, %get3A_574, %get3A_575, %get3A_576] {strides = array<i32>} : memref<2x4x128x64xf32, #tpu.memory_space<vmem>>, vector<1x1x1x16xf32>,
        %get3A_578 = vector.shape_cast %get3A_577 : vector<1x1x1x16xf32> to vector<16xf32>
        %add3A_579 = arith.addf %add3A_570, %get3A_578 : vector<16xf32>
        %swap3A_580 = arith.constant 1 : i32
        %swap3A_581 = arith.index_cast %swap3A_580 : i32 to index
        %swap3A_582 = arith.index_cast %scan3A_461 : i32 to index
        %swap3A_583 = arith.constant 32 : index
        %swap3A_584 = tpu.vector_load %arg11[%swap3A_581, %swap3A_582, %swap3A_583] {strides = array<i32>} : memref<2x128x64xf32, #tpu.memory_space<vmem>>, vector<1x1x16xf32>,
        %swap3A_585 = vector.shape_cast %swap3A_584 : vector<1x1x16xf32> to vector<16xf32>
        %swap3A_586 = vector.shape_cast %add3A_579 : vector<16xf32> to vector<1x1x16xf32>
        tpu.vector_store %arg11[%swap3A_581, %swap3A_582, %swap3A_583], %swap3A_586 {strides = array<i32>} : memref<2x128x64xf32, #tpu.memory_space<vmem>>, vector<1x1x16xf32>,
        %get3A_587 = arith.constant 1 : i32
        %get3A_588 = arith.constant 0 : i32
        %get3A_589 = arith.index_cast %get3A_587 : i32 to index
        %get3A_590 = arith.index_cast %get3A_588 : i32 to index
        %get3A_591 = arith.index_cast %scan3A_461 : i32 to index
        %get3A_592 = arith.constant 48 : index
        %get3A_593 = tpu.vector_load %arg9[%get3A_589, %get3A_590, %get3A_591, %get3A_592] {strides = array<i32>} : memref<2x4x128x64xf32, #tpu.memory_space<vmem>>, vector<1x1x1x16xf32>,
        %get3A_594 = vector.shape_cast %get3A_593 : vector<1x1x1x16xf32> to vector<16xf32>
        %get3A_595 = arith.constant 1 : i32
        %get3A_596 = arith.constant 1 : i32
        %get3A_597 = arith.index_cast %get3A_595 : i32 to index
        %get3A_598 = arith.index_cast %get3A_596 : i32 to index
        %get3A_599 = arith.index_cast %scan3A_461 : i32 to index
        %get3A_600 = arith.constant 48 : index
        %get3A_601 = tpu.vector_load %arg9[%get3A_597, %get3A_598, %get3A_599, %get3A_600] {strides = array<i32>} : memref<2x4x128x64xf32, #tpu.memory_space<vmem>>, vector<1x1x1x16xf32>,
        %get3A_602 = vector.shape_cast %get3A_601 : vector<1x1x1x16xf32> to vector<16xf32>
        %add3A_603 = arith.addf %get3A_594, %get3A_602 : vector<16xf32>
        %get3A_604 = arith.constant 1 : i32
        %get3A_605 = arith.constant 2 : i32
        %get3A_606 = arith.index_cast %get3A_604 : i32 to index
        %get3A_607 = arith.index_cast %get3A_605 : i32 to index
        %get3A_608 = arith.index_cast %scan3A_461 : i32 to index
        %get3A_609 = arith.constant 48 : index
        %get3A_610 = tpu.vector_load %arg9[%get3A_606, %get3A_607, %get3A_608, %get3A_609] {strides = array<i32>} : memref<2x4x128x64xf32, #tpu.memory_space<vmem>>, vector<1x1x1x16xf32>,
        %get3A_611 = vector.shape_cast %get3A_610 : vector<1x1x1x16xf32> to vector<16xf32>
        %add3A_612 = arith.addf %add3A_603, %get3A_611 : vector<16xf32>
        %get3A_613 = arith.constant 1 : i32
        %get3A_614 = arith.constant 3 : i32
        %get3A_615 = arith.index_cast %get3A_613 : i32 to index
        %get3A_616 = arith.index_cast %get3A_614 : i32 to index
        %get3A_617 = arith.index_cast %scan3A_461 : i32 to index
        %get3A_618 = arith.constant 48 : index
        %get3A_619 = tpu.vector_load %arg9[%get3A_615, %get3A_616, %get3A_617, %get3A_618] {strides = array<i32>} : memref<2x4x128x64xf32, #tpu.memory_space<vmem>>, vector<1x1x1x16xf32>,
        %get3A_620 = vector.shape_cast %get3A_619 : vector<1x1x1x16xf32> to vector<16xf32>
        %add3A_621 = arith.addf %add3A_612, %get3A_620 : vector<16xf32>
        %swap3A_622 = arith.constant 1 : i32
        %swap3A_623 = arith.index_cast %swap3A_622 : i32 to index
        %swap3A_624 = arith.index_cast %scan3A_461 : i32 to index
        %swap3A_625 = arith.constant 48 : index
        %swap3A_626 = tpu.vector_load %arg11[%swap3A_623, %swap3A_624, %swap3A_625] {strides = array<i32>} : memref<2x128x64xf32, #tpu.memory_space<vmem>>, vector<1x1x16xf32>,
        %swap3A_627 = vector.shape_cast %swap3A_626 : vector<1x1x16xf32> to vector<16xf32>
        %swap3A_628 = vector.shape_cast %add3A_621 : vector<16xf32> to vector<1x1x16xf32>
        tpu.vector_store %arg11[%swap3A_623, %swap3A_624, %swap3A_625], %swap3A_628 {strides = array<i32>} : memref<2x128x64xf32, #tpu.memory_space<vmem>>, vector<1x1x16xf32>,
        %scan3A_629 = arith.constant 0 : i32
        scf.yield %scan3A_629 : i32
      }
      %scan3A_430 = arith.constant 128 : i32
      %mul3A_431 = arith.constant 128 : i32
      %mul3A_432 = arith.muli %add3A_347, %mul3A_431 : i32
      %add3A_433 = arith.addi %mul3A_2, %mul3A_432 : i32
      %dma_start3A_434 = arith.constant 1 : i32
      %dma_start3A_435 = arith.constant 0 : i32
      %dma_start3A_436 = arith.constant 0 : i32
      %dma_start3A_437 = tpu.memref_slice %arg11[%dma_start3A_434, %dma_start3A_435, %dma_start3A_436] : memref<2x128x64xf32, #tpu.memory_space<vmem>> -> memref<1x128x64xf32, #tpu.memory_space<vmem>>
      %dma_start3A_438 = tpu.memref_squeeze %dma_start3A_437 : memref<1x128x64xf32, #tpu.memory_space<vmem>> -> memref<128x64xf32, #tpu.memory_space<vmem>>
      %dma_start3A_439 = arith.constant 0 : i32
      %dma_start3A_440 = tpu.memref_slice %arg6[%add3A_433, %dma_start3A_439] : memref<102400x128xf32, #tpu.memory_space<hbm>> -> memref<128x64xf32, #tpu.memory_space<hbm>>
      %dma_start3A_441 = arith.constant 0 : i32
      %dma_start3A_442 = tpu.memref_slice %arg6[%add3A_433, %dma_start3A_441] : memref<102400x128xf32, #tpu.memory_space<hbm>> -> memref<128x64xf32, #tpu.memory_space<hbm>>
      %dma_start3A_443 = arith.constant 0 : i32
      %dma_start3A_444 = arith.constant 0 : i32
      %dma_start3A_445 = tpu.memref_slice %arg11[%dma_start3A_434, %dma_start3A_443, %dma_start3A_444] : memref<2x128x64xf32, #tpu.memory_space<vmem>> -> memref<1x128x64xf32, #tpu.memory_space<vmem>>
      %dma_start3A_446 = tpu.memref_squeeze %dma_start3A_445 : memref<1x128x64xf32, #tpu.memory_space<vmem>> -> memref<128x64xf32, #tpu.memory_space<vmem>>
      tpu.enqueue_dma source(%dma_start3A_446 : memref<128x64xf32, #tpu.memory_space<vmem>>) target(%dma_start3A_442 : memref<128x64xf32, #tpu.memory_space<hbm>>) target_semaphore(%arg15 : memref<!tpu.dma_semaphore, #tpu.memory_space<semaphore_mem>>)
      %dma_start3A_447 = arith.constant 1 : i32
      %dma_start3A_448 = arith.constant 0 : i32
      %dma_start3A_449 = arith.constant 0 : i32
      %dma_start3A_450 = tpu.memref_slice %arg10[%dma_start3A_447, %dma_start3A_448, %dma_start3A_449] : memref<2x128x32xf32, #tpu.memory_space<vmem>> -> memref<1x128x32xf32, #tpu.memory_space<vmem>>
      %dma_start3A_451 = tpu.memref_squeeze %dma_start3A_450 : memref<1x128x32xf32, #tpu.memory_space<vmem>> -> memref<128x32xf32, #tpu.memory_space<vmem>>
      %dma_start3A_452 = arith.constant 64 : i32
      %dma_start3A_453 = tpu.memref_slice %arg6[%add3A_433, %dma_start3A_452] : memref<102400x128xf32, #tpu.memory_space<hbm>> -> memref<128x32xf32, #tpu.memory_space<hbm>>
      %dma_start3A_454 = arith.constant 64 : i32
      %dma_start3A_455 = tpu.memref_slice %arg6[%add3A_433, %dma_start3A_454] : memref<102400x128xf32, #tpu.memory_space<hbm>> -> memref<128x32xf32, #tpu.memory_space<hbm>>
      %dma_start3A_456 = arith.constant 0 : i32
      %dma_start3A_457 = arith.constant 0 : i32
      %dma_start3A_458 = tpu.memref_slice %arg10[%dma_start3A_447, %dma_start3A_456, %dma_start3A_457] : memref<2x128x32xf32, #tpu.memory_space<vmem>> -> memref<1x128x32xf32, #tpu.memory_space<vmem>>
      %dma_start3A_459 = tpu.memref_squeeze %dma_start3A_458 : memref<1x128x32xf32, #tpu.memory_space<vmem>> -> memref<128x32xf32, #tpu.memory_space<vmem>>
      tpu.enqueue_dma source(%dma_start3A_459 : memref<128x32xf32, #tpu.memory_space<vmem>>) target(%dma_start3A_455 : memref<128x32xf32, #tpu.memory_space<hbm>>) target_semaphore(%arg15 : memref<!tpu.dma_semaphore, #tpu.memory_space<semaphore_mem>>)
      %scan3A_460 = arith.constant 0 : i32
      scf.yield %scan3A_460 : i32
    }
    %scan3A_71 = arith.constant 12 : i32
    %dma_wait3A = arith.constant 1 : i32
    %dma_wait3A_72 = arith.constant 0 : i32
    %dma_wait3A_73 = arith.constant 0 : i32
    %dma_wait3A_74 = tpu.memref_slice %arg11[%dma_wait3A, %dma_wait3A_72, %dma_wait3A_73] : memref<2x128x64xf32, #tpu.memory_space<vmem>> -> memref<1x128x64xf32, #tpu.memory_space<vmem>>
    %dma_wait3A_75 = tpu.memref_squeeze %dma_wait3A_74 : memref<1x128x64xf32, #tpu.memory_space<vmem>> -> memref<128x64xf32, #tpu.memory_space<vmem>>
    %dma_wait3A_76 = arith.constant 0 : i32
    %dma_wait3A_77 = arith.constant 0 : i32
    %dma_wait3A_78 = tpu.memref_slice %arg6[%dma_wait3A_76, %dma_wait3A_77] : memref<102400x128xf32, #tpu.memory_space<hbm>> -> memref<128x64xf32, #tpu.memory_space<hbm>>
    %dma_wait3A_79 = arith.constant 0 : i32
    %dma_wait3A_80 = arith.constant 0 : i32
    %dma_wait3A_81 = tpu.memref_slice %arg6[%dma_wait3A_79, %dma_wait3A_80] : memref<102400x128xf32, #tpu.memory_space<hbm>> -> memref<128x64xf32, #tpu.memory_space<hbm>>
    %dma_wait3A_82 = arith.constant 0 : i32
    %dma_wait3A_83 = arith.constant 0 : i32
    %dma_wait3A_84 = tpu.memref_slice %arg11[%dma_wait3A, %dma_wait3A_82, %dma_wait3A_83] : memref<2x128x64xf32, #tpu.memory_space<vmem>> -> memref<1x128x64xf32, #tpu.memory_space<vmem>>
    %dma_wait3A_85 = tpu.memref_squeeze %dma_wait3A_84 : memref<1x128x64xf32, #tpu.memory_space<vmem>> -> memref<128x64xf32, #tpu.memory_space<vmem>>
    tpu.wait_dma2 semaphore(%arg15 : memref<!tpu.dma_semaphore, #tpu.memory_space<semaphore_mem>>) src(%dma_wait3A_85 : memref<128x64xf32, #tpu.memory_space<vmem>>) dst(%dma_wait3A_81 : memref<128x64xf32, #tpu.memory_space<hbm>>)
    %dma_wait3A_86 = arith.constant 1 : i32
    %dma_wait3A_87 = arith.constant 0 : i32
    %dma_wait3A_88 = arith.constant 0 : i32
    %dma_wait3A_89 = tpu.memref_slice %arg10[%dma_wait3A_86, %dma_wait3A_87, %dma_wait3A_88] : memref<2x128x32xf32, #tpu.memory_space<vmem>> -> memref<1x128x32xf32, #tpu.memory_space<vmem>>
    %dma_wait3A_90 = tpu.memref_squeeze %dma_wait3A_89 : memref<1x128x32xf32, #tpu.memory_space<vmem>> -> memref<128x32xf32, #tpu.memory_space<vmem>>
    %dma_wait3A_91 = arith.constant 0 : i32
    %dma_wait3A_92 = arith.constant 64 : i32
    %dma_wait3A_93 = tpu.memref_slice %arg6[%dma_wait3A_91, %dma_wait3A_92] : memref<102400x128xf32, #tpu.memory_space<hbm>> -> memref<128x32xf32, #tpu.memory_space<hbm>>
    %dma_wait3A_94 = arith.constant 0 : i32
    %dma_wait3A_95 = arith.constant 64 : i32
    %dma_wait3A_96 = tpu.memref_slice %arg6[%dma_wait3A_94, %dma_wait3A_95] : memref<102400x128xf32, #tpu.memory_space<hbm>> -> memref<128x32xf32, #tpu.memory_space<hbm>>
    %dma_wait3A_97 = arith.constant 0 : i32
    %dma_wait3A_98 = arith.constant 0 : i32
    %dma_wait3A_99 = tpu.memref_slice %arg10[%dma_wait3A_86, %dma_wait3A_97, %dma_wait3A_98] : memref<2x128x32xf32, #tpu.memory_space<vmem>> -> memref<1x128x32xf32, #tpu.memory_space<vmem>>
    %dma_wait3A_100 = tpu.memref_squeeze %dma_wait3A_99 : memref<1x128x32xf32, #tpu.memory_space<vmem>> -> memref<128x32xf32, #tpu.memory_space<vmem>>
    tpu.wait_dma2 semaphore(%arg15 : memref<!tpu.dma_semaphore, #tpu.memory_space<semaphore_mem>>) src(%dma_wait3A_100 : memref<128x32xf32, #tpu.memory_space<vmem>>) dst(%dma_wait3A_96 : memref<128x32xf32, #tpu.memory_space<hbm>>)
    %dma_wait3A_101 = arith.constant 0 : i32
    %dma_wait3A_102 = arith.constant 0 : i32
    %dma_wait3A_103 = arith.constant 0 : i32
    %dma_wait3A_104 = arith.constant 0 : i32
    %dma_wait3A_105 = arith.constant 0 : i32
    %dma_wait3A_106 = tpu.memref_slice %arg9[%dma_wait3A_102, %dma_wait3A_103, %dma_wait3A_104, %dma_wait3A_105] : memref<2x4x128x64xf32, #tpu.memory_space<vmem>> -> memref<1x1x128x64xf32, #tpu.memory_space<vmem>>
    %dma_wait3A_107 = tpu.memref_squeeze %dma_wait3A_106 : memref<1x1x128x64xf32, #tpu.memory_space<vmem>> -> memref<128x64xf32, #tpu.memory_space<vmem>>
    %dma_wait3A_108 = arith.constant 0 : i32
    %dma_wait3A_109 = tpu.memref_slice %arg7[%dma_wait3A_101, %dma_wait3A_108] : memref<100x128xi32, #tpu.memory_space<vmem>> -> memref<1x128xi32, #tpu.memory_space<vmem>>
    %dma_wait3A_110 = tpu.memref_squeeze %dma_wait3A_109 : memref<1x128xi32, #tpu.memory_space<vmem>> -> memref<128xi32, #tpu.memory_space<vmem>>
    %dma_wait3A_111 = arith.constant 0 : i32
    %dma_wait3A_112 = arith.constant 0 : i32
    %dma_wait3A_113 = tpu.memref_slice %arg2[%dma_wait3A_111, %dma_wait3A_112] : memref<1000000x64xf32, #tpu.memory_space<hbm>> -> memref<1000000x64xf32, #tpu.memory_space<hbm>>
    tpu.wait_indirect_dma semaphore(%arg12 : memref<!tpu.dma_semaphore, #tpu.memory_space<semaphore_mem>>) src(%dma_wait3A_113 : memref<1000000x64xf32, #tpu.memory_space<hbm>>) dst(%dma_wait3A_107 : memref<128x64xf32, #tpu.memory_space<vmem>>)
    %dma_wait3A_114 = arith.constant 0 : i32
    %dma_wait3A_115 = arith.constant 0 : i32
    %dma_wait3A_116 = arith.constant 1 : i32
    %dma_wait3A_117 = arith.constant 0 : i32
    %dma_wait3A_118 = arith.constant 0 : i32
    %dma_wait3A_119 = tpu.memref_slice %arg9[%dma_wait3A_115, %dma_wait3A_116, %dma_wait3A_117, %dma_wait3A_118] : memref<2x4x128x64xf32, #tpu.memory_space<vmem>> -> memref<1x1x128x64xf32, #tpu.memory_space<vmem>>
    %dma_wait3A_120 = tpu.memref_squeeze %dma_wait3A_119 : memref<1x1x128x64xf32, #tpu.memory_space<vmem>> -> memref<128x64xf32, #tpu.memory_space<vmem>>
    %dma_wait3A_121 = arith.constant 0 : i32
    %dma_wait3A_122 = tpu.memref_slice %arg7[%dma_wait3A_114, %dma_wait3A_121] : memref<100x128xi32, #tpu.memory_space<vmem>> -> memref<1x128xi32, #tpu.memory_space<vmem>>
    %dma_wait3A_123 = tpu.memref_squeeze %dma_wait3A_122 : memref<1x128xi32, #tpu.memory_space<vmem>> -> memref<128xi32, #tpu.memory_space<vmem>>
    %dma_wait3A_124 = arith.constant 0 : i32
    %dma_wait3A_125 = arith.constant 0 : i32
    %dma_wait3A_126 = tpu.memref_slice %arg2[%dma_wait3A_124, %dma_wait3A_125] : memref<1000000x64xf32, #tpu.memory_space<hbm>> -> memref<1000000x64xf32, #tpu.memory_space<hbm>>
    tpu.wait_indirect_dma semaphore(%arg12 : memref<!tpu.dma_semaphore, #tpu.memory_space<semaphore_mem>>) src(%dma_wait3A_126 : memref<1000000x64xf32, #tpu.memory_space<hbm>>) dst(%dma_wait3A_120 : memref<128x64xf32, #tpu.memory_space<vmem>>)
    %dma_wait3A_127 = arith.constant 0 : i32
    %dma_wait3A_128 = arith.constant 0 : i32
    %dma_wait3A_129 = arith.constant 2 : i32
    %dma_wait3A_130 = arith.constant 0 : i32
    %dma_wait3A_131 = arith.constant 0 : i32
    %dma_wait3A_132 = tpu.memref_slice %arg9[%dma_wait3A_128, %dma_wait3A_129, %dma_wait3A_130, %dma_wait3A_131] : memref<2x4x128x64xf32, #tpu.memory_space<vmem>> -> memref<1x1x128x64xf32, #tpu.memory_space<vmem>>
    %dma_wait3A_133 = tpu.memref_squeeze %dma_wait3A_132 : memref<1x1x128x64xf32, #tpu.memory_space<vmem>> -> memref<128x64xf32, #tpu.memory_space<vmem>>
    %dma_wait3A_134 = arith.constant 0 : i32
    %dma_wait3A_135 = tpu.memref_slice %arg7[%dma_wait3A_127, %dma_wait3A_134] : memref<100x128xi32, #tpu.memory_space<vmem>> -> memref<1x128xi32, #tpu.memory_space<vmem>>
    %dma_wait3A_136 = tpu.memref_squeeze %dma_wait3A_135 : memref<1x128xi32, #tpu.memory_space<vmem>> -> memref<128xi32, #tpu.memory_space<vmem>>
    %dma_wait3A_137 = arith.constant 0 : i32
    %dma_wait3A_138 = arith.constant 0 : i32
    %dma_wait3A_139 = tpu.memref_slice %arg2[%dma_wait3A_137, %dma_wait3A_138] : memref<1000000x64xf32, #tpu.memory_space<hbm>> -> memref<1000000x64xf32, #tpu.memory_space<hbm>>
    tpu.wait_indirect_dma semaphore(%arg12 : memref<!tpu.dma_semaphore, #tpu.memory_space<semaphore_mem>>) src(%dma_wait3A_139 : memref<1000000x64xf32, #tpu.memory_space<hbm>>) dst(%dma_wait3A_133 : memref<128x64xf32, #tpu.memory_space<vmem>>)
    %dma_wait3A_140 = arith.constant 0 : i32
    %dma_wait3A_141 = arith.constant 0 : i32
    %dma_wait3A_142 = arith.constant 3 : i32
    %dma_wait3A_143 = arith.constant 0 : i32
    %dma_wait3A_144 = arith.constant 0 : i32
    %dma_wait3A_145 = tpu.memref_slice %arg9[%dma_wait3A_141, %dma_wait3A_142, %dma_wait3A_143, %dma_wait3A_144] : memref<2x4x128x64xf32, #tpu.memory_space<vmem>> -> memref<1x1x128x64xf32, #tpu.memory_space<vmem>>
    %dma_wait3A_146 = tpu.memref_squeeze %dma_wait3A_145 : memref<1x1x128x64xf32, #tpu.memory_space<vmem>> -> memref<128x64xf32, #tpu.memory_space<vmem>>
    %dma_wait3A_147 = arith.constant 0 : i32
    %dma_wait3A_148 = tpu.memref_slice %arg7[%dma_wait3A_140, %dma_wait3A_147] : memref<100x128xi32, #tpu.memory_space<vmem>> -> memref<1x128xi32, #tpu.memory_space<vmem>>
    %dma_wait3A_149 = tpu.memref_squeeze %dma_wait3A_148 : memref<1x128xi32, #tpu.memory_space<vmem>> -> memref<128xi32, #tpu.memory_space<vmem>>
    %dma_wait3A_150 = arith.constant 0 : i32
    %dma_wait3A_151 = arith.constant 0 : i32
    %dma_wait3A_152 = tpu.memref_slice %arg2[%dma_wait3A_150, %dma_wait3A_151] : memref<1000000x64xf32, #tpu.memory_space<hbm>> -> memref<1000000x64xf32, #tpu.memory_space<hbm>>
    tpu.wait_indirect_dma semaphore(%arg12 : memref<!tpu.dma_semaphore, #tpu.memory_space<semaphore_mem>>) src(%dma_wait3A_152 : memref<1000000x64xf32, #tpu.memory_space<hbm>>) dst(%dma_wait3A_146 : memref<128x64xf32, #tpu.memory_space<vmem>>)
    %dma_wait3A_153 = arith.constant 0 : i32
    %dma_wait3A_154 = arith.constant 0 : i32
    %dma_wait3A_155 = arith.constant 0 : i32
    %dma_wait3A_156 = arith.constant 0 : i32
    %dma_wait3A_157 = tpu.memref_slice %arg10[%dma_wait3A_154, %dma_wait3A_155, %dma_wait3A_156] : memref<2x128x32xf32, #tpu.memory_space<vmem>> -> memref<1x128x32xf32, #tpu.memory_space<vmem>>
    %dma_wait3A_158 = tpu.memref_squeeze %dma_wait3A_157 : memref<1x128x32xf32, #tpu.memory_space<vmem>> -> memref<128x32xf32, #tpu.memory_space<vmem>>
    %dma_wait3A_159 = arith.constant 0 : i32
    %dma_wait3A_160 = tpu.memref_slice %arg8[%dma_wait3A_153, %dma_wait3A_159] : memref<25x128xi32, #tpu.memory_space<vmem>> -> memref<1x128xi32, #tpu.memory_space<vmem>>
    %dma_wait3A_161 = tpu.memref_squeeze %dma_wait3A_160 : memref<1x128xi32, #tpu.memory_space<vmem>> -> memref<128xi32, #tpu.memory_space<vmem>>
    %dma_wait3A_162 = arith.constant 0 : i32
    %dma_wait3A_163 = arith.constant 0 : i32
    %dma_wait3A_164 = tpu.memref_slice %arg3[%dma_wait3A_162, %dma_wait3A_163] : memref<100000x32xf32, #tpu.memory_space<hbm>> -> memref<100000x32xf32, #tpu.memory_space<hbm>>
    tpu.wait_indirect_dma semaphore(%arg12 : memref<!tpu.dma_semaphore, #tpu.memory_space<semaphore_mem>>) src(%dma_wait3A_164 : memref<100000x32xf32, #tpu.memory_space<hbm>>) dst(%dma_wait3A_158 : memref<128x32xf32, #tpu.memory_space<vmem>>)
    %scan3A_165 = arith.constant 0 : i32
    %scan3A_166 = arith.constant 0 : i32
    %scan3A_167 = arith.constant 128 : i32
    %scan3A_168 = arith.addi %scan3A_166, %scan3A_167 : i32
    %scan3A_169 = arith.constant 1 : i32
    %scan3A_170 = scf.for %scan3A_230 = %scan3A_166 to %scan3A_168 step %scan3A_169 iter_args(%scan3A_231 = %scan3A_165) -> (i32)  : i32 {
      %get3A = arith.constant 0 : i32
      %get3A_232 = arith.constant 0 : i32
      %get3A_233 = arith.index_cast %get3A : i32 to index
      %get3A_234 = arith.index_cast %get3A_232 : i32 to index
      %get3A_235 = arith.index_cast %scan3A_230 : i32 to index
      %get3A_236 = arith.constant 0 : index
      %get3A_237 = tpu.vector_load %arg9[%get3A_233, %get3A_234, %get3A_235, %get3A_236] {strides = array<i32>} : memref<2x4x128x64xf32, #tpu.memory_space<vmem>>, vector<1x1x1x16xf32>,
      %get3A_238 = vector.shape_cast %get3A_237 : vector<1x1x1x16xf32> to vector<16xf32>
      %get3A_239 = arith.constant 0 : i32
      %get3A_240 = arith.constant 1 : i32
      %get3A_241 = arith.index_cast %get3A_239 : i32 to index
      %get3A_242 = arith.index_cast %get3A_240 : i32 to index
      %get3A_243 = arith.index_cast %scan3A_230 : i32 to index
      %get3A_244 = arith.constant 0 : index
      %get3A_245 = tpu.vector_load %arg9[%get3A_241, %get3A_242, %get3A_243, %get3A_244] {strides = array<i32>} : memref<2x4x128x64xf32, #tpu.memory_space<vmem>>, vector<1x1x1x16xf32>,
      %get3A_246 = vector.shape_cast %get3A_245 : vector<1x1x1x16xf32> to vector<16xf32>
      %add3A_247 = arith.addf %get3A_238, %get3A_246 : vector<16xf32>
      %get3A_248 = arith.constant 0 : i32
      %get3A_249 = arith.constant 2 : i32
      %get3A_250 = arith.index_cast %get3A_248 : i32 to index
      %get3A_251 = arith.index_cast %get3A_249 : i32 to index
      %get3A_252 = arith.index_cast %scan3A_230 : i32 to index
      %get3A_253 = arith.constant 0 : index
      %get3A_254 = tpu.vector_load %arg9[%get3A_250, %get3A_251, %get3A_252, %get3A_253] {strides = array<i32>} : memref<2x4x128x64xf32, #tpu.memory_space<vmem>>, vector<1x1x1x16xf32>,
      %get3A_255 = vector.shape_cast %get3A_254 : vector<1x1x1x16xf32> to vector<16xf32>
      %add3A_256 = arith.addf %add3A_247, %get3A_255 : vector<16xf32>
      %get3A_257 = arith.constant 0 : i32
      %get3A_258 = arith.constant 3 : i32
      %get3A_259 = arith.index_cast %get3A_257 : i32 to index
      %get3A_260 = arith.index_cast %get3A_258 : i32 to index
      %get3A_261 = arith.index_cast %scan3A_230 : i32 to index
      %get3A_262 = arith.constant 0 : index
      %get3A_263 = tpu.vector_load %arg9[%get3A_259, %get3A_260, %get3A_261, %get3A_262] {strides = array<i32>} : memref<2x4x128x64xf32, #tpu.memory_space<vmem>>, vector<1x1x1x16xf32>,
      %get3A_264 = vector.shape_cast %get3A_263 : vector<1x1x1x16xf32> to vector<16xf32>
      %add3A_265 = arith.addf %add3A_256, %get3A_264 : vector<16xf32>
      %swap3A = arith.constant 0 : i32
      %swap3A_266 = arith.index_cast %swap3A : i32 to index
      %swap3A_267 = arith.index_cast %scan3A_230 : i32 to index
      %swap3A_268 = arith.constant 0 : index
      %swap3A_269 = tpu.vector_load %arg11[%swap3A_266, %swap3A_267, %swap3A_268] {strides = array<i32>} : memref<2x128x64xf32, #tpu.memory_space<vmem>>, vector<1x1x16xf32>,
      %swap3A_270 = vector.shape_cast %swap3A_269 : vector<1x1x16xf32> to vector<16xf32>
      %swap3A_271 = vector.shape_cast %add3A_265 : vector<16xf32> to vector<1x1x16xf32>
      tpu.vector_store %arg11[%swap3A_266, %swap3A_267, %swap3A_268], %swap3A_271 {strides = array<i32>} : memref<2x128x64xf32, #tpu.memory_space<vmem>>, vector<1x1x16xf32>,
      %get3A_272 = arith.constant 0 : i32
      %get3A_273 = arith.constant 0 : i32
      %get3A_274 = arith.index_cast %get3A_272 : i32 to index
      %get3A_275 = arith.index_cast %get3A_273 : i32 to index
      %get3A_276 = arith.index_cast %scan3A_230 : i32 to index
      %get3A_277 = arith.constant 16 : index
      %get3A_278 = tpu.vector_load %arg9[%get3A_274, %get3A_275, %get3A_276, %get3A_277] {strides = array<i32>} : memref<2x4x128x64xf32, #tpu.memory_space<vmem>>, vector<1x1x1x16xf32>,
      %get3A_279 = vector.shape_cast %get3A_278 : vector<1x1x1x16xf32> to vector<16xf32>
      %get3A_280 = arith.constant 0 : i32
      %get3A_281 = arith.constant 1 : i32
      %get3A_282 = arith.index_cast %get3A_280 : i32 to index
      %get3A_283 = arith.index_cast %get3A_281 : i32 to index
      %get3A_284 = arith.index_cast %scan3A_230 : i32 to index
      %get3A_285 = arith.constant 16 : index
      %get3A_286 = tpu.vector_load %arg9[%get3A_282, %get3A_283, %get3A_284, %get3A_285] {strides = array<i32>} : memref<2x4x128x64xf32, #tpu.memory_space<vmem>>, vector<1x1x1x16xf32>,
      %get3A_287 = vector.shape_cast %get3A_286 : vector<1x1x1x16xf32> to vector<16xf32>
      %add3A_288 = arith.addf %get3A_279, %get3A_287 : vector<16xf32>
      %get3A_289 = arith.constant 0 : i32
      %get3A_290 = arith.constant 2 : i32
      %get3A_291 = arith.index_cast %get3A_289 : i32 to index
      %get3A_292 = arith.index_cast %get3A_290 : i32 to index
      %get3A_293 = arith.index_cast %scan3A_230 : i32 to index
      %get3A_294 = arith.constant 16 : index
      %get3A_295 = tpu.vector_load %arg9[%get3A_291, %get3A_292, %get3A_293, %get3A_294] {strides = array<i32>} : memref<2x4x128x64xf32, #tpu.memory_space<vmem>>, vector<1x1x1x16xf32>,
      %get3A_296 = vector.shape_cast %get3A_295 : vector<1x1x1x16xf32> to vector<16xf32>
      %add3A_297 = arith.addf %add3A_288, %get3A_296 : vector<16xf32>
      %get3A_298 = arith.constant 0 : i32
      %get3A_299 = arith.constant 3 : i32
      %get3A_300 = arith.index_cast %get3A_298 : i32 to index
      %get3A_301 = arith.index_cast %get3A_299 : i32 to index
      %get3A_302 = arith.index_cast %scan3A_230 : i32 to index
      %get3A_303 = arith.constant 16 : index
      %get3A_304 = tpu.vector_load %arg9[%get3A_300, %get3A_301, %get3A_302, %get3A_303] {strides = array<i32>} : memref<2x4x128x64xf32, #tpu.memory_space<vmem>>, vector<1x1x1x16xf32>,
      %get3A_305 = vector.shape_cast %get3A_304 : vector<1x1x1x16xf32> to vector<16xf32>
      %add3A_306 = arith.addf %add3A_297, %get3A_305 : vector<16xf32>
      %swap3A_307 = arith.constant 0 : i32
      %swap3A_308 = arith.index_cast %swap3A_307 : i32 to index
      %swap3A_309 = arith.index_cast %scan3A_230 : i32 to index
      %swap3A_310 = arith.constant 16 : index
      %swap3A_311 = tpu.vector_load %arg11[%swap3A_308, %swap3A_309, %swap3A_310] {strides = array<i32>} : memref<2x128x64xf32, #tpu.memory_space<vmem>>, vector<1x1x16xf32>,
      %swap3A_312 = vector.shape_cast %swap3A_311 : vector<1x1x16xf32> to vector<16xf32>
      %swap3A_313 = vector.shape_cast %add3A_306 : vector<16xf32> to vector<1x1x16xf32>
      tpu.vector_store %arg11[%swap3A_308, %swap3A_309, %swap3A_310], %swap3A_313 {strides = array<i32>} : memref<2x128x64xf32, #tpu.memory_space<vmem>>, vector<1x1x16xf32>,
      %get3A_314 = arith.constant 0 : i32
      %get3A_315 = arith.constant 0 : i32
      %get3A_316 = arith.index_cast %get3A_314 : i32 to index
      %get3A_317 = arith.index_cast %get3A_315 : i32 to index
      %get3A_318 = arith.index_cast %scan3A_230 : i32 to index
      %get3A_319 = arith.constant 32 : index
      %get3A_320 = tpu.vector_load %arg9[%get3A_316, %get3A_317, %get3A_318, %get3A_319] {strides = array<i32>} : memref<2x4x128x64xf32, #tpu.memory_space<vmem>>, vector<1x1x1x16xf32>,
      %get3A_321 = vector.shape_cast %get3A_320 : vector<1x1x1x16xf32> to vector<16xf32>
      %get3A_322 = arith.constant 0 : i32
      %get3A_323 = arith.constant 1 : i32
      %get3A_324 = arith.index_cast %get3A_322 : i32 to index
      %get3A_325 = arith.index_cast %get3A_323 : i32 to index
      %get3A_326 = arith.index_cast %scan3A_230 : i32 to index
      %get3A_327 = arith.constant 32 : index
      %get3A_328 = tpu.vector_load %arg9[%get3A_324, %get3A_325, %get3A_326, %get3A_327] {strides = array<i32>} : memref<2x4x128x64xf32, #tpu.memory_space<vmem>>, vector<1x1x1x16xf32>,
      %get3A_329 = vector.shape_cast %get3A_328 : vector<1x1x1x16xf32> to vector<16xf32>
      %add3A_330 = arith.addf %get3A_321, %get3A_329 : vector<16xf32>
      %get3A_331 = arith.constant 0 : i32
      %get3A_332 = arith.constant 2 : i32
      %get3A_333 = arith.index_cast %get3A_331 : i32 to index
      %get3A_334 = arith.index_cast %get3A_332 : i32 to index
      %get3A_335 = arith.index_cast %scan3A_230 : i32 to index
      %get3A_336 = arith.constant 32 : index
      %get3A_337 = tpu.vector_load %arg9[%get3A_333, %get3A_334, %get3A_335, %get3A_336] {strides = array<i32>} : memref<2x4x128x64xf32, #tpu.memory_space<vmem>>, vector<1x1x1x16xf32>,
      %get3A_338 = vector.shape_cast %get3A_337 : vector<1x1x1x16xf32> to vector<16xf32>
      %add3A_339 = arith.addf %add3A_330, %get3A_338 : vector<16xf32>
      %get3A_340 = arith.constant 0 : i32
      %get3A_341 = arith.constant 3 : i32
      %get3A_342 = arith.index_cast %get3A_340 : i32 to index
      %get3A_343 = arith.index_cast %get3A_341 : i32 to index
      %get3A_344 = arith.index_cast %scan3A_230 : i32 to index
      %get3A_345 = arith.constant 32 : index
      %get3A_346 = tpu.vector_load %arg9[%get3A_342, %get3A_343, %get3A_344, %get3A_345] {strides = array<i32>} : memref<2x4x128x64xf32, #tpu.memory_space<vmem>>, vector<1x1x1x16xf32>,
      %get3A_347 = vector.shape_cast %get3A_346 : vector<1x1x1x16xf32> to vector<16xf32>
      %add3A_348 = arith.addf %add3A_339, %get3A_347 : vector<16xf32>
      %swap3A_349 = arith.constant 0 : i32
      %swap3A_350 = arith.index_cast %swap3A_349 : i32 to index
      %swap3A_351 = arith.index_cast %scan3A_230 : i32 to index
      %swap3A_352 = arith.constant 32 : index
      %swap3A_353 = tpu.vector_load %arg11[%swap3A_350, %swap3A_351, %swap3A_352] {strides = array<i32>} : memref<2x128x64xf32, #tpu.memory_space<vmem>>, vector<1x1x16xf32>,
      %swap3A_354 = vector.shape_cast %swap3A_353 : vector<1x1x16xf32> to vector<16xf32>
      %swap3A_355 = vector.shape_cast %add3A_348 : vector<16xf32> to vector<1x1x16xf32>
      tpu.vector_store %arg11[%swap3A_350, %swap3A_351, %swap3A_352], %swap3A_355 {strides = array<i32>} : memref<2x128x64xf32, #tpu.memory_space<vmem>>, vector<1x1x16xf32>,
      %get3A_356 = arith.constant 0 : i32
      %get3A_357 = arith.constant 0 : i32
      %get3A_358 = arith.index_cast %get3A_356 : i32 to index
      %get3A_359 = arith.index_cast %get3A_357 : i32 to index
      %get3A_360 = arith.index_cast %scan3A_230 : i32 to index
      %get3A_361 = arith.constant 48 : index
      %get3A_362 = tpu.vector_load %arg9[%get3A_358, %get3A_359, %get3A_360, %get3A_361] {strides = array<i32>} : memref<2x4x128x64xf32, #tpu.memory_space<vmem>>, vector<1x1x1x16xf32>,
      %get3A_363 = vector.shape_cast %get3A_362 : vector<1x1x1x16xf32> to vector<16xf32>
      %get3A_364 = arith.constant 0 : i32
      %get3A_365 = arith.constant 1 : i32
      %get3A_366 = arith.index_cast %get3A_364 : i32 to index
      %get3A_367 = arith.index_cast %get3A_365 : i32 to index
      %get3A_368 = arith.index_cast %scan3A_230 : i32 to index
      %get3A_369 = arith.constant 48 : index
      %get3A_370 = tpu.vector_load %arg9[%get3A_366, %get3A_367, %get3A_368, %get3A_369] {strides = array<i32>} : memref<2x4x128x64xf32, #tpu.memory_space<vmem>>, vector<1x1x1x16xf32>,
      %get3A_371 = vector.shape_cast %get3A_370 : vector<1x1x1x16xf32> to vector<16xf32>
      %add3A_372 = arith.addf %get3A_363, %get3A_371 : vector<16xf32>
      %get3A_373 = arith.constant 0 : i32
      %get3A_374 = arith.constant 2 : i32
      %get3A_375 = arith.index_cast %get3A_373 : i32 to index
      %get3A_376 = arith.index_cast %get3A_374 : i32 to index
      %get3A_377 = arith.index_cast %scan3A_230 : i32 to index
      %get3A_378 = arith.constant 48 : index
      %get3A_379 = tpu.vector_load %arg9[%get3A_375, %get3A_376, %get3A_377, %get3A_378] {strides = array<i32>} : memref<2x4x128x64xf32, #tpu.memory_space<vmem>>, vector<1x1x1x16xf32>,
      %get3A_380 = vector.shape_cast %get3A_379 : vector<1x1x1x16xf32> to vector<16xf32>
      %add3A_381 = arith.addf %add3A_372, %get3A_380 : vector<16xf32>
      %get3A_382 = arith.constant 0 : i32
      %get3A_383 = arith.constant 3 : i32
      %get3A_384 = arith.index_cast %get3A_382 : i32 to index
      %get3A_385 = arith.index_cast %get3A_383 : i32 to index
      %get3A_386 = arith.index_cast %scan3A_230 : i32 to index
      %get3A_387 = arith.constant 48 : index
      %get3A_388 = tpu.vector_load %arg9[%get3A_384, %get3A_385, %get3A_386, %get3A_387] {strides = array<i32>} : memref<2x4x128x64xf32, #tpu.memory_space<vmem>>, vector<1x1x1x16xf32>,
      %get3A_389 = vector.shape_cast %get3A_388 : vector<1x1x1x16xf32> to vector<16xf32>
      %add3A_390 = arith.addf %add3A_381, %get3A_389 : vector<16xf32>
      %swap3A_391 = arith.constant 0 : i32
      %swap3A_392 = arith.index_cast %swap3A_391 : i32 to index
      %swap3A_393 = arith.index_cast %scan3A_230 : i32 to index
      %swap3A_394 = arith.constant 48 : index
      %swap3A_395 = tpu.vector_load %arg11[%swap3A_392, %swap3A_393, %swap3A_394] {strides = array<i32>} : memref<2x128x64xf32, #tpu.memory_space<vmem>>, vector<1x1x16xf32>,
      %swap3A_396 = vector.shape_cast %swap3A_395 : vector<1x1x16xf32> to vector<16xf32>
      %swap3A_397 = vector.shape_cast %add3A_390 : vector<16xf32> to vector<1x1x16xf32>
      tpu.vector_store %arg11[%swap3A_392, %swap3A_393, %swap3A_394], %swap3A_397 {strides = array<i32>} : memref<2x128x64xf32, #tpu.memory_space<vmem>>, vector<1x1x16xf32>,
      %scan3A_398 = arith.constant 0 : i32
      scf.yield %scan3A_398 : i32
    }
    %scan3A_171 = arith.constant 128 : i32
    %add3A_172 = arith.constant 3072 : i32
    %add3A_173 = arith.addi %mul3A_2, %add3A_172 : i32
    %dma_start3A_174 = arith.constant 0 : i32
    %dma_start3A_175 = arith.constant 0 : i32
    %dma_start3A_176 = arith.constant 0 : i32
    %dma_start3A_177 = tpu.memref_slice %arg11[%dma_start3A_174, %dma_start3A_175, %dma_start3A_176] : memref<2x128x64xf32, #tpu.memory_space<vmem>> -> memref<1x128x64xf32, #tpu.memory_space<vmem>>
    %dma_start3A_178 = tpu.memref_squeeze %dma_start3A_177 : memref<1x128x64xf32, #tpu.memory_space<vmem>> -> memref<128x64xf32, #tpu.memory_space<vmem>>
    %dma_start3A_179 = arith.constant 0 : i32
    %dma_start3A_180 = tpu.memref_slice %arg6[%add3A_173, %dma_start3A_179] : memref<102400x128xf32, #tpu.memory_space<hbm>> -> memref<128x64xf32, #tpu.memory_space<hbm>>
    %dma_start3A_181 = arith.constant 0 : i32
    %dma_start3A_182 = tpu.memref_slice %arg6[%add3A_173, %dma_start3A_181] : memref<102400x128xf32, #tpu.memory_space<hbm>> -> memref<128x64xf32, #tpu.memory_space<hbm>>
    %dma_start3A_183 = arith.constant 0 : i32
    %dma_start3A_184 = arith.constant 0 : i32
    %dma_start3A_185 = tpu.memref_slice %arg11[%dma_start3A_174, %dma_start3A_183, %dma_start3A_184] : memref<2x128x64xf32, #tpu.memory_space<vmem>> -> memref<1x128x64xf32, #tpu.memory_space<vmem>>
    %dma_start3A_186 = tpu.memref_squeeze %dma_start3A_185 : memref<1x128x64xf32, #tpu.memory_space<vmem>> -> memref<128x64xf32, #tpu.memory_space<vmem>>
    tpu.enqueue_dma source(%dma_start3A_186 : memref<128x64xf32, #tpu.memory_space<vmem>>) target(%dma_start3A_182 : memref<128x64xf32, #tpu.memory_space<hbm>>) target_semaphore(%arg14 : memref<!tpu.dma_semaphore, #tpu.memory_space<semaphore_mem>>)
    %dma_start3A_187 = arith.constant 0 : i32
    %dma_start3A_188 = arith.constant 0 : i32
    %dma_start3A_189 = arith.constant 0 : i32
    %dma_start3A_190 = tpu.memref_slice %arg10[%dma_start3A_187, %dma_start3A_188, %dma_start3A_189] : memref<2x128x32xf32, #tpu.memory_space<vmem>> -> memref<1x128x32xf32, #tpu.memory_space<vmem>>
    %dma_start3A_191 = tpu.memref_squeeze %dma_start3A_190 : memref<1x128x32xf32, #tpu.memory_space<vmem>> -> memref<128x32xf32, #tpu.memory_space<vmem>>
    %dma_start3A_192 = arith.constant 64 : i32
    %dma_start3A_193 = tpu.memref_slice %arg6[%add3A_173, %dma_start3A_192] : memref<102400x128xf32, #tpu.memory_space<hbm>> -> memref<128x32xf32, #tpu.memory_space<hbm>>
    %dma_start3A_194 = arith.constant 64 : i32
    %dma_start3A_195 = tpu.memref_slice %arg6[%add3A_173, %dma_start3A_194] : memref<102400x128xf32, #tpu.memory_space<hbm>> -> memref<128x32xf32, #tpu.memory_space<hbm>>
    %dma_start3A_196 = arith.constant 0 : i32
    %dma_start3A_197 = arith.constant 0 : i32
    %dma_start3A_198 = tpu.memref_slice %arg10[%dma_start3A_187, %dma_start3A_196, %dma_start3A_197] : memref<2x128x32xf32, #tpu.memory_space<vmem>> -> memref<1x128x32xf32, #tpu.memory_space<vmem>>
    %dma_start3A_199 = tpu.memref_squeeze %dma_start3A_198 : memref<1x128x32xf32, #tpu.memory_space<vmem>> -> memref<128x32xf32, #tpu.memory_space<vmem>>
    tpu.enqueue_dma source(%dma_start3A_199 : memref<128x32xf32, #tpu.memory_space<vmem>>) target(%dma_start3A_195 : memref<128x32xf32, #tpu.memory_space<hbm>>) target_semaphore(%arg14 : memref<!tpu.dma_semaphore, #tpu.memory_space<semaphore_mem>>)
    %dma_wait3A_200 = arith.constant 0 : i32
    %dma_wait3A_201 = arith.constant 0 : i32
    %dma_wait3A_202 = arith.constant 0 : i32
    %dma_wait3A_203 = tpu.memref_slice %arg11[%dma_wait3A_200, %dma_wait3A_201, %dma_wait3A_202] : memref<2x128x64xf32, #tpu.memory_space<vmem>> -> memref<1x128x64xf32, #tpu.memory_space<vmem>>
    %dma_wait3A_204 = tpu.memref_squeeze %dma_wait3A_203 : memref<1x128x64xf32, #tpu.memory_space<vmem>> -> memref<128x64xf32, #tpu.memory_space<vmem>>
    %dma_wait3A_205 = arith.constant 0 : i32
    %dma_wait3A_206 = arith.constant 0 : i32
    %dma_wait3A_207 = tpu.memref_slice %arg6[%dma_wait3A_205, %dma_wait3A_206] : memref<102400x128xf32, #tpu.memory_space<hbm>> -> memref<128x64xf32, #tpu.memory_space<hbm>>
    %dma_wait3A_208 = arith.constant 0 : i32
    %dma_wait3A_209 = arith.constant 0 : i32
    %dma_wait3A_210 = tpu.memref_slice %arg6[%dma_wait3A_208, %dma_wait3A_209] : memref<102400x128xf32, #tpu.memory_space<hbm>> -> memref<128x64xf32, #tpu.memory_space<hbm>>
    %dma_wait3A_211 = arith.constant 0 : i32
    %dma_wait3A_212 = arith.constant 0 : i32
    %dma_wait3A_213 = tpu.memref_slice %arg11[%dma_wait3A_200, %dma_wait3A_211, %dma_wait3A_212] : memref<2x128x64xf32, #tpu.memory_space<vmem>> -> memref<1x128x64xf32, #tpu.memory_space<vmem>>
    %dma_wait3A_214 = tpu.memref_squeeze %dma_wait3A_213 : memref<1x128x64xf32, #tpu.memory_space<vmem>> -> memref<128x64xf32, #tpu.memory_space<vmem>>
    tpu.wait_dma2 semaphore(%arg14 : memref<!tpu.dma_semaphore, #tpu.memory_space<semaphore_mem>>) src(%dma_wait3A_214 : memref<128x64xf32, #tpu.memory_space<vmem>>) dst(%dma_wait3A_210 : memref<128x64xf32, #tpu.memory_space<hbm>>)
    %dma_wait3A_215 = arith.constant 0 : i32
    %dma_wait3A_216 = arith.constant 0 : i32
    %dma_wait3A_217 = arith.constant 0 : i32
    %dma_wait3A_218 = tpu.memref_slice %arg10[%dma_wait3A_215, %dma_wait3A_216, %dma_wait3A_217] : memref<2x128x32xf32, #tpu.memory_space<vmem>> -> memref<1x128x32xf32, #tpu.memory_space<vmem>>
    %dma_wait3A_219 = tpu.memref_squeeze %dma_wait3A_218 : memref<1x128x32xf32, #tpu.memory_space<vmem>> -> memref<128x32xf32, #tpu.memory_space<vmem>>
    %dma_wait3A_220 = arith.constant 0 : i32
    %dma_wait3A_221 = arith.constant 64 : i32
    %dma_wait3A_222 = tpu.memref_slice %arg6[%dma_wait3A_220, %dma_wait3A_221] : memref<102400x128xf32, #tpu.memory_space<hbm>> -> memref<128x32xf32, #tpu.memory_space<hbm>>
    %dma_wait3A_223 = arith.constant 0 : i32
    %dma_wait3A_224 = arith.constant 64 : i32
    %dma_wait3A_225 = tpu.memref_slice %arg6[%dma_wait3A_223, %dma_wait3A_224] : memref<102400x128xf32, #tpu.memory_space<hbm>> -> memref<128x32xf32, #tpu.memory_space<hbm>>
    %dma_wait3A_226 = arith.constant 0 : i32
    %dma_wait3A_227 = arith.constant 0 : i32
    %dma_wait3A_228 = tpu.memref_slice %arg10[%dma_wait3A_215, %dma_wait3A_226, %dma_wait3A_227] : memref<2x128x32xf32, #tpu.memory_space<vmem>> -> memref<1x128x32xf32, #tpu.memory_space<vmem>>
    %dma_wait3A_229 = tpu.memref_squeeze %dma_wait3A_228 : memref<1x128x32xf32, #tpu.memory_space<vmem>> -> memref<128x32xf32, #tpu.memory_space<vmem>>
    tpu.wait_dma2 semaphore(%arg14 : memref<!tpu.dma_semaphore, #tpu.memory_space<semaphore_mem>>) src(%dma_wait3A_229 : memref<128x32xf32, #tpu.memory_space<vmem>>) dst(%dma_wait3A_225 : memref<128x32xf32, #tpu.memory_space<hbm>>)
    return
  }
}

#map = affine_map<(d0, d1) -> (0, 0)>
#map1 = affine_map<(d0, d1) -> (0, 0, 0)>
module attributes {stable_mosaic.version = 14 : i64} {
  func.func @_sc_gather_body(%arg0: i32, %arg1: i32, %arg2: memref<1000000x64xf32, #tpu.memory_space<hbm>>, %arg3: memref<100000x32xf32, #tpu.memory_space<hbm>>, %arg4: memref<32x100x128xi32, #tpu.memory_space<hbm>>, %arg5: memref<32x25x128xi32, #tpu.memory_space<hbm>>, %arg6: memref<102400x128xf32, #tpu.memory_space<hbm>>, %arg7: memref<100x128xi32, #tpu.memory_space<vmem>>, %arg8: memref<25x128xi32, #tpu.memory_space<vmem>>, %arg9: memref<2x4x128x64xf32, #tpu.memory_space<vmem>>, %arg10: memref<2x128x32xf32, #tpu.memory_space<vmem>>, %arg11: memref<2x128x64xf32, #tpu.memory_space<vmem>>, %arg12: memref<!tpu.dma_semaphore, #tpu.memory_space<semaphore_mem>>, %arg13: memref<!tpu.dma_semaphore, #tpu.memory_space<semaphore_mem>>, %arg14: memref<!tpu.dma_semaphore, #tpu.memory_space<semaphore_mem>>, %arg15: memref<!tpu.dma_semaphore, #tpu.memory_space<semaphore_mem>>) attributes {dimension_semantics = [#tpu.dimension_semantics<core_parallel>, #tpu.dimension_semantics<subcore_parallel>], iteration_bounds = array<i64: 2, 16>, scalar_prefetch = 0 : i64, scratch_operands = 9 : i64, tpu.core_type = #tpu.core_type<sc_vector_subcore>, window_params = [{transform_indices = #map}, {transform_indices = #map}, {transform_indices = #map1}, {transform_indices = #map1}, {transform_indices = #map}]} {
    %mul3A = arith.constant 2 : i32
    %mul3A_0 = arith.muli %arg1, %mul3A : i32
    %add3A = arith.addi %mul3A_0, %arg0 : i32
    %mul3A_1 = arith.constant 3200 : i32
    %mul3A_2 = arith.muli %add3A, %mul3A_1 : i32
    "tpu.region"() ({
      %run_scoped3A = tpu.sem_alloc : memref<!tpu.dma_semaphore, #tpu.memory_space<semaphore_mem>>
      %dma_start3A_230 = arith.constant 0 : i32
      %dma_start3A_231 = arith.constant 0 : i32
      %dma_start3A_232 = tpu.memref_slice %arg4[%add3A, %dma_start3A_230, %dma_start3A_231] : memref<32x100x128xi32, #tpu.memory_space<hbm>> -> memref<1x100x128xi32, #tpu.memory_space<hbm>>
      %dma_start3A_233 = tpu.memref_squeeze %dma_start3A_232 : memref<1x100x128xi32, #tpu.memory_space<hbm>> -> memref<100x128xi32, #tpu.memory_space<hbm>>
      %dma_start3A_234 = arith.constant 0 : i32
      %dma_start3A_235 = arith.constant 0 : i32
      %dma_start3A_236 = tpu.memref_slice %arg4[%add3A, %dma_start3A_234, %dma_start3A_235] : memref<32x100x128xi32, #tpu.memory_space<hbm>> -> memref<1x100x128xi32, #tpu.memory_space<hbm>>
      %dma_start3A_237 = tpu.memref_squeeze %dma_start3A_236 : memref<1x100x128xi32, #tpu.memory_space<hbm>> -> memref<100x128xi32, #tpu.memory_space<hbm>>
      tpu.enqueue_dma source(%dma_start3A_237 : memref<100x128xi32, #tpu.memory_space<hbm>>) target(%arg7 : memref<100x128xi32, #tpu.memory_space<vmem>>) target_semaphore(%run_scoped3A : memref<!tpu.dma_semaphore, #tpu.memory_space<semaphore_mem>>)
      %dma_wait3A_238 = arith.constant 0 : i32
      %dma_wait3A_239 = arith.constant 0 : i32
      %dma_wait3A_240 = tpu.memref_slice %arg4[%add3A, %dma_wait3A_238, %dma_wait3A_239] : memref<32x100x128xi32, #tpu.memory_space<hbm>> -> memref<1x100x128xi32, #tpu.memory_space<hbm>>
      %dma_wait3A_241 = tpu.memref_squeeze %dma_wait3A_240 : memref<1x100x128xi32, #tpu.memory_space<hbm>> -> memref<100x128xi32, #tpu.memory_space<hbm>>
      %dma_wait3A_242 = arith.constant 0 : i32
      %dma_wait3A_243 = arith.constant 0 : i32
      %dma_wait3A_244 = tpu.memref_slice %arg4[%add3A, %dma_wait3A_242, %dma_wait3A_243] : memref<32x100x128xi32, #tpu.memory_space<hbm>> -> memref<1x100x128xi32, #tpu.memory_space<hbm>>
      %dma_wait3A_245 = tpu.memref_squeeze %dma_wait3A_244 : memref<1x100x128xi32, #tpu.memory_space<hbm>> -> memref<100x128xi32, #tpu.memory_space<hbm>>
      tpu.wait_dma2 semaphore(%run_scoped3A : memref<!tpu.dma_semaphore, #tpu.memory_space<semaphore_mem>>) src(%dma_wait3A_245 : memref<100x128xi32, #tpu.memory_space<hbm>>) dst(%arg7 : memref<100x128xi32, #tpu.memory_space<vmem>>)
      tpu.yield
    }) : () -> ()
    "tpu.region"() ({
      %run_scoped3A = tpu.sem_alloc : memref<!tpu.dma_semaphore, #tpu.memory_space<semaphore_mem>>
      %dma_start3A_230 = arith.constant 0 : i32
      %dma_start3A_231 = arith.constant 0 : i32
      %dma_start3A_232 = tpu.memref_slice %arg5[%add3A, %dma_start3A_230, %dma_start3A_231] : memref<32x25x128xi32, #tpu.memory_space<hbm>> -> memref<1x25x128xi32, #tpu.memory_space<hbm>>
      %dma_start3A_233 = tpu.memref_squeeze %dma_start3A_232 : memref<1x25x128xi32, #tpu.memory_space<hbm>> -> memref<25x128xi32, #tpu.memory_space<hbm>>
      %dma_start3A_234 = arith.constant 0 : i32
      %dma_start3A_235 = arith.constant 0 : i32
      %dma_start3A_236 = tpu.memref_slice %arg5[%add3A, %dma_start3A_234, %dma_start3A_235] : memref<32x25x128xi32, #tpu.memory_space<hbm>> -> memref<1x25x128xi32, #tpu.memory_space<hbm>>
      %dma_start3A_237 = tpu.memref_squeeze %dma_start3A_236 : memref<1x25x128xi32, #tpu.memory_space<hbm>> -> memref<25x128xi32, #tpu.memory_space<hbm>>
      tpu.enqueue_dma source(%dma_start3A_237 : memref<25x128xi32, #tpu.memory_space<hbm>>) target(%arg8 : memref<25x128xi32, #tpu.memory_space<vmem>>) target_semaphore(%run_scoped3A : memref<!tpu.dma_semaphore, #tpu.memory_space<semaphore_mem>>)
      %dma_wait3A_238 = arith.constant 0 : i32
      %dma_wait3A_239 = arith.constant 0 : i32
      %dma_wait3A_240 = tpu.memref_slice %arg5[%add3A, %dma_wait3A_238, %dma_wait3A_239] : memref<32x25x128xi32, #tpu.memory_space<hbm>> -> memref<1x25x128xi32, #tpu.memory_space<hbm>>
      %dma_wait3A_241 = tpu.memref_squeeze %dma_wait3A_240 : memref<1x25x128xi32, #tpu.memory_space<hbm>> -> memref<25x128xi32, #tpu.memory_space<hbm>>
      %dma_wait3A_242 = arith.constant 0 : i32
      %dma_wait3A_243 = arith.constant 0 : i32
      %dma_wait3A_244 = tpu.memref_slice %arg5[%add3A, %dma_wait3A_242, %dma_wait3A_243] : memref<32x25x128xi32, #tpu.memory_space<hbm>> -> memref<1x25x128xi32, #tpu.memory_space<hbm>>
      %dma_wait3A_245 = tpu.memref_squeeze %dma_wait3A_244 : memref<1x25x128xi32, #tpu.memory_space<hbm>> -> memref<25x128xi32, #tpu.memory_space<hbm>>
      tpu.wait_dma2 semaphore(%run_scoped3A : memref<!tpu.dma_semaphore, #tpu.memory_space<semaphore_mem>>) src(%dma_wait3A_245 : memref<25x128xi32, #tpu.memory_space<hbm>>) dst(%arg8 : memref<25x128xi32, #tpu.memory_space<vmem>>)
      tpu.yield
    }) : () -> ()
    %dma_start3A = arith.constant 0 : i32
    %dma_start3A_3 = arith.constant 0 : i32
    %dma_start3A_4 = arith.constant 0 : i32
    %dma_start3A_5 = arith.constant 0 : i32
    %dma_start3A_6 = arith.constant 0 : i32
    %dma_start3A_7 = tpu.memref_slice %arg9[%dma_start3A_3, %dma_start3A_4, %dma_start3A_5, %dma_start3A_6] : memref<2x4x128x64xf32, #tpu.memory_space<vmem>> -> memref<1x1x128x64xf32, #tpu.memory_space<vmem>>
    %dma_start3A_8 = tpu.memref_squeeze %dma_start3A_7 : memref<1x1x128x64xf32, #tpu.memory_space<vmem>> -> memref<128x64xf32, #tpu.memory_space<vmem>>
    %dma_start3A_9 = arith.constant 0 : i32
    %dma_start3A_10 = tpu.memref_slice %arg7[%dma_start3A, %dma_start3A_9] : memref<100x128xi32, #tpu.memory_space<vmem>> -> memref<1x128xi32, #tpu.memory_space<vmem>>
    %dma_start3A_11 = tpu.memref_squeeze %dma_start3A_10 : memref<1x128xi32, #tpu.memory_space<vmem>> -> memref<128xi32, #tpu.memory_space<vmem>>
    %dma_start3A_12 = arith.constant 0 : i32
    %dma_start3A_13 = arith.constant 0 : i32
    %dma_start3A_14 = tpu.memref_slice %arg2[%dma_start3A_12, %dma_start3A_13] : memref<1000000x64xf32, #tpu.memory_space<hbm>> -> memref<1000000x64xf32, #tpu.memory_space<hbm>>
    tpu.enqueue_indirect_dma source(%dma_start3A_14 : memref<1000000x64xf32, #tpu.memory_space<hbm>>) target(%dma_start3A_8 : memref<128x64xf32, #tpu.memory_space<vmem>>) offsets(%dma_start3A_11 : memref<128xi32, #tpu.memory_space<vmem>>) semaphore(%arg12 : memref<!tpu.dma_semaphore, #tpu.memory_space<semaphore_mem>>)
    %dma_start3A_15 = arith.constant 1 : i32
    %dma_start3A_16 = arith.constant 0 : i32
    %dma_start3A_17 = arith.constant 1 : i32
    %dma_start3A_18 = arith.constant 0 : i32
    %dma_start3A_19 = arith.constant 0 : i32
    %dma_start3A_20 = tpu.memref_slice %arg9[%dma_start3A_16, %dma_start3A_17, %dma_start3A_18, %dma_start3A_19] : memref<2x4x128x64xf32, #tpu.memory_space<vmem>> -> memref<1x1x128x64xf32, #tpu.memory_space<vmem>>
    %dma_start3A_21 = tpu.memref_squeeze %dma_start3A_20 : memref<1x1x128x64xf32, #tpu.memory_space<vmem>> -> memref<128x64xf32, #tpu.memory_space<vmem>>
    %dma_start3A_22 = arith.constant 0 : i32
    %dma_start3A_23 = tpu.memref_slice %arg7[%dma_start3A_15, %dma_start3A_22] : memref<100x128xi32, #tpu.memory_space<vmem>> -> memref<1x128xi32, #tpu.memory_space<vmem>>
    %dma_start3A_24 = tpu.memref_squeeze %dma_start3A_23 : memref<1x128xi32, #tpu.memory_space<vmem>> -> memref<128xi32, #tpu.memory_space<vmem>>
    %dma_start3A_25 = arith.constant 0 : i32
    %dma_start3A_26 = arith.constant 0 : i32
    %dma_start3A_27 = tpu.memref_slice %arg2[%dma_start3A_25, %dma_start3A_26] : memref<1000000x64xf32, #tpu.memory_space<hbm>> -> memref<1000000x64xf32, #tpu.memory_space<hbm>>
    tpu.enqueue_indirect_dma source(%dma_start3A_27 : memref<1000000x64xf32, #tpu.memory_space<hbm>>) target(%dma_start3A_21 : memref<128x64xf32, #tpu.memory_space<vmem>>) offsets(%dma_start3A_24 : memref<128xi32, #tpu.memory_space<vmem>>) semaphore(%arg12 : memref<!tpu.dma_semaphore, #tpu.memory_space<semaphore_mem>>)
    %dma_start3A_28 = arith.constant 2 : i32
    %dma_start3A_29 = arith.constant 0 : i32
    %dma_start3A_30 = arith.constant 2 : i32
    %dma_start3A_31 = arith.constant 0 : i32
    %dma_start3A_32 = arith.constant 0 : i32
    %dma_start3A_33 = tpu.memref_slice %arg9[%dma_start3A_29, %dma_start3A_30, %dma_start3A_31, %dma_start3A_32] : memref<2x4x128x64xf32, #tpu.memory_space<vmem>> -> memref<1x1x128x64xf32, #tpu.memory_space<vmem>>
    %dma_start3A_34 = tpu.memref_squeeze %dma_start3A_33 : memref<1x1x128x64xf32, #tpu.memory_space<vmem>> -> memref<128x64xf32, #tpu.memory_space<vmem>>
    %dma_start3A_35 = arith.constant 0 : i32
    %dma_start3A_36 = tpu.memref_slice %arg7[%dma_start3A_28, %dma_start3A_35] : memref<100x128xi32, #tpu.memory_space<vmem>> -> memref<1x128xi32, #tpu.memory_space<vmem>>
    %dma_start3A_37 = tpu.memref_squeeze %dma_start3A_36 : memref<1x128xi32, #tpu.memory_space<vmem>> -> memref<128xi32, #tpu.memory_space<vmem>>
    %dma_start3A_38 = arith.constant 0 : i32
    %dma_start3A_39 = arith.constant 0 : i32
    %dma_start3A_40 = tpu.memref_slice %arg2[%dma_start3A_38, %dma_start3A_39] : memref<1000000x64xf32, #tpu.memory_space<hbm>> -> memref<1000000x64xf32, #tpu.memory_space<hbm>>
    tpu.enqueue_indirect_dma source(%dma_start3A_40 : memref<1000000x64xf32, #tpu.memory_space<hbm>>) target(%dma_start3A_34 : memref<128x64xf32, #tpu.memory_space<vmem>>) offsets(%dma_start3A_37 : memref<128xi32, #tpu.memory_space<vmem>>) semaphore(%arg12 : memref<!tpu.dma_semaphore, #tpu.memory_space<semaphore_mem>>)
    %dma_start3A_41 = arith.constant 3 : i32
    %dma_start3A_42 = arith.constant 0 : i32
    %dma_start3A_43 = arith.constant 3 : i32
    %dma_start3A_44 = arith.constant 0 : i32
    %dma_start3A_45 = arith.constant 0 : i32
    %dma_start3A_46 = tpu.memref_slice %arg9[%dma_start3A_42, %dma_start3A_43, %dma_start3A_44, %dma_start3A_45] : memref<2x4x128x64xf32, #tpu.memory_space<vmem>> -> memref<1x1x128x64xf32, #tpu.memory_space<vmem>>
    %dma_start3A_47 = tpu.memref_squeeze %dma_start3A_46 : memref<1x1x128x64xf32, #tpu.memory_space<vmem>> -> memref<128x64xf32, #tpu.memory_space<vmem>>
    %dma_start3A_48 = arith.constant 0 : i32
    %dma_start3A_49 = tpu.memref_slice %arg7[%dma_start3A_41, %dma_start3A_48] : memref<100x128xi32, #tpu.memory_space<vmem>> -> memref<1x128xi32, #tpu.memory_space<vmem>>
    %dma_start3A_50 = tpu.memref_squeeze %dma_start3A_49 : memref<1x128xi32, #tpu.memory_space<vmem>> -> memref<128xi32, #tpu.memory_space<vmem>>
    %dma_start3A_51 = arith.constant 0 : i32
    %dma_start3A_52 = arith.constant 0 : i32
    %dma_start3A_53 = tpu.memref_slice %arg2[%dma_start3A_51, %dma_start3A_52] : memref<1000000x64xf32, #tpu.memory_space<hbm>> -> memref<1000000x64xf32, #tpu.memory_space<hbm>>
    tpu.enqueue_indirect_dma source(%dma_start3A_53 : memref<1000000x64xf32, #tpu.memory_space<hbm>>) target(%dma_start3A_47 : memref<128x64xf32, #tpu.memory_space<vmem>>) offsets(%dma_start3A_50 : memref<128xi32, #tpu.memory_space<vmem>>) semaphore(%arg12 : memref<!tpu.dma_semaphore, #tpu.memory_space<semaphore_mem>>)
    %dma_start3A_54 = arith.constant 0 : i32
    %dma_start3A_55 = arith.constant 0 : i32
    %dma_start3A_56 = arith.constant 0 : i32
    %dma_start3A_57 = arith.constant 0 : i32
    %dma_start3A_58 = tpu.memref_slice %arg10[%dma_start3A_55, %dma_start3A_56, %dma_start3A_57] : memref<2x128x32xf32, #tpu.memory_space<vmem>> -> memref<1x128x32xf32, #tpu.memory_space<vmem>>
    %dma_start3A_59 = tpu.memref_squeeze %dma_start3A_58 : memref<1x128x32xf32, #tpu.memory_space<vmem>> -> memref<128x32xf32, #tpu.memory_space<vmem>>
    %dma_start3A_60 = arith.constant 0 : i32
    %dma_start3A_61 = tpu.memref_slice %arg8[%dma_start3A_54, %dma_start3A_60] : memref<25x128xi32, #tpu.memory_space<vmem>> -> memref<1x128xi32, #tpu.memory_space<vmem>>
    %dma_start3A_62 = tpu.memref_squeeze %dma_start3A_61 : memref<1x128xi32, #tpu.memory_space<vmem>> -> memref<128xi32, #tpu.memory_space<vmem>>
    %dma_start3A_63 = arith.constant 0 : i32
    %dma_start3A_64 = arith.constant 0 : i32
    %dma_start3A_65 = tpu.memref_slice %arg3[%dma_start3A_63, %dma_start3A_64] : memref<100000x32xf32, #tpu.memory_space<hbm>> -> memref<100000x32xf32, #tpu.memory_space<hbm>>
    tpu.enqueue_indirect_dma source(%dma_start3A_65 : memref<100000x32xf32, #tpu.memory_space<hbm>>) target(%dma_start3A_59 : memref<128x32xf32, #tpu.memory_space<vmem>>) offsets(%dma_start3A_62 : memref<128xi32, #tpu.memory_space<vmem>>) semaphore(%arg12 : memref<!tpu.dma_semaphore, #tpu.memory_space<semaphore_mem>>)
    %scan3A = arith.constant 0 : i32
    %scan3A_66 = arith.constant 0 : i32
    %scan3A_67 = arith.constant 12 : i32
    %scan3A_68 = arith.addi %scan3A_66, %scan3A_67 : i32
    %scan3A_69 = arith.constant 1 : i32
    %scan3A_70 = scf.for %scan3A_230 = %scan3A_66 to %scan3A_68 step %scan3A_69 iter_args(%scan3A_231 = %scan3A) -> (i32)  : i32 {
      %mul3A_232 = arith.constant 2 : i32
      %mul3A_233 = arith.muli %scan3A_230, %mul3A_232 : i32
      %add3A_234 = arith.constant 0 : i32
      %add3A_235 = arith.addi %mul3A_233, %add3A_234 : i32
      %ge3A = arith.constant 1 : i32
      %ge3A_236 = arith.cmpi sge, %add3A_235, %ge3A : i32
      %convert_element_type3A = arith.extui %ge3A_236 : i1 to i32
      %cond3A = arith.constant 0 : i32
      %cond3A_237 = arith.cmpi ne, %convert_element_type3A, %cond3A : i32
      scf.if %cond3A_237 {
        %dma_wait3A_461 = arith.constant 1 : i32
        %dma_wait3A_462 = arith.constant 0 : i32
        %dma_wait3A_463 = arith.constant 0 : i32
        %dma_wait3A_464 = tpu.memref_slice %arg11[%dma_wait3A_461, %dma_wait3A_462, %dma_wait3A_463] : memref<2x128x64xf32, #tpu.memory_space<vmem>> -> memref<1x128x64xf32, #tpu.memory_space<vmem>>
        %dma_wait3A_465 = tpu.memref_squeeze %dma_wait3A_464 : memref<1x128x64xf32, #tpu.memory_space<vmem>> -> memref<128x64xf32, #tpu.memory_space<vmem>>
        %dma_wait3A_466 = arith.constant 0 : i32
        %dma_wait3A_467 = arith.constant 0 : i32
        %dma_wait3A_468 = tpu.memref_slice %arg6[%dma_wait3A_466, %dma_wait3A_467] : memref<102400x128xf32, #tpu.memory_space<hbm>> -> memref<128x64xf32, #tpu.memory_space<hbm>>
        %dma_wait3A_469 = arith.constant 0 : i32
        %dma_wait3A_470 = arith.constant 0 : i32
        %dma_wait3A_471 = tpu.memref_slice %arg6[%dma_wait3A_469, %dma_wait3A_470] : memref<102400x128xf32, #tpu.memory_space<hbm>> -> memref<128x64xf32, #tpu.memory_space<hbm>>
        %dma_wait3A_472 = arith.constant 0 : i32
        %dma_wait3A_473 = arith.constant 0 : i32
        %dma_wait3A_474 = tpu.memref_slice %arg11[%dma_wait3A_461, %dma_wait3A_472, %dma_wait3A_473] : memref<2x128x64xf32, #tpu.memory_space<vmem>> -> memref<1x128x64xf32, #tpu.memory_space<vmem>>
        %dma_wait3A_475 = tpu.memref_squeeze %dma_wait3A_474 : memref<1x128x64xf32, #tpu.memory_space<vmem>> -> memref<128x64xf32, #tpu.memory_space<vmem>>
        tpu.wait_dma2 semaphore(%arg15 : memref<!tpu.dma_semaphore, #tpu.memory_space<semaphore_mem>>) src(%dma_wait3A_475 : memref<128x64xf32, #tpu.memory_space<vmem>>) dst(%dma_wait3A_471 : memref<128x64xf32, #tpu.memory_space<hbm>>)
        %dma_wait3A_476 = arith.constant 1 : i32
        %dma_wait3A_477 = arith.constant 0 : i32
        %dma_wait3A_478 = arith.constant 0 : i32
        %dma_wait3A_479 = tpu.memref_slice %arg10[%dma_wait3A_476, %dma_wait3A_477, %dma_wait3A_478] : memref<2x128x32xf32, #tpu.memory_space<vmem>> -> memref<1x128x32xf32, #tpu.memory_space<vmem>>
        %dma_wait3A_480 = tpu.memref_squeeze %dma_wait3A_479 : memref<1x128x32xf32, #tpu.memory_space<vmem>> -> memref<128x32xf32, #tpu.memory_space<vmem>>
        %dma_wait3A_481 = arith.constant 0 : i32
        %dma_wait3A_482 = arith.constant 64 : i32
        %dma_wait3A_483 = tpu.memref_slice %arg6[%dma_wait3A_481, %dma_wait3A_482] : memref<102400x128xf32, #tpu.memory_space<hbm>> -> memref<128x32xf32, #tpu.memory_space<hbm>>
        %dma_wait3A_484 = arith.constant 0 : i32
        %dma_wait3A_485 = arith.constant 64 : i32
        %dma_wait3A_486 = tpu.memref_slice %arg6[%dma_wait3A_484, %dma_wait3A_485] : memref<102400x128xf32, #tpu.memory_space<hbm>> -> memref<128x32xf32, #tpu.memory_space<hbm>>
        %dma_wait3A_487 = arith.constant 0 : i32
        %dma_wait3A_488 = arith.constant 0 : i32
        %dma_wait3A_489 = tpu.memref_slice %arg10[%dma_wait3A_476, %dma_wait3A_487, %dma_wait3A_488] : memref<2x128x32xf32, #tpu.memory_space<vmem>> -> memref<1x128x32xf32, #tpu.memory_space<vmem>>
        %dma_wait3A_490 = tpu.memref_squeeze %dma_wait3A_489 : memref<1x128x32xf32, #tpu.memory_space<vmem>> -> memref<128x32xf32, #tpu.memory_space<vmem>>
        tpu.wait_dma2 semaphore(%arg15 : memref<!tpu.dma_semaphore, #tpu.memory_space<semaphore_mem>>) src(%dma_wait3A_490 : memref<128x32xf32, #tpu.memory_space<vmem>>) dst(%dma_wait3A_486 : memref<128x32xf32, #tpu.memory_space<hbm>>)
      } else {
      }
      %add3A_238 = arith.constant 1 : i32
      %add3A_239 = arith.addi %add3A_235, %add3A_238 : i32
      %lt3A = arith.constant 25 : i32
      %lt3A_240 = arith.cmpi slt, %add3A_239, %lt3A : i32
      %convert_element_type3A_241 = arith.extui %lt3A_240 : i1 to i32
      %cond3A_242 = arith.constant 0 : i32
      %cond3A_243 = arith.cmpi ne, %convert_element_type3A_241, %cond3A_242 : i32
      scf.if %cond3A_243 {
        %add3A_461 = arith.constant 1 : i32
        %add3A_462 = arith.addi %add3A_235, %add3A_461 : i32
        %mul3A_463 = arith.constant 4 : i32
        %mul3A_464 = arith.muli %mul3A_463, %add3A_462 : i32
        %add3A_465 = arith.constant 0 : i32
        %add3A_466 = arith.addi %mul3A_464, %add3A_465 : i32
        %dma_start3A_467 = arith.constant 1 : i32
        %dma_start3A_468 = arith.constant 0 : i32
        %dma_start3A_469 = arith.constant 0 : i32
        %dma_start3A_470 = arith.constant 0 : i32
        %dma_start3A_471 = tpu.memref_slice %arg9[%dma_start3A_467, %dma_start3A_468, %dma_start3A_469, %dma_start3A_470] : memref<2x4x128x64xf32, #tpu.memory_space<vmem>> -> memref<1x1x128x64xf32, #tpu.memory_space<vmem>>
        %dma_start3A_472 = tpu.memref_squeeze %dma_start3A_471 : memref<1x1x128x64xf32, #tpu.memory_space<vmem>> -> memref<128x64xf32, #tpu.memory_space<vmem>>
        %dma_start3A_473 = arith.constant 0 : i32
        %dma_start3A_474 = tpu.memref_slice %arg7[%add3A_466, %dma_start3A_473] : memref<100x128xi32, #tpu.memory_space<vmem>> -> memref<1x128xi32, #tpu.memory_space<vmem>>
        %dma_start3A_475 = tpu.memref_squeeze %dma_start3A_474 : memref<1x128xi32, #tpu.memory_space<vmem>> -> memref<128xi32, #tpu.memory_space<vmem>>
        %dma_start3A_476 = arith.constant 0 : i32
        %dma_start3A_477 = arith.constant 0 : i32
        %dma_start3A_478 = tpu.memref_slice %arg2[%dma_start3A_476, %dma_start3A_477] : memref<1000000x64xf32, #tpu.memory_space<hbm>> -> memref<1000000x64xf32, #tpu.memory_space<hbm>>
        tpu.enqueue_indirect_dma source(%dma_start3A_478 : memref<1000000x64xf32, #tpu.memory_space<hbm>>) target(%dma_start3A_472 : memref<128x64xf32, #tpu.memory_space<vmem>>) offsets(%dma_start3A_475 : memref<128xi32, #tpu.memory_space<vmem>>) semaphore(%arg13 : memref<!tpu.dma_semaphore, #tpu.memory_space<semaphore_mem>>)
        %mul3A_479 = arith.constant 4 : i32
        %mul3A_480 = arith.muli %mul3A_479, %add3A_462 : i32
        %add3A_481 = arith.constant 1 : i32
        %add3A_482 = arith.addi %mul3A_480, %add3A_481 : i32
        %dma_start3A_483 = arith.constant 1 : i32
        %dma_start3A_484 = arith.constant 1 : i32
        %dma_start3A_485 = arith.constant 0 : i32
        %dma_start3A_486 = arith.constant 0 : i32
        %dma_start3A_487 = tpu.memref_slice %arg9[%dma_start3A_483, %dma_start3A_484, %dma_start3A_485, %dma_start3A_486] : memref<2x4x128x64xf32, #tpu.memory_space<vmem>> -> memref<1x1x128x64xf32, #tpu.memory_space<vmem>>
        %dma_start3A_488 = tpu.memref_squeeze %dma_start3A_487 : memref<1x1x128x64xf32, #tpu.memory_space<vmem>> -> memref<128x64xf32, #tpu.memory_space<vmem>>
        %dma_start3A_489 = arith.constant 0 : i32
        %dma_start3A_490 = tpu.memref_slice %arg7[%add3A_482, %dma_start3A_489] : memref<100x128xi32, #tpu.memory_space<vmem>> -> memref<1x128xi32, #tpu.memory_space<vmem>>
        %dma_start3A_491 = tpu.memref_squeeze %dma_start3A_490 : memref<1x128xi32, #tpu.memory_space<vmem>> -> memref<128xi32, #tpu.memory_space<vmem>>
        %dma_start3A_492 = arith.constant 0 : i32
        %dma_start3A_493 = arith.constant 0 : i32
        %dma_start3A_494 = tpu.memref_slice %arg2[%dma_start3A_492, %dma_start3A_493] : memref<1000000x64xf32, #tpu.memory_space<hbm>> -> memref<1000000x64xf32, #tpu.memory_space<hbm>>
        tpu.enqueue_indirect_dma source(%dma_start3A_494 : memref<1000000x64xf32, #tpu.memory_space<hbm>>) target(%dma_start3A_488 : memref<128x64xf32, #tpu.memory_space<vmem>>) offsets(%dma_start3A_491 : memref<128xi32, #tpu.memory_space<vmem>>) semaphore(%arg13 : memref<!tpu.dma_semaphore, #tpu.memory_space<semaphore_mem>>)
        %mul3A_495 = arith.constant 4 : i32
        %mul3A_496 = arith.muli %mul3A_495, %add3A_462 : i32
        %add3A_497 = arith.constant 2 : i32
        %add3A_498 = arith.addi %mul3A_496, %add3A_497 : i32
        %dma_start3A_499 = arith.constant 1 : i32
        %dma_start3A_500 = arith.constant 2 : i32
        %dma_start3A_501 = arith.constant 0 : i32
        %dma_start3A_502 = arith.constant 0 : i32
        %dma_start3A_503 = tpu.memref_slice %arg9[%dma_start3A_499, %dma_start3A_500, %dma_start3A_501, %dma_start3A_502] : memref<2x4x128x64xf32, #tpu.memory_space<vmem>> -> memref<1x1x128x64xf32, #tpu.memory_space<vmem>>
        %dma_start3A_504 = tpu.memref_squeeze %dma_start3A_503 : memref<1x1x128x64xf32, #tpu.memory_space<vmem>> -> memref<128x64xf32, #tpu.memory_space<vmem>>
        %dma_start3A_505 = arith.constant 0 : i32
        %dma_start3A_506 = tpu.memref_slice %arg7[%add3A_498, %dma_start3A_505] : memref<100x128xi32, #tpu.memory_space<vmem>> -> memref<1x128xi32, #tpu.memory_space<vmem>>
        %dma_start3A_507 = tpu.memref_squeeze %dma_start3A_506 : memref<1x128xi32, #tpu.memory_space<vmem>> -> memref<128xi32, #tpu.memory_space<vmem>>
        %dma_start3A_508 = arith.constant 0 : i32
        %dma_start3A_509 = arith.constant 0 : i32
        %dma_start3A_510 = tpu.memref_slice %arg2[%dma_start3A_508, %dma_start3A_509] : memref<1000000x64xf32, #tpu.memory_space<hbm>> -> memref<1000000x64xf32, #tpu.memory_space<hbm>>
        tpu.enqueue_indirect_dma source(%dma_start3A_510 : memref<1000000x64xf32, #tpu.memory_space<hbm>>) target(%dma_start3A_504 : memref<128x64xf32, #tpu.memory_space<vmem>>) offsets(%dma_start3A_507 : memref<128xi32, #tpu.memory_space<vmem>>) semaphore(%arg13 : memref<!tpu.dma_semaphore, #tpu.memory_space<semaphore_mem>>)
        %mul3A_511 = arith.constant 4 : i32
        %mul3A_512 = arith.muli %mul3A_511, %add3A_462 : i32
        %add3A_513 = arith.constant 3 : i32
        %add3A_514 = arith.addi %mul3A_512, %add3A_513 : i32
        %dma_start3A_515 = arith.constant 1 : i32
        %dma_start3A_516 = arith.constant 3 : i32
        %dma_start3A_517 = arith.constant 0 : i32
        %dma_start3A_518 = arith.constant 0 : i32
        %dma_start3A_519 = tpu.memref_slice %arg9[%dma_start3A_515, %dma_start3A_516, %dma_start3A_517, %dma_start3A_518] : memref<2x4x128x64xf32, #tpu.memory_space<vmem>> -> memref<1x1x128x64xf32, #tpu.memory_space<vmem>>
        %dma_start3A_520 = tpu.memref_squeeze %dma_start3A_519 : memref<1x1x128x64xf32, #tpu.memory_space<vmem>> -> memref<128x64xf32, #tpu.memory_space<vmem>>
        %dma_start3A_521 = arith.constant 0 : i32
        %dma_start3A_522 = tpu.memref_slice %arg7[%add3A_514, %dma_start3A_521] : memref<100x128xi32, #tpu.memory_space<vmem>> -> memref<1x128xi32, #tpu.memory_space<vmem>>
        %dma_start3A_523 = tpu.memref_squeeze %dma_start3A_522 : memref<1x128xi32, #tpu.memory_space<vmem>> -> memref<128xi32, #tpu.memory_space<vmem>>
        %dma_start3A_524 = arith.constant 0 : i32
        %dma_start3A_525 = arith.constant 0 : i32
        %dma_start3A_526 = tpu.memref_slice %arg2[%dma_start3A_524, %dma_start3A_525] : memref<1000000x64xf32, #tpu.memory_space<hbm>> -> memref<1000000x64xf32, #tpu.memory_space<hbm>>
        tpu.enqueue_indirect_dma source(%dma_start3A_526 : memref<1000000x64xf32, #tpu.memory_space<hbm>>) target(%dma_start3A_520 : memref<128x64xf32, #tpu.memory_space<vmem>>) offsets(%dma_start3A_523 : memref<128xi32, #tpu.memory_space<vmem>>) semaphore(%arg13 : memref<!tpu.dma_semaphore, #tpu.memory_space<semaphore_mem>>)
        %dma_start3A_527 = arith.constant 1 : i32
        %dma_start3A_528 = arith.constant 0 : i32
        %dma_start3A_529 = arith.constant 0 : i32
        %dma_start3A_530 = tpu.memref_slice %arg10[%dma_start3A_527, %dma_start3A_528, %dma_start3A_529] : memref<2x128x32xf32, #tpu.memory_space<vmem>> -> memref<1x128x32xf32, #tpu.memory_space<vmem>>
        %dma_start3A_531 = tpu.memref_squeeze %dma_start3A_530 : memref<1x128x32xf32, #tpu.memory_space<vmem>> -> memref<128x32xf32, #tpu.memory_space<vmem>>
        %dma_start3A_532 = arith.constant 0 : i32
        %dma_start3A_533 = tpu.memref_slice %arg8[%add3A_462, %dma_start3A_532] : memref<25x128xi32, #tpu.memory_space<vmem>> -> memref<1x128xi32, #tpu.memory_space<vmem>>
        %dma_start3A_534 = tpu.memref_squeeze %dma_start3A_533 : memref<1x128xi32, #tpu.memory_space<vmem>> -> memref<128xi32, #tpu.memory_space<vmem>>
        %dma_start3A_535 = arith.constant 0 : i32
        %dma_start3A_536 = arith.constant 0 : i32
        %dma_start3A_537 = tpu.memref_slice %arg3[%dma_start3A_535, %dma_start3A_536] : memref<100000x32xf32, #tpu.memory_space<hbm>> -> memref<100000x32xf32, #tpu.memory_space<hbm>>
        tpu.enqueue_indirect_dma source(%dma_start3A_537 : memref<100000x32xf32, #tpu.memory_space<hbm>>) target(%dma_start3A_531 : memref<128x32xf32, #tpu.memory_space<vmem>>) offsets(%dma_start3A_534 : memref<128xi32, #tpu.memory_space<vmem>>) semaphore(%arg13 : memref<!tpu.dma_semaphore, #tpu.memory_space<semaphore_mem>>)
      } else {
      }
      %dma_wait3A_244 = arith.constant 0 : i32
      %dma_wait3A_245 = arith.constant 0 : i32
      %dma_wait3A_246 = arith.constant 0 : i32
      %dma_wait3A_247 = arith.constant 0 : i32
      %dma_wait3A_248 = arith.constant 0 : i32
      %dma_wait3A_249 = tpu.memref_slice %arg9[%dma_wait3A_245, %dma_wait3A_246, %dma_wait3A_247, %dma_wait3A_248] : memref<2x4x128x64xf32, #tpu.memory_space<vmem>> -> memref<1x1x128x64xf32, #tpu.memory_space<vmem>>
      %dma_wait3A_250 = tpu.memref_squeeze %dma_wait3A_249 : memref<1x1x128x64xf32, #tpu.memory_space<vmem>> -> memref<128x64xf32, #tpu.memory_space<vmem>>
      %dma_wait3A_251 = arith.constant 0 : i32
      %dma_wait3A_252 = tpu.memref_slice %arg7[%dma_wait3A_244, %dma_wait3A_251] : memref<100x128xi32, #tpu.memory_space<vmem>> -> memref<1x128xi32, #tpu.memory_space<vmem>>
      %dma_wait3A_253 = tpu.memref_squeeze %dma_wait3A_252 : memref<1x128xi32, #tpu.memory_space<vmem>> -> memref<128xi32, #tpu.memory_space<vmem>>
      %dma_wait3A_254 = arith.constant 0 : i32
      %dma_wait3A_255 = arith.constant 0 : i32
      %dma_wait3A_256 = tpu.memref_slice %arg2[%dma_wait3A_254, %dma_wait3A_255] : memref<1000000x64xf32, #tpu.memory_space<hbm>> -> memref<1000000x64xf32, #tpu.memory_space<hbm>>
      tpu.wait_indirect_dma semaphore(%arg12 : memref<!tpu.dma_semaphore, #tpu.memory_space<semaphore_mem>>) src(%dma_wait3A_256 : memref<1000000x64xf32, #tpu.memory_space<hbm>>) dst(%dma_wait3A_250 : memref<128x64xf32, #tpu.memory_space<vmem>>)
      %dma_wait3A_257 = arith.constant 0 : i32
      %dma_wait3A_258 = arith.constant 0 : i32
      %dma_wait3A_259 = arith.constant 1 : i32
      %dma_wait3A_260 = arith.constant 0 : i32
      %dma_wait3A_261 = arith.constant 0 : i32
      %dma_wait3A_262 = tpu.memref_slice %arg9[%dma_wait3A_258, %dma_wait3A_259, %dma_wait3A_260, %dma_wait3A_261] : memref<2x4x128x64xf32, #tpu.memory_space<vmem>> -> memref<1x1x128x64xf32, #tpu.memory_space<vmem>>
      %dma_wait3A_263 = tpu.memref_squeeze %dma_wait3A_262 : memref<1x1x128x64xf32, #tpu.memory_space<vmem>> -> memref<128x64xf32, #tpu.memory_space<vmem>>
      %dma_wait3A_264 = arith.constant 0 : i32
      %dma_wait3A_265 = tpu.memref_slice %arg7[%dma_wait3A_257, %dma_wait3A_264] : memref<100x128xi32, #tpu.memory_space<vmem>> -> memref<1x128xi32, #tpu.memory_space<vmem>>
      %dma_wait3A_266 = tpu.memref_squeeze %dma_wait3A_265 : memref<1x128xi32, #tpu.memory_space<vmem>> -> memref<128xi32, #tpu.memory_space<vmem>>
      %dma_wait3A_267 = arith.constant 0 : i32
      %dma_wait3A_268 = arith.constant 0 : i32
      %dma_wait3A_269 = tpu.memref_slice %arg2[%dma_wait3A_267, %dma_wait3A_268] : memref<1000000x64xf32, #tpu.memory_space<hbm>> -> memref<1000000x64xf32, #tpu.memory_space<hbm>>
      tpu.wait_indirect_dma semaphore(%arg12 : memref<!tpu.dma_semaphore, #tpu.memory_space<semaphore_mem>>) src(%dma_wait3A_269 : memref<1000000x64xf32, #tpu.memory_space<hbm>>) dst(%dma_wait3A_263 : memref<128x64xf32, #tpu.memory_space<vmem>>)
      %dma_wait3A_270 = arith.constant 0 : i32
      %dma_wait3A_271 = arith.constant 0 : i32
      %dma_wait3A_272 = arith.constant 2 : i32
      %dma_wait3A_273 = arith.constant 0 : i32
      %dma_wait3A_274 = arith.constant 0 : i32
      %dma_wait3A_275 = tpu.memref_slice %arg9[%dma_wait3A_271, %dma_wait3A_272, %dma_wait3A_273, %dma_wait3A_274] : memref<2x4x128x64xf32, #tpu.memory_space<vmem>> -> memref<1x1x128x64xf32, #tpu.memory_space<vmem>>
      %dma_wait3A_276 = tpu.memref_squeeze %dma_wait3A_275 : memref<1x1x128x64xf32, #tpu.memory_space<vmem>> -> memref<128x64xf32, #tpu.memory_space<vmem>>
      %dma_wait3A_277 = arith.constant 0 : i32
      %dma_wait3A_278 = tpu.memref_slice %arg7[%dma_wait3A_270, %dma_wait3A_277] : memref<100x128xi32, #tpu.memory_space<vmem>> -> memref<1x128xi32, #tpu.memory_space<vmem>>
      %dma_wait3A_279 = tpu.memref_squeeze %dma_wait3A_278 : memref<1x128xi32, #tpu.memory_space<vmem>> -> memref<128xi32, #tpu.memory_space<vmem>>
      %dma_wait3A_280 = arith.constant 0 : i32
      %dma_wait3A_281 = arith.constant 0 : i32
      %dma_wait3A_282 = tpu.memref_slice %arg2[%dma_wait3A_280, %dma_wait3A_281] : memref<1000000x64xf32, #tpu.memory_space<hbm>> -> memref<1000000x64xf32, #tpu.memory_space<hbm>>
      tpu.wait_indirect_dma semaphore(%arg12 : memref<!tpu.dma_semaphore, #tpu.memory_space<semaphore_mem>>) src(%dma_wait3A_282 : memref<1000000x64xf32, #tpu.memory_space<hbm>>) dst(%dma_wait3A_276 : memref<128x64xf32, #tpu.memory_space<vmem>>)
      %dma_wait3A_283 = arith.constant 0 : i32
      %dma_wait3A_284 = arith.constant 0 : i32
      %dma_wait3A_285 = arith.constant 3 : i32
      %dma_wait3A_286 = arith.constant 0 : i32
      %dma_wait3A_287 = arith.constant 0 : i32
      %dma_wait3A_288 = tpu.memref_slice %arg9[%dma_wait3A_284, %dma_wait3A_285, %dma_wait3A_286, %dma_wait3A_287] : memref<2x4x128x64xf32, #tpu.memory_space<vmem>> -> memref<1x1x128x64xf32, #tpu.memory_space<vmem>>
      %dma_wait3A_289 = tpu.memref_squeeze %dma_wait3A_288 : memref<1x1x128x64xf32, #tpu.memory_space<vmem>> -> memref<128x64xf32, #tpu.memory_space<vmem>>
      %dma_wait3A_290 = arith.constant 0 : i32
      %dma_wait3A_291 = tpu.memref_slice %arg7[%dma_wait3A_283, %dma_wait3A_290] : memref<100x128xi32, #tpu.memory_space<vmem>> -> memref<1x128xi32, #tpu.memory_space<vmem>>
      %dma_wait3A_292 = tpu.memref_squeeze %dma_wait3A_291 : memref<1x128xi32, #tpu.memory_space<vmem>> -> memref<128xi32, #tpu.memory_space<vmem>>
      %dma_wait3A_293 = arith.constant 0 : i32
      %dma_wait3A_294 = arith.constant 0 : i32
      %dma_wait3A_295 = tpu.memref_slice %arg2[%dma_wait3A_293, %dma_wait3A_294] : memref<1000000x64xf32, #tpu.memory_space<hbm>> -> memref<1000000x64xf32, #tpu.memory_space<hbm>>
      tpu.wait_indirect_dma semaphore(%arg12 : memref<!tpu.dma_semaphore, #tpu.memory_space<semaphore_mem>>) src(%dma_wait3A_295 : memref<1000000x64xf32, #tpu.memory_space<hbm>>) dst(%dma_wait3A_289 : memref<128x64xf32, #tpu.memory_space<vmem>>)
      %dma_wait3A_296 = arith.constant 0 : i32
      %dma_wait3A_297 = arith.constant 0 : i32
      %dma_wait3A_298 = arith.constant 0 : i32
      %dma_wait3A_299 = arith.constant 0 : i32
      %dma_wait3A_300 = tpu.memref_slice %arg10[%dma_wait3A_297, %dma_wait3A_298, %dma_wait3A_299] : memref<2x128x32xf32, #tpu.memory_space<vmem>> -> memref<1x128x32xf32, #tpu.memory_space<vmem>>
      %dma_wait3A_301 = tpu.memref_squeeze %dma_wait3A_300 : memref<1x128x32xf32, #tpu.memory_space<vmem>> -> memref<128x32xf32, #tpu.memory_space<vmem>>
      %dma_wait3A_302 = arith.constant 0 : i32
      %dma_wait3A_303 = tpu.memref_slice %arg8[%dma_wait3A_296, %dma_wait3A_302] : memref<25x128xi32, #tpu.memory_space<vmem>> -> memref<1x128xi32, #tpu.memory_space<vmem>>
      %dma_wait3A_304 = tpu.memref_squeeze %dma_wait3A_303 : memref<1x128xi32, #tpu.memory_space<vmem>> -> memref<128xi32, #tpu.memory_space<vmem>>
      %dma_wait3A_305 = arith.constant 0 : i32
      %dma_wait3A_306 = arith.constant 0 : i32
      %dma_wait3A_307 = tpu.memref_slice %arg3[%dma_wait3A_305, %dma_wait3A_306] : memref<100000x32xf32, #tpu.memory_space<hbm>> -> memref<100000x32xf32, #tpu.memory_space<hbm>>
      tpu.wait_indirect_dma semaphore(%arg12 : memref<!tpu.dma_semaphore, #tpu.memory_space<semaphore_mem>>) src(%dma_wait3A_307 : memref<100000x32xf32, #tpu.memory_space<hbm>>) dst(%dma_wait3A_301 : memref<128x32xf32, #tpu.memory_space<vmem>>)
      %scan3A_308 = arith.constant 0 : i32
      %scan3A_309 = arith.constant 0 : i32
      %scan3A_310 = arith.constant 128 : i32
      %scan3A_311 = arith.addi %scan3A_309, %scan3A_310 : i32
      %scan3A_312 = arith.constant 1 : i32
      %scan3A_313 = scf.for %scan3A_461 = %scan3A_309 to %scan3A_311 step %scan3A_312 iter_args(%scan3A_462 = %scan3A_308) -> (i32)  : i32 {
        %get3A = arith.constant 0 : i32
        %get3A_463 = arith.constant 0 : i32
        %get3A_464 = arith.index_cast %get3A : i32 to index
        %get3A_465 = arith.index_cast %get3A_463 : i32 to index
        %get3A_466 = arith.index_cast %scan3A_461 : i32 to index
        %get3A_467 = arith.constant 0 : index
        %get3A_468 = tpu.vector_load %arg9[%get3A_464, %get3A_465, %get3A_466, %get3A_467] {strides = array<i32>} : memref<2x4x128x64xf32, #tpu.memory_space<vmem>>, vector<1x1x1x16xf32>,
        %get3A_469 = vector.shape_cast %get3A_468 : vector<1x1x1x16xf32> to vector<16xf32>
        %get3A_470 = arith.constant 0 : i32
        %get3A_471 = arith.constant 1 : i32
        %get3A_472 = arith.index_cast %get3A_470 : i32 to index
        %get3A_473 = arith.index_cast %get3A_471 : i32 to index
        %get3A_474 = arith.index_cast %scan3A_461 : i32 to index
        %get3A_475 = arith.constant 0 : index
        %get3A_476 = tpu.vector_load %arg9[%get3A_472, %get3A_473, %get3A_474, %get3A_475] {strides = array<i32>} : memref<2x4x128x64xf32, #tpu.memory_space<vmem>>, vector<1x1x1x16xf32>,
        %get3A_477 = vector.shape_cast %get3A_476 : vector<1x1x1x16xf32> to vector<16xf32>
        %add3A_478 = arith.addf %get3A_469, %get3A_477 : vector<16xf32>
        %get3A_479 = arith.constant 0 : i32
        %get3A_480 = arith.constant 2 : i32
        %get3A_481 = arith.index_cast %get3A_479 : i32 to index
        %get3A_482 = arith.index_cast %get3A_480 : i32 to index
        %get3A_483 = arith.index_cast %scan3A_461 : i32 to index
        %get3A_484 = arith.constant 0 : index
        %get3A_485 = tpu.vector_load %arg9[%get3A_481, %get3A_482, %get3A_483, %get3A_484] {strides = array<i32>} : memref<2x4x128x64xf32, #tpu.memory_space<vmem>>, vector<1x1x1x16xf32>,
        %get3A_486 = vector.shape_cast %get3A_485 : vector<1x1x1x16xf32> to vector<16xf32>
        %add3A_487 = arith.addf %add3A_478, %get3A_486 : vector<16xf32>
        %get3A_488 = arith.constant 0 : i32
        %get3A_489 = arith.constant 3 : i32
        %get3A_490 = arith.index_cast %get3A_488 : i32 to index
        %get3A_491 = arith.index_cast %get3A_489 : i32 to index
        %get3A_492 = arith.index_cast %scan3A_461 : i32 to index
        %get3A_493 = arith.constant 0 : index
        %get3A_494 = tpu.vector_load %arg9[%get3A_490, %get3A_491, %get3A_492, %get3A_493] {strides = array<i32>} : memref<2x4x128x64xf32, #tpu.memory_space<vmem>>, vector<1x1x1x16xf32>,
        %get3A_495 = vector.shape_cast %get3A_494 : vector<1x1x1x16xf32> to vector<16xf32>
        %add3A_496 = arith.addf %add3A_487, %get3A_495 : vector<16xf32>
        %swap3A = arith.constant 0 : i32
        %swap3A_497 = arith.index_cast %swap3A : i32 to index
        %swap3A_498 = arith.index_cast %scan3A_461 : i32 to index
        %swap3A_499 = arith.constant 0 : index
        %swap3A_500 = tpu.vector_load %arg11[%swap3A_497, %swap3A_498, %swap3A_499] {strides = array<i32>} : memref<2x128x64xf32, #tpu.memory_space<vmem>>, vector<1x1x16xf32>,
        %swap3A_501 = vector.shape_cast %swap3A_500 : vector<1x1x16xf32> to vector<16xf32>
        %swap3A_502 = vector.shape_cast %add3A_496 : vector<16xf32> to vector<1x1x16xf32>
        tpu.vector_store %arg11[%swap3A_497, %swap3A_498, %swap3A_499], %swap3A_502 {strides = array<i32>} : memref<2x128x64xf32, #tpu.memory_space<vmem>>, vector<1x1x16xf32>,
        %get3A_503 = arith.constant 0 : i32
        %get3A_504 = arith.constant 0 : i32
        %get3A_505 = arith.index_cast %get3A_503 : i32 to index
        %get3A_506 = arith.index_cast %get3A_504 : i32 to index
        %get3A_507 = arith.index_cast %scan3A_461 : i32 to index
        %get3A_508 = arith.constant 16 : index
        %get3A_509 = tpu.vector_load %arg9[%get3A_505, %get3A_506, %get3A_507, %get3A_508] {strides = array<i32>} : memref<2x4x128x64xf32, #tpu.memory_space<vmem>>, vector<1x1x1x16xf32>,
        %get3A_510 = vector.shape_cast %get3A_509 : vector<1x1x1x16xf32> to vector<16xf32>
        %get3A_511 = arith.constant 0 : i32
        %get3A_512 = arith.constant 1 : i32
        %get3A_513 = arith.index_cast %get3A_511 : i32 to index
        %get3A_514 = arith.index_cast %get3A_512 : i32 to index
        %get3A_515 = arith.index_cast %scan3A_461 : i32 to index
        %get3A_516 = arith.constant 16 : index
        %get3A_517 = tpu.vector_load %arg9[%get3A_513, %get3A_514, %get3A_515, %get3A_516] {strides = array<i32>} : memref<2x4x128x64xf32, #tpu.memory_space<vmem>>, vector<1x1x1x16xf32>,
        %get3A_518 = vector.shape_cast %get3A_517 : vector<1x1x1x16xf32> to vector<16xf32>
        %add3A_519 = arith.addf %get3A_510, %get3A_518 : vector<16xf32>
        %get3A_520 = arith.constant 0 : i32
        %get3A_521 = arith.constant 2 : i32
        %get3A_522 = arith.index_cast %get3A_520 : i32 to index
        %get3A_523 = arith.index_cast %get3A_521 : i32 to index
        %get3A_524 = arith.index_cast %scan3A_461 : i32 to index
        %get3A_525 = arith.constant 16 : index
        %get3A_526 = tpu.vector_load %arg9[%get3A_522, %get3A_523, %get3A_524, %get3A_525] {strides = array<i32>} : memref<2x4x128x64xf32, #tpu.memory_space<vmem>>, vector<1x1x1x16xf32>,
        %get3A_527 = vector.shape_cast %get3A_526 : vector<1x1x1x16xf32> to vector<16xf32>
        %add3A_528 = arith.addf %add3A_519, %get3A_527 : vector<16xf32>
        %get3A_529 = arith.constant 0 : i32
        %get3A_530 = arith.constant 3 : i32
        %get3A_531 = arith.index_cast %get3A_529 : i32 to index
        %get3A_532 = arith.index_cast %get3A_530 : i32 to index
        %get3A_533 = arith.index_cast %scan3A_461 : i32 to index
        %get3A_534 = arith.constant 16 : index
        %get3A_535 = tpu.vector_load %arg9[%get3A_531, %get3A_532, %get3A_533, %get3A_534] {strides = array<i32>} : memref<2x4x128x64xf32, #tpu.memory_space<vmem>>, vector<1x1x1x16xf32>,
        %get3A_536 = vector.shape_cast %get3A_535 : vector<1x1x1x16xf32> to vector<16xf32>
        %add3A_537 = arith.addf %add3A_528, %get3A_536 : vector<16xf32>
        %swap3A_538 = arith.constant 0 : i32
        %swap3A_539 = arith.index_cast %swap3A_538 : i32 to index
        %swap3A_540 = arith.index_cast %scan3A_461 : i32 to index
        %swap3A_541 = arith.constant 16 : index
        %swap3A_542 = tpu.vector_load %arg11[%swap3A_539, %swap3A_540, %swap3A_541] {strides = array<i32>} : memref<2x128x64xf32, #tpu.memory_space<vmem>>, vector<1x1x16xf32>,
        %swap3A_543 = vector.shape_cast %swap3A_542 : vector<1x1x16xf32> to vector<16xf32>
        %swap3A_544 = vector.shape_cast %add3A_537 : vector<16xf32> to vector<1x1x16xf32>
        tpu.vector_store %arg11[%swap3A_539, %swap3A_540, %swap3A_541], %swap3A_544 {strides = array<i32>} : memref<2x128x64xf32, #tpu.memory_space<vmem>>, vector<1x1x16xf32>,
        %get3A_545 = arith.constant 0 : i32
        %get3A_546 = arith.constant 0 : i32
        %get3A_547 = arith.index_cast %get3A_545 : i32 to index
        %get3A_548 = arith.index_cast %get3A_546 : i32 to index
        %get3A_549 = arith.index_cast %scan3A_461 : i32 to index
        %get3A_550 = arith.constant 32 : index
        %get3A_551 = tpu.vector_load %arg9[%get3A_547, %get3A_548, %get3A_549, %get3A_550] {strides = array<i32>} : memref<2x4x128x64xf32, #tpu.memory_space<vmem>>, vector<1x1x1x16xf32>,
        %get3A_552 = vector.shape_cast %get3A_551 : vector<1x1x1x16xf32> to vector<16xf32>
        %get3A_553 = arith.constant 0 : i32
        %get3A_554 = arith.constant 1 : i32
        %get3A_555 = arith.index_cast %get3A_553 : i32 to index
        %get3A_556 = arith.index_cast %get3A_554 : i32 to index
        %get3A_557 = arith.index_cast %scan3A_461 : i32 to index
        %get3A_558 = arith.constant 32 : index
        %get3A_559 = tpu.vector_load %arg9[%get3A_555, %get3A_556, %get3A_557, %get3A_558] {strides = array<i32>} : memref<2x4x128x64xf32, #tpu.memory_space<vmem>>, vector<1x1x1x16xf32>,
        %get3A_560 = vector.shape_cast %get3A_559 : vector<1x1x1x16xf32> to vector<16xf32>
        %add3A_561 = arith.addf %get3A_552, %get3A_560 : vector<16xf32>
        %get3A_562 = arith.constant 0 : i32
        %get3A_563 = arith.constant 2 : i32
        %get3A_564 = arith.index_cast %get3A_562 : i32 to index
        %get3A_565 = arith.index_cast %get3A_563 : i32 to index
        %get3A_566 = arith.index_cast %scan3A_461 : i32 to index
        %get3A_567 = arith.constant 32 : index
        %get3A_568 = tpu.vector_load %arg9[%get3A_564, %get3A_565, %get3A_566, %get3A_567] {strides = array<i32>} : memref<2x4x128x64xf32, #tpu.memory_space<vmem>>, vector<1x1x1x16xf32>,
        %get3A_569 = vector.shape_cast %get3A_568 : vector<1x1x1x16xf32> to vector<16xf32>
        %add3A_570 = arith.addf %add3A_561, %get3A_569 : vector<16xf32>
        %get3A_571 = arith.constant 0 : i32
        %get3A_572 = arith.constant 3 : i32
        %get3A_573 = arith.index_cast %get3A_571 : i32 to index
        %get3A_574 = arith.index_cast %get3A_572 : i32 to index
        %get3A_575 = arith.index_cast %scan3A_461 : i32 to index
        %get3A_576 = arith.constant 32 : index
        %get3A_577 = tpu.vector_load %arg9[%get3A_573, %get3A_574, %get3A_575, %get3A_576] {strides = array<i32>} : memref<2x4x128x64xf32, #tpu.memory_space<vmem>>, vector<1x1x1x16xf32>,
        %get3A_578 = vector.shape_cast %get3A_577 : vector<1x1x1x16xf32> to vector<16xf32>
        %add3A_579 = arith.addf %add3A_570, %get3A_578 : vector<16xf32>
        %swap3A_580 = arith.constant 0 : i32
        %swap3A_581 = arith.index_cast %swap3A_580 : i32 to index
        %swap3A_582 = arith.index_cast %scan3A_461 : i32 to index
        %swap3A_583 = arith.constant 32 : index
        %swap3A_584 = tpu.vector_load %arg11[%swap3A_581, %swap3A_582, %swap3A_583] {strides = array<i32>} : memref<2x128x64xf32, #tpu.memory_space<vmem>>, vector<1x1x16xf32>,
        %swap3A_585 = vector.shape_cast %swap3A_584 : vector<1x1x16xf32> to vector<16xf32>
        %swap3A_586 = vector.shape_cast %add3A_579 : vector<16xf32> to vector<1x1x16xf32>
        tpu.vector_store %arg11[%swap3A_581, %swap3A_582, %swap3A_583], %swap3A_586 {strides = array<i32>} : memref<2x128x64xf32, #tpu.memory_space<vmem>>, vector<1x1x16xf32>,
        %get3A_587 = arith.constant 0 : i32
        %get3A_588 = arith.constant 0 : i32
        %get3A_589 = arith.index_cast %get3A_587 : i32 to index
        %get3A_590 = arith.index_cast %get3A_588 : i32 to index
        %get3A_591 = arith.index_cast %scan3A_461 : i32 to index
        %get3A_592 = arith.constant 48 : index
        %get3A_593 = tpu.vector_load %arg9[%get3A_589, %get3A_590, %get3A_591, %get3A_592] {strides = array<i32>} : memref<2x4x128x64xf32, #tpu.memory_space<vmem>>, vector<1x1x1x16xf32>,
        %get3A_594 = vector.shape_cast %get3A_593 : vector<1x1x1x16xf32> to vector<16xf32>
        %get3A_595 = arith.constant 0 : i32
        %get3A_596 = arith.constant 1 : i32
        %get3A_597 = arith.index_cast %get3A_595 : i32 to index
        %get3A_598 = arith.index_cast %get3A_596 : i32 to index
        %get3A_599 = arith.index_cast %scan3A_461 : i32 to index
        %get3A_600 = arith.constant 48 : index
        %get3A_601 = tpu.vector_load %arg9[%get3A_597, %get3A_598, %get3A_599, %get3A_600] {strides = array<i32>} : memref<2x4x128x64xf32, #tpu.memory_space<vmem>>, vector<1x1x1x16xf32>,
        %get3A_602 = vector.shape_cast %get3A_601 : vector<1x1x1x16xf32> to vector<16xf32>
        %add3A_603 = arith.addf %get3A_594, %get3A_602 : vector<16xf32>
        %get3A_604 = arith.constant 0 : i32
        %get3A_605 = arith.constant 2 : i32
        %get3A_606 = arith.index_cast %get3A_604 : i32 to index
        %get3A_607 = arith.index_cast %get3A_605 : i32 to index
        %get3A_608 = arith.index_cast %scan3A_461 : i32 to index
        %get3A_609 = arith.constant 48 : index
        %get3A_610 = tpu.vector_load %arg9[%get3A_606, %get3A_607, %get3A_608, %get3A_609] {strides = array<i32>} : memref<2x4x128x64xf32, #tpu.memory_space<vmem>>, vector<1x1x1x16xf32>,
        %get3A_611 = vector.shape_cast %get3A_610 : vector<1x1x1x16xf32> to vector<16xf32>
        %add3A_612 = arith.addf %add3A_603, %get3A_611 : vector<16xf32>
        %get3A_613 = arith.constant 0 : i32
        %get3A_614 = arith.constant 3 : i32
        %get3A_615 = arith.index_cast %get3A_613 : i32 to index
        %get3A_616 = arith.index_cast %get3A_614 : i32 to index
        %get3A_617 = arith.index_cast %scan3A_461 : i32 to index
        %get3A_618 = arith.constant 48 : index
        %get3A_619 = tpu.vector_load %arg9[%get3A_615, %get3A_616, %get3A_617, %get3A_618] {strides = array<i32>} : memref<2x4x128x64xf32, #tpu.memory_space<vmem>>, vector<1x1x1x16xf32>,
        %get3A_620 = vector.shape_cast %get3A_619 : vector<1x1x1x16xf32> to vector<16xf32>
        %add3A_621 = arith.addf %add3A_612, %get3A_620 : vector<16xf32>
        %swap3A_622 = arith.constant 0 : i32
        %swap3A_623 = arith.index_cast %swap3A_622 : i32 to index
        %swap3A_624 = arith.index_cast %scan3A_461 : i32 to index
        %swap3A_625 = arith.constant 48 : index
        %swap3A_626 = tpu.vector_load %arg11[%swap3A_623, %swap3A_624, %swap3A_625] {strides = array<i32>} : memref<2x128x64xf32, #tpu.memory_space<vmem>>, vector<1x1x16xf32>,
        %swap3A_627 = vector.shape_cast %swap3A_626 : vector<1x1x16xf32> to vector<16xf32>
        %swap3A_628 = vector.shape_cast %add3A_621 : vector<16xf32> to vector<1x1x16xf32>
        tpu.vector_store %arg11[%swap3A_623, %swap3A_624, %swap3A_625], %swap3A_628 {strides = array<i32>} : memref<2x128x64xf32, #tpu.memory_space<vmem>>, vector<1x1x16xf32>,
        %scan3A_629 = arith.constant 0 : i32
        scf.yield %scan3A_629 : i32
      }
      %scan3A_314 = arith.constant 128 : i32
      %mul3A_315 = arith.constant 128 : i32
      %mul3A_316 = arith.muli %add3A_235, %mul3A_315 : i32
      %add3A_317 = arith.addi %mul3A_2, %mul3A_316 : i32
      %dma_start3A_318 = arith.constant 0 : i32
      %dma_start3A_319 = arith.constant 0 : i32
      %dma_start3A_320 = arith.constant 0 : i32
      %dma_start3A_321 = tpu.memref_slice %arg11[%dma_start3A_318, %dma_start3A_319, %dma_start3A_320] : memref<2x128x64xf32, #tpu.memory_space<vmem>> -> memref<1x128x64xf32, #tpu.memory_space<vmem>>
      %dma_start3A_322 = tpu.memref_squeeze %dma_start3A_321 : memref<1x128x64xf32, #tpu.memory_space<vmem>> -> memref<128x64xf32, #tpu.memory_space<vmem>>
      %dma_start3A_323 = arith.constant 0 : i32
      %dma_start3A_324 = tpu.memref_slice %arg6[%add3A_317, %dma_start3A_323] : memref<102400x128xf32, #tpu.memory_space<hbm>> -> memref<128x64xf32, #tpu.memory_space<hbm>>
      %dma_start3A_325 = arith.constant 0 : i32
      %dma_start3A_326 = tpu.memref_slice %arg6[%add3A_317, %dma_start3A_325] : memref<102400x128xf32, #tpu.memory_space<hbm>> -> memref<128x64xf32, #tpu.memory_space<hbm>>
      %dma_start3A_327 = arith.constant 0 : i32
      %dma_start3A_328 = arith.constant 0 : i32
      %dma_start3A_329 = tpu.memref_slice %arg11[%dma_start3A_318, %dma_start3A_327, %dma_start3A_328] : memref<2x128x64xf32, #tpu.memory_space<vmem>> -> memref<1x128x64xf32, #tpu.memory_space<vmem>>
      %dma_start3A_330 = tpu.memref_squeeze %dma_start3A_329 : memref<1x128x64xf32, #tpu.memory_space<vmem>> -> memref<128x64xf32, #tpu.memory_space<vmem>>
      tpu.enqueue_dma source(%dma_start3A_330 : memref<128x64xf32, #tpu.memory_space<vmem>>) target(%dma_start3A_326 : memref<128x64xf32, #tpu.memory_space<hbm>>) target_semaphore(%arg14 : memref<!tpu.dma_semaphore, #tpu.memory_space<semaphore_mem>>)
      %dma_start3A_331 = arith.constant 0 : i32
      %dma_start3A_332 = arith.constant 0 : i32
      %dma_start3A_333 = arith.constant 0 : i32
      %dma_start3A_334 = tpu.memref_slice %arg10[%dma_start3A_331, %dma_start3A_332, %dma_start3A_333] : memref<2x128x32xf32, #tpu.memory_space<vmem>> -> memref<1x128x32xf32, #tpu.memory_space<vmem>>
      %dma_start3A_335 = tpu.memref_squeeze %dma_start3A_334 : memref<1x128x32xf32, #tpu.memory_space<vmem>> -> memref<128x32xf32, #tpu.memory_space<vmem>>
      %dma_start3A_336 = arith.constant 64 : i32
      %dma_start3A_337 = tpu.memref_slice %arg6[%add3A_317, %dma_start3A_336] : memref<102400x128xf32, #tpu.memory_space<hbm>> -> memref<128x32xf32, #tpu.memory_space<hbm>>
      %dma_start3A_338 = arith.constant 64 : i32
      %dma_start3A_339 = tpu.memref_slice %arg6[%add3A_317, %dma_start3A_338] : memref<102400x128xf32, #tpu.memory_space<hbm>> -> memref<128x32xf32, #tpu.memory_space<hbm>>
      %dma_start3A_340 = arith.constant 0 : i32
      %dma_start3A_341 = arith.constant 0 : i32
      %dma_start3A_342 = tpu.memref_slice %arg10[%dma_start3A_331, %dma_start3A_340, %dma_start3A_341] : memref<2x128x32xf32, #tpu.memory_space<vmem>> -> memref<1x128x32xf32, #tpu.memory_space<vmem>>
      %dma_start3A_343 = tpu.memref_squeeze %dma_start3A_342 : memref<1x128x32xf32, #tpu.memory_space<vmem>> -> memref<128x32xf32, #tpu.memory_space<vmem>>
      tpu.enqueue_dma source(%dma_start3A_343 : memref<128x32xf32, #tpu.memory_space<vmem>>) target(%dma_start3A_339 : memref<128x32xf32, #tpu.memory_space<hbm>>) target_semaphore(%arg14 : memref<!tpu.dma_semaphore, #tpu.memory_space<semaphore_mem>>)
      %mul3A_344 = arith.constant 2 : i32
      %mul3A_345 = arith.muli %scan3A_230, %mul3A_344 : i32
      %add3A_346 = arith.constant 1 : i32
      %add3A_347 = arith.addi %mul3A_345, %add3A_346 : i32
      %ge3A_348 = arith.constant 1 : i32
      %ge3A_349 = arith.cmpi sge, %add3A_347, %ge3A_348 : i32
      %convert_element_type3A_350 = arith.extui %ge3A_349 : i1 to i32
      %cond3A_351 = arith.constant 0 : i32
      %cond3A_352 = arith.cmpi ne, %convert_element_type3A_350, %cond3A_351 : i32
      scf.if %cond3A_352 {
        %dma_wait3A_461 = arith.constant 0 : i32
        %dma_wait3A_462 = arith.constant 0 : i32
        %dma_wait3A_463 = arith.constant 0 : i32
        %dma_wait3A_464 = tpu.memref_slice %arg11[%dma_wait3A_461, %dma_wait3A_462, %dma_wait3A_463] : memref<2x128x64xf32, #tpu.memory_space<vmem>> -> memref<1x128x64xf32, #tpu.memory_space<vmem>>
        %dma_wait3A_465 = tpu.memref_squeeze %dma_wait3A_464 : memref<1x128x64xf32, #tpu.memory_space<vmem>> -> memref<128x64xf32, #tpu.memory_space<vmem>>
        %dma_wait3A_466 = arith.constant 0 : i32
        %dma_wait3A_467 = arith.constant 0 : i32
        %dma_wait3A_468 = tpu.memref_slice %arg6[%dma_wait3A_466, %dma_wait3A_467] : memref<102400x128xf32, #tpu.memory_space<hbm>> -> memref<128x64xf32, #tpu.memory_space<hbm>>
        %dma_wait3A_469 = arith.constant 0 : i32
        %dma_wait3A_470 = arith.constant 0 : i32
        %dma_wait3A_471 = tpu.memref_slice %arg6[%dma_wait3A_469, %dma_wait3A_470] : memref<102400x128xf32, #tpu.memory_space<hbm>> -> memref<128x64xf32, #tpu.memory_space<hbm>>
        %dma_wait3A_472 = arith.constant 0 : i32
        %dma_wait3A_473 = arith.constant 0 : i32
        %dma_wait3A_474 = tpu.memref_slice %arg11[%dma_wait3A_461, %dma_wait3A_472, %dma_wait3A_473] : memref<2x128x64xf32, #tpu.memory_space<vmem>> -> memref<1x128x64xf32, #tpu.memory_space<vmem>>
        %dma_wait3A_475 = tpu.memref_squeeze %dma_wait3A_474 : memref<1x128x64xf32, #tpu.memory_space<vmem>> -> memref<128x64xf32, #tpu.memory_space<vmem>>
        tpu.wait_dma2 semaphore(%arg14 : memref<!tpu.dma_semaphore, #tpu.memory_space<semaphore_mem>>) src(%dma_wait3A_475 : memref<128x64xf32, #tpu.memory_space<vmem>>) dst(%dma_wait3A_471 : memref<128x64xf32, #tpu.memory_space<hbm>>)
        %dma_wait3A_476 = arith.constant 0 : i32
        %dma_wait3A_477 = arith.constant 0 : i32
        %dma_wait3A_478 = arith.constant 0 : i32
        %dma_wait3A_479 = tpu.memref_slice %arg10[%dma_wait3A_476, %dma_wait3A_477, %dma_wait3A_478] : memref<2x128x32xf32, #tpu.memory_space<vmem>> -> memref<1x128x32xf32, #tpu.memory_space<vmem>>
        %dma_wait3A_480 = tpu.memref_squeeze %dma_wait3A_479 : memref<1x128x32xf32, #tpu.memory_space<vmem>> -> memref<128x32xf32, #tpu.memory_space<vmem>>
        %dma_wait3A_481 = arith.constant 0 : i32
        %dma_wait3A_482 = arith.constant 64 : i32
        %dma_wait3A_483 = tpu.memref_slice %arg6[%dma_wait3A_481, %dma_wait3A_482] : memref<102400x128xf32, #tpu.memory_space<hbm>> -> memref<128x32xf32, #tpu.memory_space<hbm>>
        %dma_wait3A_484 = arith.constant 0 : i32
        %dma_wait3A_485 = arith.constant 64 : i32
        %dma_wait3A_486 = tpu.memref_slice %arg6[%dma_wait3A_484, %dma_wait3A_485] : memref<102400x128xf32, #tpu.memory_space<hbm>> -> memref<128x32xf32, #tpu.memory_space<hbm>>
        %dma_wait3A_487 = arith.constant 0 : i32
        %dma_wait3A_488 = arith.constant 0 : i32
        %dma_wait3A_489 = tpu.memref_slice %arg10[%dma_wait3A_476, %dma_wait3A_487, %dma_wait3A_488] : memref<2x128x32xf32, #tpu.memory_space<vmem>> -> memref<1x128x32xf32, #tpu.memory_space<vmem>>
        %dma_wait3A_490 = tpu.memref_squeeze %dma_wait3A_489 : memref<1x128x32xf32, #tpu.memory_space<vmem>> -> memref<128x32xf32, #tpu.memory_space<vmem>>
        tpu.wait_dma2 semaphore(%arg14 : memref<!tpu.dma_semaphore, #tpu.memory_space<semaphore_mem>>) src(%dma_wait3A_490 : memref<128x32xf32, #tpu.memory_space<vmem>>) dst(%dma_wait3A_486 : memref<128x32xf32, #tpu.memory_space<hbm>>)
      } else {
      }
      %add3A_353 = arith.constant 1 : i32
      %add3A_354 = arith.addi %add3A_347, %add3A_353 : i32
      %lt3A_355 = arith.constant 25 : i32
      %lt3A_356 = arith.cmpi slt, %add3A_354, %lt3A_355 : i32
      %convert_element_type3A_357 = arith.extui %lt3A_356 : i1 to i32
      %cond3A_358 = arith.constant 0 : i32
      %cond3A_359 = arith.cmpi ne, %convert_element_type3A_357, %cond3A_358 : i32
      scf.if %cond3A_359 {
        %add3A_461 = arith.constant 1 : i32
        %add3A_462 = arith.addi %add3A_347, %add3A_461 : i32
        %mul3A_463 = arith.constant 4 : i32
        %mul3A_464 = arith.muli %mul3A_463, %add3A_462 : i32
        %add3A_465 = arith.constant 0 : i32
        %add3A_466 = arith.addi %mul3A_464, %add3A_465 : i32
        %dma_start3A_467 = arith.constant 0 : i32
        %dma_start3A_468 = arith.constant 0 : i32
        %dma_start3A_469 = arith.constant 0 : i32
        %dma_start3A_470 = arith.constant 0 : i32
        %dma_start3A_471 = tpu.memref_slice %arg9[%dma_start3A_467, %dma_start3A_468, %dma_start3A_469, %dma_start3A_470] : memref<2x4x128x64xf32, #tpu.memory_space<vmem>> -> memref<1x1x128x64xf32, #tpu.memory_space<vmem>>
        %dma_start3A_472 = tpu.memref_squeeze %dma_start3A_471 : memref<1x1x128x64xf32, #tpu.memory_space<vmem>> -> memref<128x64xf32, #tpu.memory_space<vmem>>
        %dma_start3A_473 = arith.constant 0 : i32
        %dma_start3A_474 = tpu.memref_slice %arg7[%add3A_466, %dma_start3A_473] : memref<100x128xi32, #tpu.memory_space<vmem>> -> memref<1x128xi32, #tpu.memory_space<vmem>>
        %dma_start3A_475 = tpu.memref_squeeze %dma_start3A_474 : memref<1x128xi32, #tpu.memory_space<vmem>> -> memref<128xi32, #tpu.memory_space<vmem>>
        %dma_start3A_476 = arith.constant 0 : i32
        %dma_start3A_477 = arith.constant 0 : i32
        %dma_start3A_478 = tpu.memref_slice %arg2[%dma_start3A_476, %dma_start3A_477] : memref<1000000x64xf32, #tpu.memory_space<hbm>> -> memref<1000000x64xf32, #tpu.memory_space<hbm>>
        tpu.enqueue_indirect_dma source(%dma_start3A_478 : memref<1000000x64xf32, #tpu.memory_space<hbm>>) target(%dma_start3A_472 : memref<128x64xf32, #tpu.memory_space<vmem>>) offsets(%dma_start3A_475 : memref<128xi32, #tpu.memory_space<vmem>>) semaphore(%arg12 : memref<!tpu.dma_semaphore, #tpu.memory_space<semaphore_mem>>)
        %mul3A_479 = arith.constant 4 : i32
        %mul3A_480 = arith.muli %mul3A_479, %add3A_462 : i32
        %add3A_481 = arith.constant 1 : i32
        %add3A_482 = arith.addi %mul3A_480, %add3A_481 : i32
        %dma_start3A_483 = arith.constant 0 : i32
        %dma_start3A_484 = arith.constant 1 : i32
        %dma_start3A_485 = arith.constant 0 : i32
        %dma_start3A_486 = arith.constant 0 : i32
        %dma_start3A_487 = tpu.memref_slice %arg9[%dma_start3A_483, %dma_start3A_484, %dma_start3A_485, %dma_start3A_486] : memref<2x4x128x64xf32, #tpu.memory_space<vmem>> -> memref<1x1x128x64xf32, #tpu.memory_space<vmem>>
        %dma_start3A_488 = tpu.memref_squeeze %dma_start3A_487 : memref<1x1x128x64xf32, #tpu.memory_space<vmem>> -> memref<128x64xf32, #tpu.memory_space<vmem>>
        %dma_start3A_489 = arith.constant 0 : i32
        %dma_start3A_490 = tpu.memref_slice %arg7[%add3A_482, %dma_start3A_489] : memref<100x128xi32, #tpu.memory_space<vmem>> -> memref<1x128xi32, #tpu.memory_space<vmem>>
        %dma_start3A_491 = tpu.memref_squeeze %dma_start3A_490 : memref<1x128xi32, #tpu.memory_space<vmem>> -> memref<128xi32, #tpu.memory_space<vmem>>
        %dma_start3A_492 = arith.constant 0 : i32
        %dma_start3A_493 = arith.constant 0 : i32
        %dma_start3A_494 = tpu.memref_slice %arg2[%dma_start3A_492, %dma_start3A_493] : memref<1000000x64xf32, #tpu.memory_space<hbm>> -> memref<1000000x64xf32, #tpu.memory_space<hbm>>
        tpu.enqueue_indirect_dma source(%dma_start3A_494 : memref<1000000x64xf32, #tpu.memory_space<hbm>>) target(%dma_start3A_488 : memref<128x64xf32, #tpu.memory_space<vmem>>) offsets(%dma_start3A_491 : memref<128xi32, #tpu.memory_space<vmem>>) semaphore(%arg12 : memref<!tpu.dma_semaphore, #tpu.memory_space<semaphore_mem>>)
        %mul3A_495 = arith.constant 4 : i32
        %mul3A_496 = arith.muli %mul3A_495, %add3A_462 : i32
        %add3A_497 = arith.constant 2 : i32
        %add3A_498 = arith.addi %mul3A_496, %add3A_497 : i32
        %dma_start3A_499 = arith.constant 0 : i32
        %dma_start3A_500 = arith.constant 2 : i32
        %dma_start3A_501 = arith.constant 0 : i32
        %dma_start3A_502 = arith.constant 0 : i32
        %dma_start3A_503 = tpu.memref_slice %arg9[%dma_start3A_499, %dma_start3A_500, %dma_start3A_501, %dma_start3A_502] : memref<2x4x128x64xf32, #tpu.memory_space<vmem>> -> memref<1x1x128x64xf32, #tpu.memory_space<vmem>>
        %dma_start3A_504 = tpu.memref_squeeze %dma_start3A_503 : memref<1x1x128x64xf32, #tpu.memory_space<vmem>> -> memref<128x64xf32, #tpu.memory_space<vmem>>
        %dma_start3A_505 = arith.constant 0 : i32
        %dma_start3A_506 = tpu.memref_slice %arg7[%add3A_498, %dma_start3A_505] : memref<100x128xi32, #tpu.memory_space<vmem>> -> memref<1x128xi32, #tpu.memory_space<vmem>>
        %dma_start3A_507 = tpu.memref_squeeze %dma_start3A_506 : memref<1x128xi32, #tpu.memory_space<vmem>> -> memref<128xi32, #tpu.memory_space<vmem>>
        %dma_start3A_508 = arith.constant 0 : i32
        %dma_start3A_509 = arith.constant 0 : i32
        %dma_start3A_510 = tpu.memref_slice %arg2[%dma_start3A_508, %dma_start3A_509] : memref<1000000x64xf32, #tpu.memory_space<hbm>> -> memref<1000000x64xf32, #tpu.memory_space<hbm>>
        tpu.enqueue_indirect_dma source(%dma_start3A_510 : memref<1000000x64xf32, #tpu.memory_space<hbm>>) target(%dma_start3A_504 : memref<128x64xf32, #tpu.memory_space<vmem>>) offsets(%dma_start3A_507 : memref<128xi32, #tpu.memory_space<vmem>>) semaphore(%arg12 : memref<!tpu.dma_semaphore, #tpu.memory_space<semaphore_mem>>)
        %mul3A_511 = arith.constant 4 : i32
        %mul3A_512 = arith.muli %mul3A_511, %add3A_462 : i32
        %add3A_513 = arith.constant 3 : i32
        %add3A_514 = arith.addi %mul3A_512, %add3A_513 : i32
        %dma_start3A_515 = arith.constant 0 : i32
        %dma_start3A_516 = arith.constant 3 : i32
        %dma_start3A_517 = arith.constant 0 : i32
        %dma_start3A_518 = arith.constant 0 : i32
        %dma_start3A_519 = tpu.memref_slice %arg9[%dma_start3A_515, %dma_start3A_516, %dma_start3A_517, %dma_start3A_518] : memref<2x4x128x64xf32, #tpu.memory_space<vmem>> -> memref<1x1x128x64xf32, #tpu.memory_space<vmem>>
        %dma_start3A_520 = tpu.memref_squeeze %dma_start3A_519 : memref<1x1x128x64xf32, #tpu.memory_space<vmem>> -> memref<128x64xf32, #tpu.memory_space<vmem>>
        %dma_start3A_521 = arith.constant 0 : i32
        %dma_start3A_522 = tpu.memref_slice %arg7[%add3A_514, %dma_start3A_521] : memref<100x128xi32, #tpu.memory_space<vmem>> -> memref<1x128xi32, #tpu.memory_space<vmem>>
        %dma_start3A_523 = tpu.memref_squeeze %dma_start3A_522 : memref<1x128xi32, #tpu.memory_space<vmem>> -> memref<128xi32, #tpu.memory_space<vmem>>
        %dma_start3A_524 = arith.constant 0 : i32
        %dma_start3A_525 = arith.constant 0 : i32
        %dma_start3A_526 = tpu.memref_slice %arg2[%dma_start3A_524, %dma_start3A_525] : memref<1000000x64xf32, #tpu.memory_space<hbm>> -> memref<1000000x64xf32, #tpu.memory_space<hbm>>
        tpu.enqueue_indirect_dma source(%dma_start3A_526 : memref<1000000x64xf32, #tpu.memory_space<hbm>>) target(%dma_start3A_520 : memref<128x64xf32, #tpu.memory_space<vmem>>) offsets(%dma_start3A_523 : memref<128xi32, #tpu.memory_space<vmem>>) semaphore(%arg12 : memref<!tpu.dma_semaphore, #tpu.memory_space<semaphore_mem>>)
        %dma_start3A_527 = arith.constant 0 : i32
        %dma_start3A_528 = arith.constant 0 : i32
        %dma_start3A_529 = arith.constant 0 : i32
        %dma_start3A_530 = tpu.memref_slice %arg10[%dma_start3A_527, %dma_start3A_528, %dma_start3A_529] : memref<2x128x32xf32, #tpu.memory_space<vmem>> -> memref<1x128x32xf32, #tpu.memory_space<vmem>>
        %dma_start3A_531 = tpu.memref_squeeze %dma_start3A_530 : memref<1x128x32xf32, #tpu.memory_space<vmem>> -> memref<128x32xf32, #tpu.memory_space<vmem>>
        %dma_start3A_532 = arith.constant 0 : i32
        %dma_start3A_533 = tpu.memref_slice %arg8[%add3A_462, %dma_start3A_532] : memref<25x128xi32, #tpu.memory_space<vmem>> -> memref<1x128xi32, #tpu.memory_space<vmem>>
        %dma_start3A_534 = tpu.memref_squeeze %dma_start3A_533 : memref<1x128xi32, #tpu.memory_space<vmem>> -> memref<128xi32, #tpu.memory_space<vmem>>
        %dma_start3A_535 = arith.constant 0 : i32
        %dma_start3A_536 = arith.constant 0 : i32
        %dma_start3A_537 = tpu.memref_slice %arg3[%dma_start3A_535, %dma_start3A_536] : memref<100000x32xf32, #tpu.memory_space<hbm>> -> memref<100000x32xf32, #tpu.memory_space<hbm>>
        tpu.enqueue_indirect_dma source(%dma_start3A_537 : memref<100000x32xf32, #tpu.memory_space<hbm>>) target(%dma_start3A_531 : memref<128x32xf32, #tpu.memory_space<vmem>>) offsets(%dma_start3A_534 : memref<128xi32, #tpu.memory_space<vmem>>) semaphore(%arg12 : memref<!tpu.dma_semaphore, #tpu.memory_space<semaphore_mem>>)
      } else {
      }
      %dma_wait3A_360 = arith.constant 0 : i32
      %dma_wait3A_361 = arith.constant 1 : i32
      %dma_wait3A_362 = arith.constant 0 : i32
      %dma_wait3A_363 = arith.constant 0 : i32
      %dma_wait3A_364 = arith.constant 0 : i32
      %dma_wait3A_365 = tpu.memref_slice %arg9[%dma_wait3A_361, %dma_wait3A_362, %dma_wait3A_363, %dma_wait3A_364] : memref<2x4x128x64xf32, #tpu.memory_space<vmem>> -> memref<1x1x128x64xf32, #tpu.memory_space<vmem>>
      %dma_wait3A_366 = tpu.memref_squeeze %dma_wait3A_365 : memref<1x1x128x64xf32, #tpu.memory_space<vmem>> -> memref<128x64xf32, #tpu.memory_space<vmem>>
      %dma_wait3A_367 = arith.constant 0 : i32
      %dma_wait3A_368 = tpu.memref_slice %arg7[%dma_wait3A_360, %dma_wait3A_367] : memref<100x128xi32, #tpu.memory_space<vmem>> -> memref<1x128xi32, #tpu.memory_space<vmem>>
      %dma_wait3A_369 = tpu.memref_squeeze %dma_wait3A_368 : memref<1x128xi32, #tpu.memory_space<vmem>> -> memref<128xi32, #tpu.memory_space<vmem>>
      %dma_wait3A_370 = arith.constant 0 : i32
      %dma_wait3A_371 = arith.constant 0 : i32
      %dma_wait3A_372 = tpu.memref_slice %arg2[%dma_wait3A_370, %dma_wait3A_371] : memref<1000000x64xf32, #tpu.memory_space<hbm>> -> memref<1000000x64xf32, #tpu.memory_space<hbm>>
      tpu.wait_indirect_dma semaphore(%arg13 : memref<!tpu.dma_semaphore, #tpu.memory_space<semaphore_mem>>) src(%dma_wait3A_372 : memref<1000000x64xf32, #tpu.memory_space<hbm>>) dst(%dma_wait3A_366 : memref<128x64xf32, #tpu.memory_space<vmem>>)
      %dma_wait3A_373 = arith.constant 0 : i32
      %dma_wait3A_374 = arith.constant 1 : i32
      %dma_wait3A_375 = arith.constant 1 : i32
      %dma_wait3A_376 = arith.constant 0 : i32
      %dma_wait3A_377 = arith.constant 0 : i32
      %dma_wait3A_378 = tpu.memref_slice %arg9[%dma_wait3A_374, %dma_wait3A_375, %dma_wait3A_376, %dma_wait3A_377] : memref<2x4x128x64xf32, #tpu.memory_space<vmem>> -> memref<1x1x128x64xf32, #tpu.memory_space<vmem>>
      %dma_wait3A_379 = tpu.memref_squeeze %dma_wait3A_378 : memref<1x1x128x64xf32, #tpu.memory_space<vmem>> -> memref<128x64xf32, #tpu.memory_space<vmem>>
      %dma_wait3A_380 = arith.constant 0 : i32
      %dma_wait3A_381 = tpu.memref_slice %arg7[%dma_wait3A_373, %dma_wait3A_380] : memref<100x128xi32, #tpu.memory_space<vmem>> -> memref<1x128xi32, #tpu.memory_space<vmem>>
      %dma_wait3A_382 = tpu.memref_squeeze %dma_wait3A_381 : memref<1x128xi32, #tpu.memory_space<vmem>> -> memref<128xi32, #tpu.memory_space<vmem>>
      %dma_wait3A_383 = arith.constant 0 : i32
      %dma_wait3A_384 = arith.constant 0 : i32
      %dma_wait3A_385 = tpu.memref_slice %arg2[%dma_wait3A_383, %dma_wait3A_384] : memref<1000000x64xf32, #tpu.memory_space<hbm>> -> memref<1000000x64xf32, #tpu.memory_space<hbm>>
      tpu.wait_indirect_dma semaphore(%arg13 : memref<!tpu.dma_semaphore, #tpu.memory_space<semaphore_mem>>) src(%dma_wait3A_385 : memref<1000000x64xf32, #tpu.memory_space<hbm>>) dst(%dma_wait3A_379 : memref<128x64xf32, #tpu.memory_space<vmem>>)
      %dma_wait3A_386 = arith.constant 0 : i32
      %dma_wait3A_387 = arith.constant 1 : i32
      %dma_wait3A_388 = arith.constant 2 : i32
      %dma_wait3A_389 = arith.constant 0 : i32
      %dma_wait3A_390 = arith.constant 0 : i32
      %dma_wait3A_391 = tpu.memref_slice %arg9[%dma_wait3A_387, %dma_wait3A_388, %dma_wait3A_389, %dma_wait3A_390] : memref<2x4x128x64xf32, #tpu.memory_space<vmem>> -> memref<1x1x128x64xf32, #tpu.memory_space<vmem>>
      %dma_wait3A_392 = tpu.memref_squeeze %dma_wait3A_391 : memref<1x1x128x64xf32, #tpu.memory_space<vmem>> -> memref<128x64xf32, #tpu.memory_space<vmem>>
      %dma_wait3A_393 = arith.constant 0 : i32
      %dma_wait3A_394 = tpu.memref_slice %arg7[%dma_wait3A_386, %dma_wait3A_393] : memref<100x128xi32, #tpu.memory_space<vmem>> -> memref<1x128xi32, #tpu.memory_space<vmem>>
      %dma_wait3A_395 = tpu.memref_squeeze %dma_wait3A_394 : memref<1x128xi32, #tpu.memory_space<vmem>> -> memref<128xi32, #tpu.memory_space<vmem>>
      %dma_wait3A_396 = arith.constant 0 : i32
      %dma_wait3A_397 = arith.constant 0 : i32
      %dma_wait3A_398 = tpu.memref_slice %arg2[%dma_wait3A_396, %dma_wait3A_397] : memref<1000000x64xf32, #tpu.memory_space<hbm>> -> memref<1000000x64xf32, #tpu.memory_space<hbm>>
      tpu.wait_indirect_dma semaphore(%arg13 : memref<!tpu.dma_semaphore, #tpu.memory_space<semaphore_mem>>) src(%dma_wait3A_398 : memref<1000000x64xf32, #tpu.memory_space<hbm>>) dst(%dma_wait3A_392 : memref<128x64xf32, #tpu.memory_space<vmem>>)
      %dma_wait3A_399 = arith.constant 0 : i32
      %dma_wait3A_400 = arith.constant 1 : i32
      %dma_wait3A_401 = arith.constant 3 : i32
      %dma_wait3A_402 = arith.constant 0 : i32
      %dma_wait3A_403 = arith.constant 0 : i32
      %dma_wait3A_404 = tpu.memref_slice %arg9[%dma_wait3A_400, %dma_wait3A_401, %dma_wait3A_402, %dma_wait3A_403] : memref<2x4x128x64xf32, #tpu.memory_space<vmem>> -> memref<1x1x128x64xf32, #tpu.memory_space<vmem>>
      %dma_wait3A_405 = tpu.memref_squeeze %dma_wait3A_404 : memref<1x1x128x64xf32, #tpu.memory_space<vmem>> -> memref<128x64xf32, #tpu.memory_space<vmem>>
      %dma_wait3A_406 = arith.constant 0 : i32
      %dma_wait3A_407 = tpu.memref_slice %arg7[%dma_wait3A_399, %dma_wait3A_406] : memref<100x128xi32, #tpu.memory_space<vmem>> -> memref<1x128xi32, #tpu.memory_space<vmem>>
      %dma_wait3A_408 = tpu.memref_squeeze %dma_wait3A_407 : memref<1x128xi32, #tpu.memory_space<vmem>> -> memref<128xi32, #tpu.memory_space<vmem>>
      %dma_wait3A_409 = arith.constant 0 : i32
      %dma_wait3A_410 = arith.constant 0 : i32
      %dma_wait3A_411 = tpu.memref_slice %arg2[%dma_wait3A_409, %dma_wait3A_410] : memref<1000000x64xf32, #tpu.memory_space<hbm>> -> memref<1000000x64xf32, #tpu.memory_space<hbm>>
      tpu.wait_indirect_dma semaphore(%arg13 : memref<!tpu.dma_semaphore, #tpu.memory_space<semaphore_mem>>) src(%dma_wait3A_411 : memref<1000000x64xf32, #tpu.memory_space<hbm>>) dst(%dma_wait3A_405 : memref<128x64xf32, #tpu.memory_space<vmem>>)
      %dma_wait3A_412 = arith.constant 0 : i32
      %dma_wait3A_413 = arith.constant 1 : i32
      %dma_wait3A_414 = arith.constant 0 : i32
      %dma_wait3A_415 = arith.constant 0 : i32
      %dma_wait3A_416 = tpu.memref_slice %arg10[%dma_wait3A_413, %dma_wait3A_414, %dma_wait3A_415] : memref<2x128x32xf32, #tpu.memory_space<vmem>> -> memref<1x128x32xf32, #tpu.memory_space<vmem>>
      %dma_wait3A_417 = tpu.memref_squeeze %dma_wait3A_416 : memref<1x128x32xf32, #tpu.memory_space<vmem>> -> memref<128x32xf32, #tpu.memory_space<vmem>>
      %dma_wait3A_418 = arith.constant 0 : i32
      %dma_wait3A_419 = tpu.memref_slice %arg8[%dma_wait3A_412, %dma_wait3A_418] : memref<25x128xi32, #tpu.memory_space<vmem>> -> memref<1x128xi32, #tpu.memory_space<vmem>>
      %dma_wait3A_420 = tpu.memref_squeeze %dma_wait3A_419 : memref<1x128xi32, #tpu.memory_space<vmem>> -> memref<128xi32, #tpu.memory_space<vmem>>
      %dma_wait3A_421 = arith.constant 0 : i32
      %dma_wait3A_422 = arith.constant 0 : i32
      %dma_wait3A_423 = tpu.memref_slice %arg3[%dma_wait3A_421, %dma_wait3A_422] : memref<100000x32xf32, #tpu.memory_space<hbm>> -> memref<100000x32xf32, #tpu.memory_space<hbm>>
      tpu.wait_indirect_dma semaphore(%arg13 : memref<!tpu.dma_semaphore, #tpu.memory_space<semaphore_mem>>) src(%dma_wait3A_423 : memref<100000x32xf32, #tpu.memory_space<hbm>>) dst(%dma_wait3A_417 : memref<128x32xf32, #tpu.memory_space<vmem>>)
      %scan3A_424 = arith.constant 0 : i32
      %scan3A_425 = arith.constant 0 : i32
      %scan3A_426 = arith.constant 128 : i32
      %scan3A_427 = arith.addi %scan3A_425, %scan3A_426 : i32
      %scan3A_428 = arith.constant 1 : i32
      %scan3A_429 = scf.for %scan3A_461 = %scan3A_425 to %scan3A_427 step %scan3A_428 iter_args(%scan3A_462 = %scan3A_424) -> (i32)  : i32 {
        %get3A = arith.constant 1 : i32
        %get3A_463 = arith.constant 0 : i32
        %get3A_464 = arith.index_cast %get3A : i32 to index
        %get3A_465 = arith.index_cast %get3A_463 : i32 to index
        %get3A_466 = arith.index_cast %scan3A_461 : i32 to index
        %get3A_467 = arith.constant 0 : index
        %get3A_468 = tpu.vector_load %arg9[%get3A_464, %get3A_465, %get3A_466, %get3A_467] {strides = array<i32>} : memref<2x4x128x64xf32, #tpu.memory_space<vmem>>, vector<1x1x1x16xf32>,
        %get3A_469 = vector.shape_cast %get3A_468 : vector<1x1x1x16xf32> to vector<16xf32>
        %get3A_470 = arith.constant 1 : i32
        %get3A_471 = arith.constant 1 : i32
        %get3A_472 = arith.index_cast %get3A_470 : i32 to index
        %get3A_473 = arith.index_cast %get3A_471 : i32 to index
        %get3A_474 = arith.index_cast %scan3A_461 : i32 to index
        %get3A_475 = arith.constant 0 : index
        %get3A_476 = tpu.vector_load %arg9[%get3A_472, %get3A_473, %get3A_474, %get3A_475] {strides = array<i32>} : memref<2x4x128x64xf32, #tpu.memory_space<vmem>>, vector<1x1x1x16xf32>,
        %get3A_477 = vector.shape_cast %get3A_476 : vector<1x1x1x16xf32> to vector<16xf32>
        %add3A_478 = arith.addf %get3A_469, %get3A_477 : vector<16xf32>
        %get3A_479 = arith.constant 1 : i32
        %get3A_480 = arith.constant 2 : i32
        %get3A_481 = arith.index_cast %get3A_479 : i32 to index
        %get3A_482 = arith.index_cast %get3A_480 : i32 to index
        %get3A_483 = arith.index_cast %scan3A_461 : i32 to index
        %get3A_484 = arith.constant 0 : index
        %get3A_485 = tpu.vector_load %arg9[%get3A_481, %get3A_482, %get3A_483, %get3A_484] {strides = array<i32>} : memref<2x4x128x64xf32, #tpu.memory_space<vmem>>, vector<1x1x1x16xf32>,
        %get3A_486 = vector.shape_cast %get3A_485 : vector<1x1x1x16xf32> to vector<16xf32>
        %add3A_487 = arith.addf %add3A_478, %get3A_486 : vector<16xf32>
        %get3A_488 = arith.constant 1 : i32
        %get3A_489 = arith.constant 3 : i32
        %get3A_490 = arith.index_cast %get3A_488 : i32 to index
        %get3A_491 = arith.index_cast %get3A_489 : i32 to index
        %get3A_492 = arith.index_cast %scan3A_461 : i32 to index
        %get3A_493 = arith.constant 0 : index
        %get3A_494 = tpu.vector_load %arg9[%get3A_490, %get3A_491, %get3A_492, %get3A_493] {strides = array<i32>} : memref<2x4x128x64xf32, #tpu.memory_space<vmem>>, vector<1x1x1x16xf32>,
        %get3A_495 = vector.shape_cast %get3A_494 : vector<1x1x1x16xf32> to vector<16xf32>
        %add3A_496 = arith.addf %add3A_487, %get3A_495 : vector<16xf32>
        %swap3A = arith.constant 1 : i32
        %swap3A_497 = arith.index_cast %swap3A : i32 to index
        %swap3A_498 = arith.index_cast %scan3A_461 : i32 to index
        %swap3A_499 = arith.constant 0 : index
        %swap3A_500 = tpu.vector_load %arg11[%swap3A_497, %swap3A_498, %swap3A_499] {strides = array<i32>} : memref<2x128x64xf32, #tpu.memory_space<vmem>>, vector<1x1x16xf32>,
        %swap3A_501 = vector.shape_cast %swap3A_500 : vector<1x1x16xf32> to vector<16xf32>
        %swap3A_502 = vector.shape_cast %add3A_496 : vector<16xf32> to vector<1x1x16xf32>
        tpu.vector_store %arg11[%swap3A_497, %swap3A_498, %swap3A_499], %swap3A_502 {strides = array<i32>} : memref<2x128x64xf32, #tpu.memory_space<vmem>>, vector<1x1x16xf32>,
        %get3A_503 = arith.constant 1 : i32
        %get3A_504 = arith.constant 0 : i32
        %get3A_505 = arith.index_cast %get3A_503 : i32 to index
        %get3A_506 = arith.index_cast %get3A_504 : i32 to index
        %get3A_507 = arith.index_cast %scan3A_461 : i32 to index
        %get3A_508 = arith.constant 16 : index
        %get3A_509 = tpu.vector_load %arg9[%get3A_505, %get3A_506, %get3A_507, %get3A_508] {strides = array<i32>} : memref<2x4x128x64xf32, #tpu.memory_space<vmem>>, vector<1x1x1x16xf32>,
        %get3A_510 = vector.shape_cast %get3A_509 : vector<1x1x1x16xf32> to vector<16xf32>
        %get3A_511 = arith.constant 1 : i32
        %get3A_512 = arith.constant 1 : i32
        %get3A_513 = arith.index_cast %get3A_511 : i32 to index
        %get3A_514 = arith.index_cast %get3A_512 : i32 to index
        %get3A_515 = arith.index_cast %scan3A_461 : i32 to index
        %get3A_516 = arith.constant 16 : index
        %get3A_517 = tpu.vector_load %arg9[%get3A_513, %get3A_514, %get3A_515, %get3A_516] {strides = array<i32>} : memref<2x4x128x64xf32, #tpu.memory_space<vmem>>, vector<1x1x1x16xf32>,
        %get3A_518 = vector.shape_cast %get3A_517 : vector<1x1x1x16xf32> to vector<16xf32>
        %add3A_519 = arith.addf %get3A_510, %get3A_518 : vector<16xf32>
        %get3A_520 = arith.constant 1 : i32
        %get3A_521 = arith.constant 2 : i32
        %get3A_522 = arith.index_cast %get3A_520 : i32 to index
        %get3A_523 = arith.index_cast %get3A_521 : i32 to index
        %get3A_524 = arith.index_cast %scan3A_461 : i32 to index
        %get3A_525 = arith.constant 16 : index
        %get3A_526 = tpu.vector_load %arg9[%get3A_522, %get3A_523, %get3A_524, %get3A_525] {strides = array<i32>} : memref<2x4x128x64xf32, #tpu.memory_space<vmem>>, vector<1x1x1x16xf32>,
        %get3A_527 = vector.shape_cast %get3A_526 : vector<1x1x1x16xf32> to vector<16xf32>
        %add3A_528 = arith.addf %add3A_519, %get3A_527 : vector<16xf32>
        %get3A_529 = arith.constant 1 : i32
        %get3A_530 = arith.constant 3 : i32
        %get3A_531 = arith.index_cast %get3A_529 : i32 to index
        %get3A_532 = arith.index_cast %get3A_530 : i32 to index
        %get3A_533 = arith.index_cast %scan3A_461 : i32 to index
        %get3A_534 = arith.constant 16 : index
        %get3A_535 = tpu.vector_load %arg9[%get3A_531, %get3A_532, %get3A_533, %get3A_534] {strides = array<i32>} : memref<2x4x128x64xf32, #tpu.memory_space<vmem>>, vector<1x1x1x16xf32>,
        %get3A_536 = vector.shape_cast %get3A_535 : vector<1x1x1x16xf32> to vector<16xf32>
        %add3A_537 = arith.addf %add3A_528, %get3A_536 : vector<16xf32>
        %swap3A_538 = arith.constant 1 : i32
        %swap3A_539 = arith.index_cast %swap3A_538 : i32 to index
        %swap3A_540 = arith.index_cast %scan3A_461 : i32 to index
        %swap3A_541 = arith.constant 16 : index
        %swap3A_542 = tpu.vector_load %arg11[%swap3A_539, %swap3A_540, %swap3A_541] {strides = array<i32>} : memref<2x128x64xf32, #tpu.memory_space<vmem>>, vector<1x1x16xf32>,
        %swap3A_543 = vector.shape_cast %swap3A_542 : vector<1x1x16xf32> to vector<16xf32>
        %swap3A_544 = vector.shape_cast %add3A_537 : vector<16xf32> to vector<1x1x16xf32>
        tpu.vector_store %arg11[%swap3A_539, %swap3A_540, %swap3A_541], %swap3A_544 {strides = array<i32>} : memref<2x128x64xf32, #tpu.memory_space<vmem>>, vector<1x1x16xf32>,
        %get3A_545 = arith.constant 1 : i32
        %get3A_546 = arith.constant 0 : i32
        %get3A_547 = arith.index_cast %get3A_545 : i32 to index
        %get3A_548 = arith.index_cast %get3A_546 : i32 to index
        %get3A_549 = arith.index_cast %scan3A_461 : i32 to index
        %get3A_550 = arith.constant 32 : index
        %get3A_551 = tpu.vector_load %arg9[%get3A_547, %get3A_548, %get3A_549, %get3A_550] {strides = array<i32>} : memref<2x4x128x64xf32, #tpu.memory_space<vmem>>, vector<1x1x1x16xf32>,
        %get3A_552 = vector.shape_cast %get3A_551 : vector<1x1x1x16xf32> to vector<16xf32>
        %get3A_553 = arith.constant 1 : i32
        %get3A_554 = arith.constant 1 : i32
        %get3A_555 = arith.index_cast %get3A_553 : i32 to index
        %get3A_556 = arith.index_cast %get3A_554 : i32 to index
        %get3A_557 = arith.index_cast %scan3A_461 : i32 to index
        %get3A_558 = arith.constant 32 : index
        %get3A_559 = tpu.vector_load %arg9[%get3A_555, %get3A_556, %get3A_557, %get3A_558] {strides = array<i32>} : memref<2x4x128x64xf32, #tpu.memory_space<vmem>>, vector<1x1x1x16xf32>,
        %get3A_560 = vector.shape_cast %get3A_559 : vector<1x1x1x16xf32> to vector<16xf32>
        %add3A_561 = arith.addf %get3A_552, %get3A_560 : vector<16xf32>
        %get3A_562 = arith.constant 1 : i32
        %get3A_563 = arith.constant 2 : i32
        %get3A_564 = arith.index_cast %get3A_562 : i32 to index
        %get3A_565 = arith.index_cast %get3A_563 : i32 to index
        %get3A_566 = arith.index_cast %scan3A_461 : i32 to index
        %get3A_567 = arith.constant 32 : index
        %get3A_568 = tpu.vector_load %arg9[%get3A_564, %get3A_565, %get3A_566, %get3A_567] {strides = array<i32>} : memref<2x4x128x64xf32, #tpu.memory_space<vmem>>, vector<1x1x1x16xf32>,
        %get3A_569 = vector.shape_cast %get3A_568 : vector<1x1x1x16xf32> to vector<16xf32>
        %add3A_570 = arith.addf %add3A_561, %get3A_569 : vector<16xf32>
        %get3A_571 = arith.constant 1 : i32
        %get3A_572 = arith.constant 3 : i32
        %get3A_573 = arith.index_cast %get3A_571 : i32 to index
        %get3A_574 = arith.index_cast %get3A_572 : i32 to index
        %get3A_575 = arith.index_cast %scan3A_461 : i32 to index
        %get3A_576 = arith.constant 32 : index
        %get3A_577 = tpu.vector_load %arg9[%get3A_573, %get3A_574, %get3A_575, %get3A_576] {strides = array<i32>} : memref<2x4x128x64xf32, #tpu.memory_space<vmem>>, vector<1x1x1x16xf32>,
        %get3A_578 = vector.shape_cast %get3A_577 : vector<1x1x1x16xf32> to vector<16xf32>
        %add3A_579 = arith.addf %add3A_570, %get3A_578 : vector<16xf32>
        %swap3A_580 = arith.constant 1 : i32
        %swap3A_581 = arith.index_cast %swap3A_580 : i32 to index
        %swap3A_582 = arith.index_cast %scan3A_461 : i32 to index
        %swap3A_583 = arith.constant 32 : index
        %swap3A_584 = tpu.vector_load %arg11[%swap3A_581, %swap3A_582, %swap3A_583] {strides = array<i32>} : memref<2x128x64xf32, #tpu.memory_space<vmem>>, vector<1x1x16xf32>,
        %swap3A_585 = vector.shape_cast %swap3A_584 : vector<1x1x16xf32> to vector<16xf32>
        %swap3A_586 = vector.shape_cast %add3A_579 : vector<16xf32> to vector<1x1x16xf32>
        tpu.vector_store %arg11[%swap3A_581, %swap3A_582, %swap3A_583], %swap3A_586 {strides = array<i32>} : memref<2x128x64xf32, #tpu.memory_space<vmem>>, vector<1x1x16xf32>,
        %get3A_587 = arith.constant 1 : i32
        %get3A_588 = arith.constant 0 : i32
        %get3A_589 = arith.index_cast %get3A_587 : i32 to index
        %get3A_590 = arith.index_cast %get3A_588 : i32 to index
        %get3A_591 = arith.index_cast %scan3A_461 : i32 to index
        %get3A_592 = arith.constant 48 : index
        %get3A_593 = tpu.vector_load %arg9[%get3A_589, %get3A_590, %get3A_591, %get3A_592] {strides = array<i32>} : memref<2x4x128x64xf32, #tpu.memory_space<vmem>>, vector<1x1x1x16xf32>,
        %get3A_594 = vector.shape_cast %get3A_593 : vector<1x1x1x16xf32> to vector<16xf32>
        %get3A_595 = arith.constant 1 : i32
        %get3A_596 = arith.constant 1 : i32
        %get3A_597 = arith.index_cast %get3A_595 : i32 to index
        %get3A_598 = arith.index_cast %get3A_596 : i32 to index
        %get3A_599 = arith.index_cast %scan3A_461 : i32 to index
        %get3A_600 = arith.constant 48 : index
        %get3A_601 = tpu.vector_load %arg9[%get3A_597, %get3A_598, %get3A_599, %get3A_600] {strides = array<i32>} : memref<2x4x128x64xf32, #tpu.memory_space<vmem>>, vector<1x1x1x16xf32>,
        %get3A_602 = vector.shape_cast %get3A_601 : vector<1x1x1x16xf32> to vector<16xf32>
        %add3A_603 = arith.addf %get3A_594, %get3A_602 : vector<16xf32>
        %get3A_604 = arith.constant 1 : i32
        %get3A_605 = arith.constant 2 : i32
        %get3A_606 = arith.index_cast %get3A_604 : i32 to index
        %get3A_607 = arith.index_cast %get3A_605 : i32 to index
        %get3A_608 = arith.index_cast %scan3A_461 : i32 to index
        %get3A_609 = arith.constant 48 : index
        %get3A_610 = tpu.vector_load %arg9[%get3A_606, %get3A_607, %get3A_608, %get3A_609] {strides = array<i32>} : memref<2x4x128x64xf32, #tpu.memory_space<vmem>>, vector<1x1x1x16xf32>,
        %get3A_611 = vector.shape_cast %get3A_610 : vector<1x1x1x16xf32> to vector<16xf32>
        %add3A_612 = arith.addf %add3A_603, %get3A_611 : vector<16xf32>
        %get3A_613 = arith.constant 1 : i32
        %get3A_614 = arith.constant 3 : i32
        %get3A_615 = arith.index_cast %get3A_613 : i32 to index
        %get3A_616 = arith.index_cast %get3A_614 : i32 to index
        %get3A_617 = arith.index_cast %scan3A_461 : i32 to index
        %get3A_618 = arith.constant 48 : index
        %get3A_619 = tpu.vector_load %arg9[%get3A_615, %get3A_616, %get3A_617, %get3A_618] {strides = array<i32>} : memref<2x4x128x64xf32, #tpu.memory_space<vmem>>, vector<1x1x1x16xf32>,
        %get3A_620 = vector.shape_cast %get3A_619 : vector<1x1x1x16xf32> to vector<16xf32>
        %add3A_621 = arith.addf %add3A_612, %get3A_620 : vector<16xf32>
        %swap3A_622 = arith.constant 1 : i32
        %swap3A_623 = arith.index_cast %swap3A_622 : i32 to index
        %swap3A_624 = arith.index_cast %scan3A_461 : i32 to index
        %swap3A_625 = arith.constant 48 : index
        %swap3A_626 = tpu.vector_load %arg11[%swap3A_623, %swap3A_624, %swap3A_625] {strides = array<i32>} : memref<2x128x64xf32, #tpu.memory_space<vmem>>, vector<1x1x16xf32>,
        %swap3A_627 = vector.shape_cast %swap3A_626 : vector<1x1x16xf32> to vector<16xf32>
        %swap3A_628 = vector.shape_cast %add3A_621 : vector<16xf32> to vector<1x1x16xf32>
        tpu.vector_store %arg11[%swap3A_623, %swap3A_624, %swap3A_625], %swap3A_628 {strides = array<i32>} : memref<2x128x64xf32, #tpu.memory_space<vmem>>, vector<1x1x16xf32>,
        %scan3A_629 = arith.constant 0 : i32
        scf.yield %scan3A_629 : i32
      }
      %scan3A_430 = arith.constant 128 : i32
      %mul3A_431 = arith.constant 128 : i32
      %mul3A_432 = arith.muli %add3A_347, %mul3A_431 : i32
      %add3A_433 = arith.addi %mul3A_2, %mul3A_432 : i32
      %dma_start3A_434 = arith.constant 1 : i32
      %dma_start3A_435 = arith.constant 0 : i32
      %dma_start3A_436 = arith.constant 0 : i32
      %dma_start3A_437 = tpu.memref_slice %arg11[%dma_start3A_434, %dma_start3A_435, %dma_start3A_436] : memref<2x128x64xf32, #tpu.memory_space<vmem>> -> memref<1x128x64xf32, #tpu.memory_space<vmem>>
      %dma_start3A_438 = tpu.memref_squeeze %dma_start3A_437 : memref<1x128x64xf32, #tpu.memory_space<vmem>> -> memref<128x64xf32, #tpu.memory_space<vmem>>
      %dma_start3A_439 = arith.constant 0 : i32
      %dma_start3A_440 = tpu.memref_slice %arg6[%add3A_433, %dma_start3A_439] : memref<102400x128xf32, #tpu.memory_space<hbm>> -> memref<128x64xf32, #tpu.memory_space<hbm>>
      %dma_start3A_441 = arith.constant 0 : i32
      %dma_start3A_442 = tpu.memref_slice %arg6[%add3A_433, %dma_start3A_441] : memref<102400x128xf32, #tpu.memory_space<hbm>> -> memref<128x64xf32, #tpu.memory_space<hbm>>
      %dma_start3A_443 = arith.constant 0 : i32
      %dma_start3A_444 = arith.constant 0 : i32
      %dma_start3A_445 = tpu.memref_slice %arg11[%dma_start3A_434, %dma_start3A_443, %dma_start3A_444] : memref<2x128x64xf32, #tpu.memory_space<vmem>> -> memref<1x128x64xf32, #tpu.memory_space<vmem>>
      %dma_start3A_446 = tpu.memref_squeeze %dma_start3A_445 : memref<1x128x64xf32, #tpu.memory_space<vmem>> -> memref<128x64xf32, #tpu.memory_space<vmem>>
      tpu.enqueue_dma source(%dma_start3A_446 : memref<128x64xf32, #tpu.memory_space<vmem>>) target(%dma_start3A_442 : memref<128x64xf32, #tpu.memory_space<hbm>>) target_semaphore(%arg15 : memref<!tpu.dma_semaphore, #tpu.memory_space<semaphore_mem>>)
      %dma_start3A_447 = arith.constant 1 : i32
      %dma_start3A_448 = arith.constant 0 : i32
      %dma_start3A_449 = arith.constant 0 : i32
      %dma_start3A_450 = tpu.memref_slice %arg10[%dma_start3A_447, %dma_start3A_448, %dma_start3A_449] : memref<2x128x32xf32, #tpu.memory_space<vmem>> -> memref<1x128x32xf32, #tpu.memory_space<vmem>>
      %dma_start3A_451 = tpu.memref_squeeze %dma_start3A_450 : memref<1x128x32xf32, #tpu.memory_space<vmem>> -> memref<128x32xf32, #tpu.memory_space<vmem>>
      %dma_start3A_452 = arith.constant 64 : i32
      %dma_start3A_453 = tpu.memref_slice %arg6[%add3A_433, %dma_start3A_452] : memref<102400x128xf32, #tpu.memory_space<hbm>> -> memref<128x32xf32, #tpu.memory_space<hbm>>
      %dma_start3A_454 = arith.constant 64 : i32
      %dma_start3A_455 = tpu.memref_slice %arg6[%add3A_433, %dma_start3A_454] : memref<102400x128xf32, #tpu.memory_space<hbm>> -> memref<128x32xf32, #tpu.memory_space<hbm>>
      %dma_start3A_456 = arith.constant 0 : i32
      %dma_start3A_457 = arith.constant 0 : i32
      %dma_start3A_458 = tpu.memref_slice %arg10[%dma_start3A_447, %dma_start3A_456, %dma_start3A_457] : memref<2x128x32xf32, #tpu.memory_space<vmem>> -> memref<1x128x32xf32, #tpu.memory_space<vmem>>
      %dma_start3A_459 = tpu.memref_squeeze %dma_start3A_458 : memref<1x128x32xf32, #tpu.memory_space<vmem>> -> memref<128x32xf32, #tpu.memory_space<vmem>>
      tpu.enqueue_dma source(%dma_start3A_459 : memref<128x32xf32, #tpu.memory_space<vmem>>) target(%dma_start3A_455 : memref<128x32xf32, #tpu.memory_space<hbm>>) target_semaphore(%arg15 : memref<!tpu.dma_semaphore, #tpu.memory_space<semaphore_mem>>)
      %scan3A_460 = arith.constant 0 : i32
      scf.yield %scan3A_460 : i32
    }
    %scan3A_71 = arith.constant 12 : i32
    %dma_wait3A = arith.constant 1 : i32
    %dma_wait3A_72 = arith.constant 0 : i32
    %dma_wait3A_73 = arith.constant 0 : i32
    %dma_wait3A_74 = tpu.memref_slice %arg11[%dma_wait3A, %dma_wait3A_72, %dma_wait3A_73] : memref<2x128x64xf32, #tpu.memory_space<vmem>> -> memref<1x128x64xf32, #tpu.memory_space<vmem>>
    %dma_wait3A_75 = tpu.memref_squeeze %dma_wait3A_74 : memref<1x128x64xf32, #tpu.memory_space<vmem>> -> memref<128x64xf32, #tpu.memory_space<vmem>>
    %dma_wait3A_76 = arith.constant 0 : i32
    %dma_wait3A_77 = arith.constant 0 : i32
    %dma_wait3A_78 = tpu.memref_slice %arg6[%dma_wait3A_76, %dma_wait3A_77] : memref<102400x128xf32, #tpu.memory_space<hbm>> -> memref<128x64xf32, #tpu.memory_space<hbm>>
    %dma_wait3A_79 = arith.constant 0 : i32
    %dma_wait3A_80 = arith.constant 0 : i32
    %dma_wait3A_81 = tpu.memref_slice %arg6[%dma_wait3A_79, %dma_wait3A_80] : memref<102400x128xf32, #tpu.memory_space<hbm>> -> memref<128x64xf32, #tpu.memory_space<hbm>>
    %dma_wait3A_82 = arith.constant 0 : i32
    %dma_wait3A_83 = arith.constant 0 : i32
    %dma_wait3A_84 = tpu.memref_slice %arg11[%dma_wait3A, %dma_wait3A_82, %dma_wait3A_83] : memref<2x128x64xf32, #tpu.memory_space<vmem>> -> memref<1x128x64xf32, #tpu.memory_space<vmem>>
    %dma_wait3A_85 = tpu.memref_squeeze %dma_wait3A_84 : memref<1x128x64xf32, #tpu.memory_space<vmem>> -> memref<128x64xf32, #tpu.memory_space<vmem>>
    tpu.wait_dma2 semaphore(%arg15 : memref<!tpu.dma_semaphore, #tpu.memory_space<semaphore_mem>>) src(%dma_wait3A_85 : memref<128x64xf32, #tpu.memory_space<vmem>>) dst(%dma_wait3A_81 : memref<128x64xf32, #tpu.memory_space<hbm>>)
    %dma_wait3A_86 = arith.constant 1 : i32
    %dma_wait3A_87 = arith.constant 0 : i32
    %dma_wait3A_88 = arith.constant 0 : i32
    %dma_wait3A_89 = tpu.memref_slice %arg10[%dma_wait3A_86, %dma_wait3A_87, %dma_wait3A_88] : memref<2x128x32xf32, #tpu.memory_space<vmem>> -> memref<1x128x32xf32, #tpu.memory_space<vmem>>
    %dma_wait3A_90 = tpu.memref_squeeze %dma_wait3A_89 : memref<1x128x32xf32, #tpu.memory_space<vmem>> -> memref<128x32xf32, #tpu.memory_space<vmem>>
    %dma_wait3A_91 = arith.constant 0 : i32
    %dma_wait3A_92 = arith.constant 64 : i32
    %dma_wait3A_93 = tpu.memref_slice %arg6[%dma_wait3A_91, %dma_wait3A_92] : memref<102400x128xf32, #tpu.memory_space<hbm>> -> memref<128x32xf32, #tpu.memory_space<hbm>>
    %dma_wait3A_94 = arith.constant 0 : i32
    %dma_wait3A_95 = arith.constant 64 : i32
    %dma_wait3A_96 = tpu.memref_slice %arg6[%dma_wait3A_94, %dma_wait3A_95] : memref<102400x128xf32, #tpu.memory_space<hbm>> -> memref<128x32xf32, #tpu.memory_space<hbm>>
    %dma_wait3A_97 = arith.constant 0 : i32
    %dma_wait3A_98 = arith.constant 0 : i32
    %dma_wait3A_99 = tpu.memref_slice %arg10[%dma_wait3A_86, %dma_wait3A_97, %dma_wait3A_98] : memref<2x128x32xf32, #tpu.memory_space<vmem>> -> memref<1x128x32xf32, #tpu.memory_space<vmem>>
    %dma_wait3A_100 = tpu.memref_squeeze %dma_wait3A_99 : memref<1x128x32xf32, #tpu.memory_space<vmem>> -> memref<128x32xf32, #tpu.memory_space<vmem>>
    tpu.wait_dma2 semaphore(%arg15 : memref<!tpu.dma_semaphore, #tpu.memory_space<semaphore_mem>>) src(%dma_wait3A_100 : memref<128x32xf32, #tpu.memory_space<vmem>>) dst(%dma_wait3A_96 : memref<128x32xf32, #tpu.memory_space<hbm>>)
    %dma_wait3A_101 = arith.constant 0 : i32
    %dma_wait3A_102 = arith.constant 0 : i32
    %dma_wait3A_103 = arith.constant 0 : i32
    %dma_wait3A_104 = arith.constant 0 : i32
    %dma_wait3A_105 = arith.constant 0 : i32
    %dma_wait3A_106 = tpu.memref_slice %arg9[%dma_wait3A_102, %dma_wait3A_103, %dma_wait3A_104, %dma_wait3A_105] : memref<2x4x128x64xf32, #tpu.memory_space<vmem>> -> memref<1x1x128x64xf32, #tpu.memory_space<vmem>>
    %dma_wait3A_107 = tpu.memref_squeeze %dma_wait3A_106 : memref<1x1x128x64xf32, #tpu.memory_space<vmem>> -> memref<128x64xf32, #tpu.memory_space<vmem>>
    %dma_wait3A_108 = arith.constant 0 : i32
    %dma_wait3A_109 = tpu.memref_slice %arg7[%dma_wait3A_101, %dma_wait3A_108] : memref<100x128xi32, #tpu.memory_space<vmem>> -> memref<1x128xi32, #tpu.memory_space<vmem>>
    %dma_wait3A_110 = tpu.memref_squeeze %dma_wait3A_109 : memref<1x128xi32, #tpu.memory_space<vmem>> -> memref<128xi32, #tpu.memory_space<vmem>>
    %dma_wait3A_111 = arith.constant 0 : i32
    %dma_wait3A_112 = arith.constant 0 : i32
    %dma_wait3A_113 = tpu.memref_slice %arg2[%dma_wait3A_111, %dma_wait3A_112] : memref<1000000x64xf32, #tpu.memory_space<hbm>> -> memref<1000000x64xf32, #tpu.memory_space<hbm>>
    tpu.wait_indirect_dma semaphore(%arg12 : memref<!tpu.dma_semaphore, #tpu.memory_space<semaphore_mem>>) src(%dma_wait3A_113 : memref<1000000x64xf32, #tpu.memory_space<hbm>>) dst(%dma_wait3A_107 : memref<128x64xf32, #tpu.memory_space<vmem>>)
    %dma_wait3A_114 = arith.constant 0 : i32
    %dma_wait3A_115 = arith.constant 0 : i32
    %dma_wait3A_116 = arith.constant 1 : i32
    %dma_wait3A_117 = arith.constant 0 : i32
    %dma_wait3A_118 = arith.constant 0 : i32
    %dma_wait3A_119 = tpu.memref_slice %arg9[%dma_wait3A_115, %dma_wait3A_116, %dma_wait3A_117, %dma_wait3A_118] : memref<2x4x128x64xf32, #tpu.memory_space<vmem>> -> memref<1x1x128x64xf32, #tpu.memory_space<vmem>>
    %dma_wait3A_120 = tpu.memref_squeeze %dma_wait3A_119 : memref<1x1x128x64xf32, #tpu.memory_space<vmem>> -> memref<128x64xf32, #tpu.memory_space<vmem>>
    %dma_wait3A_121 = arith.constant 0 : i32
    %dma_wait3A_122 = tpu.memref_slice %arg7[%dma_wait3A_114, %dma_wait3A_121] : memref<100x128xi32, #tpu.memory_space<vmem>> -> memref<1x128xi32, #tpu.memory_space<vmem>>
    %dma_wait3A_123 = tpu.memref_squeeze %dma_wait3A_122 : memref<1x128xi32, #tpu.memory_space<vmem>> -> memref<128xi32, #tpu.memory_space<vmem>>
    %dma_wait3A_124 = arith.constant 0 : i32
    %dma_wait3A_125 = arith.constant 0 : i32
    %dma_wait3A_126 = tpu.memref_slice %arg2[%dma_wait3A_124, %dma_wait3A_125] : memref<1000000x64xf32, #tpu.memory_space<hbm>> -> memref<1000000x64xf32, #tpu.memory_space<hbm>>
    tpu.wait_indirect_dma semaphore(%arg12 : memref<!tpu.dma_semaphore, #tpu.memory_space<semaphore_mem>>) src(%dma_wait3A_126 : memref<1000000x64xf32, #tpu.memory_space<hbm>>) dst(%dma_wait3A_120 : memref<128x64xf32, #tpu.memory_space<vmem>>)
    %dma_wait3A_127 = arith.constant 0 : i32
    %dma_wait3A_128 = arith.constant 0 : i32
    %dma_wait3A_129 = arith.constant 2 : i32
    %dma_wait3A_130 = arith.constant 0 : i32
    %dma_wait3A_131 = arith.constant 0 : i32
    %dma_wait3A_132 = tpu.memref_slice %arg9[%dma_wait3A_128, %dma_wait3A_129, %dma_wait3A_130, %dma_wait3A_131] : memref<2x4x128x64xf32, #tpu.memory_space<vmem>> -> memref<1x1x128x64xf32, #tpu.memory_space<vmem>>
    %dma_wait3A_133 = tpu.memref_squeeze %dma_wait3A_132 : memref<1x1x128x64xf32, #tpu.memory_space<vmem>> -> memref<128x64xf32, #tpu.memory_space<vmem>>
    %dma_wait3A_134 = arith.constant 0 : i32
    %dma_wait3A_135 = tpu.memref_slice %arg7[%dma_wait3A_127, %dma_wait3A_134] : memref<100x128xi32, #tpu.memory_space<vmem>> -> memref<1x128xi32, #tpu.memory_space<vmem>>
    %dma_wait3A_136 = tpu.memref_squeeze %dma_wait3A_135 : memref<1x128xi32, #tpu.memory_space<vmem>> -> memref<128xi32, #tpu.memory_space<vmem>>
    %dma_wait3A_137 = arith.constant 0 : i32
    %dma_wait3A_138 = arith.constant 0 : i32
    %dma_wait3A_139 = tpu.memref_slice %arg2[%dma_wait3A_137, %dma_wait3A_138] : memref<1000000x64xf32, #tpu.memory_space<hbm>> -> memref<1000000x64xf32, #tpu.memory_space<hbm>>
    tpu.wait_indirect_dma semaphore(%arg12 : memref<!tpu.dma_semaphore, #tpu.memory_space<semaphore_mem>>) src(%dma_wait3A_139 : memref<1000000x64xf32, #tpu.memory_space<hbm>>) dst(%dma_wait3A_133 : memref<128x64xf32, #tpu.memory_space<vmem>>)
    %dma_wait3A_140 = arith.constant 0 : i32
    %dma_wait3A_141 = arith.constant 0 : i32
    %dma_wait3A_142 = arith.constant 3 : i32
    %dma_wait3A_143 = arith.constant 0 : i32
    %dma_wait3A_144 = arith.constant 0 : i32
    %dma_wait3A_145 = tpu.memref_slice %arg9[%dma_wait3A_141, %dma_wait3A_142, %dma_wait3A_143, %dma_wait3A_144] : memref<2x4x128x64xf32, #tpu.memory_space<vmem>> -> memref<1x1x128x64xf32, #tpu.memory_space<vmem>>
    %dma_wait3A_146 = tpu.memref_squeeze %dma_wait3A_145 : memref<1x1x128x64xf32, #tpu.memory_space<vmem>> -> memref<128x64xf32, #tpu.memory_space<vmem>>
    %dma_wait3A_147 = arith.constant 0 : i32
    %dma_wait3A_148 = tpu.memref_slice %arg7[%dma_wait3A_140, %dma_wait3A_147] : memref<100x128xi32, #tpu.memory_space<vmem>> -> memref<1x128xi32, #tpu.memory_space<vmem>>
    %dma_wait3A_149 = tpu.memref_squeeze %dma_wait3A_148 : memref<1x128xi32, #tpu.memory_space<vmem>> -> memref<128xi32, #tpu.memory_space<vmem>>
    %dma_wait3A_150 = arith.constant 0 : i32
    %dma_wait3A_151 = arith.constant 0 : i32
    %dma_wait3A_152 = tpu.memref_slice %arg2[%dma_wait3A_150, %dma_wait3A_151] : memref<1000000x64xf32, #tpu.memory_space<hbm>> -> memref<1000000x64xf32, #tpu.memory_space<hbm>>
    tpu.wait_indirect_dma semaphore(%arg12 : memref<!tpu.dma_semaphore, #tpu.memory_space<semaphore_mem>>) src(%dma_wait3A_152 : memref<1000000x64xf32, #tpu.memory_space<hbm>>) dst(%dma_wait3A_146 : memref<128x64xf32, #tpu.memory_space<vmem>>)
    %dma_wait3A_153 = arith.constant 0 : i32
    %dma_wait3A_154 = arith.constant 0 : i32
    %dma_wait3A_155 = arith.constant 0 : i32
    %dma_wait3A_156 = arith.constant 0 : i32
    %dma_wait3A_157 = tpu.memref_slice %arg10[%dma_wait3A_154, %dma_wait3A_155, %dma_wait3A_156] : memref<2x128x32xf32, #tpu.memory_space<vmem>> -> memref<1x128x32xf32, #tpu.memory_space<vmem>>
    %dma_wait3A_158 = tpu.memref_squeeze %dma_wait3A_157 : memref<1x128x32xf32, #tpu.memory_space<vmem>> -> memref<128x32xf32, #tpu.memory_space<vmem>>
    %dma_wait3A_159 = arith.constant 0 : i32
    %dma_wait3A_160 = tpu.memref_slice %arg8[%dma_wait3A_153, %dma_wait3A_159] : memref<25x128xi32, #tpu.memory_space<vmem>> -> memref<1x128xi32, #tpu.memory_space<vmem>>
    %dma_wait3A_161 = tpu.memref_squeeze %dma_wait3A_160 : memref<1x128xi32, #tpu.memory_space<vmem>> -> memref<128xi32, #tpu.memory_space<vmem>>
    %dma_wait3A_162 = arith.constant 0 : i32
    %dma_wait3A_163 = arith.constant 0 : i32
    %dma_wait3A_164 = tpu.memref_slice %arg3[%dma_wait3A_162, %dma_wait3A_163] : memref<100000x32xf32, #tpu.memory_space<hbm>> -> memref<100000x32xf32, #tpu.memory_space<hbm>>
    tpu.wait_indirect_dma semaphore(%arg12 : memref<!tpu.dma_semaphore, #tpu.memory_space<semaphore_mem>>) src(%dma_wait3A_164 : memref<100000x32xf32, #tpu.memory_space<hbm>>) dst(%dma_wait3A_158 : memref<128x32xf32, #tpu.memory_space<vmem>>)
    %scan3A_165 = arith.constant 0 : i32
    %scan3A_166 = arith.constant 0 : i32
    %scan3A_167 = arith.constant 128 : i32
    %scan3A_168 = arith.addi %scan3A_166, %scan3A_167 : i32
    %scan3A_169 = arith.constant 1 : i32
    %scan3A_170 = scf.for %scan3A_230 = %scan3A_166 to %scan3A_168 step %scan3A_169 iter_args(%scan3A_231 = %scan3A_165) -> (i32)  : i32 {
      %get3A = arith.constant 0 : i32
      %get3A_232 = arith.constant 0 : i32
      %get3A_233 = arith.index_cast %get3A : i32 to index
      %get3A_234 = arith.index_cast %get3A_232 : i32 to index
      %get3A_235 = arith.index_cast %scan3A_230 : i32 to index
      %get3A_236 = arith.constant 0 : index
      %get3A_237 = tpu.vector_load %arg9[%get3A_233, %get3A_234, %get3A_235, %get3A_236] {strides = array<i32>} : memref<2x4x128x64xf32, #tpu.memory_space<vmem>>, vector<1x1x1x16xf32>,
      %get3A_238 = vector.shape_cast %get3A_237 : vector<1x1x1x16xf32> to vector<16xf32>
      %get3A_239 = arith.constant 0 : i32
      %get3A_240 = arith.constant 1 : i32
      %get3A_241 = arith.index_cast %get3A_239 : i32 to index
      %get3A_242 = arith.index_cast %get3A_240 : i32 to index
      %get3A_243 = arith.index_cast %scan3A_230 : i32 to index
      %get3A_244 = arith.constant 0 : index
      %get3A_245 = tpu.vector_load %arg9[%get3A_241, %get3A_242, %get3A_243, %get3A_244] {strides = array<i32>} : memref<2x4x128x64xf32, #tpu.memory_space<vmem>>, vector<1x1x1x16xf32>,
      %get3A_246 = vector.shape_cast %get3A_245 : vector<1x1x1x16xf32> to vector<16xf32>
      %add3A_247 = arith.addf %get3A_238, %get3A_246 : vector<16xf32>
      %get3A_248 = arith.constant 0 : i32
      %get3A_249 = arith.constant 2 : i32
      %get3A_250 = arith.index_cast %get3A_248 : i32 to index
      %get3A_251 = arith.index_cast %get3A_249 : i32 to index
      %get3A_252 = arith.index_cast %scan3A_230 : i32 to index
      %get3A_253 = arith.constant 0 : index
      %get3A_254 = tpu.vector_load %arg9[%get3A_250, %get3A_251, %get3A_252, %get3A_253] {strides = array<i32>} : memref<2x4x128x64xf32, #tpu.memory_space<vmem>>, vector<1x1x1x16xf32>,
      %get3A_255 = vector.shape_cast %get3A_254 : vector<1x1x1x16xf32> to vector<16xf32>
      %add3A_256 = arith.addf %add3A_247, %get3A_255 : vector<16xf32>
      %get3A_257 = arith.constant 0 : i32
      %get3A_258 = arith.constant 3 : i32
      %get3A_259 = arith.index_cast %get3A_257 : i32 to index
      %get3A_260 = arith.index_cast %get3A_258 : i32 to index
      %get3A_261 = arith.index_cast %scan3A_230 : i32 to index
      %get3A_262 = arith.constant 0 : index
      %get3A_263 = tpu.vector_load %arg9[%get3A_259, %get3A_260, %get3A_261, %get3A_262] {strides = array<i32>} : memref<2x4x128x64xf32, #tpu.memory_space<vmem>>, vector<1x1x1x16xf32>,
      %get3A_264 = vector.shape_cast %get3A_263 : vector<1x1x1x16xf32> to vector<16xf32>
      %add3A_265 = arith.addf %add3A_256, %get3A_264 : vector<16xf32>
      %swap3A = arith.constant 0 : i32
      %swap3A_266 = arith.index_cast %swap3A : i32 to index
      %swap3A_267 = arith.index_cast %scan3A_230 : i32 to index
      %swap3A_268 = arith.constant 0 : index
      %swap3A_269 = tpu.vector_load %arg11[%swap3A_266, %swap3A_267, %swap3A_268] {strides = array<i32>} : memref<2x128x64xf32, #tpu.memory_space<vmem>>, vector<1x1x16xf32>,
      %swap3A_270 = vector.shape_cast %swap3A_269 : vector<1x1x16xf32> to vector<16xf32>
      %swap3A_271 = vector.shape_cast %add3A_265 : vector<16xf32> to vector<1x1x16xf32>
      tpu.vector_store %arg11[%swap3A_266, %swap3A_267, %swap3A_268], %swap3A_271 {strides = array<i32>} : memref<2x128x64xf32, #tpu.memory_space<vmem>>, vector<1x1x16xf32>,
      %get3A_272 = arith.constant 0 : i32
      %get3A_273 = arith.constant 0 : i32
      %get3A_274 = arith.index_cast %get3A_272 : i32 to index
      %get3A_275 = arith.index_cast %get3A_273 : i32 to index
      %get3A_276 = arith.index_cast %scan3A_230 : i32 to index
      %get3A_277 = arith.constant 16 : index
      %get3A_278 = tpu.vector_load %arg9[%get3A_274, %get3A_275, %get3A_276, %get3A_277] {strides = array<i32>} : memref<2x4x128x64xf32, #tpu.memory_space<vmem>>, vector<1x1x1x16xf32>,
      %get3A_279 = vector.shape_cast %get3A_278 : vector<1x1x1x16xf32> to vector<16xf32>
      %get3A_280 = arith.constant 0 : i32
      %get3A_281 = arith.constant 1 : i32
      %get3A_282 = arith.index_cast %get3A_280 : i32 to index
      %get3A_283 = arith.index_cast %get3A_281 : i32 to index
      %get3A_284 = arith.index_cast %scan3A_230 : i32 to index
      %get3A_285 = arith.constant 16 : index
      %get3A_286 = tpu.vector_load %arg9[%get3A_282, %get3A_283, %get3A_284, %get3A_285] {strides = array<i32>} : memref<2x4x128x64xf32, #tpu.memory_space<vmem>>, vector<1x1x1x16xf32>,
      %get3A_287 = vector.shape_cast %get3A_286 : vector<1x1x1x16xf32> to vector<16xf32>
      %add3A_288 = arith.addf %get3A_279, %get3A_287 : vector<16xf32>
      %get3A_289 = arith.constant 0 : i32
      %get3A_290 = arith.constant 2 : i32
      %get3A_291 = arith.index_cast %get3A_289 : i32 to index
      %get3A_292 = arith.index_cast %get3A_290 : i32 to index
      %get3A_293 = arith.index_cast %scan3A_230 : i32 to index
      %get3A_294 = arith.constant 16 : index
      %get3A_295 = tpu.vector_load %arg9[%get3A_291, %get3A_292, %get3A_293, %get3A_294] {strides = array<i32>} : memref<2x4x128x64xf32, #tpu.memory_space<vmem>>, vector<1x1x1x16xf32>,
      %get3A_296 = vector.shape_cast %get3A_295 : vector<1x1x1x16xf32> to vector<16xf32>
      %add3A_297 = arith.addf %add3A_288, %get3A_296 : vector<16xf32>
      %get3A_298 = arith.constant 0 : i32
      %get3A_299 = arith.constant 3 : i32
      %get3A_300 = arith.index_cast %get3A_298 : i32 to index
      %get3A_301 = arith.index_cast %get3A_299 : i32 to index
      %get3A_302 = arith.index_cast %scan3A_230 : i32 to index
      %get3A_303 = arith.constant 16 : index
      %get3A_304 = tpu.vector_load %arg9[%get3A_300, %get3A_301, %get3A_302, %get3A_303] {strides = array<i32>} : memref<2x4x128x64xf32, #tpu.memory_space<vmem>>, vector<1x1x1x16xf32>,
      %get3A_305 = vector.shape_cast %get3A_304 : vector<1x1x1x16xf32> to vector<16xf32>
      %add3A_306 = arith.addf %add3A_297, %get3A_305 : vector<16xf32>
      %swap3A_307 = arith.constant 0 : i32
      %swap3A_308 = arith.index_cast %swap3A_307 : i32 to index
      %swap3A_309 = arith.index_cast %scan3A_230 : i32 to index
      %swap3A_310 = arith.constant 16 : index
      %swap3A_311 = tpu.vector_load %arg11[%swap3A_308, %swap3A_309, %swap3A_310] {strides = array<i32>} : memref<2x128x64xf32, #tpu.memory_space<vmem>>, vector<1x1x16xf32>,
      %swap3A_312 = vector.shape_cast %swap3A_311 : vector<1x1x16xf32> to vector<16xf32>
      %swap3A_313 = vector.shape_cast %add3A_306 : vector<16xf32> to vector<1x1x16xf32>
      tpu.vector_store %arg11[%swap3A_308, %swap3A_309, %swap3A_310], %swap3A_313 {strides = array<i32>} : memref<2x128x64xf32, #tpu.memory_space<vmem>>, vector<1x1x16xf32>,
      %get3A_314 = arith.constant 0 : i32
      %get3A_315 = arith.constant 0 : i32
      %get3A_316 = arith.index_cast %get3A_314 : i32 to index
      %get3A_317 = arith.index_cast %get3A_315 : i32 to index
      %get3A_318 = arith.index_cast %scan3A_230 : i32 to index
      %get3A_319 = arith.constant 32 : index
      %get3A_320 = tpu.vector_load %arg9[%get3A_316, %get3A_317, %get3A_318, %get3A_319] {strides = array<i32>} : memref<2x4x128x64xf32, #tpu.memory_space<vmem>>, vector<1x1x1x16xf32>,
      %get3A_321 = vector.shape_cast %get3A_320 : vector<1x1x1x16xf32> to vector<16xf32>
      %get3A_322 = arith.constant 0 : i32
      %get3A_323 = arith.constant 1 : i32
      %get3A_324 = arith.index_cast %get3A_322 : i32 to index
      %get3A_325 = arith.index_cast %get3A_323 : i32 to index
      %get3A_326 = arith.index_cast %scan3A_230 : i32 to index
      %get3A_327 = arith.constant 32 : index
      %get3A_328 = tpu.vector_load %arg9[%get3A_324, %get3A_325, %get3A_326, %get3A_327] {strides = array<i32>} : memref<2x4x128x64xf32, #tpu.memory_space<vmem>>, vector<1x1x1x16xf32>,
      %get3A_329 = vector.shape_cast %get3A_328 : vector<1x1x1x16xf32> to vector<16xf32>
      %add3A_330 = arith.addf %get3A_321, %get3A_329 : vector<16xf32>
      %get3A_331 = arith.constant 0 : i32
      %get3A_332 = arith.constant 2 : i32
      %get3A_333 = arith.index_cast %get3A_331 : i32 to index
      %get3A_334 = arith.index_cast %get3A_332 : i32 to index
      %get3A_335 = arith.index_cast %scan3A_230 : i32 to index
      %get3A_336 = arith.constant 32 : index
      %get3A_337 = tpu.vector_load %arg9[%get3A_333, %get3A_334, %get3A_335, %get3A_336] {strides = array<i32>} : memref<2x4x128x64xf32, #tpu.memory_space<vmem>>, vector<1x1x1x16xf32>,
      %get3A_338 = vector.shape_cast %get3A_337 : vector<1x1x1x16xf32> to vector<16xf32>
      %add3A_339 = arith.addf %add3A_330, %get3A_338 : vector<16xf32>
      %get3A_340 = arith.constant 0 : i32
      %get3A_341 = arith.constant 3 : i32
      %get3A_342 = arith.index_cast %get3A_340 : i32 to index
      %get3A_343 = arith.index_cast %get3A_341 : i32 to index
      %get3A_344 = arith.index_cast %scan3A_230 : i32 to index
      %get3A_345 = arith.constant 32 : index
      %get3A_346 = tpu.vector_load %arg9[%get3A_342, %get3A_343, %get3A_344, %get3A_345] {strides = array<i32>} : memref<2x4x128x64xf32, #tpu.memory_space<vmem>>, vector<1x1x1x16xf32>,
      %get3A_347 = vector.shape_cast %get3A_346 : vector<1x1x1x16xf32> to vector<16xf32>
      %add3A_348 = arith.addf %add3A_339, %get3A_347 : vector<16xf32>
      %swap3A_349 = arith.constant 0 : i32
      %swap3A_350 = arith.index_cast %swap3A_349 : i32 to index
      %swap3A_351 = arith.index_cast %scan3A_230 : i32 to index
      %swap3A_352 = arith.constant 32 : index
      %swap3A_353 = tpu.vector_load %arg11[%swap3A_350, %swap3A_351, %swap3A_352] {strides = array<i32>} : memref<2x128x64xf32, #tpu.memory_space<vmem>>, vector<1x1x16xf32>,
      %swap3A_354 = vector.shape_cast %swap3A_353 : vector<1x1x16xf32> to vector<16xf32>
      %swap3A_355 = vector.shape_cast %add3A_348 : vector<16xf32> to vector<1x1x16xf32>
      tpu.vector_store %arg11[%swap3A_350, %swap3A_351, %swap3A_352], %swap3A_355 {strides = array<i32>} : memref<2x128x64xf32, #tpu.memory_space<vmem>>, vector<1x1x16xf32>,
      %get3A_356 = arith.constant 0 : i32
      %get3A_357 = arith.constant 0 : i32
      %get3A_358 = arith.index_cast %get3A_356 : i32 to index
      %get3A_359 = arith.index_cast %get3A_357 : i32 to index
      %get3A_360 = arith.index_cast %scan3A_230 : i32 to index
      %get3A_361 = arith.constant 48 : index
      %get3A_362 = tpu.vector_load %arg9[%get3A_358, %get3A_359, %get3A_360, %get3A_361] {strides = array<i32>} : memref<2x4x128x64xf32, #tpu.memory_space<vmem>>, vector<1x1x1x16xf32>,
      %get3A_363 = vector.shape_cast %get3A_362 : vector<1x1x1x16xf32> to vector<16xf32>
      %get3A_364 = arith.constant 0 : i32
      %get3A_365 = arith.constant 1 : i32
      %get3A_366 = arith.index_cast %get3A_364 : i32 to index
      %get3A_367 = arith.index_cast %get3A_365 : i32 to index
      %get3A_368 = arith.index_cast %scan3A_230 : i32 to index
      %get3A_369 = arith.constant 48 : index
      %get3A_370 = tpu.vector_load %arg9[%get3A_366, %get3A_367, %get3A_368, %get3A_369] {strides = array<i32>} : memref<2x4x128x64xf32, #tpu.memory_space<vmem>>, vector<1x1x1x16xf32>,
      %get3A_371 = vector.shape_cast %get3A_370 : vector<1x1x1x16xf32> to vector<16xf32>
      %add3A_372 = arith.addf %get3A_363, %get3A_371 : vector<16xf32>
      %get3A_373 = arith.constant 0 : i32
      %get3A_374 = arith.constant 2 : i32
      %get3A_375 = arith.index_cast %get3A_373 : i32 to index
      %get3A_376 = arith.index_cast %get3A_374 : i32 to index
      %get3A_377 = arith.index_cast %scan3A_230 : i32 to index
      %get3A_378 = arith.constant 48 : index
      %get3A_379 = tpu.vector_load %arg9[%get3A_375, %get3A_376, %get3A_377, %get3A_378] {strides = array<i32>} : memref<2x4x128x64xf32, #tpu.memory_space<vmem>>, vector<1x1x1x16xf32>,
      %get3A_380 = vector.shape_cast %get3A_379 : vector<1x1x1x16xf32> to vector<16xf32>
      %add3A_381 = arith.addf %add3A_372, %get3A_380 : vector<16xf32>
      %get3A_382 = arith.constant 0 : i32
      %get3A_383 = arith.constant 3 : i32
      %get3A_384 = arith.index_cast %get3A_382 : i32 to index
      %get3A_385 = arith.index_cast %get3A_383 : i32 to index
      %get3A_386 = arith.index_cast %scan3A_230 : i32 to index
      %get3A_387 = arith.constant 48 : index
      %get3A_388 = tpu.vector_load %arg9[%get3A_384, %get3A_385, %get3A_386, %get3A_387] {strides = array<i32>} : memref<2x4x128x64xf32, #tpu.memory_space<vmem>>, vector<1x1x1x16xf32>,
      %get3A_389 = vector.shape_cast %get3A_388 : vector<1x1x1x16xf32> to vector<16xf32>
      %add3A_390 = arith.addf %add3A_381, %get3A_389 : vector<16xf32>
      %swap3A_391 = arith.constant 0 : i32
      %swap3A_392 = arith.index_cast %swap3A_391 : i32 to index
      %swap3A_393 = arith.index_cast %scan3A_230 : i32 to index
      %swap3A_394 = arith.constant 48 : index
      %swap3A_395 = tpu.vector_load %arg11[%swap3A_392, %swap3A_393, %swap3A_394] {strides = array<i32>} : memref<2x128x64xf32, #tpu.memory_space<vmem>>, vector<1x1x16xf32>,
      %swap3A_396 = vector.shape_cast %swap3A_395 : vector<1x1x16xf32> to vector<16xf32>
      %swap3A_397 = vector.shape_cast %add3A_390 : vector<16xf32> to vector<1x1x16xf32>
      tpu.vector_store %arg11[%swap3A_392, %swap3A_393, %swap3A_394], %swap3A_397 {strides = array<i32>} : memref<2x128x64xf32, #tpu.memory_space<vmem>>, vector<1x1x16xf32>,
      %scan3A_398 = arith.constant 0 : i32
      scf.yield %scan3A_398 : i32
    }
    %scan3A_171 = arith.constant 128 : i32
    %add3A_172 = arith.constant 3072 : i32
    %add3A_173 = arith.addi %mul3A_2, %add3A_172 : i32
    %dma_start3A_174 = arith.constant 0 : i32
    %dma_start3A_175 = arith.constant 0 : i32
    %dma_start3A_176 = arith.constant 0 : i32
    %dma_start3A_177 = tpu.memref_slice %arg11[%dma_start3A_174, %dma_start3A_175, %dma_start3A_176] : memref<2x128x64xf32, #tpu.memory_space<vmem>> -> memref<1x128x64xf32, #tpu.memory_space<vmem>>
    %dma_start3A_178 = tpu.memref_squeeze %dma_start3A_177 : memref<1x128x64xf32, #tpu.memory_space<vmem>> -> memref<128x64xf32, #tpu.memory_space<vmem>>
    %dma_start3A_179 = arith.constant 0 : i32
    %dma_start3A_180 = tpu.memref_slice %arg6[%add3A_173, %dma_start3A_179] : memref<102400x128xf32, #tpu.memory_space<hbm>> -> memref<128x64xf32, #tpu.memory_space<hbm>>
    %dma_start3A_181 = arith.constant 0 : i32
    %dma_start3A_182 = tpu.memref_slice %arg6[%add3A_173, %dma_start3A_181] : memref<102400x128xf32, #tpu.memory_space<hbm>> -> memref<128x64xf32, #tpu.memory_space<hbm>>
    %dma_start3A_183 = arith.constant 0 : i32
    %dma_start3A_184 = arith.constant 0 : i32
    %dma_start3A_185 = tpu.memref_slice %arg11[%dma_start3A_174, %dma_start3A_183, %dma_start3A_184] : memref<2x128x64xf32, #tpu.memory_space<vmem>> -> memref<1x128x64xf32, #tpu.memory_space<vmem>>
    %dma_start3A_186 = tpu.memref_squeeze %dma_start3A_185 : memref<1x128x64xf32, #tpu.memory_space<vmem>> -> memref<128x64xf32, #tpu.memory_space<vmem>>
    tpu.enqueue_dma source(%dma_start3A_186 : memref<128x64xf32, #tpu.memory_space<vmem>>) target(%dma_start3A_182 : memref<128x64xf32, #tpu.memory_space<hbm>>) target_semaphore(%arg14 : memref<!tpu.dma_semaphore, #tpu.memory_space<semaphore_mem>>)
    %dma_start3A_187 = arith.constant 0 : i32
    %dma_start3A_188 = arith.constant 0 : i32
    %dma_start3A_189 = arith.constant 0 : i32
    %dma_start3A_190 = tpu.memref_slice %arg10[%dma_start3A_187, %dma_start3A_188, %dma_start3A_189] : memref<2x128x32xf32, #tpu.memory_space<vmem>> -> memref<1x128x32xf32, #tpu.memory_space<vmem>>
    %dma_start3A_191 = tpu.memref_squeeze %dma_start3A_190 : memref<1x128x32xf32, #tpu.memory_space<vmem>> -> memref<128x32xf32, #tpu.memory_space<vmem>>
    %dma_start3A_192 = arith.constant 64 : i32
    %dma_start3A_193 = tpu.memref_slice %arg6[%add3A_173, %dma_start3A_192] : memref<102400x128xf32, #tpu.memory_space<hbm>> -> memref<128x32xf32, #tpu.memory_space<hbm>>
    %dma_start3A_194 = arith.constant 64 : i32
    %dma_start3A_195 = tpu.memref_slice %arg6[%add3A_173, %dma_start3A_194] : memref<102400x128xf32, #tpu.memory_space<hbm>> -> memref<128x32xf32, #tpu.memory_space<hbm>>
    %dma_start3A_196 = arith.constant 0 : i32
    %dma_start3A_197 = arith.constant 0 : i32
    %dma_start3A_198 = tpu.memref_slice %arg10[%dma_start3A_187, %dma_start3A_196, %dma_start3A_197] : memref<2x128x32xf32, #tpu.memory_space<vmem>> -> memref<1x128x32xf32, #tpu.memory_space<vmem>>
    %dma_start3A_199 = tpu.memref_squeeze %dma_start3A_198 : memref<1x128x32xf32, #tpu.memory_space<vmem>> -> memref<128x32xf32, #tpu.memory_space<vmem>>
    tpu.enqueue_dma source(%dma_start3A_199 : memref<128x32xf32, #tpu.memory_space<vmem>>) target(%dma_start3A_195 : memref<128x32xf32, #tpu.memory_space<hbm>>) target_semaphore(%arg14 : memref<!tpu.dma_semaphore, #tpu.memory_space<semaphore_mem>>)
    %dma_wait3A_200 = arith.constant 0 : i32
    %dma_wait3A_201 = arith.constant 0 : i32
    %dma_wait3A_202 = arith.constant 0 : i32
    %dma_wait3A_203 = tpu.memref_slice %arg11[%dma_wait3A_200, %dma_wait3A_201, %dma_wait3A_202] : memref<2x128x64xf32, #tpu.memory_space<vmem>> -> memref<1x128x64xf32, #tpu.memory_space<vmem>>
    %dma_wait3A_204 = tpu.memref_squeeze %dma_wait3A_203 : memref<1x128x64xf32, #tpu.memory_space<vmem>> -> memref<128x64xf32, #tpu.memory_space<vmem>>
    %dma_wait3A_205 = arith.constant 0 : i32
    %dma_wait3A_206 = arith.constant 0 : i32
    %dma_wait3A_207 = tpu.memref_slice %arg6[%dma_wait3A_205, %dma_wait3A_206] : memref<102400x128xf32, #tpu.memory_space<hbm>> -> memref<128x64xf32, #tpu.memory_space<hbm>>
    %dma_wait3A_208 = arith.constant 0 : i32
    %dma_wait3A_209 = arith.constant 0 : i32
    %dma_wait3A_210 = tpu.memref_slice %arg6[%dma_wait3A_208, %dma_wait3A_209] : memref<102400x128xf32, #tpu.memory_space<hbm>> -> memref<128x64xf32, #tpu.memory_space<hbm>>
    %dma_wait3A_211 = arith.constant 0 : i32
    %dma_wait3A_212 = arith.constant 0 : i32
    %dma_wait3A_213 = tpu.memref_slice %arg11[%dma_wait3A_200, %dma_wait3A_211, %dma_wait3A_212] : memref<2x128x64xf32, #tpu.memory_space<vmem>> -> memref<1x128x64xf32, #tpu.memory_space<vmem>>
    %dma_wait3A_214 = tpu.memref_squeeze %dma_wait3A_213 : memref<1x128x64xf32, #tpu.memory_space<vmem>> -> memref<128x64xf32, #tpu.memory_space<vmem>>
    tpu.wait_dma2 semaphore(%arg14 : memref<!tpu.dma_semaphore, #tpu.memory_space<semaphore_mem>>) src(%dma_wait3A_214 : memref<128x64xf32, #tpu.memory_space<vmem>>) dst(%dma_wait3A_210 : memref<128x64xf32, #tpu.memory_space<hbm>>)
    %dma_wait3A_215 = arith.constant 0 : i32
    %dma_wait3A_216 = arith.constant 0 : i32
    %dma_wait3A_217 = arith.constant 0 : i32
    %dma_wait3A_218 = tpu.memref_slice %arg10[%dma_wait3A_215, %dma_wait3A_216, %dma_wait3A_217] : memref<2x128x32xf32, #tpu.memory_space<vmem>> -> memref<1x128x32xf32, #tpu.memory_space<vmem>>
    %dma_wait3A_219 = tpu.memref_squeeze %dma_wait3A_218 : memref<1x128x32xf32, #tpu.memory_space<vmem>> -> memref<128x32xf32, #tpu.memory_space<vmem>>
    %dma_wait3A_220 = arith.constant 0 : i32
    %dma_wait3A_221 = arith.constant 64 : i32
    %dma_wait3A_222 = tpu.memref_slice %arg6[%dma_wait3A_220, %dma_wait3A_221] : memref<102400x128xf32, #tpu.memory_space<hbm>> -> memref<128x32xf32, #tpu.memory_space<hbm>>
    %dma_wait3A_223 = arith.constant 0 : i32
    %dma_wait3A_224 = arith.constant 64 : i32
    %dma_wait3A_225 = tpu.memref_slice %arg6[%dma_wait3A_223, %dma_wait3A_224] : memref<102400x128xf32, #tpu.memory_space<hbm>> -> memref<128x32xf32, #tpu.memory_space<hbm>>
    %dma_wait3A_226 = arith.constant 0 : i32
    %dma_wait3A_227 = arith.constant 0 : i32
    %dma_wait3A_228 = tpu.memref_slice %arg10[%dma_wait3A_215, %dma_wait3A_226, %dma_wait3A_227] : memref<2x128x32xf32, #tpu.memory_space<vmem>> -> memref<1x128x32xf32, #tpu.memory_space<vmem>>
    %dma_wait3A_229 = tpu.memref_squeeze %dma_wait3A_228 : memref<1x128x32xf32, #tpu.memory_space<vmem>> -> memref<128x32xf32, #tpu.memory_space<vmem>>
    tpu.wait_dma2 semaphore(%arg14 : memref<!tpu.dma_semaphore, #tpu.memory_space<semaphore_mem>>) src(%dma_wait3A_229 : memref<128x32xf32, #tpu.memory_space<vmem>>) dst(%dma_wait3A_225 : memref<128x32xf32, #tpu.memory_space<hbm>>)
    return
  }
}

module attributes {stable_mosaic.version = 14 : i64} {
  func.func @_tc_body(%arg0: i32, %arg1: memref<1x1x2048xi32, #tpu.memory_space<vmem>>, %arg2: memref<1x1x2048xi32, #tpu.memory_space<vmem>>, %arg3: memref<1x1x2048xi32, #tpu.memory_space<vmem>>, %arg4: memref<2048x10xf32, #tpu.memory_space<vmem>>, %arg5: memref<2048x2xf32, #tpu.memory_space<vmem>>, %arg6: memref<2048x128xf32, #tpu.memory_space<vmem>>, %arg7: memref<228x256xbf16, #tpu.memory_space<vmem>>, %arg8: memref<1x256xf32, #tpu.memory_space<vmem>>, %arg9: memref<1x256xf32, #tpu.memory_space<vmem>>, %arg10: memref<1x256xf32, #tpu.memory_space<vmem>>, %arg11: memref<256x128xbf16, #tpu.memory_space<vmem>>, %arg12: memref<1x128xf32, #tpu.memory_space<vmem>>, %arg13: memref<1x128xf32, #tpu.memory_space<vmem>>, %arg14: memref<1x128xf32, #tpu.memory_space<vmem>>, %arg15: memref<2048x128xf32, #tpu.memory_space<vmem>>) attributes {dimension_semantics = [#tpu.dimension_semantics<arbitrary>], iteration_bounds = array<i64: 50>, scalar_prefetch = 0 : i64, scratch_operands = 0 : i64, tpu.core_type = #tpu.core_type<tc>, window_params = [{transform_indices = @transform_0, window_bounds = array<i64: 1, 1, 2048>}, {transform_indices = @transform_1, window_bounds = array<i64: 1, 1, 2048>}, {transform_indices = @transform_2, window_bounds = array<i64: 1, 1, 2048>}, {transform_indices = @transform_3, window_bounds = array<i64: 2048, 10>}, {transform_indices = @transform_4, window_bounds = array<i64: 2048, 2>}, {transform_indices = @transform_5, window_bounds = array<i64: 2048, 128>}, {pipeline_mode = #tpu.pipeline_mode<synchronous>, transform_indices = @transform_6, window_bounds = array<i64: 228, 256>}, {pipeline_mode = #tpu.pipeline_mode<synchronous>, transform_indices = @transform_7, window_bounds = array<i64: 1, 256>}, {pipeline_mode = #tpu.pipeline_mode<synchronous>, transform_indices = @transform_8, window_bounds = array<i64: 1, 256>}, {pipeline_mode = #tpu.pipeline_mode<synchronous>, transform_indices = @transform_9, window_bounds = array<i64: 1, 256>}, {pipeline_mode = #tpu.pipeline_mode<synchronous>, transform_indices = @transform_10, window_bounds = array<i64: 256, 128>}, {pipeline_mode = #tpu.pipeline_mode<synchronous>, transform_indices = @transform_11, window_bounds = array<i64: 1, 128>}, {pipeline_mode = #tpu.pipeline_mode<synchronous>, transform_indices = @transform_12, window_bounds = array<i64: 1, 128>}, {pipeline_mode = #tpu.pipeline_mode<synchronous>, transform_indices = @transform_13, window_bounds = array<i64: 1, 128>}, {transform_indices = @transform_14, window_bounds = array<i64: 2048, 128>}]} {
    %get3A = arith.constant 0 : index
    %get3A_0 = arith.constant 0 : index
    %get3A_1 = arith.constant 0 : index
    %get3A_2 = vector.load %arg1[%get3A, %get3A_0, %get3A_1] : memref<1x1x2048xi32, #tpu.memory_space<vmem>>, vector<1x1x2048xi32>
    %get3A_3 = vector.shape_cast %get3A_2 : vector<1x1x2048xi32> to vector<2048xi32>
    %get3A_4 = arith.constant 0 : index
    %get3A_5 = arith.constant 0 : index
    %get3A_6 = arith.constant 0 : index
    %get3A_7 = vector.load %arg2[%get3A_4, %get3A_5, %get3A_6] : memref<1x1x2048xi32, #tpu.memory_space<vmem>>, vector<1x1x2048xi32>
    %get3A_8 = vector.shape_cast %get3A_7 : vector<1x1x2048xi32> to vector<2048xi32>
    %get3A_9 = arith.constant 0 : index
    %get3A_10 = arith.constant 0 : index
    %get3A_11 = arith.constant 0 : index
    %get3A_12 = vector.load %arg3[%get3A_9, %get3A_10, %get3A_11] : memref<1x1x2048xi32, #tpu.memory_space<vmem>>, vector<1x1x2048xi32>
    %get3A_13 = vector.shape_cast %get3A_12 : vector<1x1x2048xi32> to vector<2048xi32>
    %iota3A = tpu.iota {dimensions = array<i32: 1>} : vector<2048x120xi32>
    %broadcast_in_dim3A = vector.shape_cast %get3A_3 : vector<2048xi32> to vector<2048x1xi32>
    %eq3A = vector.broadcast %broadcast_in_dim3A : vector<2048x1xi32> to vector<2048x120xi32>
    %eq3A_14 = arith.cmpi eq, %iota3A, %eq3A : vector<2048x120xi32>
    %broadcast_in_dim3A_15 = vector.shape_cast %get3A_8 : vector<2048xi32> to vector<2048x1xi32>
    %add3A = arith.constant 20 : i32
    %add3A_16 = vector.broadcast %add3A : i32 to vector<2048x1xi32>
    %add3A_17 = arith.addi %broadcast_in_dim3A_15, %add3A_16 : vector<2048x1xi32>
    %eq3A_18 = vector.broadcast %add3A_17 : vector<2048x1xi32> to vector<2048x120xi32>
    %eq3A_19 = arith.cmpi eq, %iota3A, %eq3A_18 : vector<2048x120xi32>
    %or3A = arith.ori %eq3A_14, %eq3A_19 : vector<2048x120xi1>
    %broadcast_in_dim3A_20 = vector.shape_cast %get3A_13 : vector<2048xi32> to vector<2048x1xi32>
    %add3A_21 = arith.constant 70 : i32
    %add3A_22 = vector.broadcast %add3A_21 : i32 to vector<2048x1xi32>
    %add3A_23 = arith.addi %broadcast_in_dim3A_20, %add3A_22 : vector<2048x1xi32>
    %eq3A_24 = vector.broadcast %add3A_23 : vector<2048x1xi32> to vector<2048x120xi32>
    %eq3A_25 = arith.cmpi eq, %iota3A, %eq3A_24 : vector<2048x120xi32>
    %or3A_26 = arith.ori %or3A, %eq3A_25 : vector<2048x120xi1>
    %convert_element_type3A = arith.extui %or3A_26 : vector<2048x120xi1> to vector<2048x120xi32>
    %convert_element_type3A_27 = arith.sitofp %convert_element_type3A : vector<2048x120xi32> to vector<2048x120xf32>
    %convert_element_type3A_28 = arith.truncf %convert_element_type3A_27 : vector<2048x120xf32> to vector<2048x120xbf16>
    %get3A_29 = arith.constant 0 : index
    %get3A_30 = arith.constant 0 : index
    %get3A_31 = vector.load %arg6[%get3A_29, %get3A_30] : memref<2048x128xf32, #tpu.memory_space<vmem>>, vector<2048x128xf32>
    %slice3A = vector.extract_strided_slice %get3A_31 {offsets = [0, 0], sizes = [2048, 96], strides = [1, 1]} : vector<2048x128xf32> to vector<2048x96xf32>
    %convert_element_type3A_32 = arith.truncf %slice3A : vector<2048x96xf32> to vector<2048x96xbf16>
    %get3A_33 = arith.constant 0 : index
    %get3A_34 = arith.constant 0 : index
    %get3A_35 = vector.load %arg4[%get3A_33, %get3A_34] : memref<2048x10xf32, #tpu.memory_space<vmem>>, vector<2048x10xf32>
    %convert_element_type3A_36 = arith.truncf %get3A_35 : vector<2048x10xf32> to vector<2048x10xbf16>
    %get3A_37 = arith.constant 0 : index
    %get3A_38 = arith.constant 0 : index
    %get3A_39 = vector.load %arg5[%get3A_37, %get3A_38] : memref<2048x2xf32, #tpu.memory_space<vmem>>, vector<2048x2xf32>
    %convert_element_type3A_40 = arith.truncf %get3A_39 : vector<2048x2xf32> to vector<2048x2xbf16>
    %concatenate3A = tpu.concatenate %convert_element_type3A_28, %convert_element_type3A_32, %convert_element_type3A_36, %convert_element_type3A_40 in 1 : vector<2048x120xbf16>, vector<2048x96xbf16>, vector<2048x10xbf16>, vector<2048x2xbf16> -> vector<2048x228xbf16>
    %get3A_41 = arith.constant 0 : index
    %get3A_42 = arith.constant 0 : index
    %get3A_43 = vector.load %arg7[%get3A_41, %get3A_42] : memref<228x256xbf16, #tpu.memory_space<vmem>>, vector<228x256xbf16>
    %dot_general3A = arith.constant dense<0.000000e+00> : vector<2048x256xf32>
    %dot_general3A_44 = tpu.matmul %concatenate3A, %get3A_43, %dot_general3A {dimension_numbers = #tpu.dot_dimension_numbers<[1], [0], [0], [1], [0, 0, 1, 1], [], []>, transpose_lhs_hint = false} : vector<2048x228xbf16>, vector<228x256xbf16>, vector<2048x256xf32> -> vector<2048x256xf32>
    %get3A_45 = arith.constant 0 : index
    %get3A_46 = arith.constant 0 : index
    %get3A_47 = vector.load %arg8[%get3A_45, %get3A_46] : memref<1x256xf32, #tpu.memory_space<vmem>>, vector<1x256xf32>
    %add3A_48 = vector.broadcast %get3A_47 : vector<1x256xf32> to vector<2048x256xf32>
    %add3A_49 = arith.addf %dot_general3A_44, %add3A_48 : vector<2048x256xf32>
    %get3A_50 = arith.constant 0 : index
    %get3A_51 = arith.constant 0 : index
    %get3A_52 = vector.load %arg9[%get3A_50, %get3A_51] : memref<1x256xf32, #tpu.memory_space<vmem>>, vector<1x256xf32>
    %get3A_53 = arith.constant 0 : index
    %get3A_54 = arith.constant 0 : index
    %get3A_55 = vector.load %arg10[%get3A_53, %get3A_54] : memref<1x256xf32, #tpu.memory_space<vmem>>, vector<1x256xf32>
    %reduce_sum3A = arith.constant dense<0.000000e+00> : vector<2048xf32>
    %reduce_sum3A_56 = vector.multi_reduction <add>, %add3A_49, %reduce_sum3A [1] : vector<2048x256xf32> to vector<2048xf32>
    %broadcast_in_dim3A_57 = vector.shape_cast %reduce_sum3A_56 : vector<2048xf32> to vector<2048x1xf32>
    %div3A = arith.constant 2.560000e+02 : f32
    %div3A_58 = vector.broadcast %div3A : f32 to vector<2048x1xf32>
    %div3A_59 = arith.divf %broadcast_in_dim3A_57, %div3A_58 : vector<2048x1xf32>
    %mul3A = arith.mulf %add3A_49, %add3A_49 : vector<2048x256xf32>
    %reduce_sum3A_60 = arith.constant dense<0.000000e+00> : vector<2048xf32>
    %reduce_sum3A_61 = vector.multi_reduction <add>, %mul3A, %reduce_sum3A_60 [1] : vector<2048x256xf32> to vector<2048xf32>
    %broadcast_in_dim3A_62 = vector.shape_cast %reduce_sum3A_61 : vector<2048xf32> to vector<2048x1xf32>
    %div3A_63 = arith.constant 2.560000e+02 : f32
    %div3A_64 = vector.broadcast %div3A_63 : f32 to vector<2048x1xf32>
    %div3A_65 = arith.divf %broadcast_in_dim3A_62, %div3A_64 : vector<2048x1xf32>
    %mul3A_66 = arith.mulf %div3A_59, %div3A_59 : vector<2048x1xf32>
    %sub3A = arith.subf %div3A_65, %mul3A_66 : vector<2048x1xf32>
    %sub3A_67 = vector.broadcast %div3A_59 : vector<2048x1xf32> to vector<2048x256xf32>
    %sub3A_68 = arith.subf %add3A_49, %sub3A_67 : vector<2048x256xf32>
    %add3A_69 = arith.constant 9.99999974E-6 : f32
    %add3A_70 = vector.broadcast %add3A_69 : f32 to vector<2048x1xf32>
    %add3A_71 = arith.addf %sub3A, %add3A_70 : vector<2048x1xf32>
    %rsqrt3A = math.rsqrt %add3A_71 : vector<2048x1xf32>
    %mul3A_72 = vector.broadcast %rsqrt3A : vector<2048x1xf32> to vector<2048x256xf32>
    %mul3A_73 = arith.mulf %sub3A_68, %mul3A_72 : vector<2048x256xf32>
    %mul3A_74 = vector.broadcast %get3A_52 : vector<1x256xf32> to vector<2048x256xf32>
    %mul3A_75 = arith.mulf %mul3A_73, %mul3A_74 : vector<2048x256xf32>
    %add3A_76 = vector.broadcast %get3A_55 : vector<1x256xf32> to vector<2048x256xf32>
    %add3A_77 = arith.addf %mul3A_75, %add3A_76 : vector<2048x256xf32>
    %max3A = arith.constant 0.000000e+00 : f32
    %max3A_78 = vector.broadcast %max3A : f32 to vector<2048x256xf32>
    %max3A_79 = arith.maximumf %add3A_77, %max3A_78 : vector<2048x256xf32>
    %convert_element_type3A_80 = arith.truncf %max3A_79 : vector<2048x256xf32> to vector<2048x256xbf16>
    %get3A_81 = arith.constant 0 : index
    %get3A_82 = arith.constant 0 : index
    %get3A_83 = vector.load %arg11[%get3A_81, %get3A_82] : memref<256x128xbf16, #tpu.memory_space<vmem>>, vector<256x128xbf16>
    %dot_general3A_84 = arith.constant dense<0.000000e+00> : vector<2048x128xf32>
    %dot_general3A_85 = tpu.matmul %convert_element_type3A_80, %get3A_83, %dot_general3A_84 {dimension_numbers = #tpu.dot_dimension_numbers<[1], [0], [0], [1], [0, 0, 1, 1], [], []>, transpose_lhs_hint = false} : vector<2048x256xbf16>, vector<256x128xbf16>, vector<2048x128xf32> -> vector<2048x128xf32>
    %get3A_86 = arith.constant 0 : index
    %get3A_87 = arith.constant 0 : index
    %get3A_88 = vector.load %arg12[%get3A_86, %get3A_87] : memref<1x128xf32, #tpu.memory_space<vmem>>, vector<1x128xf32>
    %add3A_89 = vector.broadcast %get3A_88 : vector<1x128xf32> to vector<2048x128xf32>
    %add3A_90 = arith.addf %dot_general3A_85, %add3A_89 : vector<2048x128xf32>
    %get3A_91 = arith.constant 0 : index
    %get3A_92 = arith.constant 0 : index
    %get3A_93 = vector.load %arg13[%get3A_91, %get3A_92] : memref<1x128xf32, #tpu.memory_space<vmem>>, vector<1x128xf32>
    %get3A_94 = arith.constant 0 : index
    %get3A_95 = arith.constant 0 : index
    %get3A_96 = vector.load %arg14[%get3A_94, %get3A_95] : memref<1x128xf32, #tpu.memory_space<vmem>>, vector<1x128xf32>
    %reduce_sum3A_97 = arith.constant dense<0.000000e+00> : vector<2048xf32>
    %reduce_sum3A_98 = vector.multi_reduction <add>, %add3A_90, %reduce_sum3A_97 [1] : vector<2048x128xf32> to vector<2048xf32>
    %broadcast_in_dim3A_99 = vector.shape_cast %reduce_sum3A_98 : vector<2048xf32> to vector<2048x1xf32>
    %div3A_100 = arith.constant 1.280000e+02 : f32
    %div3A_101 = vector.broadcast %div3A_100 : f32 to vector<2048x1xf32>
    %div3A_102 = arith.divf %broadcast_in_dim3A_99, %div3A_101 : vector<2048x1xf32>
    %mul3A_103 = arith.mulf %add3A_90, %add3A_90 : vector<2048x128xf32>
    %reduce_sum3A_104 = arith.constant dense<0.000000e+00> : vector<2048xf32>
    %reduce_sum3A_105 = vector.multi_reduction <add>, %mul3A_103, %reduce_sum3A_104 [1] : vector<2048x128xf32> to vector<2048xf32>
    %broadcast_in_dim3A_106 = vector.shape_cast %reduce_sum3A_105 : vector<2048xf32> to vector<2048x1xf32>
    %div3A_107 = arith.constant 1.280000e+02 : f32
    %div3A_108 = vector.broadcast %div3A_107 : f32 to vector<2048x1xf32>
    %div3A_109 = arith.divf %broadcast_in_dim3A_106, %div3A_108 : vector<2048x1xf32>
    %mul3A_110 = arith.mulf %div3A_102, %div3A_102 : vector<2048x1xf32>
    %sub3A_111 = arith.subf %div3A_109, %mul3A_110 : vector<2048x1xf32>
    %sub3A_112 = vector.broadcast %div3A_102 : vector<2048x1xf32> to vector<2048x128xf32>
    %sub3A_113 = arith.subf %add3A_90, %sub3A_112 : vector<2048x128xf32>
    %add3A_114 = arith.constant 9.99999974E-6 : f32
    %add3A_115 = vector.broadcast %add3A_114 : f32 to vector<2048x1xf32>
    %add3A_116 = arith.addf %sub3A_111, %add3A_115 : vector<2048x1xf32>
    %rsqrt3A_117 = math.rsqrt %add3A_116 : vector<2048x1xf32>
    %mul3A_118 = vector.broadcast %rsqrt3A_117 : vector<2048x1xf32> to vector<2048x128xf32>
    %mul3A_119 = arith.mulf %sub3A_113, %mul3A_118 : vector<2048x128xf32>
    %mul3A_120 = vector.broadcast %get3A_93 : vector<1x128xf32> to vector<2048x128xf32>
    %mul3A_121 = arith.mulf %mul3A_119, %mul3A_120 : vector<2048x128xf32>
    %add3A_122 = vector.broadcast %get3A_96 : vector<1x128xf32> to vector<2048x128xf32>
    %add3A_123 = arith.addf %mul3A_121, %add3A_122 : vector<2048x128xf32>
    %swap3A = arith.constant 0 : index
    %swap3A_124 = arith.constant 0 : index
    %swap3A_125 = vector.load %arg15[%swap3A, %swap3A_124] : memref<2048x128xf32, #tpu.memory_space<vmem>>, vector<2048x128xf32>
    tpu.vector_store %arg15[%swap3A, %swap3A_124], %add3A_123 {strides = array<i32>} : memref<2048x128xf32, #tpu.memory_space<vmem>>, vector<2048x128xf32>,
    return
  }
  func.func @transform_0(%arg0: i32) -> (i32, i32, i32) {
    %add3A = arith.constant 0 : i32
    %add3A_0 = arith.addi %arg0, %add3A : i32
    %c0_i32 = arith.constant 0 : i32
    %c0_i32_1 = arith.constant 0 : i32
    %c0_i32_2 = arith.constant 0 : i32
    return %add3A_0, %c0_i32, %c0_i32_1 : i32, i32, i32
  }
  func.func @transform_1(%arg0: i32) -> (i32, i32, i32) {
    %add3A = arith.constant 0 : i32
    %add3A_0 = arith.addi %arg0, %add3A : i32
    %c0_i32 = arith.constant 0 : i32
    %c0_i32_1 = arith.constant 0 : i32
    %c0_i32_2 = arith.constant 0 : i32
    return %add3A_0, %c0_i32, %c0_i32_1 : i32, i32, i32
  }
  func.func @transform_2(%arg0: i32) -> (i32, i32, i32) {
    %add3A = arith.constant 0 : i32
    %add3A_0 = arith.addi %arg0, %add3A : i32
    %c0_i32 = arith.constant 0 : i32
    %c0_i32_1 = arith.constant 0 : i32
    %c0_i32_2 = arith.constant 0 : i32
    return %add3A_0, %c0_i32, %c0_i32_1 : i32, i32, i32
  }
  func.func @transform_3(%arg0: i32) -> (i32, i32) {
    %add3A = arith.constant 0 : i32
    %add3A_0 = arith.addi %arg0, %add3A : i32
    %c0_i32 = arith.constant 0 : i32
    %c0_i32_1 = arith.constant 0 : i32
    return %add3A_0, %c0_i32 : i32, i32
  }
  func.func @transform_4(%arg0: i32) -> (i32, i32) {
    %add3A = arith.constant 0 : i32
    %add3A_0 = arith.addi %arg0, %add3A : i32
    %c0_i32 = arith.constant 0 : i32
    %c0_i32_1 = arith.constant 0 : i32
    return %add3A_0, %c0_i32 : i32, i32
  }
  func.func @transform_5(%arg0: i32) -> (i32, i32) {
    %c0_i32 = arith.constant 0 : i32
    %c0_i32_0 = arith.constant 0 : i32
    return %arg0, %c0_i32 : i32, i32
  }
  func.func @transform_6(%arg0: i32) -> (i32, i32) {
    %c0_i32 = arith.constant 0 : i32
    %c0_i32_0 = arith.constant 0 : i32
    %c0_i32_1 = arith.constant 0 : i32
    return %c0_i32, %c0_i32_0 : i32, i32
  }
  func.func @transform_7(%arg0: i32) -> (i32, i32) {
    %c0_i32 = arith.constant 0 : i32
    %c0_i32_0 = arith.constant 0 : i32
    %c0_i32_1 = arith.constant 0 : i32
    return %c0_i32, %c0_i32_0 : i32, i32
  }
  func.func @transform_8(%arg0: i32) -> (i32, i32) {
    %c0_i32 = arith.constant 0 : i32
    %c0_i32_0 = arith.constant 0 : i32
    %c0_i32_1 = arith.constant 0 : i32
    return %c0_i32, %c0_i32_0 : i32, i32
  }
  func.func @transform_9(%arg0: i32) -> (i32, i32) {
    %c0_i32 = arith.constant 0 : i32
    %c0_i32_0 = arith.constant 0 : i32
    %c0_i32_1 = arith.constant 0 : i32
    return %c0_i32, %c0_i32_0 : i32, i32
  }
  func.func @transform_10(%arg0: i32) -> (i32, i32) {
    %c0_i32 = arith.constant 0 : i32
    %c0_i32_0 = arith.constant 0 : i32
    %c0_i32_1 = arith.constant 0 : i32
    return %c0_i32, %c0_i32_0 : i32, i32
  }
  func.func @transform_11(%arg0: i32) -> (i32, i32) {
    %c0_i32 = arith.constant 0 : i32
    %c0_i32_0 = arith.constant 0 : i32
    %c0_i32_1 = arith.constant 0 : i32
    return %c0_i32, %c0_i32_0 : i32, i32
  }
  func.func @transform_12(%arg0: i32) -> (i32, i32) {
    %c0_i32 = arith.constant 0 : i32
    %c0_i32_0 = arith.constant 0 : i32
    %c0_i32_1 = arith.constant 0 : i32
    return %c0_i32, %c0_i32_0 : i32, i32
  }
  func.func @transform_13(%arg0: i32) -> (i32, i32) {
    %c0_i32 = arith.constant 0 : i32
    %c0_i32_0 = arith.constant 0 : i32
    %c0_i32_1 = arith.constant 0 : i32
    return %c0_i32, %c0_i32_0 : i32, i32
  }
  func.func @transform_14(%arg0: i32) -> (i32, i32) {
    %add3A = arith.constant 0 : i32
    %add3A_0 = arith.addi %arg0, %add3A : i32
    %c0_i32 = arith.constant 0 : i32
    %c0_i32_1 = arith.constant 0 : i32
    return %add3A_0, %c0_i32 : i32, i32
  }
}

module attributes {stable_mosaic.version = 14 : i64} {
  func.func @_tc_body_alias(%arg0: i32, %arg1: memref<1x1x2048xi32, #tpu.memory_space<vmem>>, %arg2: memref<1x1x2048xi32, #tpu.memory_space<vmem>>, %arg3: memref<1x1x2048xi32, #tpu.memory_space<vmem>>, %arg4: memref<2048x10xf32, #tpu.memory_space<vmem>>, %arg5: memref<2048x2xf32, #tpu.memory_space<vmem>>, %arg6: memref<2048x128xf32, #tpu.memory_space<vmem>>, %arg7: memref<228x256xbf16, #tpu.memory_space<vmem>>, %arg8: memref<1x256xf32, #tpu.memory_space<vmem>>, %arg9: memref<1x256xf32, #tpu.memory_space<vmem>>, %arg10: memref<1x256xf32, #tpu.memory_space<vmem>>, %arg11: memref<256x128xbf16, #tpu.memory_space<vmem>>, %arg12: memref<1x128xf32, #tpu.memory_space<vmem>>, %arg13: memref<1x128xf32, #tpu.memory_space<vmem>>, %arg14: memref<1x128xf32, #tpu.memory_space<vmem>>, %arg15: memref<204800x128xf32, #tpu.memory_space<any>>, %arg16: memref<2048x128xf32, #tpu.memory_space<vmem>>) attributes {dimension_semantics = [#tpu.dimension_semantics<arbitrary>], iteration_bounds = array<i64: 50>, scalar_prefetch = 0 : i64, scratch_operands = 0 : i64, tpu.core_type = #tpu.core_type<tc>, window_params = [{transform_indices = @transform_0, window_bounds = array<i64: 1, 1, 2048>}, {transform_indices = @transform_1, window_bounds = array<i64: 1, 1, 2048>}, {transform_indices = @transform_2, window_bounds = array<i64: 1, 1, 2048>}, {transform_indices = @transform_3, window_bounds = array<i64: 2048, 10>}, {transform_indices = @transform_4, window_bounds = array<i64: 2048, 2>}, {transform_indices = @transform_5, window_bounds = array<i64: 2048, 128>}, {pipeline_mode = #tpu.pipeline_mode<synchronous>, transform_indices = @transform_6, window_bounds = array<i64: 228, 256>}, {pipeline_mode = #tpu.pipeline_mode<synchronous>, transform_indices = @transform_7, window_bounds = array<i64: 1, 256>}, {pipeline_mode = #tpu.pipeline_mode<synchronous>, transform_indices = @transform_8, window_bounds = array<i64: 1, 256>}, {pipeline_mode = #tpu.pipeline_mode<synchronous>, transform_indices = @transform_9, window_bounds = array<i64: 1, 256>}, {pipeline_mode = #tpu.pipeline_mode<synchronous>, transform_indices = @transform_10, window_bounds = array<i64: 256, 128>}, {pipeline_mode = #tpu.pipeline_mode<synchronous>, transform_indices = @transform_11, window_bounds = array<i64: 1, 128>}, {pipeline_mode = #tpu.pipeline_mode<synchronous>, transform_indices = @transform_12, window_bounds = array<i64: 1, 128>}, {pipeline_mode = #tpu.pipeline_mode<synchronous>, transform_indices = @transform_13, window_bounds = array<i64: 1, 128>}, {}, {transform_indices = @transform_15, window_bounds = array<i64: 2048, 128>}]} {
    %get3A = arith.constant 0 : index
    %get3A_0 = arith.constant 0 : index
    %get3A_1 = arith.constant 0 : index
    %get3A_2 = vector.load %arg1[%get3A, %get3A_0, %get3A_1] : memref<1x1x2048xi32, #tpu.memory_space<vmem>>, vector<1x1x2048xi32>
    %get3A_3 = vector.shape_cast %get3A_2 : vector<1x1x2048xi32> to vector<2048xi32>
    %get3A_4 = arith.constant 0 : index
    %get3A_5 = arith.constant 0 : index
    %get3A_6 = arith.constant 0 : index
    %get3A_7 = vector.load %arg2[%get3A_4, %get3A_5, %get3A_6] : memref<1x1x2048xi32, #tpu.memory_space<vmem>>, vector<1x1x2048xi32>
    %get3A_8 = vector.shape_cast %get3A_7 : vector<1x1x2048xi32> to vector<2048xi32>
    %get3A_9 = arith.constant 0 : index
    %get3A_10 = arith.constant 0 : index
    %get3A_11 = arith.constant 0 : index
    %get3A_12 = vector.load %arg3[%get3A_9, %get3A_10, %get3A_11] : memref<1x1x2048xi32, #tpu.memory_space<vmem>>, vector<1x1x2048xi32>
    %get3A_13 = vector.shape_cast %get3A_12 : vector<1x1x2048xi32> to vector<2048xi32>
    %iota3A = tpu.iota {dimensions = array<i32: 1>} : vector<2048x120xi32>
    %broadcast_in_dim3A = vector.shape_cast %get3A_3 : vector<2048xi32> to vector<2048x1xi32>
    %eq3A = vector.broadcast %broadcast_in_dim3A : vector<2048x1xi32> to vector<2048x120xi32>
    %eq3A_14 = arith.cmpi eq, %iota3A, %eq3A : vector<2048x120xi32>
    %broadcast_in_dim3A_15 = vector.shape_cast %get3A_8 : vector<2048xi32> to vector<2048x1xi32>
    %add3A = arith.constant 20 : i32
    %add3A_16 = vector.broadcast %add3A : i32 to vector<2048x1xi32>
    %add3A_17 = arith.addi %broadcast_in_dim3A_15, %add3A_16 : vector<2048x1xi32>
    %eq3A_18 = vector.broadcast %add3A_17 : vector<2048x1xi32> to vector<2048x120xi32>
    %eq3A_19 = arith.cmpi eq, %iota3A, %eq3A_18 : vector<2048x120xi32>
    %or3A = arith.ori %eq3A_14, %eq3A_19 : vector<2048x120xi1>
    %broadcast_in_dim3A_20 = vector.shape_cast %get3A_13 : vector<2048xi32> to vector<2048x1xi32>
    %add3A_21 = arith.constant 70 : i32
    %add3A_22 = vector.broadcast %add3A_21 : i32 to vector<2048x1xi32>
    %add3A_23 = arith.addi %broadcast_in_dim3A_20, %add3A_22 : vector<2048x1xi32>
    %eq3A_24 = vector.broadcast %add3A_23 : vector<2048x1xi32> to vector<2048x120xi32>
    %eq3A_25 = arith.cmpi eq, %iota3A, %eq3A_24 : vector<2048x120xi32>
    %or3A_26 = arith.ori %or3A, %eq3A_25 : vector<2048x120xi1>
    %convert_element_type3A = arith.extui %or3A_26 : vector<2048x120xi1> to vector<2048x120xi32>
    %convert_element_type3A_27 = arith.sitofp %convert_element_type3A : vector<2048x120xi32> to vector<2048x120xf32>
    %convert_element_type3A_28 = arith.truncf %convert_element_type3A_27 : vector<2048x120xf32> to vector<2048x120xbf16>
    %get3A_29 = arith.constant 0 : index
    %get3A_30 = arith.constant 0 : index
    %get3A_31 = vector.load %arg6[%get3A_29, %get3A_30] : memref<2048x128xf32, #tpu.memory_space<vmem>>, vector<2048x128xf32>
    %slice3A = vector.extract_strided_slice %get3A_31 {offsets = [0, 0], sizes = [2048, 96], strides = [1, 1]} : vector<2048x128xf32> to vector<2048x96xf32>
    %convert_element_type3A_32 = arith.truncf %slice3A : vector<2048x96xf32> to vector<2048x96xbf16>
    %get3A_33 = arith.constant 0 : index
    %get3A_34 = arith.constant 0 : index
    %get3A_35 = vector.load %arg4[%get3A_33, %get3A_34] : memref<2048x10xf32, #tpu.memory_space<vmem>>, vector<2048x10xf32>
    %convert_element_type3A_36 = arith.truncf %get3A_35 : vector<2048x10xf32> to vector<2048x10xbf16>
    %get3A_37 = arith.constant 0 : index
    %get3A_38 = arith.constant 0 : index
    %get3A_39 = vector.load %arg5[%get3A_37, %get3A_38] : memref<2048x2xf32, #tpu.memory_space<vmem>>, vector<2048x2xf32>
    %convert_element_type3A_40 = arith.truncf %get3A_39 : vector<2048x2xf32> to vector<2048x2xbf16>
    %concatenate3A = tpu.concatenate %convert_element_type3A_28, %convert_element_type3A_32, %convert_element_type3A_36, %convert_element_type3A_40 in 1 : vector<2048x120xbf16>, vector<2048x96xbf16>, vector<2048x10xbf16>, vector<2048x2xbf16> -> vector<2048x228xbf16>
    %get3A_41 = arith.constant 0 : index
    %get3A_42 = arith.constant 0 : index
    %get3A_43 = vector.load %arg7[%get3A_41, %get3A_42] : memref<228x256xbf16, #tpu.memory_space<vmem>>, vector<228x256xbf16>
    %dot_general3A = arith.constant dense<0.000000e+00> : vector<2048x256xf32>
    %dot_general3A_44 = tpu.matmul %concatenate3A, %get3A_43, %dot_general3A {dimension_numbers = #tpu.dot_dimension_numbers<[1], [0], [0], [1], [0, 0, 1, 1], [], []>, transpose_lhs_hint = false} : vector<2048x228xbf16>, vector<228x256xbf16>, vector<2048x256xf32> -> vector<2048x256xf32>
    %get3A_45 = arith.constant 0 : index
    %get3A_46 = arith.constant 0 : index
    %get3A_47 = vector.load %arg8[%get3A_45, %get3A_46] : memref<1x256xf32, #tpu.memory_space<vmem>>, vector<1x256xf32>
    %add3A_48 = vector.broadcast %get3A_47 : vector<1x256xf32> to vector<2048x256xf32>
    %add3A_49 = arith.addf %dot_general3A_44, %add3A_48 : vector<2048x256xf32>
    %get3A_50 = arith.constant 0 : index
    %get3A_51 = arith.constant 0 : index
    %get3A_52 = vector.load %arg9[%get3A_50, %get3A_51] : memref<1x256xf32, #tpu.memory_space<vmem>>, vector<1x256xf32>
    %get3A_53 = arith.constant 0 : index
    %get3A_54 = arith.constant 0 : index
    %get3A_55 = vector.load %arg10[%get3A_53, %get3A_54] : memref<1x256xf32, #tpu.memory_space<vmem>>, vector<1x256xf32>
    %reduce_sum3A = arith.constant dense<0.000000e+00> : vector<2048xf32>
    %reduce_sum3A_56 = vector.multi_reduction <add>, %add3A_49, %reduce_sum3A [1] : vector<2048x256xf32> to vector<2048xf32>
    %broadcast_in_dim3A_57 = vector.shape_cast %reduce_sum3A_56 : vector<2048xf32> to vector<2048x1xf32>
    %div3A = arith.constant 2.560000e+02 : f32
    %div3A_58 = vector.broadcast %div3A : f32 to vector<2048x1xf32>
    %div3A_59 = arith.divf %broadcast_in_dim3A_57, %div3A_58 : vector<2048x1xf32>
    %mul3A = arith.mulf %add3A_49, %add3A_49 : vector<2048x256xf32>
    %reduce_sum3A_60 = arith.constant dense<0.000000e+00> : vector<2048xf32>
    %reduce_sum3A_61 = vector.multi_reduction <add>, %mul3A, %reduce_sum3A_60 [1] : vector<2048x256xf32> to vector<2048xf32>
    %broadcast_in_dim3A_62 = vector.shape_cast %reduce_sum3A_61 : vector<2048xf32> to vector<2048x1xf32>
    %div3A_63 = arith.constant 2.560000e+02 : f32
    %div3A_64 = vector.broadcast %div3A_63 : f32 to vector<2048x1xf32>
    %div3A_65 = arith.divf %broadcast_in_dim3A_62, %div3A_64 : vector<2048x1xf32>
    %mul3A_66 = arith.mulf %div3A_59, %div3A_59 : vector<2048x1xf32>
    %sub3A = arith.subf %div3A_65, %mul3A_66 : vector<2048x1xf32>
    %sub3A_67 = vector.broadcast %div3A_59 : vector<2048x1xf32> to vector<2048x256xf32>
    %sub3A_68 = arith.subf %add3A_49, %sub3A_67 : vector<2048x256xf32>
    %add3A_69 = arith.constant 9.99999974E-6 : f32
    %add3A_70 = vector.broadcast %add3A_69 : f32 to vector<2048x1xf32>
    %add3A_71 = arith.addf %sub3A, %add3A_70 : vector<2048x1xf32>
    %rsqrt3A = math.rsqrt %add3A_71 : vector<2048x1xf32>
    %mul3A_72 = vector.broadcast %rsqrt3A : vector<2048x1xf32> to vector<2048x256xf32>
    %mul3A_73 = arith.mulf %sub3A_68, %mul3A_72 : vector<2048x256xf32>
    %mul3A_74 = vector.broadcast %get3A_52 : vector<1x256xf32> to vector<2048x256xf32>
    %mul3A_75 = arith.mulf %mul3A_73, %mul3A_74 : vector<2048x256xf32>
    %add3A_76 = vector.broadcast %get3A_55 : vector<1x256xf32> to vector<2048x256xf32>
    %add3A_77 = arith.addf %mul3A_75, %add3A_76 : vector<2048x256xf32>
    %max3A = arith.constant 0.000000e+00 : f32
    %max3A_78 = vector.broadcast %max3A : f32 to vector<2048x256xf32>
    %max3A_79 = arith.maximumf %add3A_77, %max3A_78 : vector<2048x256xf32>
    %convert_element_type3A_80 = arith.truncf %max3A_79 : vector<2048x256xf32> to vector<2048x256xbf16>
    %get3A_81 = arith.constant 0 : index
    %get3A_82 = arith.constant 0 : index
    %get3A_83 = vector.load %arg11[%get3A_81, %get3A_82] : memref<256x128xbf16, #tpu.memory_space<vmem>>, vector<256x128xbf16>
    %dot_general3A_84 = arith.constant dense<0.000000e+00> : vector<2048x128xf32>
    %dot_general3A_85 = tpu.matmul %convert_element_type3A_80, %get3A_83, %dot_general3A_84 {dimension_numbers = #tpu.dot_dimension_numbers<[1], [0], [0], [1], [0, 0, 1, 1], [], []>, transpose_lhs_hint = false} : vector<2048x256xbf16>, vector<256x128xbf16>, vector<2048x128xf32> -> vector<2048x128xf32>
    %get3A_86 = arith.constant 0 : index
    %get3A_87 = arith.constant 0 : index
    %get3A_88 = vector.load %arg12[%get3A_86, %get3A_87] : memref<1x128xf32, #tpu.memory_space<vmem>>, vector<1x128xf32>
    %add3A_89 = vector.broadcast %get3A_88 : vector<1x128xf32> to vector<2048x128xf32>
    %add3A_90 = arith.addf %dot_general3A_85, %add3A_89 : vector<2048x128xf32>
    %get3A_91 = arith.constant 0 : index
    %get3A_92 = arith.constant 0 : index
    %get3A_93 = vector.load %arg13[%get3A_91, %get3A_92] : memref<1x128xf32, #tpu.memory_space<vmem>>, vector<1x128xf32>
    %get3A_94 = arith.constant 0 : index
    %get3A_95 = arith.constant 0 : index
    %get3A_96 = vector.load %arg14[%get3A_94, %get3A_95] : memref<1x128xf32, #tpu.memory_space<vmem>>, vector<1x128xf32>
    %reduce_sum3A_97 = arith.constant dense<0.000000e+00> : vector<2048xf32>
    %reduce_sum3A_98 = vector.multi_reduction <add>, %add3A_90, %reduce_sum3A_97 [1] : vector<2048x128xf32> to vector<2048xf32>
    %broadcast_in_dim3A_99 = vector.shape_cast %reduce_sum3A_98 : vector<2048xf32> to vector<2048x1xf32>
    %div3A_100 = arith.constant 1.280000e+02 : f32
    %div3A_101 = vector.broadcast %div3A_100 : f32 to vector<2048x1xf32>
    %div3A_102 = arith.divf %broadcast_in_dim3A_99, %div3A_101 : vector<2048x1xf32>
    %mul3A_103 = arith.mulf %add3A_90, %add3A_90 : vector<2048x128xf32>
    %reduce_sum3A_104 = arith.constant dense<0.000000e+00> : vector<2048xf32>
    %reduce_sum3A_105 = vector.multi_reduction <add>, %mul3A_103, %reduce_sum3A_104 [1] : vector<2048x128xf32> to vector<2048xf32>
    %broadcast_in_dim3A_106 = vector.shape_cast %reduce_sum3A_105 : vector<2048xf32> to vector<2048x1xf32>
    %div3A_107 = arith.constant 1.280000e+02 : f32
    %div3A_108 = vector.broadcast %div3A_107 : f32 to vector<2048x1xf32>
    %div3A_109 = arith.divf %broadcast_in_dim3A_106, %div3A_108 : vector<2048x1xf32>
    %mul3A_110 = arith.mulf %div3A_102, %div3A_102 : vector<2048x1xf32>
    %sub3A_111 = arith.subf %div3A_109, %mul3A_110 : vector<2048x1xf32>
    %sub3A_112 = vector.broadcast %div3A_102 : vector<2048x1xf32> to vector<2048x128xf32>
    %sub3A_113 = arith.subf %add3A_90, %sub3A_112 : vector<2048x128xf32>
    %add3A_114 = arith.constant 9.99999974E-6 : f32
    %add3A_115 = vector.broadcast %add3A_114 : f32 to vector<2048x1xf32>
    %add3A_116 = arith.addf %sub3A_111, %add3A_115 : vector<2048x1xf32>
    %rsqrt3A_117 = math.rsqrt %add3A_116 : vector<2048x1xf32>
    %mul3A_118 = vector.broadcast %rsqrt3A_117 : vector<2048x1xf32> to vector<2048x128xf32>
    %mul3A_119 = arith.mulf %sub3A_113, %mul3A_118 : vector<2048x128xf32>
    %mul3A_120 = vector.broadcast %get3A_93 : vector<1x128xf32> to vector<2048x128xf32>
    %mul3A_121 = arith.mulf %mul3A_119, %mul3A_120 : vector<2048x128xf32>
    %add3A_122 = vector.broadcast %get3A_96 : vector<1x128xf32> to vector<2048x128xf32>
    %add3A_123 = arith.addf %mul3A_121, %add3A_122 : vector<2048x128xf32>
    %swap3A = arith.constant 0 : index
    %swap3A_124 = arith.constant 0 : index
    %swap3A_125 = vector.load %arg16[%swap3A, %swap3A_124] : memref<2048x128xf32, #tpu.memory_space<vmem>>, vector<2048x128xf32>
    tpu.vector_store %arg16[%swap3A, %swap3A_124], %add3A_123 {strides = array<i32>} : memref<2048x128xf32, #tpu.memory_space<vmem>>, vector<2048x128xf32>,
    return
  }
  func.func @transform_0(%arg0: i32) -> (i32, i32, i32) {
    %add3A = arith.constant 50 : i32
    %add3A_0 = arith.addi %arg0, %add3A : i32
    %c0_i32 = arith.constant 0 : i32
    %c0_i32_1 = arith.constant 0 : i32
    %c0_i32_2 = arith.constant 0 : i32
    return %add3A_0, %c0_i32, %c0_i32_1 : i32, i32, i32
  }
  func.func @transform_1(%arg0: i32) -> (i32, i32, i32) {
    %add3A = arith.constant 50 : i32
    %add3A_0 = arith.addi %arg0, %add3A : i32
    %c0_i32 = arith.constant 0 : i32
    %c0_i32_1 = arith.constant 0 : i32
    %c0_i32_2 = arith.constant 0 : i32
    return %add3A_0, %c0_i32, %c0_i32_1 : i32, i32, i32
  }
  func.func @transform_2(%arg0: i32) -> (i32, i32, i32) {
    %add3A = arith.constant 50 : i32
    %add3A_0 = arith.addi %arg0, %add3A : i32
    %c0_i32 = arith.constant 0 : i32
    %c0_i32_1 = arith.constant 0 : i32
    %c0_i32_2 = arith.constant 0 : i32
    return %add3A_0, %c0_i32, %c0_i32_1 : i32, i32, i32
  }
  func.func @transform_3(%arg0: i32) -> (i32, i32) {
    %add3A = arith.constant 50 : i32
    %add3A_0 = arith.addi %arg0, %add3A : i32
    %c0_i32 = arith.constant 0 : i32
    %c0_i32_1 = arith.constant 0 : i32
    return %add3A_0, %c0_i32 : i32, i32
  }
  func.func @transform_4(%arg0: i32) -> (i32, i32) {
    %add3A = arith.constant 50 : i32
    %add3A_0 = arith.addi %arg0, %add3A : i32
    %c0_i32 = arith.constant 0 : i32
    %c0_i32_1 = arith.constant 0 : i32
    return %add3A_0, %c0_i32 : i32, i32
  }
  func.func @transform_5(%arg0: i32) -> (i32, i32) {
    %c0_i32 = arith.constant 0 : i32
    %c0_i32_0 = arith.constant 0 : i32
    return %arg0, %c0_i32 : i32, i32
  }
  func.func @transform_6(%arg0: i32) -> (i32, i32) {
    %c0_i32 = arith.constant 0 : i32
    %c0_i32_0 = arith.constant 0 : i32
    %c0_i32_1 = arith.constant 0 : i32
    return %c0_i32, %c0_i32_0 : i32, i32
  }
  func.func @transform_7(%arg0: i32) -> (i32, i32) {
    %c0_i32 = arith.constant 0 : i32
    %c0_i32_0 = arith.constant 0 : i32
    %c0_i32_1 = arith.constant 0 : i32
    return %c0_i32, %c0_i32_0 : i32, i32
  }
  func.func @transform_8(%arg0: i32) -> (i32, i32) {
    %c0_i32 = arith.constant 0 : i32
    %c0_i32_0 = arith.constant 0 : i32
    %c0_i32_1 = arith.constant 0 : i32
    return %c0_i32, %c0_i32_0 : i32, i32
  }
  func.func @transform_9(%arg0: i32) -> (i32, i32) {
    %c0_i32 = arith.constant 0 : i32
    %c0_i32_0 = arith.constant 0 : i32
    %c0_i32_1 = arith.constant 0 : i32
    return %c0_i32, %c0_i32_0 : i32, i32
  }
  func.func @transform_10(%arg0: i32) -> (i32, i32) {
    %c0_i32 = arith.constant 0 : i32
    %c0_i32_0 = arith.constant 0 : i32
    %c0_i32_1 = arith.constant 0 : i32
    return %c0_i32, %c0_i32_0 : i32, i32
  }
  func.func @transform_11(%arg0: i32) -> (i32, i32) {
    %c0_i32 = arith.constant 0 : i32
    %c0_i32_0 = arith.constant 0 : i32
    %c0_i32_1 = arith.constant 0 : i32
    return %c0_i32, %c0_i32_0 : i32, i32
  }
  func.func @transform_12(%arg0: i32) -> (i32, i32) {
    %c0_i32 = arith.constant 0 : i32
    %c0_i32_0 = arith.constant 0 : i32
    %c0_i32_1 = arith.constant 0 : i32
    return %c0_i32, %c0_i32_0 : i32, i32
  }
  func.func @transform_13(%arg0: i32) -> (i32, i32) {
    %c0_i32 = arith.constant 0 : i32
    %c0_i32_0 = arith.constant 0 : i32
    %c0_i32_1 = arith.constant 0 : i32
    return %c0_i32, %c0_i32_0 : i32, i32
  }
  func.func @transform_15(%arg0: i32) -> (i32, i32) {
    %add3A = arith.constant 50 : i32
    %add3A_0 = arith.addi %arg0, %add3A : i32
    %c0_i32 = arith.constant 0 : i32
    %c0_i32_1 = arith.constant 0 : i32
    return %add3A_0, %c0_i32 : i32, i32
  }
}

</mosaic_0001>

<sc_bundles>
// kernel: kernel.6.cloned.1.call-start
scs
__scs_entry_jumppad:
0x0: {  	(pc) =	sbr.rel $0x88, $3  }
0x1: {  	(tag) =	ssettag $0x0;
	lr =	simm.s32 $0x1  }
0x2: {  	[smem:$0x3F89] =	sst lr;
	_ =	strace $0xD0000000  }
0x3: {  	_ = 	snop  }
0x4: {  	_ = 	snop  }
0x5: {  	_ = 	snop  }
0x6: {  	_ = 	snop  }
0x7: {  	_ = 	snop  }
__scs_overlays_trampoline_lowered:
0x8: {  	[smem:$0x3F98] =	sst s0  }
0x9: {  	[smem:$0x3F99] =	sst s1  }
0xa: {  	[smem:$0x3F9A] =	sst s2  }
0xb: {  	[smem:$0x3F9B] =	sst s3  }
0xc: {  	[smem:$0x3F9C] =	sst s4  }
0xd: {  	[smem:$0x3F9D] =	sst s5  }
0xe: {  	[smem:$0x3F9E] =	sst s6  }
0xf: {  	[smem:$0x3F9F] =	sst s7  }
0x10: {  	[smem:$0x3FA0] =	sst s8  }
0x11: {  	[smem:$0x3FA1] =	sst s9;
	s0 =	simm.s32 @!p0 $0x0  }
0x12: {  	s1 =	sld [smem:$0x3F87];
	s0 =	simm.s32 @p0 $0x1  }
0x13: {  	[smem:$0x3FA2] =	sst s0;
	s0 =	simm.s32 @!p1 $0x0  }
0x14: {  	s2 =	sld [smem:$0x3F86];
	s0 =	simm.s32 @p1 $0x1  }
0x15: {  	[smem:$0x3FA3] =	sst s0;
	s0 =	simm.s32 @!p2 $0x0  }
0x16: {  	s3 =	sld [smem:$0x3FDB];
	s0 =	simm.s32 @p2 $0x1  }
0x17: {  	s4 =	simm.s32 $0x1BF5;
	[smem:$0x3FA5] =	sst s0  }
0x18: {  	s0 =	sld [smem:$0x3F88];
	_ =	swait.ge [sflag:s4], $0x0  }
0x19: {  	s7 =	sld [smem:$0x3F89]  }
0x1a: {  	s8 =	sadd.s32 $0xFFFFE003, lr  }
0x1b: {  	s9 =	sadd.s32 $0xFFFFFEF7, lr;
	s5 =	simm.s32 $0xFFFFFFFF;
	p2 =	slt.u32 s8, $0xFFFFF086  }
0x1c: {  	p1 =	slt.u32 s9, $0xF7A;
	s5 =	simm.s32 @!p2 $0x0  }
0x1d: {  	s5 =	simm.s32 @p1 $0x1;
	p0 =	seq.s32 s7, s2  }
0x1e: {  	s7 =	smul.u32 @!p0 $0xF7A, s2;
	p2 =	seq.s32 @!p0 s5, $0x0  }
0x1f: {  	s9 =	smul.u32 $0xF7A, s1;
	s8 =	simm.s32 @!p0 $0x1BF5;
	p2 =	por !p2, p0  }
0x20: {  	[sflag:s8] =	ssyncset.s32 @!p0 $0xFFFFF086;
	s6 =	sadd.s32 @!p0 s3, s7;
	s7 =	simm.s32 @!p0 $0x108  }
0x21: {  	s3 =	sadd.s32 s3, s9;
	s6 =	sadd.s32 @!p0 $0x88, s6;
	s7 =	simm.s32 @p2 $0x1082  }
0x22: {  	[simem:s7], [sflag:s8] =	dma.local @!p0 [hbm:s6], $0xF7A  }
0x23: {  	s9 =	sor.u32 $0xD0000000, s2;
	s6 =	simm.s32 $0x108;
	_ =	swait.ge @!p0 [sflag:s8], $0x0  }
0x24: {  	s3 =	sadd.s32 $0x88, s3;
	s6 =	simm.s32 @!p1 $0x1082;
	[sflag:s4] =	ssyncset.s32 $0xFFFFF086  }
0x25: {  	[simem:s6], [sflag:s4] =	dma.local [hbm:s3], $0xF7A  }
0x26: {  	[smem:$0x3F89] =	sst s1;
	(tag) =	ssettag s2;
	_ =	strace s9  }
0x27: {  	s1 =	sld [smem:$0x3F99]  }
0x28: {  	s2 =	sld [smem:$0x3F9A]  }
0x29: {  	s4 =	sld [smem:$0x3F9C]  }
0x2a: {  	p0 =	seq.s32 s5, $0x0;
	s5 =	sld [smem:$0x3F9D]  }
0x2b: {  	s6 =	sld [smem:$0x3F9E]  }
0x2c: {  	s7 =	sld [smem:$0x3F9F]  }
0x2d: {  	s3 =	simm.s32 $0x108;
	s8 =	sld [smem:$0x3FA0]  }
0x2e: {  	s3 =	simm.s32 @!p0 $0x1082;
	s9 =	sld [smem:$0x3FA1]  }
0x2f: {  	lr =	sadd.s32 s0, s3;
	s0 =	sld [smem:$0x3F98]  }
0x30: {  	s3 =	sld [smem:$0x3F9B]  }
0x31: {  	[smem:$0x3FA4] =	sst s10  }
0x32: {  	s10 =	sld [smem:$0x3FA2];
	_ =	sdelay $0x3  }
0x33: {  	p0 =	seq.s32 s10, $0x1;
	s10 =	sld [smem:$0x3FA4];
	_ =	sdelay $0x3  }
0x34: {  	[smem:$0x3FA4] =	sst s10  }
0x35: {  	s10 =	sld [smem:$0x3FA3];
	_ =	sdelay $0x3  }
0x36: {  	p1 =	seq.s32 s10, $0x1;
	s10 =	sld [smem:$0x3FA4];
	_ =	sdelay $0x3  }
0x37: {  	[smem:$0x3FA4] =	sst s10  }
0x38: {  	s10 =	sld [smem:$0x3FA5]  }
0x39: {  	_ = 	snop;
	(pc) =	sbr.ind lr, $3  }
0x3a: {  	_ = 	snop  }
0x3b: {  	_ = 	snop  }
0x3c: {  	p2 =	seq.s32 s10, $0x1;
	s10 =	sld [smem:$0x3FA4]  }
0x3d: {  	_ =	shalt  }
0x3e: {  	_ =	shalt  }
0x3f: {  	_ =	shalt  }
0x40: {  	_ =	shalt  }
0x41: {  	_ =	shalt  }
0x42: {  	_ =	shalt  }
0x43: {  	_ =	shalt  }
0x44: {  	_ =	shalt  }
0x45: {  	_ =	shalt  }
0x46: {  	_ =	shalt  }
0x47: {  	_ =	shalt  }
0x48: {  	_ =	shalt  }
0x49: {  	_ =	shalt  }
0x4a: {  	_ =	shalt  }
0x4b: {  	_ =	shalt  }
0x4c: {  	_ =	shalt  }
0x4d: {  	_ =	shalt  }
0x4e: {  	_ =	shalt  }
0x4f: {  	_ =	shalt  }
0x50: {  	_ =	shalt  }
0x51: {  	_ =	shalt  }
0x52: {  	_ =	shalt  }
0x53: {  	_ =	shalt  }
0x54: {  	_ =	shalt  }
0x55: {  	_ =	shalt  }
0x56: {  	_ =	shalt  }
0x57: {  	_ =	shalt  }
0x58: {  	_ =	shalt  }
0x59: {  	_ =	shalt  }
0x5a: {  	_ =	shalt  }
0x5b: {  	_ =	shalt  }
0x5c: {  	_ =	shalt  }
0x5d: {  	_ =	shalt  }
0x5e: {  	_ =	shalt  }
0x5f: {  	_ =	shalt  }
0x60: {  	_ =	shalt  }
0x61: {  	_ =	shalt  }
0x62: {  	_ =	shalt  }
0x63: {  	_ =	shalt  }
0x64: {  	_ =	shalt  }
0x65: {  	_ =	shalt  }
0x66: {  	_ =	shalt  }
0x67: {  	_ =	shalt  }
0x68: {  	_ =	shalt  }
0x69: {  	_ =	shalt  }
0x6a: {  	_ =	shalt  }
0x6b: {  	_ =	shalt  }
0x6c: {  	_ =	shalt  }
0x6d: {  	_ =	shalt  }
0x6e: {  	_ =	shalt  }
0x6f: {  	_ =	shalt  }
0x70: {  	_ =	shalt  }
0x71: {  	_ =	shalt  }
0x72: {  	_ =	shalt  }
0x73: {  	_ =	shalt  }
0x74: {  	_ =	shalt  }
0x75: {  	_ =	shalt  }
0x76: {  	_ =	shalt  }
0x77: {  	_ =	shalt  }
0x78: {  	_ =	shalt  }
0x79: {  	_ =	shalt  }
0x7a: {  	_ =	shalt  }
0x7b: {  	_ =	shalt  }
0x7c: {  	_ =	shalt  }
0x7d: {  	_ =	shalt  }
0x7e: {  	_ =	shalt  }
0x7f: {  	_ =	shalt  }
0x80: {  	_ =	shalt  }
0x81: {  	_ =	shalt  }
0x82: {  	_ =	shalt  }
0x83: {  	_ =	shalt  }
0x84: {  	_ =	shalt  }
0x85: {  	_ =	shalt  }
0x86: {  	_ =	shalt  }
0x87: {  	_ =	shalt  }
.Lfunc_end0:
.L_simem_size_0:
called_computation_lowered:
.L_overlay_start_0:
0x88: {  	s2 =	sld [smem:$0x3FD9]  }
0x89: {  	s3 =	sld [smem:$0x3FFE];
	_ =	sdelay $0x1  }
0x8a: {  	s1 =	srdreg.scid  }
0x8b: {  	s0 =	sand.u32 $0x1, s1  }
0x8c: {  	s17 =	sshll.u32 s0, $0xA;
	s2 =	sadd.s32 s3, s2  }
0x8d: {  	s2 =	sadd.s32 s2, s17  }
0x8e: {  	[smem:$0x3FB0] =	sst s2  }
0x8f: {  	_ = 	snop  }
0x90: {  	s2 =	sld [smem:$0x3FD0];
	(tm) =	ssettm $0x1  }
0x91: {  	s18 =	sld [smem:$0x3FFB];
	_ =	sdelay $0x3  }
0x92: {  	_ =	strace s18  }
0x93: {  	s3 =	sld [smem:$0x3FFC];
	_ =	sdelay $0x3  }
0x94: {  	_ =	strace s3  }
0x95: {  	s3 =	sld [smem:$0x3FFD];
	_ =	sdelay $0x3  }
0x96: {  	_ =	strace s3  }
0x97: {  	_ =	strace $0x8FFFFFFF  }
0x98: {  	s19 =	sld [smem:$0x3FDB];
	_ =	sdelay $0x1  }
0x99: {  	s4 =	simm.s32 $_scs_section_size  }
0x9a: {  	s5 =	simm.s32 $_size__tile_overlayer_lowered;
	s6 =	simm.s32 $_tile_overlayer_lowered  }
0x9b: {  	s22 =	simm.s32 $0x1BFF;
	s21 =	sshll.u32 s6, $0x1;
	s3 =	sadd.s32 s4, s19  }
0x9c: {  	s7 =	simm.s32 $0x0;
	s20 =	sshll.u32 s5, $0x1;
	s5 =	sadd.s32 s21, s3  }
0x9d: {  	[timem:s7], [sflag:s22] =	dma.local [hbm:s5], s20  }
0x9e: {  	_ =	swait.ge [sflag:s22], s20  }
0x9f: {  	s4 =	ssub.s32 $0x0, s20;
	[sflag:s22] =	ssyncset.done $0x0  }
0xa0: {  	[sflag:s22] =	ssyncadd.s32 s4;
	_ =	sdelay $0x1  }
0xa1: {  	s23 =	simm.s32 $0x1B8B  }
0xa2: {  	_ =	swait.ge [sflag:s23], $0x1  }
0xa3: {  	[sflag:s23] =	ssyncset.done $0x0  }
0xa4: {  	s25 =	simm.s32 $0x1B8E;
	s24 =	sld [smem:$0x3FFE];
	[sflag:s23] =	ssyncadd.s32 $0xFFFFFFFF  }
0xa5: {  	s26 =	simm.s32 $execute0_lowered;
	[smem:$0x3FD2] =	sst s25  }
0xa6: {  	s5 =	sshll.u32 s26, $0x1;
	_ =	strace $0x80000046;
	[dreg:$0x1] =	wrdreg $0xFFFFFFFF  }
0xa7: {  	s28 =	simm.s32 $_size_execute0_lowered;
	s3 =	sadd.s32 s3, s5;
	[dreg:$0x0] =	wrdreg $0x0  }
0xa8: {  	s5 =	sshll.u32 s28, $0x1;
	[dreg:$0x2] =	wrdreg s3  }
0xa9: {  	[dreg:$0x3] =	wrdreg s5  }
0xaa: {  	[dreg:$0x4] =	wrdreg $0xC0  }
0xab: {  	_ =	task [dreg:s7], $0x5FFFF  }
0xac: {  	[dreg:$0x1] =	wrdreg $0xFFFFFFFF  }
0xad: {  	[dreg:$0x0] =	wrdreg $0x60  }
0xae: {  	[dreg:$0x2] =	wrdreg s24  }
0xaf: {  	[dreg:$0x3] =	wrdreg s2  }
0xb0: {  	[dreg:$0x4] =	wrdreg $0x9  }
0xb1: {  	_ =	task.clear_ibuf [dreg:s7], $0x5FFFF;
	_ =	strace $0x90000046  }
0xb2: {  	s29 =	simm.s32 $0x9;
	_ =	strace $0x80000048  }
0xb3: {  	_ =	swait.ge [sflag:s29], $0x1  }
0xb4: {  	[sflag:s29] =	ssyncadd.s32 $0xFFFFFFFF  }
0xb5: {  	_ =	strace $0x90000048  }
0xb6: {  	_ =	sfence  }
0xb7: {  	s30 =	sld [smem:$0x0];
	_ =	sdelay $0x2  }
0xb8: {  	s31 =	sshll.u32 s1, $0xD;
	s1 =	sshrl.u32 s1, $0x2  }
0xb9: {  	s3 =	sand.u32 $0x4000, s31;
	s1 =	sadd.s32 s1, s30  }
0xba: {  	s0 =	sor.u32 s3, s0;
	s1 =	sshll.u32 s1, $0x11  }
0xbb: {  	s0 =	sor.u32 s1, s0  }
0xbc: {  	s0 =	sadd.s32 $0x8F2B, s0  }
0xbd: {  	[sflag:s0] =	ssyncadd.remote.s32 $0x1  }
0xbe: {  	_ =	sfence.sel $0xFFFF  }
0xbf: {  	[dreg:$0x0] =	wrdreg $0xFFFFFFFF;
	(pc) =	sbr.abs _section_cstart, $3  }
0xc0: {  	[dreg:$0x1] =	wrdreg $0xFFFFFFFF  }
0xc1: {  	_ =	task.clear_ibuf [dreg:s7], $0x2FFFF;
	_ =	strace $0x9FFFFFFF  }
0xc2: {  	(tm) =	ssettm $0x7FFFFFFF  }
0xc3: {  	_ =	shalt  }
tec
execute0_lowered:
.L_overlay_start_1:
0x0: {  	(tag) =	ssettag $0x1  }
0x1: {  	s0 =	rddreg [dreg:$0x0]  }
0x2: {  	s1 =	rddreg [dreg:$0x1]  }
0x3: {  	s2 =	srdreg.scid;
	s3 =	stileid.u32;
	s4 =	simm.s32 $0x0  }
0x4: {  	s15 =	simm.s32 $0x80;
	s16 =	simm.s32 $0x3E80;
	s17 =	simm.s32 $0x5E80  }
0x5: {  	s19 =	simm.s32 $0x7E80;
	s21 =	simm.s32 $0x9E80;
	s22 =	simm.s32 $0x13E80  }
0x6: {  	s28 =	simm.s32 $0x11E80;
	s29 =	simm.s32 $0x14E80;
	s30 =	simm.s32 $0x40  }
0x7: {  	s31 =	simm.s32 $0x15E80;
	s18 =	simm.s32 $0x2;
	s20 =	simm.s32 $0x17E80  }
0x8: {  	s14 =	simm.s32 $0x0;
	s2 =	sand.u32 $0x1, s2;
	s3 =	sshll.u32 s3, $0x1  }
0x9: {  	[smem:$0x7FF] =	sst s4;
	s4 =	sadd.s32 $0x4400, s0;
	s5 =	sor.u32 s2, s3  }
0xa: {  	_ =	strace $0x80000047;
	s2 =	ssub.s32 $0x2, s2;
	s6 =	smul.u32 $0x190, s5  }
0xb: {  	s3 =	sadd.s32 $0xF46800, s0;
	s7 =	smul.u32 $0x640, s5;
	s9 =	sshrl.u32 s2, $0x1  }
0xc: {  	s5 =	smul.u32 $0x64000, s5;
	s2 =	ssub.s32 s2, s9;
	s9 =	sadd.s32 $0x69208, s0  }
0xd: {  	s8 =	sadd.s32 s6, s0;
	s6 =	sadd.s32 $0x69200, s0;
	s1 =	sadd.s32 s1, s7  }
0xe: {  	s23 =	sshrl.u32 s5, $0x3;
	s26 =	smax.u32 s2, $0x1;
	s7 =	simm.s32 $0x4  }
0xf: {  	[dreg:$0x3] =	wrdreg s1;
	s24 =	sadd.s32 $0x66000, s8;
	s25 =	sadd.s32 s6, s23  }
0x10: {  	[dreg:$0x7] =	wrdreg s26;
	s23 =	simm.s32 $0x1;
	s26 =	simm.s32 $0xFE80  }
0x11: {  	[dreg:$0x4] =	wrdreg s24;
	s1 =	sadd.s32 $0xC000, s25;
	s0 =	sadd.s32 $0xC008, s25  }
0x12: {  	s24 =	simm.s32 $0xBE80;
	s25 =	simm.s32 $0xDE80;
	[dreg:$0x5] =	wrdreg s1  }
0x13: {  	[dreg:$0x6] =	wrdreg s0;
	s0 =	simm.s32 $0x20;
	s1 =	simm.s32 $0x3  }
.LBB2_1:
0x14: {  	s2 =	simm.s32 $0x0;
	s8 =	rddreg [dreg:$0x3];
	s10 =	simm.s32 $0x5  }
0x15: {  	[tilespmem:s2], [sflag:$0x5] =	stream.linear.gather [hbm4b:s8+s2], $0x3200, $0x38;
	[tilespmem:$0x19E80] =	vst v63  }
0x16: {  	_ =	swait.ge [sflag:s10], $0x3200  }
0x17: {  	[sflag:s10] =	ssyncset.done $0x0  }
0x18: {  	s11 =	simm.s32 $0x3200;
	s13 =	rddreg [dreg:$0x4];
	[sflag:s10] =	ssyncadd.s32 $0xFFFFCE00  }
0x19: {  	[tilespmem:s11], [sflag:$0x5] =	stream.linear.gather [hbm4b:s13+s2], $0xC80, $0x38;
	[tilespmem:$0x19E80] =	vst v63  }
0x1a: {  	_ =	swait.ge [sflag:s10], $0xC80  }
0x1b: {  	[sflag:s10] =	ssyncset.done $0x0  }
0x1c: {  	[sflag:s10] =	ssyncadd.s32 $0xFFFFF380  }
0x1d: {  	[tilespmem:s16], [sflag:$0x1] =	stream.indirect.gather [hbm4b:s3+s15], $0x40, s2, s15, $0xb8;
	[tilespmem:$0x19E80] =	vst v63  }
0x1e: {  	_ = 	snop  }
0x1f: {  	[tilespmem:s17], [sflag:$0x1] =	stream.indirect.gather [hbm4b:s3+s15], $0x40, s15, s15, $0xb8;
	[tilespmem:$0x19E80] =	vst v63  }
0x20: {  	s12 =	simm.s32 $0x100  }
0x21: {  	[tilespmem:s19], [sflag:$0x1] =	stream.indirect.gather [hbm4b:s3+s15], $0x40, s12, s15, $0xb8;
	[tilespmem:$0x19E80] =	vst v63  }
0x22: {  	s13 =	simm.s32 $0x180  }
0x23: {  	[tilespmem:s21], [sflag:$0x1] =	stream.indirect.gather [hbm4b:s3+s15], $0x40, s13, s15, $0xb8;
	[tilespmem:$0x19E80] =	vst v63  }
0x24: {  	s8 =	simm.s32 $0x0  }
0x25: {  	[tilespmem:s22], [sflag:$0x1] =	stream.indirect.gather [hbm4b:s4+s15], $0x20, s11, s15, $0xb8;
	[tilespmem:$0x19E80] =	vst v63  }
.LBB2_2:
0x26: {  	p0 =	seq.s32 s8, $0x0  }
0x27: {  	s2 =	simm.s32 @!p0 $0x4  }
0x28: {  	_ =	swait.ge @!p0 [sflag:s2], $0x2000  }
0x29: {  	s11 =	sshll.u32 s8, $0x1;
	[sflag:s2] =	ssyncset.done @!p0 $0x0  }
0x2a: {  	s10 =	sor.u32 @!p0 $0x1, s11;
	[sflag:s2] =	ssyncadd.s32 @!p0 $0xFFFFE000  }
0x2b: {  	s10 =	simm.s32 @p0 $0x1;
	_ =	swait.ge @!p0 [sflag:s2], $0x1000  }
0x2c: {  	s12 =	sshll.u32 s10, $0x9;
	[sflag:s2] =	ssyncset.done @!p0 $0x0  }
0x2d: {  	[sflag:s2] =	ssyncadd.s32 @!p0 $0xFFFFF000;
	s2 =	sand.u32 $0x3FFFFE00, s12  }
0x2e: {  	[tilespmem:s24], [sflag:$0x2] =	stream.indirect.gather [hbm4b:s3+s15], $0x40, s2, s15, $0xb8;
	[tilespmem:$0x19E80] =	vst v63  }
0x2f: {  	s12 =	sor.u32 $0x80, s2  }
0x30: {  	[tilespmem:s25], [sflag:$0x2] =	stream.indirect.gather [hbm4b:s3+s15], $0x40, s12, s15, $0xb8;
	[tilespmem:$0x19E80] =	vst v63  }
0x31: {  	s13 =	sor.u32 $0x100, s2  }
0x32: {  	[tilespmem:s26], [sflag:$0x2] =	stream.indirect.gather [hbm4b:s3+s15], $0x40, s13, s15, $0xb8;
	[tilespmem:$0x19E80] =	vst v63  }
0x33: {  	s2 =	sor.u32 $0x180, s2;
	s13 =	sshll.u32 s10, $0x7  }
0x34: {  	[tilespmem:s28], [sflag:$0x2] =	stream.indirect.gather [hbm4b:s3+s15], $0x40, s2, s15, $0xb8;
	[tilespmem:$0x19E80] =	vst v63  }
0x35: {  	s2 =	sand.u32 $0x3FFFFF80, s13  }
0x36: {  	s2 =	sadd.s32 $0x3200, s2  }
0x37: {  	[tilespmem:s29], [sflag:$0x2] =	stream.indirect.gather [hbm4b:s4+s15], $0x20, s2, s15, $0xb8;
	[tilespmem:$0x19E80] =	vst v63  }
0x38: {  	_ =	swait.ge [sflag:s23], $0x2000  }
0x39: {  	[sflag:s23] =	ssyncset.done $0x0  }
0x3a: {  	[sflag:s23] =	ssyncadd.s32 $0xFFFFE000  }
0x3b: {  	_ =	swait.ge [sflag:s23], $0x2000  }
0x3c: {  	[sflag:s23] =	ssyncset.done $0x0  }
0x3d: {  	[sflag:s23] =	ssyncadd.s32 $0xFFFFE000  }
0x3e: {  	_ =	swait.ge [sflag:s23], $0x2000  }
0x3f: {  	[sflag:s23] =	ssyncset.done $0x0  }
0x40: {  	[sflag:s23] =	ssyncadd.s32 $0xFFFFE000  }
0x41: {  	_ =	swait.ge [sflag:s23], $0x2000  }
0x42: {  	[sflag:s23] =	ssyncset.done $0x0  }
0x43: {  	[sflag:s23] =	ssyncadd.s32 $0xFFFFE000  }
0x44: {  	_ =	swait.ge [sflag:s23], $0x1000  }
0x45: {  	[sflag:s23] =	ssyncset.done $0x0  }
0x46: {  	s12 =	simm.s32 $0x0;
	[sflag:s23] =	ssyncadd.s32 $0xFFFFF000  }
0x47: {  	v0 =	vld [tilespmem:s12+$0x3EB0]  }
0x48: {  	v1 =	vld [tilespmem:s12+$0x5EB0]  }
0x49: {  	v2 =	vld [tilespmem:s12+$0x3E80]  }
0x4a: {  	v3 =	vld [tilespmem:s12+$0x7EB0]  }
0x4b: {  	v5 =	vld [tilespmem:s12+$0x5E80]  }
0x4c: {  	v4 =	vld [tilespmem:s12+$0x9EB0]  }
0x4d: {  	v6 =	vld [tilespmem:s12+$0x3E90]  }
0x4e: {  	v7 =	vld [tilespmem:s12+$0x5E90]  }
0x4f: {  	v8 =	vld [tilespmem:s12+$0x3EA0];
	v0 =	vadd.f32 v1, v0  }
0x50: {  	v9 =	vld [tilespmem:s12+$0x7E80]  }
0x51: {  	v0 =	vadd.f32 v3, v0;
	v3 =	vld [tilespmem:s12+$0x5EA0]  }
0x52: {  	v10 =	vld [tilespmem:s12+$0x7E90]  }
0x53: {  	v1 =	vld [tilespmem:s12+$0x7EA0];
	v0 =	vadd.f32 v4, v0  }
0x54: {  	v4 =	vld [tilespmem:s12+$0x9E80]  }
0x55: {  	v7 =	vadd.f32 v7, v6;
	[tilespmem:s12+$0x15EB0] =	vst v0;
	v0 =	vadd.f32 v5, v2;
	v2 =	vld [tilespmem:s12+$0x9E90]  }
0x56: {  	s2 =	simm.s32 $0x40;
	v5 =	vadd.f32 v3, v8;
	v3 =	vld [tilespmem:s12+$0x9EA0]  }
0x57: {  	s13 =	simm.s32 $0x200;
	v7 =	vadd.f32 v10, v7;
	v6 =	vadd.f32 v9, v0;
	v0 =	vld [tilespmem:s2+$0x3EB0]  }
.LBB2_3:
0x58: {  	p0 =	sne.s32 s13, $0x7F00;
	v8 =	vld [tilespmem:s2+$0x5EB0];
	v1 =	vadd.f32 v1, v5  }
0x59: {  	v5 =	vld [tilespmem:s2+$0x3E80];
	v4 =	vadd.f32 v4, v6  }
0x5a: {  	v6 =	vld [tilespmem:s2+$0x7EB0];
	v2 =	vadd.f32 v2, v7  }
0x5b: {  	v7 =	vld [tilespmem:s2+$0x5E80];
	[tilespmem:s12+$0x15E80] =	vst v4;
	v1 =	vadd.f32 v3, v1  }
0x5c: {  	v3 =	vld [tilespmem:s2+$0x9EB0];
	[tilespmem:s12+$0x15E90] =	vst v2  }
0x5d: {  	v2 =	vld [tilespmem:s2+$0x3E90];
	v0 =	vadd.f32 v8, v0;
	[tilespmem:s12+$0x15EA0] =	vst v1;
	s12 =	smov.u32 s2  }
0x5e: {  	v1 =	vld [tilespmem:s12+$0x5E90]  }
0x5f: {  	v8 =	vld [tilespmem:s12+$0x3EA0];
	v0 =	vadd.f32 v6, v0  }
0x60: {  	v6 =	vadd.f32 v7, v5;
	v5 =	vld [tilespmem:s12+$0x5EA0]  }
0x61: {  	v7 =	vld [tilespmem:s12+$0x7E80];
	v0 =	vadd.f32 v3, v0  }
0x62: {  	v9 =	vld [tilespmem:s12+$0x7E90]  }
.Ltmp0:
0x63: {  	v10 =	vadd.f32 v1, v2;
	v1 =	vld [tilespmem:s12+$0x7EA0];
	[tilespmem:s12+$0x15EB0] =	vst v0;
	(pc) =	sbr.rel @p0 .LBB2_3-.Ltmp0, $4  }
0x64: {  	v4 =	vld [tilespmem:s12+$0x9E80]  }
0x65: {  	v2 =	vld [tilespmem:s12+$0x9E90];
	v5 =	vadd.f32 v5, v8  }
0x66: {  	s2 =	sshra.s32 s13, $0x2;
	v6 =	vadd.f32 v7, v6;
	v3 =	vld [tilespmem:s12+$0x9EA0]  }
0x67: {  	s13 =	sadd.s32 $0x100, s13;
	v0 =	vld [tilespmem:s2+$0x3EB0];
	v7 =	vadd.f32 v9, v10  }
0x68: {  	v8 =	vld [tilespmem:s2+$0x5EB0]  }
0x69: {  	v9 =	vld [tilespmem:s2+$0x3E80];
	v1 =	vadd.f32 v1, v5;
	v4 =	vadd.f32 v4, v6  }
0x6a: {  	v10 =	vld [tilespmem:s2+$0x5E80];
	v2 =	vadd.f32 v2, v7  }
0x6b: {  	v6 =	vld [tilespmem:s2+$0x7EB0];
	[tilespmem:s12+$0x15E80] =	vst v4;
	v1 =	vadd.f32 v3, v1  }
0x6c: {  	v4 =	vld [tilespmem:s2+$0x9EB0];
	[tilespmem:s12+$0x15E90] =	vst v2  }
0x6d: {  	v2 =	vld [tilespmem:s2+$0x3E90];
	[tilespmem:s12+$0x15EA0] =	vst v1  }
0x6e: {  	v0 =	vadd.f32 v8, v0;
	v1 =	vld [tilespmem:s2+$0x5E90]  }
0x6f: {  	v3 =	vld [tilespmem:s2+$0x3EA0]  }
0x70: {  	v5 =	vld [tilespmem:s2+$0x5EA0];
	v0 =	vadd.f32 v6, v0  }
0x71: {  	v7 =	vld [tilespmem:s2+$0x7EA0]  }
0x72: {  	v6 =	vld [tilespmem:s2+$0x7E80];
	v0 =	vadd.f32 v4, v0  }
0x73: {  	v4 =	vld [tilespmem:s2+$0x7E90]  }
0x74: {  	[tilespmem:s2+$0x15EB0] =	vst v0;
	v0 =	vld [tilespmem:s2+$0x9E80]  }
0x75: {  	v8 =	vadd.f32 v10, v9;
	v61 =	vld [tilespmem:s2+$0x9E90]  }
0x76: {  	v1 =	vadd.f32 v1, v2;
	v2 =	vld [tilespmem:s2+$0x9EA0]  }
0x77: {  	v3 =	vadd.f32 v5, v3;
	v5 =	vadd.f32 v6, v8  }
0x78: {  	v1 =	vadd.f32 v4, v1  }
0x79: {  	v3 =	vadd.f32 v7, v3;
	v0 =	vadd.f32 v0, v5  }
0x7a: {  	s13 =	sshll.u32 s8, $0xF;
	v1 =	vadd.f32 v61, v1  }
0x7b: {  	s12 =	sadd.s32 s5, s13;
	[tilespmem:s2+$0x15E80] =	vst v0;
	v0 =	vadd.f32 v2, v3  }
0x7c: {  	s12 =	sshrl.u32 s12, $0x3;
	[tilespmem:s2+$0x15E90] =	vst v1  }
0x7d: {  	s13 =	sadd.s32 s6, s12;
	[tilespmem:s2+$0x15EA0] =	vst v0  }
0x7e: {  	[hbm4b:s13+s30] =	stream.strided.scatter [tilespmem:s31], [sflag:$0x3], $0x2000, s15, s30, $0x38;
	[tilespmem:$0x19E80] =	vst v63  }
0x7f: {  	s12 =	sadd.s32 s12, s9  }
0x80: {  	[hbm4b:s12+s0] =	stream.strided.scatter [tilespmem:s22], [sflag:$0x3], $0x1000, s15, s0, $0x38;
	[tilespmem:$0x19E80] =	vst v63  }
0x81: {  	_ =	swait.ge [sflag:s1], $0x2000  }
0x82: {  	[sflag:s1] =	ssyncset.done $0x0  }
0x83: {  	[sflag:s1] =	ssyncadd.s32 $0xFFFFE000  }
0x84: {  	s2 =	sadd.s32 $0x2, s11;
	_ =	swait.ge [sflag:s1], $0x1000  }
0x85: {  	s11 =	sshll.u32 s2, $0x9;
	[sflag:s1] =	ssyncset.done $0x0  }
0x86: {  	s11 =	sand.u32 $0x3FFFFE00, s11;
	[sflag:s1] =	ssyncadd.s32 $0xFFFFF000  }
0x87: {  	[tilespmem:s16], [sflag:$0x1] =	stream.indirect.gather [hbm4b:s3+s15], $0x40, s11, s15, $0xb8;
	[tilespmem:$0x19E80] =	vst v63  }
0x88: {  	s13 =	sor.u32 $0x80, s11  }
0x89: {  	[tilespmem:s17], [sflag:$0x1] =	stream.indirect.gather [hbm4b:s3+s15], $0x40, s13, s15, $0xb8;
	[tilespmem:$0x19E80] =	vst v63  }
0x8a: {  	s2 =	sshll.u32 s2, $0x7;
	s13 =	sor.u32 $0x100, s11  }
0x8b: {  	[tilespmem:s19], [sflag:$0x1] =	stream.indirect.gather [hbm4b:s3+s15], $0x40, s13, s15, $0xb8;
	[tilespmem:$0x19E80] =	vst v63  }
0x8c: {  	s2 =	sand.u32 $0x3FFFFF80, s2;
	s11 =	sor.u32 $0x180, s11  }
0x8d: {  	[tilespmem:s21], [sflag:$0x1] =	stream.indirect.gather [hbm4b:s3+s15], $0x40, s11, s15, $0xb8;
	[tilespmem:$0x19E80] =	vst v63  }
0x8e: {  	s2 =	sadd.s32 $0x3200, s2  }
0x8f: {  	[tilespmem:s22], [sflag:$0x1] =	stream.indirect.gather [hbm4b:s4+s15], $0x20, s2, s15, $0xb8;
	[tilespmem:$0x19E80] =	vst v63  }
0x90: {  	_ =	swait.ge [sflag:s18], $0x2000  }
0x91: {  	[sflag:s18] =	ssyncset.done $0x0  }
0x92: {  	[sflag:s18] =	ssyncadd.s32 $0xFFFFE000  }
0x93: {  	_ =	swait.ge [sflag:s18], $0x2000  }
0x94: {  	[sflag:s18] =	ssyncset.done $0x0  }
0x95: {  	[sflag:s18] =	ssyncadd.s32 $0xFFFFE000  }
0x96: {  	_ =	swait.ge [sflag:s18], $0x2000  }
0x97: {  	[sflag:s18] =	ssyncset.done $0x0  }
0x98: {  	[sflag:s18] =	ssyncadd.s32 $0xFFFFE000  }
0x99: {  	_ =	swait.ge [sflag:s18], $0x2000  }
0x9a: {  	[sflag:s18] =	ssyncset.done $0x0  }
0x9b: {  	[sflag:s18] =	ssyncadd.s32 $0xFFFFE000  }
0x9c: {  	_ =	swait.ge [sflag:s18], $0x1000  }
0x9d: {  	[sflag:s18] =	ssyncset.done $0x0  }
0x9e: {  	s11 =	simm.s32 $0x0;
	[sflag:s18] =	ssyncadd.s32 $0xFFFFF000  }
0x9f: {  	v0 =	vld [tilespmem:s11+$0xBEB0]  }
0xa0: {  	v1 =	vld [tilespmem:s11+$0xDEB0]  }
0xa1: {  	v2 =	vld [tilespmem:s11+$0xBE80]  }
0xa2: {  	v3 =	vld [tilespmem:s11+$0xFEB0]  }
0xa3: {  	v5 =	vld [tilespmem:s11+$0xDE80]  }
0xa4: {  	v4 =	vld [tilespmem:s11+$0x11EB0]  }
0xa5: {  	v6 =	vld [tilespmem:s11+$0xBE90]  }
0xa6: {  	v7 =	vld [tilespmem:s11+$0xDE90]  }
0xa7: {  	v8 =	vld [tilespmem:s11+$0xBEA0];
	v0 =	vadd.f32 v1, v0  }
0xa8: {  	v62 =	vld [tilespmem:s11+$0xFE80]  }
0xa9: {  	v0 =	vadd.f32 v3, v0;
	v3 =	vld [tilespmem:s11+$0xDEA0]  }
0xaa: {  	v63 =	vld [tilespmem:s11+$0xFE90]  }
0xab: {  	v1 =	vld [tilespmem:s11+$0xFEA0];
	v0 =	vadd.f32 v4, v0  }
0xac: {  	v4 =	vld [tilespmem:s11+$0x11E80]  }
0xad: {  	v7 =	vadd.f32 v7, v6;
	[tilespmem:s11+$0x17EB0] =	vst v0;
	v0 =	vadd.f32 v5, v2;
	v2 =	vld [tilespmem:s11+$0x11E90]  }
0xae: {  	s2 =	simm.s32 $0x40;
	v5 =	vadd.f32 v3, v8;
	v3 =	vld [tilespmem:s11+$0x11EA0]  }
0xaf: {  	s12 =	simm.s32 $0x200;
	v7 =	vadd.f32 v63, v7;
	v6 =	vadd.f32 v62, v0;
	v0 =	vld [tilespmem:s2+$0xBEB0]  }
.LBB2_5:
0xb0: {  	p0 =	sne.s32 s12, $0x7F00;
	v8 =	vld [tilespmem:s2+$0xDEB0];
	v1 =	vadd.f32 v1, v5  }
0xb1: {  	v5 =	vld [tilespmem:s2+$0xBE80];
	v4 =	vadd.f32 v4, v6  }
0xb2: {  	v6 =	vld [tilespmem:s2+$0xFEB0];
	v2 =	vadd.f32 v2, v7  }
0xb3: {  	v7 =	vld [tilespmem:s2+$0xDE80];
	[tilespmem:s11+$0x17E80] =	vst v4;
	v1 =	vadd.f32 v3, v1  }
0xb4: {  	v3 =	vld [tilespmem:s2+$0x11EB0];
	[tilespmem:s11+$0x17E90] =	vst v2  }
0xb5: {  	v2 =	vld [tilespmem:s2+$0xBE90];
	v0 =	vadd.f32 v8, v0;
	[tilespmem:s11+$0x17EA0] =	vst v1;
	s11 =	smov.u32 s2  }
0xb6: {  	v1 =	vld [tilespmem:s11+$0xDE90]  }
0xb7: {  	v8 =	vld [tilespmem:s11+$0xBEA0];
	v0 =	vadd.f32 v6, v0  }
0xb8: {  	v6 =	vadd.f32 v7, v5;
	v5 =	vld [tilespmem:s11+$0xDEA0]  }
0xb9: {  	v7 =	vld [tilespmem:s11+$0xFE80];
	v0 =	vadd.f32 v3, v0  }
0xba: {  	v9 =	vld [tilespmem:s11+$0xFE90]  }
.Ltmp1:
0xbb: {  	v10 =	vadd.f32 v1, v2;
	v1 =	vld [tilespmem:s11+$0xFEA0];
	[tilespmem:s11+$0x17EB0] =	vst v0;
	(pc) =	sbr.rel @p0 .LBB2_5-.Ltmp1, $4  }
0xbc: {  	v4 =	vld [tilespmem:s11+$0x11E80]  }
0xbd: {  	v2 =	vld [tilespmem:s11+$0x11E90];
	v5 =	vadd.f32 v5, v8  }
0xbe: {  	s2 =	sshra.s32 s12, $0x2;
	v6 =	vadd.f32 v7, v6;
	v3 =	vld [tilespmem:s11+$0x11EA0]  }
0xbf: {  	s12 =	sadd.s32 $0x100, s12;
	v0 =	vld [tilespmem:s2+$0xBEB0];
	v7 =	vadd.f32 v9, v10  }
0xc0: {  	v8 =	vld [tilespmem:s2+$0xDEB0]  }
0xc1: {  	v9 =	vld [tilespmem:s2+$0xBE80];
	v1 =	vadd.f32 v1, v5;
	v4 =	vadd.f32 v4, v6  }
0xc2: {  	v52 =	vld [tilespmem:s2+$0xFEB0];
	v2 =	vadd.f32 v2, v7  }
0xc3: {  	v10 =	vld [tilespmem:s2+$0xDE80];
	[tilespmem:s11+$0x17E80] =	vst v4;
	v1 =	vadd.f32 v3, v1  }
0xc4: {  	v4 =	vld [tilespmem:s2+$0x11EB0];
	[tilespmem:s11+$0x17E90] =	vst v2  }
0xc5: {  	v2 =	vld [tilespmem:s2+$0xBE90];
	[tilespmem:s11+$0x17EA0] =	vst v1  }
0xc6: {  	v1 =	vld [tilespmem:s2+$0xDE90]  }
0xc7: {  	v53 =	vld [tilespmem:s2+$0xBEA0]  }
0xc8: {  	v54 =	vld [tilespmem:s2+$0xDEA0]  }
0xc9: {  	v55 =	vld [tilespmem:s2+$0xFE80]  }
0xca: {  	v0 =	vadd.f32 v8, v0;
	v56 =	vld [tilespmem:s2+$0xFE90]  }
0xcb: {  	v57 =	vld [tilespmem:s2+$0xFEA0]  }
0xcc: {  	v58 =	vld [tilespmem:s2+$0x11E80];
	v0 =	vadd.f32 v52, v0  }
0xcd: {  	v59 =	vadd.f32 v10, v9;
	v60 =	vld [tilespmem:s2+$0x11E90]  }
0xce: {  	v61 =	vld [tilespmem:s2+$0x11EA0];
	v0 =	vadd.f32 v4, v0;
	v1 =	vadd.f32 v1, v2  }
0xcf: {  	v3 =	vadd.f32 v54, v53;
	v62 =	vadd.f32 v55, v59  }
0xd0: {  	v1 =	vadd.f32 v56, v1  }
0xd1: {  	[tilespmem:s2+$0x17EB0] =	vst v0;
	v3 =	vadd.f32 v57, v3;
	v0 =	vadd.f32 v58, v62  }
0xd2: {  	s10 =	sshll.u32 s10, $0xE;
	s8 =	sadd.s32 $0x1, s8;
	v1 =	vadd.f32 v60, v1  }
0xd3: {  	s10 =	sadd.s32 s5, s10;
	p0 =	sne.s32 s8, $0xC;
	[tilespmem:s2+$0x17E80] =	vst v0;
	v63 =	vadd.f32 v61, v3  }
.Ltmp2:
0xd4: {  	s10 =	sshrl.u32 s10, $0x3;
	[tilespmem:s2+$0x17E90] =	vst v1;
	(pc) =	sbr.rel @p0 .LBB2_2-.Ltmp2, $4  }
0xd5: {  	s12 =	sadd.s32 s6, s10;
	[tilespmem:s2+$0x17EA0] =	vst v63  }
0xd6: {  	[hbm4b:s12+s30] =	stream.strided.scatter [tilespmem:s20], [sflag:$0x4], $0x2000, s15, s30, $0x38;
	[tilespmem:$0x19E80] =	vst v63  }
0xd7: {  	s13 =	sadd.s32 s10, s9  }
0xd8: {  	[hbm4b:s13+s0] =	stream.strided.scatter [tilespmem:s29], [sflag:$0x4], $0x1000, s15, s0, $0x38;
	[tilespmem:$0x19E80] =	vst v63  }
0xd9: {  	_ =	swait.ge [sflag:s7], $0x2000  }
0xda: {  	[sflag:s7] =	ssyncset.done $0x0  }
0xdb: {  	[sflag:s7] =	ssyncadd.s32 $0xFFFFE000  }
0xdc: {  	_ =	swait.ge [sflag:s7], $0x1000  }
0xdd: {  	[sflag:s7] =	ssyncset.done $0x0  }
0xde: {  	[sflag:s7] =	ssyncadd.s32 $0xFFFFF000  }
0xdf: {  	_ =	swait.ge [sflag:s23], $0x2000  }
0xe0: {  	[sflag:s23] =	ssyncset.done $0x0  }
0xe1: {  	[sflag:s23] =	ssyncadd.s32 $0xFFFFE000  }
0xe2: {  	_ =	swait.ge [sflag:s23], $0x2000  }
0xe3: {  	[sflag:s23] =	ssyncset.done $0x0  }
0xe4: {  	[sflag:s23] =	ssyncadd.s32 $0xFFFFE000  }
0xe5: {  	_ =	swait.ge [sflag:s23], $0x2000  }
0xe6: {  	[sflag:s23] =	ssyncset.done $0x0  }
0xe7: {  	[sflag:s23] =	ssyncadd.s32 $0xFFFFE000  }
0xe8: {  	_ =	swait.ge [sflag:s23], $0x2000  }
0xe9: {  	[sflag:s23] =	ssyncset.done $0x0  }
0xea: {  	[sflag:s23] =	ssyncadd.s32 $0xFFFFE000  }
0xeb: {  	_ =	swait.ge [sflag:s23], $0x1000  }
0xec: {  	[sflag:s23] =	ssyncset.done $0x0  }
0xed: {  	s8 =	simm.s32 $0x0;
	[sflag:s23] =	ssyncadd.s32 $0xFFFFF000  }
0xee: {  	v0 =	vld [tilespmem:s8+$0x3EB0]  }
0xef: {  	v1 =	vld [tilespmem:s8+$0x5EB0]  }
0xf0: {  	v2 =	vld [tilespmem:s8+$0x3E80]  }
0xf1: {  	v3 =	vld [tilespmem:s8+$0x7EB0]  }
0xf2: {  	v5 =	vld [tilespmem:s8+$0x5E80]  }
0xf3: {  	v4 =	vld [tilespmem:s8+$0x9EB0]  }
0xf4: {  	v6 =	vld [tilespmem:s8+$0x3E90]  }
0xf5: {  	v7 =	vld [tilespmem:s8+$0x5E90]  }
0xf6: {  	v8 =	vld [tilespmem:s8+$0x3EA0];
	v0 =	vadd.f32 v1, v0  }
0xf7: {  	v9 =	vld [tilespmem:s8+$0x7E80]  }
0xf8: {  	v0 =	vadd.f32 v3, v0;
	v3 =	vld [tilespmem:s8+$0x5EA0]  }
0xf9: {  	v10 =	vld [tilespmem:s8+$0x7E90]  }
0xfa: {  	v1 =	vld [tilespmem:s8+$0x7EA0];
	v0 =	vadd.f32 v4, v0  }
0xfb: {  	v4 =	vld [tilespmem:s8+$0x9E80]  }
0xfc: {  	v7 =	vadd.f32 v7, v6;
	[tilespmem:s8+$0x15EB0] =	vst v0;
	v0 =	vadd.f32 v5, v2;
	v2 =	vld [tilespmem:s8+$0x9E90]  }
0xfd: {  	s2 =	simm.s32 $0x40;
	v5 =	vadd.f32 v3, v8;
	v3 =	vld [tilespmem:s8+$0x9EA0]  }
0xfe: {  	s10 =	simm.s32 $0x200;
	v7 =	vadd.f32 v10, v7;
	v6 =	vadd.f32 v9, v0;
	v0 =	vld [tilespmem:s2+$0x3EB0]  }
.LBB2_8:
0xff: {  	p0 =	sne.s32 s10, $0x7F00;
	v8 =	vld [tilespmem:s2+$0x5EB0];
	v1 =	vadd.f32 v1, v5  }
0x100: {  	v5 =	vld [tilespmem:s2+$0x3E80];
	v4 =	vadd.f32 v4, v6  }
0x101: {  	v6 =	vld [tilespmem:s2+$0x7EB0];
	v2 =	vadd.f32 v2, v7  }
0x102: {  	v7 =	vld [tilespmem:s2+$0x5E80];
	[tilespmem:s8+$0x15E80] =	vst v4;
	v1 =	vadd.f32 v3, v1  }
0x103: {  	v3 =	vld [tilespmem:s2+$0x9EB0];
	[tilespmem:s8+$0x15E90] =	vst v2  }
0x104: {  	v2 =	vld [tilespmem:s2+$0x3E90];
	v0 =	vadd.f32 v8, v0;
	[tilespmem:s8+$0x15EA0] =	vst v1;
	s8 =	smov.u32 s2  }
0x105: {  	v1 =	vld [tilespmem:s8+$0x5E90]  }
0x106: {  	v8 =	vld [tilespmem:s8+$0x3EA0];
	v0 =	vadd.f32 v6, v0  }
0x107: {  	v6 =	vadd.f32 v7, v5;
	v5 =	vld [tilespmem:s8+$0x5EA0]  }
0x108: {  	v7 =	vld [tilespmem:s8+$0x7E80];
	v0 =	vadd.f32 v3, v0  }
0x109: {  	v9 =	vld [tilespmem:s8+$0x7E90]  }
.Ltmp3:
0x10a: {  	v10 =	vadd.f32 v1, v2;
	v1 =	vld [tilespmem:s8+$0x7EA0];
	[tilespmem:s8+$0x15EB0] =	vst v0;
	(pc) =	sbr.rel @p0 .LBB2_8-.Ltmp3, $4  }
0x10b: {  	v4 =	vld [tilespmem:s8+$0x9E80]  }
0x10c: {  	v2 =	vld [tilespmem:s8+$0x9E90];
	v5 =	vadd.f32 v5, v8  }
0x10d: {  	s2 =	sshra.s32 s10, $0x2;
	v6 =	vadd.f32 v7, v6;
	v3 =	vld [tilespmem:s8+$0x9EA0]  }
0x10e: {  	s10 =	sadd.s32 $0x100, s10;
	v0 =	vld [tilespmem:s2+$0x3EB0];
	v7 =	vadd.f32 v9, v10  }
0x10f: {  	v8 =	vld [tilespmem:s2+$0x5EB0]  }
0x110: {  	v9 =	vld [tilespmem:s2+$0x3E80];
	v1 =	vadd.f32 v1, v5;
	v4 =	vadd.f32 v4, v6  }
0x111: {  	v52 =	vld [tilespmem:s2+$0x7EB0];
	v2 =	vadd.f32 v2, v7  }
0x112: {  	v10 =	vld [tilespmem:s2+$0x5E80];
	[tilespmem:s8+$0x15E80] =	vst v4;
	v1 =	vadd.f32 v3, v1  }
0x113: {  	v4 =	vld [tilespmem:s2+$0x9EB0];
	[tilespmem:s8+$0x15E90] =	vst v2  }
0x114: {  	v2 =	vld [tilespmem:s2+$0x3E90];
	[tilespmem:s8+$0x15EA0] =	vst v1  }
0x115: {  	v1 =	vld [tilespmem:s2+$0x5E90]  }
0x116: {  	v53 =	vld [tilespmem:s2+$0x3EA0]  }
0x117: {  	v54 =	vld [tilespmem:s2+$0x5EA0]  }
0x118: {  	v55 =	vld [tilespmem:s2+$0x7E80]  }
0x119: {  	v0 =	vadd.f32 v8, v0;
	v56 =	vld [tilespmem:s2+$0x7E90]  }
0x11a: {  	v57 =	vld [tilespmem:s2+$0x7EA0]  }
0x11b: {  	v58 =	vld [tilespmem:s2+$0x9E80];
	v0 =	vadd.f32 v52, v0  }
0x11c: {  	v59 =	vadd.f32 v10, v9;
	v60 =	vld [tilespmem:s2+$0x9E90]  }
0x11d: {  	v61 =	vld [tilespmem:s2+$0x9EA0];
	v0 =	vadd.f32 v4, v0;
	v1 =	vadd.f32 v1, v2  }
0x11e: {  	v3 =	vadd.f32 v54, v53;
	v62 =	vadd.f32 v55, v59  }
0x11f: {  	v1 =	vadd.f32 v56, v1  }
0x120: {  	[tilespmem:s2+$0x15EB0] =	vst v0;
	v3 =	vadd.f32 v57, v3;
	v0 =	vadd.f32 v58, v62  }
0x121: {  	v1 =	vadd.f32 v60, v1  }
0x122: {  	[tilespmem:s2+$0x15E80] =	vst v0;
	v63 =	vadd.f32 v61, v3  }
0x123: {  	[tilespmem:s2+$0x15E90] =	vst v1  }
0x124: {  	s11 =	rddreg [dreg:$0x5];
	[tilespmem:s2+$0x15EA0] =	vst v63  }
0x125: {  	[hbm4b:s11+s30] =	stream.strided.scatter [tilespmem:s31], [sflag:$0x3], $0x2000, s15, s30, $0x38;
	[tilespmem:$0x19E80] =	vst v63  }
0x126: {  	s12 =	rddreg [dreg:$0x6]  }
0x127: {  	[hbm4b:s12+s0] =	stream.strided.scatter [tilespmem:s22], [sflag:$0x3], $0x1000, s15, s0, $0x38;
	[tilespmem:$0x19E80] =	vst v63  }
0x128: {  	_ =	swait.ge [sflag:s1], $0x2000  }
0x129: {  	[sflag:s1] =	ssyncset.done $0x0  }
0x12a: {  	[sflag:s1] =	ssyncadd.s32 $0xFFFFE000  }
0x12b: {  	_ =	swait.ge [sflag:s1], $0x1000  }
0x12c: {  	s14 =	sadd.s32 $0x1, s14;
	s13 =	rddreg [dreg:$0x7]  }
0x12d: {  	p0 =	sne.s32 s14, s13  }
.Ltmp4:
0x12e: {  	_ = 	snop;
	(pc) =	sbr.rel @p0 .LBB2_1-.Ltmp4, $3  }
0x12f: {  	_ =	sdelay $0x1  }
0x130: {  	[sflag:s1] =	ssyncset.done $0x0  }
0x131: {  	[sflag:s1] =	ssyncadd.s32 $0xFFFFF000  }
0x132: {  	_ =	sfence.sel $0x180000  }
0x133: {  	[bflag:$0x0] =	sbarrier.arrive $0xFFFF  }
0x134: {  	_ =	strace $0x90000047  }
0x135: {  	s0 =	stileid.u32;
	[bflag:$0x2] =	sbarrier.arrive $0xFFFF  }
0x136: {  	p0 =	sne.s32 s0, $0x0;
	s0 =	rddreg [dreg:$0x2]  }
0x137: {  	s0 =	sadd.s32 @!p0 $0x100000, s0  }
0x138: {  	[sflag:s0] =	ssyncadd.tile.s32 @!p0 $0x1;
	_ =	shalt  }
.Lfunc_end2:
_tile_overlayer_lowered:
.L_overlay_start_2:
0x139: {  	(tag) =	ssettag $0x2  }
0x13a: {  	s0 =	rddreg [dreg:$0x0];
	s2 =	stileid.u32  }
0x13b: {  	s1 =	rddreg [dreg:$0x1];
	p0 =	sne.s32 s2, $0x0  }
0x13c: {  	s3 =	rddreg [dreg:$0x2];
	[bflag:$0x3] =	sbarrier.arrive $0xFFFF;
	s2 =	simm.s32 @!p0 $0x1C05  }
0x13d: {  	[timem:s3], [sflag:s2] =	dma.local @!p0 [hbm:s0], s1  }
0x13e: {  	s0 =	simm.s32 @!p0 $0x5  }
0x13f: {  	_ =	swait.ge @!p0 [sflag:s0], s1  }
0x140: {  	s1 =	ssub.s32 @!p0 $0x0, s1;
	[sflag:s0] =	ssyncset.done @!p0 $0x0  }
0x141: {  	[sflag:s0] =	ssyncadd.s32 @!p0 s1  }
0x142: {  	[bflag:$0x3] =	sbarrier.arrive $0xFFFF  }
0x143: {  	_ =	shalt  }

// kernel: kernel.9.cloned.1.call-start
scs
__scs_entry_jumppad:
0x0: {  	(pc) =	sbr.rel $0x88, $3  }
0x1: {  	(tag) =	ssettag $0x0;
	lr =	simm.s32 $0x1  }
0x2: {  	[smem:$0x3F89] =	sst lr;
	_ =	strace $0xD0000000  }
0x3: {  	_ = 	snop  }
0x4: {  	_ = 	snop  }
0x5: {  	_ = 	snop  }
0x6: {  	_ = 	snop  }
0x7: {  	_ = 	snop  }
__scs_overlays_trampoline_lowered:
0x8: {  	[smem:$0x3F98] =	sst s0  }
0x9: {  	[smem:$0x3F99] =	sst s1  }
0xa: {  	[smem:$0x3F9A] =	sst s2  }
0xb: {  	[smem:$0x3F9B] =	sst s3  }
0xc: {  	[smem:$0x3F9C] =	sst s4  }
0xd: {  	[smem:$0x3F9D] =	sst s5  }
0xe: {  	[smem:$0x3F9E] =	sst s6  }
0xf: {  	[smem:$0x3F9F] =	sst s7  }
0x10: {  	[smem:$0x3FA0] =	sst s8  }
0x11: {  	[smem:$0x3FA1] =	sst s9;
	s0 =	simm.s32 @!p0 $0x0  }
0x12: {  	s1 =	sld [smem:$0x3F87];
	s0 =	simm.s32 @p0 $0x1  }
0x13: {  	[smem:$0x3FA2] =	sst s0;
	s0 =	simm.s32 @!p1 $0x0  }
0x14: {  	s2 =	sld [smem:$0x3F86];
	s0 =	simm.s32 @p1 $0x1  }
0x15: {  	[smem:$0x3FA3] =	sst s0;
	s0 =	simm.s32 @!p2 $0x0  }
0x16: {  	s3 =	sld [smem:$0x3FDB];
	s0 =	simm.s32 @p2 $0x1  }
0x17: {  	s4 =	simm.s32 $0x1BF5;
	[smem:$0x3FA5] =	sst s0  }
0x18: {  	s0 =	sld [smem:$0x3F88];
	_ =	swait.ge [sflag:s4], $0x0  }
0x19: {  	s7 =	sld [smem:$0x3F89]  }
0x1a: {  	s8 =	sadd.s32 $0xFFFFE003, lr  }
0x1b: {  	s9 =	sadd.s32 $0xFFFFFEF7, lr;
	s5 =	simm.s32 $0xFFFFFFFF;
	p2 =	slt.u32 s8, $0xFFFFF086  }
0x1c: {  	p1 =	slt.u32 s9, $0xF7A;
	s5 =	simm.s32 @!p2 $0x0  }
0x1d: {  	s5 =	simm.s32 @p1 $0x1;
	p0 =	seq.s32 s7, s2  }
0x1e: {  	s7 =	smul.u32 @!p0 $0xF7A, s2;
	p2 =	seq.s32 @!p0 s5, $0x0  }
0x1f: {  	s9 =	smul.u32 $0xF7A, s1;
	s8 =	simm.s32 @!p0 $0x1BF5;
	p2 =	por !p2, p0  }
0x20: {  	[sflag:s8] =	ssyncset.s32 @!p0 $0xFFFFF086;
	s6 =	sadd.s32 @!p0 s3, s7;
	s7 =	simm.s32 @!p0 $0x108  }
0x21: {  	s3 =	sadd.s32 s3, s9;
	s6 =	sadd.s32 @!p0 $0x88, s6;
	s7 =	simm.s32 @p2 $0x1082  }
0x22: {  	[simem:s7], [sflag:s8] =	dma.local @!p0 [hbm:s6], $0xF7A  }
0x23: {  	s9 =	sor.u32 $0xD0000000, s2;
	s6 =	simm.s32 $0x108;
	_ =	swait.ge @!p0 [sflag:s8], $0x0  }
0x24: {  	s3 =	sadd.s32 $0x88, s3;
	s6 =	simm.s32 @!p1 $0x1082;
	[sflag:s4] =	ssyncset.s32 $0xFFFFF086  }
0x25: {  	[simem:s6], [sflag:s4] =	dma.local [hbm:s3], $0xF7A  }
0x26: {  	[smem:$0x3F89] =	sst s1;
	(tag) =	ssettag s2;
	_ =	strace s9  }
0x27: {  	s1 =	sld [smem:$0x3F99]  }
0x28: {  	s2 =	sld [smem:$0x3F9A]  }
0x29: {  	s4 =	sld [smem:$0x3F9C]  }
0x2a: {  	p0 =	seq.s32 s5, $0x0;
	s5 =	sld [smem:$0x3F9D]  }
0x2b: {  	s6 =	sld [smem:$0x3F9E]  }
0x2c: {  	s7 =	sld [smem:$0x3F9F]  }
0x2d: {  	s3 =	simm.s32 $0x108;
	s8 =	sld [smem:$0x3FA0]  }
0x2e: {  	s3 =	simm.s32 @!p0 $0x1082;
	s9 =	sld [smem:$0x3FA1]  }
0x2f: {  	lr =	sadd.s32 s0, s3;
	s0 =	sld [smem:$0x3F98]  }
0x30: {  	s3 =	sld [smem:$0x3F9B]  }
0x31: {  	[smem:$0x3FA4] =	sst s10  }
0x32: {  	s10 =	sld [smem:$0x3FA2];
	_ =	sdelay $0x3  }
0x33: {  	p0 =	seq.s32 s10, $0x1;
	s10 =	sld [smem:$0x3FA4];
	_ =	sdelay $0x3  }
0x34: {  	[smem:$0x3FA4] =	sst s10  }
0x35: {  	s10 =	sld [smem:$0x3FA3];
	_ =	sdelay $0x3  }
0x36: {  	p1 =	seq.s32 s10, $0x1;
	s10 =	sld [smem:$0x3FA4];
	_ =	sdelay $0x3  }
0x37: {  	[smem:$0x3FA4] =	sst s10  }
0x38: {  	s10 =	sld [smem:$0x3FA5]  }
0x39: {  	_ = 	snop;
	(pc) =	sbr.ind lr, $3  }
0x3a: {  	_ = 	snop  }
0x3b: {  	_ = 	snop  }
0x3c: {  	p2 =	seq.s32 s10, $0x1;
	s10 =	sld [smem:$0x3FA4]  }
0x3d: {  	_ =	shalt  }
0x3e: {  	_ =	shalt  }
0x3f: {  	_ =	shalt  }
0x40: {  	_ =	shalt  }
0x41: {  	_ =	shalt  }
0x42: {  	_ =	shalt  }
0x43: {  	_ =	shalt  }
0x44: {  	_ =	shalt  }
0x45: {  	_ =	shalt  }
0x46: {  	_ =	shalt  }
0x47: {  	_ =	shalt  }
0x48: {  	_ =	shalt  }
0x49: {  	_ =	shalt  }
0x4a: {  	_ =	shalt  }
0x4b: {  	_ =	shalt  }
0x4c: {  	_ =	shalt  }
0x4d: {  	_ =	shalt  }
0x4e: {  	_ =	shalt  }
0x4f: {  	_ =	shalt  }
0x50: {  	_ =	shalt  }
0x51: {  	_ =	shalt  }
0x52: {  	_ =	shalt  }
0x53: {  	_ =	shalt  }
0x54: {  	_ =	shalt  }
0x55: {  	_ =	shalt  }
0x56: {  	_ =	shalt  }
0x57: {  	_ =	shalt  }
0x58: {  	_ =	shalt  }
0x59: {  	_ =	shalt  }
0x5a: {  	_ =	shalt  }
0x5b: {  	_ =	shalt  }
0x5c: {  	_ =	shalt  }
0x5d: {  	_ =	shalt  }
0x5e: {  	_ =	shalt  }
0x5f: {  	_ =	shalt  }
0x60: {  	_ =	shalt  }
0x61: {  	_ =	shalt  }
0x62: {  	_ =	shalt  }
0x63: {  	_ =	shalt  }
0x64: {  	_ =	shalt  }
0x65: {  	_ =	shalt  }
0x66: {  	_ =	shalt  }
0x67: {  	_ =	shalt  }
0x68: {  	_ =	shalt  }
0x69: {  	_ =	shalt  }
0x6a: {  	_ =	shalt  }
0x6b: {  	_ =	shalt  }
0x6c: {  	_ =	shalt  }
0x6d: {  	_ =	shalt  }
0x6e: {  	_ =	shalt  }
0x6f: {  	_ =	shalt  }
0x70: {  	_ =	shalt  }
0x71: {  	_ =	shalt  }
0x72: {  	_ =	shalt  }
0x73: {  	_ =	shalt  }
0x74: {  	_ =	shalt  }
0x75: {  	_ =	shalt  }
0x76: {  	_ =	shalt  }
0x77: {  	_ =	shalt  }
0x78: {  	_ =	shalt  }
0x79: {  	_ =	shalt  }
0x7a: {  	_ =	shalt  }
0x7b: {  	_ =	shalt  }
0x7c: {  	_ =	shalt  }
0x7d: {  	_ =	shalt  }
0x7e: {  	_ =	shalt  }
0x7f: {  	_ =	shalt  }
0x80: {  	_ =	shalt  }
0x81: {  	_ =	shalt  }
0x82: {  	_ =	shalt  }
0x83: {  	_ =	shalt  }
0x84: {  	_ =	shalt  }
0x85: {  	_ =	shalt  }
0x86: {  	_ =	shalt  }
0x87: {  	_ =	shalt  }
.Lfunc_end0:
.L_simem_size_0:
called_computation.1_lowered:
.L_overlay_start_0:
0x88: {  	s2 =	sld [smem:$0x3FD9]  }
0x89: {  	s3 =	sld [smem:$0x3FFE];
	_ =	sdelay $0x1  }
0x8a: {  	s1 =	srdreg.scid  }
0x8b: {  	s0 =	sand.u32 $0x1, s1  }
0x8c: {  	s17 =	sshll.u32 s0, $0xA;
	s2 =	sadd.s32 s3, s2  }
0x8d: {  	s2 =	sadd.s32 s2, s17  }
0x8e: {  	[smem:$0x3FB0] =	sst s2  }
0x8f: {  	_ = 	snop  }
0x90: {  	(tm) =	ssettm $0x1  }
0x91: {  	s18 =	sld [smem:$0x3FFB];
	_ =	sdelay $0x3  }
0x92: {  	_ =	strace s18  }
0x93: {  	s2 =	sld [smem:$0x3FFC];
	_ =	sdelay $0x3  }
0x94: {  	_ =	strace s2  }
0x95: {  	s2 =	sld [smem:$0x3FFD];
	_ =	sdelay $0x3  }
0x96: {  	_ =	strace s2  }
0x97: {  	_ =	strace $0x8FFFFFFF  }
0x98: {  	s19 =	sld [smem:$0x3FDB];
	_ =	sdelay $0x1  }
0x99: {  	s20 =	simm.s32 $_scs_section_size  }
0x9a: {  	s4 =	simm.s32 $_size__tile_overlayer_lowered;
	s5 =	simm.s32 $_tile_overlayer_lowered  }
0x9b: {  	s6 =	simm.s32 $0x1BFF;
	s21 =	sshll.u32 s5, $0x1;
	s3 =	sadd.s32 s20, s19  }
0x9c: {  	s22 =	simm.s32 $0x0;
	s4 =	sshll.u32 s4, $0x1;
	s5 =	sadd.s32 s21, s3  }
0x9d: {  	[timem:s22], [sflag:s6] =	dma.local [hbm:s5], s4  }
0x9e: {  	_ =	swait.ge [sflag:s6], s4  }
0x9f: {  	s4 =	ssub.s32 $0x0, s4;
	[sflag:s6] =	ssyncset.done $0x0  }
0xa0: {  	[sflag:s6] =	ssyncadd.s32 s4;
	_ =	sdelay $0x1  }
0xa1: {  	s23 =	simm.s32 $0x1B8B  }
0xa2: {  	_ =	swait.ge [sflag:s23], $0x1  }
0xa3: {  	[sflag:s23] =	ssyncset.done $0x0  }
0xa4: {  	[sflag:s23] =	ssyncadd.s32 $0xFFFFFFFF  }
0xa5: {  	s4 =	sld [smem:$0x0]  }
0xa6: {  	s5 =	sand.u32 $0xFFFFFFFE, s1  }
0xa7: {  	p0 =	sne.s32 s1, s5  }
0xa8: {  	s5 =	sshll.u32 @p0 s5, $0xE  }
0xa9: {  	s5 =	sadd.s32 @p0 $0x11B8D, s5;
	s6 =	sshll.u32 @p0 s4, $0x11  }
0xaa: {  	s5 =	sor.u32 @p0 s6, s5  }
0xab: {  	[sflag:s5] =	ssyncadd.remote.s32 @p0 $0x1;
	_ =	sdelay $0x1  }
0xac: {  	s5 =	simm.s32 @p0 $0x1B8D  }
0xad: {  	_ =	swait.eq @p0 [sflag:s5], $0x1  }
0xae: {  	[sflag:s5] =	ssyncadd.s32 @p0 $0xFFFFFFFF  }
0xaf: {  	s6 =	sshll.u32 @!p0 s1, $0xE  }
0xb0: {  	s6 =	sor.u32 @!p0 $0x4000, s6;
	s5 =	simm.s32 @!p0 $0x1B8D  }
0xb1: {  	s4 =	sshll.u32 @!p0 s4, $0x11;
	s6 =	sadd.s32 @!p0 $0x11B8D, s6;
	_ =	swait.eq @!p0 [sflag:s5], $0x1  }
0xb2: {  	s4 =	sor.u32 @!p0 s4, s6;
	[sflag:s5] =	ssyncadd.s32 @!p0 $0xFFFFFFFF  }
0xb3: {  	s25 =	simm.s32 $0x1B8E;
	s24 =	sld [smem:$0x3FFE];
	[sflag:s4] =	ssyncadd.remote.s32 @!p0 $0x1  }
0xb4: {  	s26 =	simm.s32 $execute0_lowered;
	[smem:$0x3FD2] =	sst s25  }
0xb5: {  	s5 =	sshll.u32 s26, $0x1;
	_ =	strace $0x80000049;
	[dreg:$0x1] =	wrdreg $0xFFFFFFFF  }
0xb6: {  	s28 =	simm.s32 $_size_execute0_lowered;
	s3 =	sadd.s32 s3, s5;
	[dreg:$0x0] =	wrdreg $0x0  }
0xb7: {  	s5 =	sshll.u32 s28, $0x1;
	[dreg:$0x2] =	wrdreg s3  }
0xb8: {  	[dreg:$0x3] =	wrdreg s5  }
0xb9: {  	[dreg:$0x4] =	wrdreg $0xC0  }
0xba: {  	_ =	task [dreg:s22], $0x5FFFF  }
0xbb: {  	[dreg:$0x1] =	wrdreg $0xFFFFFFFF  }
0xbc: {  	[dreg:$0x0] =	wrdreg $0x60  }
0xbd: {  	[dreg:$0x2] =	wrdreg s24  }
0xbe: {  	[dreg:$0x3] =	wrdreg $0xA  }
0xbf: {  	_ =	task.clear_ibuf [dreg:s22], $0x4FFFF;
	_ =	strace $0x90000049  }
0xc0: {  	s29 =	simm.s32 $0xA;
	_ =	strace $0x8000004B  }
0xc1: {  	_ =	swait.ge [sflag:s29], $0x1  }
0xc2: {  	[sflag:s29] =	ssyncadd.s32 $0xFFFFFFFF  }
0xc3: {  	_ =	strace $0x9000004B  }
0xc4: {  	_ =	sfence  }
0xc5: {  	s30 =	sld [smem:$0x0];
	_ =	sdelay $0x2  }
0xc6: {  	s31 =	sshll.u32 s1, $0xD;
	s1 =	sshrl.u32 s1, $0x2  }
0xc7: {  	s4 =	sand.u32 $0x4000, s31;
	s1 =	sadd.s32 s1, s30  }
0xc8: {  	s0 =	sor.u32 s4, s0;
	s1 =	sshll.u32 s1, $0x11  }
0xc9: {  	s0 =	sor.u32 s1, s0  }
0xca: {  	s0 =	sadd.s32 $0x8F2B, s0  }
0xcb: {  	[sflag:s0] =	ssyncadd.remote.s32 $0x1  }
0xcc: {  	_ =	sfence.sel $0xFFFF  }
0xcd: {  	[dreg:$0x0] =	wrdreg $0xFFFFFFFF;
	(pc) =	sbr.abs _section_cstart, $3  }
0xce: {  	[dreg:$0x1] =	wrdreg $0xFFFFFFFF  }
0xcf: {  	_ =	task.clear_ibuf [dreg:s22], $0x2FFFF;
	_ =	strace $0x9FFFFFFF  }
0xd0: {  	(tm) =	ssettm $0x7FFFFFFF  }
0xd1: {  	_ =	shalt  }
tec
execute0_lowered:
.L_overlay_start_1:
0x0: {  	(tag) =	ssettag $0x1  }
0x1: {  	s0 =	rddreg [dreg:$0x0];
	s1 =	srdreg.scid  }
0x2: {  	s2 =	stileid.u32;
	s3 =	simm.s32 $0x0;
	s15 =	simm.s32 $0x80  }
0x3: {  	s16 =	simm.s32 $0x3E80;
	s17 =	simm.s32 $0x5E80;
	s19 =	simm.s32 $0x7E80  }
0x4: {  	s21 =	simm.s32 $0x9E80;
	s28 =	simm.s32 $0x11E80;
	s29 =	simm.s32 $0x14E80  }
0x5: {  	s30 =	simm.s32 $0x40;
	s31 =	simm.s32 $0x15E80;
	s18 =	simm.s32 $0x2  }
0x6: {  	s20 =	simm.s32 $0x17E80;
	s1 =	sand.u32 $0x1, s1;
	s2 =	sshll.u32 s2, $0x1  }
0x7: {  	s14 =	simm.s32 $0x0;
	[smem:$0x7FF] =	sst s3;
	s2 =	sor.u32 s1, s2  }
0x8: {  	s3 =	sadd.s32 $0xF46800, s0;
	s1 =	ssub.s32 $0x2, s1;
	s5 =	smul.u32 $0x640, s2  }
0x9: {  	s4 =	sadd.s32 $0x4400, s0;
	s6 =	smul.u32 $0x190, s2;
	s8 =	sshrl.u32 s1, $0x1  }
0xa: {  	s9 =	sadd.s32 $0x208C08, s0;
	_ =	strace $0x8000004A;
	s1 =	ssub.s32 s1, s8  }
0xb: {  	s7 =	sadd.s32 s5, s0;
	s5 =	smul.u32 $0x64000, s2;
	s22 =	sadd.s32 s6, s0  }
0xc: {  	s6 =	sadd.s32 $0x208C00, s0;
	s26 =	smax.u32 s1, $0x1;
	s1 =	simm.s32 $0x3  }
0xd: {  	s7 =	sadd.s32 $0x1F9200, s7;
	s2 =	sadd.s32 $0x205A00, s22;
	[dreg:$0x6] =	wrdreg s26  }
0xe: {  	s22 =	simm.s32 $0x13E80;
	[dreg:$0x2] =	wrdreg s7;
	s23 =	sshrl.u32 s5, $0x3  }
0xf: {  	s26 =	simm.s32 $0xFE80;
	[dreg:$0x3] =	wrdreg s2;
	s24 =	sadd.s32 s6, s23  }
0x10: {  	s7 =	simm.s32 $0x4;
	s23 =	simm.s32 $0x1;
	s25 =	sadd.s32 $0xC000, s24  }
0x11: {  	s0 =	sadd.s32 $0xC008, s24;
	s24 =	simm.s32 $0xBE80;
	[dreg:$0x4] =	wrdreg s25  }
0x12: {  	[dreg:$0x5] =	wrdreg s0;
	s25 =	simm.s32 $0xDE80;
	s0 =	simm.s32 $0x20  }
.LBB2_1:
0x13: {  	s2 =	simm.s32 $0x0;
	s8 =	rddreg [dreg:$0x2];
	s10 =	simm.s32 $0x5  }
0x14: {  	[tilespmem:s2], [sflag:$0x5] =	stream.linear.gather [hbm4b:s8+s2], $0x3200, $0x38;
	[tilespmem:$0x19E80] =	vst v63  }
0x15: {  	_ =	swait.ge [sflag:s10], $0x3200  }
0x16: {  	[sflag:s10] =	ssyncset.done $0x0  }
0x17: {  	s11 =	simm.s32 $0x3200;
	s13 =	rddreg [dreg:$0x3];
	[sflag:s10] =	ssyncadd.s32 $0xFFFFCE00  }
0x18: {  	[tilespmem:s11], [sflag:$0x5] =	stream.linear.gather [hbm4b:s13+s2], $0xC80, $0x38;
	[tilespmem:$0x19E80] =	vst v63  }
0x19: {  	_ =	swait.ge [sflag:s10], $0xC80  }
0x1a: {  	[sflag:s10] =	ssyncset.done $0x0  }
0x1b: {  	[sflag:s10] =	ssyncadd.s32 $0xFFFFF380  }
0x1c: {  	[tilespmem:s16], [sflag:$0x1] =	stream.indirect.gather [hbm4b:s3+s15], $0x40, s2, s15, $0xb8;
	[tilespmem:$0x19E80] =	vst v63  }
0x1d: {  	_ = 	snop  }
0x1e: {  	[tilespmem:s17], [sflag:$0x1] =	stream.indirect.gather [hbm4b:s3+s15], $0x40, s15, s15, $0xb8;
	[tilespmem:$0x19E80] =	vst v63  }
0x1f: {  	s12 =	simm.s32 $0x100  }
0x20: {  	[tilespmem:s19], [sflag:$0x1] =	stream.indirect.gather [hbm4b:s3+s15], $0x40, s12, s15, $0xb8;
	[tilespmem:$0x19E80] =	vst v63  }
0x21: {  	s13 =	simm.s32 $0x180  }
0x22: {  	[tilespmem:s21], [sflag:$0x1] =	stream.indirect.gather [hbm4b:s3+s15], $0x40, s13, s15, $0xb8;
	[tilespmem:$0x19E80] =	vst v63  }
0x23: {  	s8 =	simm.s32 $0x0  }
0x24: {  	[tilespmem:s22], [sflag:$0x1] =	stream.indirect.gather [hbm4b:s4+s15], $0x20, s11, s15, $0xb8;
	[tilespmem:$0x19E80] =	vst v63  }
.LBB2_2:
0x25: {  	p0 =	seq.s32 s8, $0x0  }
0x26: {  	s2 =	simm.s32 @!p0 $0x4  }
0x27: {  	_ =	swait.ge @!p0 [sflag:s2], $0x2000  }
0x28: {  	s11 =	sshll.u32 s8, $0x1;
	[sflag:s2] =	ssyncset.done @!p0 $0x0  }
0x29: {  	s10 =	sor.u32 @!p0 $0x1, s11;
	[sflag:s2] =	ssyncadd.s32 @!p0 $0xFFFFE000  }
0x2a: {  	s10 =	simm.s32 @p0 $0x1;
	_ =	swait.ge @!p0 [sflag:s2], $0x1000  }
0x2b: {  	s12 =	sshll.u32 s10, $0x9;
	[sflag:s2] =	ssyncset.done @!p0 $0x0  }
0x2c: {  	[sflag:s2] =	ssyncadd.s32 @!p0 $0xFFFFF000;
	s2 =	sand.u32 $0x3FFFFE00, s12  }
0x2d: {  	[tilespmem:s24], [sflag:$0x2] =	stream.indirect.gather [hbm4b:s3+s15], $0x40, s2, s15, $0xb8;
	[tilespmem:$0x19E80] =	vst v63  }
0x2e: {  	s12 =	sor.u32 $0x80, s2  }
0x2f: {  	[tilespmem:s25], [sflag:$0x2] =	stream.indirect.gather [hbm4b:s3+s15], $0x40, s12, s15, $0xb8;
	[tilespmem:$0x19E80] =	vst v63  }
0x30: {  	s13 =	sor.u32 $0x100, s2  }
0x31: {  	[tilespmem:s26], [sflag:$0x2] =	stream.indirect.gather [hbm4b:s3+s15], $0x40, s13, s15, $0xb8;
	[tilespmem:$0x19E80] =	vst v63  }
0x32: {  	s2 =	sor.u32 $0x180, s2;
	s13 =	sshll.u32 s10, $0x7  }
0x33: {  	[tilespmem:s28], [sflag:$0x2] =	stream.indirect.gather [hbm4b:s3+s15], $0x40, s2, s15, $0xb8;
	[tilespmem:$0x19E80] =	vst v63  }
0x34: {  	s2 =	sand.u32 $0x3FFFFF80, s13  }
0x35: {  	s2 =	sadd.s32 $0x3200, s2  }
0x36: {  	[tilespmem:s29], [sflag:$0x2] =	stream.indirect.gather [hbm4b:s4+s15], $0x20, s2, s15, $0xb8;
	[tilespmem:$0x19E80] =	vst v63  }
0x37: {  	_ =	swait.ge [sflag:s23], $0x2000  }
0x38: {  	[sflag:s23] =	ssyncset.done $0x0  }
0x39: {  	[sflag:s23] =	ssyncadd.s32 $0xFFFFE000  }
0x3a: {  	_ =	swait.ge [sflag:s23], $0x2000  }
0x3b: {  	[sflag:s23] =	ssyncset.done $0x0  }
0x3c: {  	[sflag:s23] =	ssyncadd.s32 $0xFFFFE000  }
0x3d: {  	_ =	swait.ge [sflag:s23], $0x2000  }
0x3e: {  	[sflag:s23] =	ssyncset.done $0x0  }
0x3f: {  	[sflag:s23] =	ssyncadd.s32 $0xFFFFE000  }
0x40: {  	_ =	swait.ge [sflag:s23], $0x2000  }
0x41: {  	[sflag:s23] =	ssyncset.done $0x0  }
0x42: {  	[sflag:s23] =	ssyncadd.s32 $0xFFFFE000  }
0x43: {  	_ =	swait.ge [sflag:s23], $0x1000  }
0x44: {  	[sflag:s23] =	ssyncset.done $0x0  }
0x45: {  	s12 =	simm.s32 $0x0;
	[sflag:s23] =	ssyncadd.s32 $0xFFFFF000  }
0x46: {  	v0 =	vld [tilespmem:s12+$0x3EB0]  }
0x47: {  	v1 =	vld [tilespmem:s12+$0x5EB0]  }
0x48: {  	v2 =	vld [tilespmem:s12+$0x3E80]  }
0x49: {  	v3 =	vld [tilespmem:s12+$0x7EB0]  }
0x4a: {  	v5 =	vld [tilespmem:s12+$0x5E80]  }
0x4b: {  	v4 =	vld [tilespmem:s12+$0x9EB0]  }
0x4c: {  	v6 =	vld [tilespmem:s12+$0x3E90]  }
0x4d: {  	v7 =	vld [tilespmem:s12+$0x5E90]  }
0x4e: {  	v8 =	vld [tilespmem:s12+$0x3EA0];
	v0 =	vadd.f32 v1, v0  }
0x4f: {  	v9 =	vld [tilespmem:s12+$0x7E80]  }
0x50: {  	v0 =	vadd.f32 v3, v0;
	v3 =	vld [tilespmem:s12+$0x5EA0]  }
0x51: {  	v10 =	vld [tilespmem:s12+$0x7E90]  }
0x52: {  	v1 =	vld [tilespmem:s12+$0x7EA0];
	v0 =	vadd.f32 v4, v0  }
0x53: {  	v4 =	vld [tilespmem:s12+$0x9E80]  }
0x54: {  	v7 =	vadd.f32 v7, v6;
	[tilespmem:s12+$0x15EB0] =	vst v0;
	v0 =	vadd.f32 v5, v2;
	v2 =	vld [tilespmem:s12+$0x9E90]  }
0x55: {  	s2 =	simm.s32 $0x40;
	v5 =	vadd.f32 v3, v8;
	v3 =	vld [tilespmem:s12+$0x9EA0]  }
0x56: {  	s13 =	simm.s32 $0x200;
	v7 =	vadd.f32 v10, v7;
	v6 =	vadd.f32 v9, v0;
	v0 =	vld [tilespmem:s2+$0x3EB0]  }
.LBB2_3:
0x57: {  	p0 =	sne.s32 s13, $0x7F00;
	v8 =	vld [tilespmem:s2+$0x5EB0];
	v1 =	vadd.f32 v1, v5  }
0x58: {  	v5 =	vld [tilespmem:s2+$0x3E80];
	v4 =	vadd.f32 v4, v6  }
0x59: {  	v6 =	vld [tilespmem:s2+$0x7EB0];
	v2 =	vadd.f32 v2, v7  }
0x5a: {  	v7 =	vld [tilespmem:s2+$0x5E80];
	[tilespmem:s12+$0x15E80] =	vst v4;
	v1 =	vadd.f32 v3, v1  }
0x5b: {  	v3 =	vld [tilespmem:s2+$0x9EB0];
	[tilespmem:s12+$0x15E90] =	vst v2  }
0x5c: {  	v2 =	vld [tilespmem:s2+$0x3E90];
	v0 =	vadd.f32 v8, v0;
	[tilespmem:s12+$0x15EA0] =	vst v1;
	s12 =	smov.u32 s2  }
0x5d: {  	v1 =	vld [tilespmem:s12+$0x5E90]  }
0x5e: {  	v8 =	vld [tilespmem:s12+$0x3EA0];
	v0 =	vadd.f32 v6, v0  }
0x5f: {  	v6 =	vadd.f32 v7, v5;
	v5 =	vld [tilespmem:s12+$0x5EA0]  }
0x60: {  	v7 =	vld [tilespmem:s12+$0x7E80];
	v0 =	vadd.f32 v3, v0  }
0x61: {  	v9 =	vld [tilespmem:s12+$0x7E90]  }
.Ltmp0:
0x62: {  	v10 =	vadd.f32 v1, v2;
	v1 =	vld [tilespmem:s12+$0x7EA0];
	[tilespmem:s12+$0x15EB0] =	vst v0;
	(pc) =	sbr.rel @p0 .LBB2_3-.Ltmp0, $4  }
0x63: {  	v4 =	vld [tilespmem:s12+$0x9E80]  }
0x64: {  	v2 =	vld [tilespmem:s12+$0x9E90];
	v5 =	vadd.f32 v5, v8  }
0x65: {  	s2 =	sshra.s32 s13, $0x2;
	v6 =	vadd.f32 v7, v6;
	v3 =	vld [tilespmem:s12+$0x9EA0]  }
0x66: {  	s13 =	sadd.s32 $0x100, s13;
	v0 =	vld [tilespmem:s2+$0x3EB0];
	v7 =	vadd.f32 v9, v10  }
0x67: {  	v8 =	vld [tilespmem:s2+$0x5EB0]  }
0x68: {  	v9 =	vld [tilespmem:s2+$0x3E80];
	v1 =	vadd.f32 v1, v5;
	v4 =	vadd.f32 v4, v6  }
0x69: {  	v10 =	vld [tilespmem:s2+$0x5E80];
	v2 =	vadd.f32 v2, v7  }
0x6a: {  	v6 =	vld [tilespmem:s2+$0x7EB0];
	[tilespmem:s12+$0x15E80] =	vst v4;
	v1 =	vadd.f32 v3, v1  }
0x6b: {  	v4 =	vld [tilespmem:s2+$0x9EB0];
	[tilespmem:s12+$0x15E90] =	vst v2  }
0x6c: {  	v2 =	vld [tilespmem:s2+$0x3E90];
	[tilespmem:s12+$0x15EA0] =	vst v1  }
0x6d: {  	v0 =	vadd.f32 v8, v0;
	v1 =	vld [tilespmem:s2+$0x5E90]  }
0x6e: {  	v3 =	vld [tilespmem:s2+$0x3EA0]  }
0x6f: {  	v5 =	vld [tilespmem:s2+$0x5EA0];
	v0 =	vadd.f32 v6, v0  }
0x70: {  	v7 =	vld [tilespmem:s2+$0x7EA0]  }
0x71: {  	v6 =	vld [tilespmem:s2+$0x7E80];
	v0 =	vadd.f32 v4, v0  }
0x72: {  	v4 =	vld [tilespmem:s2+$0x7E90]  }
0x73: {  	[tilespmem:s2+$0x15EB0] =	vst v0;
	v0 =	vld [tilespmem:s2+$0x9E80]  }
0x74: {  	v8 =	vadd.f32 v10, v9;
	v61 =	vld [tilespmem:s2+$0x9E90]  }
0x75: {  	v1 =	vadd.f32 v1, v2;
	v2 =	vld [tilespmem:s2+$0x9EA0]  }
0x76: {  	v3 =	vadd.f32 v5, v3;
	v5 =	vadd.f32 v6, v8  }
0x77: {  	v1 =	vadd.f32 v4, v1  }
0x78: {  	v3 =	vadd.f32 v7, v3;
	v0 =	vadd.f32 v0, v5  }
0x79: {  	s13 =	sshll.u32 s8, $0xF;
	v1 =	vadd.f32 v61, v1  }
0x7a: {  	s12 =	sadd.s32 s5, s13;
	[tilespmem:s2+$0x15E80] =	vst v0;
	v0 =	vadd.f32 v2, v3  }
0x7b: {  	s12 =	sshrl.u32 s12, $0x3;
	[tilespmem:s2+$0x15E90] =	vst v1  }
0x7c: {  	s13 =	sadd.s32 s6, s12;
	[tilespmem:s2+$0x15EA0] =	vst v0  }
0x7d: {  	[hbm4b:s13+s30] =	stream.strided.scatter [tilespmem:s31], [sflag:$0x3], $0x2000, s15, s30, $0x38;
	[tilespmem:$0x19E80] =	vst v63  }
0x7e: {  	s12 =	sadd.s32 s12, s9  }
0x7f: {  	[hbm4b:s12+s0] =	stream.strided.scatter [tilespmem:s22], [sflag:$0x3], $0x1000, s15, s0, $0x38;
	[tilespmem:$0x19E80] =	vst v63  }
0x80: {  	_ =	swait.ge [sflag:s1], $0x2000  }
0x81: {  	[sflag:s1] =	ssyncset.done $0x0  }
0x82: {  	[sflag:s1] =	ssyncadd.s32 $0xFFFFE000  }
0x83: {  	s2 =	sadd.s32 $0x2, s11;
	_ =	swait.ge [sflag:s1], $0x1000  }
0x84: {  	s11 =	sshll.u32 s2, $0x9;
	[sflag:s1] =	ssyncset.done $0x0  }
0x85: {  	s11 =	sand.u32 $0x3FFFFE00, s11;
	[sflag:s1] =	ssyncadd.s32 $0xFFFFF000  }
0x86: {  	[tilespmem:s16], [sflag:$0x1] =	stream.indirect.gather [hbm4b:s3+s15], $0x40, s11, s15, $0xb8;
	[tilespmem:$0x19E80] =	vst v63  }
0x87: {  	s13 =	sor.u32 $0x80, s11  }
0x88: {  	[tilespmem:s17], [sflag:$0x1] =	stream.indirect.gather [hbm4b:s3+s15], $0x40, s13, s15, $0xb8;
	[tilespmem:$0x19E80] =	vst v63  }
0x89: {  	s2 =	sshll.u32 s2, $0x7;
	s13 =	sor.u32 $0x100, s11  }
0x8a: {  	[tilespmem:s19], [sflag:$0x1] =	stream.indirect.gather [hbm4b:s3+s15], $0x40, s13, s15, $0xb8;
	[tilespmem:$0x19E80] =	vst v63  }
0x8b: {  	s2 =	sand.u32 $0x3FFFFF80, s2;
	s11 =	sor.u32 $0x180, s11  }
0x8c: {  	[tilespmem:s21], [sflag:$0x1] =	stream.indirect.gather [hbm4b:s3+s15], $0x40, s11, s15, $0xb8;
	[tilespmem:$0x19E80] =	vst v63  }
0x8d: {  	s2 =	sadd.s32 $0x3200, s2  }
0x8e: {  	[tilespmem:s22], [sflag:$0x1] =	stream.indirect.gather [hbm4b:s4+s15], $0x20, s2, s15, $0xb8;
	[tilespmem:$0x19E80] =	vst v63  }
0x8f: {  	_ =	swait.ge [sflag:s18], $0x2000  }
0x90: {  	[sflag:s18] =	ssyncset.done $0x0  }
0x91: {  	[sflag:s18] =	ssyncadd.s32 $0xFFFFE000  }
0x92: {  	_ =	swait.ge [sflag:s18], $0x2000  }
0x93: {  	[sflag:s18] =	ssyncset.done $0x0  }
0x94: {  	[sflag:s18] =	ssyncadd.s32 $0xFFFFE000  }
0x95: {  	_ =	swait.ge [sflag:s18], $0x2000  }
0x96: {  	[sflag:s18] =	ssyncset.done $0x0  }
0x97: {  	[sflag:s18] =	ssyncadd.s32 $0xFFFFE000  }
0x98: {  	_ =	swait.ge [sflag:s18], $0x2000  }
0x99: {  	[sflag:s18] =	ssyncset.done $0x0  }
0x9a: {  	[sflag:s18] =	ssyncadd.s32 $0xFFFFE000  }
0x9b: {  	_ =	swait.ge [sflag:s18], $0x1000  }
0x9c: {  	[sflag:s18] =	ssyncset.done $0x0  }
0x9d: {  	s11 =	simm.s32 $0x0;
	[sflag:s18] =	ssyncadd.s32 $0xFFFFF000  }
0x9e: {  	v0 =	vld [tilespmem:s11+$0xBEB0]  }
0x9f: {  	v1 =	vld [tilespmem:s11+$0xDEB0]  }
0xa0: {  	v2 =	vld [tilespmem:s11+$0xBE80]  }
0xa1: {  	v3 =	vld [tilespmem:s11+$0xFEB0]  }
0xa2: {  	v5 =	vld [tilespmem:s11+$0xDE80]  }
0xa3: {  	v4 =	vld [tilespmem:s11+$0x11EB0]  }
0xa4: {  	v6 =	vld [tilespmem:s11+$0xBE90]  }
0xa5: {  	v7 =	vld [tilespmem:s11+$0xDE90]  }
0xa6: {  	v8 =	vld [tilespmem:s11+$0xBEA0];
	v0 =	vadd.f32 v1, v0  }
0xa7: {  	v62 =	vld [tilespmem:s11+$0xFE80]  }
0xa8: {  	v0 =	vadd.f32 v3, v0;
	v3 =	vld [tilespmem:s11+$0xDEA0]  }
0xa9: {  	v63 =	vld [tilespmem:s11+$0xFE90]  }
0xaa: {  	v1 =	vld [tilespmem:s11+$0xFEA0];
	v0 =	vadd.f32 v4, v0  }
0xab: {  	v4 =	vld [tilespmem:s11+$0x11E80]  }
0xac: {  	v7 =	vadd.f32 v7, v6;
	[tilespmem:s11+$0x17EB0] =	vst v0;
	v0 =	vadd.f32 v5, v2;
	v2 =	vld [tilespmem:s11+$0x11E90]  }
0xad: {  	s2 =	simm.s32 $0x40;
	v5 =	vadd.f32 v3, v8;
	v3 =	vld [tilespmem:s11+$0x11EA0]  }
0xae: {  	s12 =	simm.s32 $0x200;
	v7 =	vadd.f32 v63, v7;
	v6 =	vadd.f32 v62, v0;
	v0 =	vld [tilespmem:s2+$0xBEB0]  }
.LBB2_5:
0xaf: {  	p0 =	sne.s32 s12, $0x7F00;
	v8 =	vld [tilespmem:s2+$0xDEB0];
	v1 =	vadd.f32 v1, v5  }
0xb0: {  	v5 =	vld [tilespmem:s2+$0xBE80];
	v4 =	vadd.f32 v4, v6  }
0xb1: {  	v6 =	vld [tilespmem:s2+$0xFEB0];
	v2 =	vadd.f32 v2, v7  }
0xb2: {  	v7 =	vld [tilespmem:s2+$0xDE80];
	[tilespmem:s11+$0x17E80] =	vst v4;
	v1 =	vadd.f32 v3, v1  }
0xb3: {  	v3 =	vld [tilespmem:s2+$0x11EB0];
	[tilespmem:s11+$0x17E90] =	vst v2  }
0xb4: {  	v2 =	vld [tilespmem:s2+$0xBE90];
	v0 =	vadd.f32 v8, v0;
	[tilespmem:s11+$0x17EA0] =	vst v1;
	s11 =	smov.u32 s2  }
0xb5: {  	v1 =	vld [tilespmem:s11+$0xDE90]  }
0xb6: {  	v8 =	vld [tilespmem:s11+$0xBEA0];
	v0 =	vadd.f32 v6, v0  }
0xb7: {  	v6 =	vadd.f32 v7, v5;
	v5 =	vld [tilespmem:s11+$0xDEA0]  }
0xb8: {  	v7 =	vld [tilespmem:s11+$0xFE80];
	v0 =	vadd.f32 v3, v0  }
0xb9: {  	v9 =	vld [tilespmem:s11+$0xFE90]  }
.Ltmp1:
0xba: {  	v10 =	vadd.f32 v1, v2;
	v1 =	vld [tilespmem:s11+$0xFEA0];
	[tilespmem:s11+$0x17EB0] =	vst v0;
	(pc) =	sbr.rel @p0 .LBB2_5-.Ltmp1, $4  }
0xbb: {  	v4 =	vld [tilespmem:s11+$0x11E80]  }
0xbc: {  	v2 =	vld [tilespmem:s11+$0x11E90];
	v5 =	vadd.f32 v5, v8  }
0xbd: {  	s2 =	sshra.s32 s12, $0x2;
	v6 =	vadd.f32 v7, v6;
	v3 =	vld [tilespmem:s11+$0x11EA0]  }
0xbe: {  	s12 =	sadd.s32 $0x100, s12;
	v0 =	vld [tilespmem:s2+$0xBEB0];
	v7 =	vadd.f32 v9, v10  }
0xbf: {  	v8 =	vld [tilespmem:s2+$0xDEB0]  }
0xc0: {  	v9 =	vld [tilespmem:s2+$0xBE80];
	v1 =	vadd.f32 v1, v5;
	v4 =	vadd.f32 v4, v6  }
0xc1: {  	v52 =	vld [tilespmem:s2+$0xFEB0];
	v2 =	vadd.f32 v2, v7  }
0xc2: {  	v10 =	vld [tilespmem:s2+$0xDE80];
	[tilespmem:s11+$0x17E80] =	vst v4;
	v1 =	vadd.f32 v3, v1  }
0xc3: {  	v4 =	vld [tilespmem:s2+$0x11EB0];
	[tilespmem:s11+$0x17E90] =	vst v2  }
0xc4: {  	v2 =	vld [tilespmem:s2+$0xBE90];
	[tilespmem:s11+$0x17EA0] =	vst v1  }
0xc5: {  	v1 =	vld [tilespmem:s2+$0xDE90]  }
0xc6: {  	v53 =	vld [tilespmem:s2+$0xBEA0]  }
0xc7: {  	v54 =	vld [tilespmem:s2+$0xDEA0]  }
0xc8: {  	v55 =	vld [tilespmem:s2+$0xFE80]  }
0xc9: {  	v0 =	vadd.f32 v8, v0;
	v56 =	vld [tilespmem:s2+$0xFE90]  }
0xca: {  	v57 =	vld [tilespmem:s2+$0xFEA0]  }
0xcb: {  	v58 =	vld [tilespmem:s2+$0x11E80];
	v0 =	vadd.f32 v52, v0  }
0xcc: {  	v59 =	vadd.f32 v10, v9;
	v60 =	vld [tilespmem:s2+$0x11E90]  }
0xcd: {  	v61 =	vld [tilespmem:s2+$0x11EA0];
	v0 =	vadd.f32 v4, v0;
	v1 =	vadd.f32 v1, v2  }
0xce: {  	v3 =	vadd.f32 v54, v53;
	v62 =	vadd.f32 v55, v59  }
0xcf: {  	v1 =	vadd.f32 v56, v1  }
0xd0: {  	[tilespmem:s2+$0x17EB0] =	vst v0;
	v3 =	vadd.f32 v57, v3;
	v0 =	vadd.f32 v58, v62  }
0xd1: {  	s10 =	sshll.u32 s10, $0xE;
	s8 =	sadd.s32 $0x1, s8;
	v1 =	vadd.f32 v60, v1  }
0xd2: {  	s10 =	sadd.s32 s5, s10;
	p0 =	sne.s32 s8, $0xC;
	[tilespmem:s2+$0x17E80] =	vst v0;
	v63 =	vadd.f32 v61, v3  }
.Ltmp2:
0xd3: {  	s10 =	sshrl.u32 s10, $0x3;
	[tilespmem:s2+$0x17E90] =	vst v1;
	(pc) =	sbr.rel @p0 .LBB2_2-.Ltmp2, $4  }
0xd4: {  	s12 =	sadd.s32 s6, s10;
	[tilespmem:s2+$0x17EA0] =	vst v63  }
0xd5: {  	[hbm4b:s12+s30] =	stream.strided.scatter [tilespmem:s20], [sflag:$0x4], $0x2000, s15, s30, $0x38;
	[tilespmem:$0x19E80] =	vst v63  }
0xd6: {  	s13 =	sadd.s32 s10, s9  }
0xd7: {  	[hbm4b:s13+s0] =	stream.strided.scatter [tilespmem:s29], [sflag:$0x4], $0x1000, s15, s0, $0x38;
	[tilespmem:$0x19E80] =	vst v63  }
0xd8: {  	_ =	swait.ge [sflag:s7], $0x2000  }
0xd9: {  	[sflag:s7] =	ssyncset.done $0x0  }
0xda: {  	[sflag:s7] =	ssyncadd.s32 $0xFFFFE000  }
0xdb: {  	_ =	swait.ge [sflag:s7], $0x1000  }
0xdc: {  	[sflag:s7] =	ssyncset.done $0x0  }
0xdd: {  	[sflag:s7] =	ssyncadd.s32 $0xFFFFF000  }
0xde: {  	_ =	swait.ge [sflag:s23], $0x2000  }
0xdf: {  	[sflag:s23] =	ssyncset.done $0x0  }
0xe0: {  	[sflag:s23] =	ssyncadd.s32 $0xFFFFE000  }
0xe1: {  	_ =	swait.ge [sflag:s23], $0x2000  }
0xe2: {  	[sflag:s23] =	ssyncset.done $0x0  }
0xe3: {  	[sflag:s23] =	ssyncadd.s32 $0xFFFFE000  }
0xe4: {  	_ =	swait.ge [sflag:s23], $0x2000  }
0xe5: {  	[sflag:s23] =	ssyncset.done $0x0  }
0xe6: {  	[sflag:s23] =	ssyncadd.s32 $0xFFFFE000  }
0xe7: {  	_ =	swait.ge [sflag:s23], $0x2000  }
0xe8: {  	[sflag:s23] =	ssyncset.done $0x0  }
0xe9: {  	[sflag:s23] =	ssyncadd.s32 $0xFFFFE000  }
0xea: {  	_ =	swait.ge [sflag:s23], $0x1000  }
0xeb: {  	[sflag:s23] =	ssyncset.done $0x0  }
0xec: {  	s8 =	simm.s32 $0x0;
	[sflag:s23] =	ssyncadd.s32 $0xFFFFF000  }
0xed: {  	v0 =	vld [tilespmem:s8+$0x3EB0]  }
0xee: {  	v1 =	vld [tilespmem:s8+$0x5EB0]  }
0xef: {  	v2 =	vld [tilespmem:s8+$0x3E80]  }
0xf0: {  	v3 =	vld [tilespmem:s8+$0x7EB0]  }
0xf1: {  	v5 =	vld [tilespmem:s8+$0x5E80]  }
0xf2: {  	v4 =	vld [tilespmem:s8+$0x9EB0]  }
0xf3: {  	v6 =	vld [tilespmem:s8+$0x3E90]  }
0xf4: {  	v7 =	vld [tilespmem:s8+$0x5E90]  }
0xf5: {  	v8 =	vld [tilespmem:s8+$0x3EA0];
	v0 =	vadd.f32 v1, v0  }
0xf6: {  	v9 =	vld [tilespmem:s8+$0x7E80]  }
0xf7: {  	v0 =	vadd.f32 v3, v0;
	v3 =	vld [tilespmem:s8+$0x5EA0]  }
0xf8: {  	v10 =	vld [tilespmem:s8+$0x7E90]  }
0xf9: {  	v1 =	vld [tilespmem:s8+$0x7EA0];
	v0 =	vadd.f32 v4, v0  }
0xfa: {  	v4 =	vld [tilespmem:s8+$0x9E80]  }
0xfb: {  	v7 =	vadd.f32 v7, v6;
	[tilespmem:s8+$0x15EB0] =	vst v0;
	v0 =	vadd.f32 v5, v2;
	v2 =	vld [tilespmem:s8+$0x9E90]  }
0xfc: {  	s2 =	simm.s32 $0x40;
	v5 =	vadd.f32 v3, v8;
	v3 =	vld [tilespmem:s8+$0x9EA0]  }
0xfd: {  	s10 =	simm.s32 $0x200;
	v7 =	vadd.f32 v10, v7;
	v6 =	vadd.f32 v9, v0;
	v0 =	vld [tilespmem:s2+$0x3EB0]  }
.LBB2_8:
0xfe: {  	p0 =	sne.s32 s10, $0x7F00;
	v8 =	vld [tilespmem:s2+$0x5EB0];
	v1 =	vadd.f32 v1, v5  }
0xff: {  	v5 =	vld [tilespmem:s2+$0x3E80];
	v4 =	vadd.f32 v4, v6  }
0x100: {  	v6 =	vld [tilespmem:s2+$0x7EB0];
	v2 =	vadd.f32 v2, v7  }
0x101: {  	v7 =	vld [tilespmem:s2+$0x5E80];
	[tilespmem:s8+$0x15E80] =	vst v4;
	v1 =	vadd.f32 v3, v1  }
0x102: {  	v3 =	vld [tilespmem:s2+$0x9EB0];
	[tilespmem:s8+$0x15E90] =	vst v2  }
0x103: {  	v2 =	vld [tilespmem:s2+$0x3E90];
	v0 =	vadd.f32 v8, v0;
	[tilespmem:s8+$0x15EA0] =	vst v1;
	s8 =	smov.u32 s2  }
0x104: {  	v1 =	vld [tilespmem:s8+$0x5E90]  }
0x105: {  	v8 =	vld [tilespmem:s8+$0x3EA0];
	v0 =	vadd.f32 v6, v0  }
0x106: {  	v6 =	vadd.f32 v7, v5;
	v5 =	vld [tilespmem:s8+$0x5EA0]  }
0x107: {  	v7 =	vld [tilespmem:s8+$0x7E80];
	v0 =	vadd.f32 v3, v0  }
0x108: {  	v9 =	vld [tilespmem:s8+$0x7E90]  }
.Ltmp3:
0x109: {  	v10 =	vadd.f32 v1, v2;
	v1 =	vld [tilespmem:s8+$0x7EA0];
	[tilespmem:s8+$0x15EB0] =	vst v0;
	(pc) =	sbr.rel @p0 .LBB2_8-.Ltmp3, $4  }
0x10a: {  	v4 =	vld [tilespmem:s8+$0x9E80]  }
0x10b: {  	v2 =	vld [tilespmem:s8+$0x9E90];
	v5 =	vadd.f32 v5, v8  }
0x10c: {  	s2 =	sshra.s32 s10, $0x2;
	v6 =	vadd.f32 v7, v6;
	v3 =	vld [tilespmem:s8+$0x9EA0]  }
0x10d: {  	s10 =	sadd.s32 $0x100, s10;
	v0 =	vld [tilespmem:s2+$0x3EB0];
	v7 =	vadd.f32 v9, v10  }
0x10e: {  	v8 =	vld [tilespmem:s2+$0x5EB0]  }
0x10f: {  	v9 =	vld [tilespmem:s2+$0x3E80];
	v1 =	vadd.f32 v1, v5;
	v4 =	vadd.f32 v4, v6  }
0x110: {  	v52 =	vld [tilespmem:s2+$0x7EB0];
	v2 =	vadd.f32 v2, v7  }
0x111: {  	v10 =	vld [tilespmem:s2+$0x5E80];
	[tilespmem:s8+$0x15E80] =	vst v4;
	v1 =	vadd.f32 v3, v1  }
0x112: {  	v4 =	vld [tilespmem:s2+$0x9EB0];
	[tilespmem:s8+$0x15E90] =	vst v2  }
0x113: {  	v2 =	vld [tilespmem:s2+$0x3E90];
	[tilespmem:s8+$0x15EA0] =	vst v1  }
0x114: {  	v1 =	vld [tilespmem:s2+$0x5E90]  }
0x115: {  	v53 =	vld [tilespmem:s2+$0x3EA0]  }
0x116: {  	v54 =	vld [tilespmem:s2+$0x5EA0]  }
0x117: {  	v55 =	vld [tilespmem:s2+$0x7E80]  }
0x118: {  	v0 =	vadd.f32 v8, v0;
	v56 =	vld [tilespmem:s2+$0x7E90]  }
0x119: {  	v57 =	vld [tilespmem:s2+$0x7EA0]  }
0x11a: {  	v58 =	vld [tilespmem:s2+$0x9E80];
	v0 =	vadd.f32 v52, v0  }
0x11b: {  	v59 =	vadd.f32 v10, v9;
	v60 =	vld [tilespmem:s2+$0x9E90]  }
0x11c: {  	v61 =	vld [tilespmem:s2+$0x9EA0];
	v0 =	vadd.f32 v4, v0;
	v1 =	vadd.f32 v1, v2  }
0x11d: {  	v3 =	vadd.f32 v54, v53;
	v62 =	vadd.f32 v55, v59  }
0x11e: {  	v1 =	vadd.f32 v56, v1  }
0x11f: {  	[tilespmem:s2+$0x15EB0] =	vst v0;
	v3 =	vadd.f32 v57, v3;
	v0 =	vadd.f32 v58, v62  }
0x120: {  	v1 =	vadd.f32 v60, v1  }
0x121: {  	[tilespmem:s2+$0x15E80] =	vst v0;
	v63 =	vadd.f32 v61, v3  }
0x122: {  	[tilespmem:s2+$0x15E90] =	vst v1  }
0x123: {  	s11 =	rddreg [dreg:$0x4];
	[tilespmem:s2+$0x15EA0] =	vst v63  }
0x124: {  	[hbm4b:s11+s30] =	stream.strided.scatter [tilespmem:s31], [sflag:$0x3], $0x2000, s15, s30, $0x38;
	[tilespmem:$0x19E80] =	vst v63  }
0x125: {  	s12 =	rddreg [dreg:$0x5]  }
0x126: {  	[hbm4b:s12+s0] =	stream.strided.scatter [tilespmem:s22], [sflag:$0x3], $0x1000, s15, s0, $0x38;
	[tilespmem:$0x19E80] =	vst v63  }
0x127: {  	_ =	swait.ge [sflag:s1], $0x2000  }
0x128: {  	[sflag:s1] =	ssyncset.done $0x0  }
0x129: {  	[sflag:s1] =	ssyncadd.s32 $0xFFFFE000  }
0x12a: {  	_ =	swait.ge [sflag:s1], $0x1000  }
0x12b: {  	s14 =	sadd.s32 $0x1, s14;
	s13 =	rddreg [dreg:$0x6]  }
0x12c: {  	p0 =	sne.s32 s14, s13  }
.Ltmp4:
0x12d: {  	_ = 	snop;
	(pc) =	sbr.rel @p0 .LBB2_1-.Ltmp4, $3  }
0x12e: {  	_ =	sdelay $0x1  }
0x12f: {  	[sflag:s1] =	ssyncset.done $0x0  }
0x130: {  	[sflag:s1] =	ssyncadd.s32 $0xFFFFF000  }
0x131: {  	_ =	sfence.sel $0x180000  }
0x132: {  	[bflag:$0x0] =	sbarrier.arrive $0xFFFF  }
0x133: {  	_ =	strace $0x9000004A  }
0x134: {  	s0 =	stileid.u32;
	[bflag:$0x2] =	sbarrier.arrive $0xFFFF  }
0x135: {  	p0 =	sne.s32 s0, $0x0;
	s0 =	rddreg [dreg:$0x1]  }
0x136: {  	s0 =	sadd.s32 @!p0 $0x100000, s0  }
0x137: {  	[sflag:s0] =	ssyncadd.tile.s32 @!p0 $0x1;
	_ =	shalt  }
.Lfunc_end2:
_tile_overlayer_lowered:
.L_overlay_start_2:
0x138: {  	(tag) =	ssettag $0x2  }
0x139: {  	s0 =	rddreg [dreg:$0x0];
	s2 =	stileid.u32  }
0x13a: {  	s1 =	rddreg [dreg:$0x1];
	p0 =	sne.s32 s2, $0x0  }
0x13b: {  	s3 =	rddreg [dreg:$0x2];
	[bflag:$0x3] =	sbarrier.arrive $0xFFFF;
	s2 =	simm.s32 @!p0 $0x1C05  }
0x13c: {  	[timem:s3], [sflag:s2] =	dma.local @!p0 [hbm:s0], s1  }
0x13d: {  	s0 =	simm.s32 @!p0 $0x5  }
0x13e: {  	_ =	swait.ge @!p0 [sflag:s0], s1  }
0x13f: {  	s1 =	ssub.s32 @!p0 $0x0, s1;
	[sflag:s0] =	ssyncset.done @!p0 $0x0  }
0x140: {  	[sflag:s0] =	ssyncadd.s32 @!p0 s1  }
0x141: {  	[bflag:$0x3] =	sbarrier.arrive $0xFFFF  }
0x142: {  	_ =	shalt  }

</sc_bundles>
